<compile_context>
chip_gen: v7x
topology: tpu7x:2x2x1
jax: 0.10.2.dev20260603
libtpu: 0.0.44.dev20260713+nightly
codegen_flags: <defaults>
</compile_context>

<pallas_src>
import functools

import jax
import jax.numpy as jnp
from jax import lax
from jax.experimental import pallas as pl
from jax.experimental.pallas import tpu as pltpu
from jax.experimental.pallas import tpu_sc as plsc

D_MODEL = 64

_info = plsc.get_sparse_core_info()
_NC, _NS = _info.num_cores, _info.num_subcores
_NW = _NC * _NS

_CHUNK = 128
_NBUF = 4


def _make_emb(n_rows: int, d: int):
    rows_per_w = n_rows // _NW
    n_chunks = rows_per_w // _CHUNK
    assert n_chunks % _NBUF == 0
    mesh = plsc.VectorSubcoreMesh(core_axis_name="c", subcore_axis_name="s")

    @functools.partial(
        pl.kernel,
        mesh=mesh,
        out_type=jax.ShapeDtypeStruct((n_rows, d), jnp.float32),
        compiler_params=pltpu.CompilerParams(needs_layout_passes=False),
        scratch_types=[
            pltpu.VMEM((n_chunks, _CHUNK), jnp.int32),
            pltpu.VMEM((_NBUF, _CHUNK, d), jnp.float32),
        ]
        + [pltpu.SemaphoreType.DMA] * (2 * _NBUF),
    )
    def emb(idx_hbm, table_hbm, out_hbm, idx_v, rows_v, *sems):
        gsem = sems[:_NBUF]
        wsem = sems[_NBUF:]
        wid = lax.axis_index("s") * _NC + lax.axis_index("c")
        chunk_base = wid * n_chunks
        row_base = chunk_base * _CHUNK

        pltpu.sync_copy(idx_hbm.at[pl.ds(chunk_base, n_chunks)], idx_v)

        def fire_chunk(c, b):
            def row16(v, carry):
                vec = idx_v[c, pl.ds(v * 16, 16)]
                for j in range(16):
                    t = vec[j]
                    pltpu.async_copy(
                        table_hbm.at[
                            lax.shift_right_logical(t, 3),
                            lax.bitwise_and(t, 7),
                        ],
                        rows_v.at[b, v * 16 + j],
                        gsem[b],
                    )
                return carry

            lax.fori_loop(0, _CHUNK // 16, row16, 0)

        for b in range(_NBUF):
            fire_chunk(b, b)

        def group(g, carry):
            for b in range(_NBUF):
                c = g * _NBUF + b
                row_off = row_base + c * _CHUNK
                out_slice = out_hbm.at[pl.ds(row_off, _CHUNK)]
                pltpu.make_async_copy(out_slice, rows_v.at[b], gsem[b]).wait()
                pltpu.async_copy(rows_v.at[b], out_slice, wsem[b])
                nc = c + _NBUF

                @pl.when(nc < n_chunks)
                def _():
                    pltpu.make_async_copy(
                        rows_v.at[b], out_slice, wsem[b]
                    ).wait()
                    fire_chunk(nc, b)

            return carry

        lax.fori_loop(0, n_chunks // _NBUF, group, 0)

        for b in range(_NBUF):
            c = n_chunks - _NBUF + b
            pltpu.make_async_copy(
                rows_v.at[b],
                out_hbm.at[pl.ds(row_base + c * _CHUNK, _CHUNK)],
                wsem[b],
            ).wait()

    return emb


def kernel(x, table):
    b, s = x.shape
    n = b * s
    v = table.shape[0]
    idx2d = x.reshape(n // _CHUNK, _CHUNK).astype(jnp.int32)
    table3 = table.reshape(v // 8, 8, D_MODEL)
    out = _make_emb(n, D_MODEL)(idx2d, table3)
    return out.reshape(b, s, D_MODEL)

# --- scband reference (transcript-rebuilt; emitter-appended) ---
"""Pipeline reference for scband-input-embedding-21663815041174 (READ-ONLY COPY).

The authoritative reference and input builder live on the scoring server;
editing this copy changes nothing except your own understanding.
"""

import jax, jax.numpy as jnp
import numpy as np

VOCAB_SIZE = 1000000
D_MODEL = 64
BATCH = 4096
SEQ = 200

def setup_inputs(seed: int = 0) -> dict:
    key = jax.random.key(seed)
    k_idx, k_tab = jax.random.split(key)
    x = jax.random.randint(k_idx, (BATCH, SEQ), 0, VOCAB_SIZE, dtype=jnp.int64 if jax.config.jax_enable_x64 else jnp.int32)
    # nn.Embedding default init: N(0, 1)
    table = jax.random.normal(k_tab, (VOCAB_SIZE, D_MODEL), dtype=jnp.float32)
    return {"x": x, "table": table}

def reference(x, table):
    # Faithful to InputEmbedding.forward: plain embedding lookup (no sqrt(d_model) scaling)
    return jnp.take(table, x, axis=0)

if __name__ == "__main__":
    import jax
    _d = setup_inputs()
    print(jax.jit(kernel)(*tuple(_d.values())))

</pallas_src>

<mosaic_0001>
#map = affine_map<(d0, d1) -> (0, 0)>
#map1 = affine_map<(d0, d1) -> (0, 0, 0)>
module attributes {stable_mosaic.version = 14 : i64} {
  func.func @emb(%arg0: i32, %arg1: i32, %arg2: memref<6400x128xi32, #tpu.memory_space<hbm>>, %arg3: memref<125000x8x64xf32, #tpu.memory_space<hbm>>, %arg4: memref<819200x64xf32, #tpu.memory_space<hbm>>, %arg5: memref<200x128xi32, #tpu.memory_space<vmem>>, %arg6: memref<4x128x64xf32, #tpu.memory_space<vmem>>, %arg7: memref<!tpu.dma_semaphore, #tpu.memory_space<semaphore_mem>>, %arg8: memref<!tpu.dma_semaphore, #tpu.memory_space<semaphore_mem>>, %arg9: memref<!tpu.dma_semaphore, #tpu.memory_space<semaphore_mem>>, %arg10: memref<!tpu.dma_semaphore, #tpu.memory_space<semaphore_mem>>, %arg11: memref<!tpu.dma_semaphore, #tpu.memory_space<semaphore_mem>>, %arg12: memref<!tpu.dma_semaphore, #tpu.memory_space<semaphore_mem>>, %arg13: memref<!tpu.dma_semaphore, #tpu.memory_space<semaphore_mem>>, %arg14: memref<!tpu.dma_semaphore, #tpu.memory_space<semaphore_mem>>) attributes {dimension_semantics = [#tpu.dimension_semantics<core_parallel>, #tpu.dimension_semantics<subcore_parallel>], iteration_bounds = array<i64: 2, 16>, scalar_prefetch = 0 : i64, scratch_operands = 10 : i64, tpu.core_type = #tpu.core_type<sc_vector_subcore>, window_params = [{transform_indices = #map}, {transform_indices = #map1}, {transform_indices = #map}]} {
    %mul3A = arith.constant 2 : i32
    %mul3A_0 = arith.muli %arg1, %mul3A : i32
    %add3A = arith.addi %mul3A_0, %arg0 : i32
    %mul3A_1 = arith.constant 200 : i32
    %mul3A_2 = arith.muli %add3A, %mul3A_1 : i32
    %mul3A_3 = arith.constant 128 : i32
    %mul3A_4 = arith.muli %mul3A_2, %mul3A_3 : i32
    "tpu.region"() ({
      %run_scoped3A = tpu.sem_alloc : memref<!tpu.dma_semaphore, #tpu.memory_space<semaphore_mem>>
      %dma_start3A = arith.constant 0 : i32
      %dma_start3A_93 = tpu.memref_slice %arg2[%mul3A_2, %dma_start3A] : memref<6400x128xi32, #tpu.memory_space<hbm>> -> memref<200x128xi32, #tpu.memory_space<hbm>>
      %dma_start3A_94 = arith.constant 0 : i32
      %dma_start3A_95 = tpu.memref_slice %arg2[%mul3A_2, %dma_start3A_94] : memref<6400x128xi32, #tpu.memory_space<hbm>> -> memref<200x128xi32, #tpu.memory_space<hbm>>
      tpu.enqueue_dma source(%dma_start3A_95 : memref<200x128xi32, #tpu.memory_space<hbm>>) target(%arg5 : memref<200x128xi32, #tpu.memory_space<vmem>>) target_semaphore(%run_scoped3A : memref<!tpu.dma_semaphore, #tpu.memory_space<semaphore_mem>>)
      %dma_wait3A_96 = arith.constant 0 : i32
      %dma_wait3A_97 = tpu.memref_slice %arg2[%mul3A_2, %dma_wait3A_96] : memref<6400x128xi32, #tpu.memory_space<hbm>> -> memref<200x128xi32, #tpu.memory_space<hbm>>
      %dma_wait3A_98 = arith.constant 0 : i32
      %dma_wait3A_99 = tpu.memref_slice %arg2[%mul3A_2, %dma_wait3A_98] : memref<6400x128xi32, #tpu.memory_space<hbm>> -> memref<200x128xi32, #tpu.memory_space<hbm>>
      tpu.wait_dma2 semaphore(%run_scoped3A : memref<!tpu.dma_semaphore, #tpu.memory_space<semaphore_mem>>) src(%dma_wait3A_99 : memref<200x128xi32, #tpu.memory_space<hbm>>) dst(%arg5 : memref<200x128xi32, #tpu.memory_space<vmem>>)
      tpu.yield
    }) : () -> ()
    %scan3A = arith.constant 0 : i32
    %scan3A_5 = arith.constant 0 : i32
    %scan3A_6 = arith.constant 8 : i32
    %scan3A_7 = arith.addi %scan3A_5, %scan3A_6 : i32
    %scan3A_8 = arith.constant 1 : i32
    scf.for %scan3A_93 = %scan3A_5 to %scan3A_7 step %scan3A_8  : i32 {
      %mul3A_94 = arith.constant 16 : i32
      %mul3A_95 = arith.muli %scan3A_93, %mul3A_94 : i32
      %get3A = arith.constant 0 : i32
      %get3A_96 = arith.index_cast %get3A : i32 to index
      %get3A_97 = arith.index_cast %mul3A_95 : i32 to index
      %get3A_98 = tpu.vector_load %arg5[%get3A_96, %get3A_97] {strides = array<i32>} : memref<200x128xi32, #tpu.memory_space<vmem>>, vector<16xi32>,
      %slice3A = vector.extract_strided_slice %get3A_98 {offsets = [0], sizes = [1], strides = [1]} : vector<16xi32> to vector<1xi32>
      %squeeze3A = vector.extract %slice3A[0] : i32 from vector<1xi32>
      %shift_right_logical3A = arith.constant 3 : i32
      %shift_right_logical3A_99 = arith.shrui %squeeze3A, %shift_right_logical3A : i32
      %and3A = arith.constant 7 : i32
      %and3A_100 = arith.andi %squeeze3A, %and3A : i32
      %mul3A_101 = arith.constant 16 : i32
      %mul3A_102 = arith.muli %scan3A_93, %mul3A_101 : i32
      %add3A_103 = arith.constant 0 : i32
      %add3A_104 = arith.addi %mul3A_102, %add3A_103 : i32
      %dma_start3A = arith.constant 0 : i32
      %dma_start3A_105 = arith.constant 0 : i32
      %dma_start3A_106 = tpu.memref_slice %arg6[%dma_start3A, %add3A_104, %dma_start3A_105] : memref<4x128x64xf32, #tpu.memory_space<vmem>> -> memref<1x1x64xf32, #tpu.memory_space<vmem>>
      %dma_start3A_107 = tpu.memref_squeeze %dma_start3A_106 : memref<1x1x64xf32, #tpu.memory_space<vmem>> -> memref<64xf32, #tpu.memory_space<vmem>>
      %dma_start3A_108 = arith.constant 0 : i32
      %dma_start3A_109 = tpu.memref_slice %arg3[%shift_right_logical3A_99, %and3A_100, %dma_start3A_108] : memref<125000x8x64xf32, #tpu.memory_space<hbm>> -> memref<1x1x64xf32, #tpu.memory_space<hbm>>
      %dma_start3A_110 = tpu.memref_squeeze %dma_start3A_109 : memref<1x1x64xf32, #tpu.memory_space<hbm>> -> memref<64xf32, #tpu.memory_space<hbm>>
      %dma_start3A_111 = arith.constant 0 : i32
      %dma_start3A_112 = tpu.memref_slice %arg6[%dma_start3A, %add3A_104, %dma_start3A_111] : memref<4x128x64xf32, #tpu.memory_space<vmem>> -> memref<1x1x64xf32, #tpu.memory_space<vmem>>
      %dma_start3A_113 = tpu.memref_squeeze %dma_start3A_112 : memref<1x1x64xf32, #tpu.memory_space<vmem>> -> memref<64xf32, #tpu.memory_space<vmem>>
      %dma_start3A_114 = arith.constant 0 : i32
      %dma_start3A_115 = tpu.memref_slice %arg3[%shift_right_logical3A_99, %and3A_100, %dma_start3A_114] : memref<125000x8x64xf32, #tpu.memory_space<hbm>> -> memref<1x1x64xf32, #tpu.memory_space<hbm>>
      %dma_start3A_116 = tpu.memref_squeeze %dma_start3A_115 : memref<1x1x64xf32, #tpu.memory_space<hbm>> -> memref<64xf32, #tpu.memory_space<hbm>>
      tpu.enqueue_dma source(%dma_start3A_116 : memref<64xf32, #tpu.memory_space<hbm>>) target(%dma_start3A_113 : memref<64xf32, #tpu.memory_space<vmem>>) target_semaphore(%arg7 : memref<!tpu.dma_semaphore, #tpu.memory_space<semaphore_mem>>)
      %slice3A_117 = vector.extract_strided_slice %get3A_98 {offsets = [1], sizes = [1], strides = [1]} : vector<16xi32> to vector<1xi32>
      %squeeze3A_118 = vector.extract %slice3A_117[0] : i32 from vector<1xi32>
      %shift_right_logical3A_119 = arith.constant 3 : i32
      %shift_right_logical3A_120 = arith.shrui %squeeze3A_118, %shift_right_logical3A_119 : i32
      %and3A_121 = arith.constant 7 : i32
      %and3A_122 = arith.andi %squeeze3A_118, %and3A_121 : i32
      %mul3A_123 = arith.constant 16 : i32
      %mul3A_124 = arith.muli %scan3A_93, %mul3A_123 : i32
      %add3A_125 = arith.constant 1 : i32
      %add3A_126 = arith.addi %mul3A_124, %add3A_125 : i32
      %dma_start3A_127 = arith.constant 0 : i32
      %dma_start3A_128 = arith.constant 0 : i32
      %dma_start3A_129 = tpu.memref_slice %arg6[%dma_start3A_127, %add3A_126, %dma_start3A_128] : memref<4x128x64xf32, #tpu.memory_space<vmem>> -> memref<1x1x64xf32, #tpu.memory_space<vmem>>
      %dma_start3A_130 = tpu.memref_squeeze %dma_start3A_129 : memref<1x1x64xf32, #tpu.memory_space<vmem>> -> memref<64xf32, #tpu.memory_space<vmem>>
      %dma_start3A_131 = arith.constant 0 : i32
      %dma_start3A_132 = tpu.memref_slice %arg3[%shift_right_logical3A_120, %and3A_122, %dma_start3A_131] : memref<125000x8x64xf32, #tpu.memory_space<hbm>> -> memref<1x1x64xf32, #tpu.memory_space<hbm>>
      %dma_start3A_133 = tpu.memref_squeeze %dma_start3A_132 : memref<1x1x64xf32, #tpu.memory_space<hbm>> -> memref<64xf32, #tpu.memory_space<hbm>>
      %dma_start3A_134 = arith.constant 0 : i32
      %dma_start3A_135 = tpu.memref_slice %arg6[%dma_start3A_127, %add3A_126, %dma_start3A_134] : memref<4x128x64xf32, #tpu.memory_space<vmem>> -> memref<1x1x64xf32, #tpu.memory_space<vmem>>
      %dma_start3A_136 = tpu.memref_squeeze %dma_start3A_135 : memref<1x1x64xf32, #tpu.memory_space<vmem>> -> memref<64xf32, #tpu.memory_space<vmem>>
      %dma_start3A_137 = arith.constant 0 : i32
      %dma_start3A_138 = tpu.memref_slice %arg3[%shift_right_logical3A_120, %and3A_122, %dma_start3A_137] : memref<125000x8x64xf32, #tpu.memory_space<hbm>> -> memref<1x1x64xf32, #tpu.memory_space<hbm>>
      %dma_start3A_139 = tpu.memref_squeeze %dma_start3A_138 : memref<1x1x64xf32, #tpu.memory_space<hbm>> -> memref<64xf32, #tpu.memory_space<hbm>>
      tpu.enqueue_dma source(%dma_start3A_139 : memref<64xf32, #tpu.memory_space<hbm>>) target(%dma_start3A_136 : memref<64xf32, #tpu.memory_space<vmem>>) target_semaphore(%arg7 : memref<!tpu.dma_semaphore, #tpu.memory_space<semaphore_mem>>)
      %slice3A_140 = vector.extract_strided_slice %get3A_98 {offsets = [2], sizes = [1], strides = [1]} : vector<16xi32> to vector<1xi32>
      %squeeze3A_141 = vector.extract %slice3A_140[0] : i32 from vector<1xi32>
      %shift_right_logical3A_142 = arith.constant 3 : i32
      %shift_right_logical3A_143 = arith.shrui %squeeze3A_141, %shift_right_logical3A_142 : i32
      %and3A_144 = arith.constant 7 : i32
      %and3A_145 = arith.andi %squeeze3A_141, %and3A_144 : i32
      %mul3A_146 = arith.constant 16 : i32
      %mul3A_147 = arith.muli %scan3A_93, %mul3A_146 : i32
      %add3A_148 = arith.constant 2 : i32
      %add3A_149 = arith.addi %mul3A_147, %add3A_148 : i32
      %dma_start3A_150 = arith.constant 0 : i32
      %dma_start3A_151 = arith.constant 0 : i32
      %dma_start3A_152 = tpu.memref_slice %arg6[%dma_start3A_150, %add3A_149, %dma_start3A_151] : memref<4x128x64xf32, #tpu.memory_space<vmem>> -> memref<1x1x64xf32, #tpu.memory_space<vmem>>
      %dma_start3A_153 = tpu.memref_squeeze %dma_start3A_152 : memref<1x1x64xf32, #tpu.memory_space<vmem>> -> memref<64xf32, #tpu.memory_space<vmem>>
      %dma_start3A_154 = arith.constant 0 : i32
      %dma_start3A_155 = tpu.memref_slice %arg3[%shift_right_logical3A_143, %and3A_145, %dma_start3A_154] : memref<125000x8x64xf32, #tpu.memory_space<hbm>> -> memref<1x1x64xf32, #tpu.memory_space<hbm>>
      %dma_start3A_156 = tpu.memref_squeeze %dma_start3A_155 : memref<1x1x64xf32, #tpu.memory_space<hbm>> -> memref<64xf32, #tpu.memory_space<hbm>>
      %dma_start3A_157 = arith.constant 0 : i32
      %dma_start3A_158 = tpu.memref_slice %arg6[%dma_start3A_150, %add3A_149, %dma_start3A_157] : memref<4x128x64xf32, #tpu.memory_space<vmem>> -> memref<1x1x64xf32, #tpu.memory_space<vmem>>
      %dma_start3A_159 = tpu.memref_squeeze %dma_start3A_158 : memref<1x1x64xf32, #tpu.memory_space<vmem>> -> memref<64xf32, #tpu.memory_space<vmem>>
      %dma_start3A_160 = arith.constant 0 : i32
      %dma_start3A_161 = tpu.memref_slice %arg3[%shift_right_logical3A_143, %and3A_145, %dma_start3A_160] : memref<125000x8x64xf32, #tpu.memory_space<hbm>> -> memref<1x1x64xf32, #tpu.memory_space<hbm>>
      %dma_start3A_162 = tpu.memref_squeeze %dma_start3A_161 : memref<1x1x64xf32, #tpu.memory_space<hbm>> -> memref<64xf32, #tpu.memory_space<hbm>>
      tpu.enqueue_dma source(%dma_start3A_162 : memref<64xf32, #tpu.memory_space<hbm>>) target(%dma_start3A_159 : memref<64xf32, #tpu.memory_space<vmem>>) target_semaphore(%arg7 : memref<!tpu.dma_semaphore, #tpu.memory_space<semaphore_mem>>)
      %slice3A_163 = vector.extract_strided_slice %get3A_98 {offsets = [3], sizes = [1], strides = [1]} : vector<16xi32> to vector<1xi32>
      %squeeze3A_164 = vector.extract %slice3A_163[0] : i32 from vector<1xi32>
      %shift_right_logical3A_165 = arith.constant 3 : i32
      %shift_right_logical3A_166 = arith.shrui %squeeze3A_164, %shift_right_logical3A_165 : i32
      %and3A_167 = arith.constant 7 : i32
      %and3A_168 = arith.andi %squeeze3A_164, %and3A_167 : i32
      %mul3A_169 = arith.constant 16 : i32
      %mul3A_170 = arith.muli %scan3A_93, %mul3A_169 : i32
      %add3A_171 = arith.constant 3 : i32
      %add3A_172 = arith.addi %mul3A_170, %add3A_171 : i32
      %dma_start3A_173 = arith.constant 0 : i32
      %dma_start3A_174 = arith.constant 0 : i32
      %dma_start3A_175 = tpu.memref_slice %arg6[%dma_start3A_173, %add3A_172, %dma_start3A_174] : memref<4x128x64xf32, #tpu.memory_space<vmem>> -> memref<1x1x64xf32, #tpu.memory_space<vmem>>
      %dma_start3A_176 = tpu.memref_squeeze %dma_start3A_175 : memref<1x1x64xf32, #tpu.memory_space<vmem>> -> memref<64xf32, #tpu.memory_space<vmem>>
      %dma_start3A_177 = arith.constant 0 : i32
      %dma_start3A_178 = tpu.memref_slice %arg3[%shift_right_logical3A_166, %and3A_168, %dma_start3A_177] : memref<125000x8x64xf32, #tpu.memory_space<hbm>> -> memref<1x1x64xf32, #tpu.memory_space<hbm>>
      %dma_start3A_179 = tpu.memref_squeeze %dma_start3A_178 : memref<1x1x64xf32, #tpu.memory_space<hbm>> -> memref<64xf32, #tpu.memory_space<hbm>>
      %dma_start3A_180 = arith.constant 0 : i32
      %dma_start3A_181 = tpu.memref_slice %arg6[%dma_start3A_173, %add3A_172, %dma_start3A_180] : memref<4x128x64xf32, #tpu.memory_space<vmem>> -> memref<1x1x64xf32, #tpu.memory_space<vmem>>
      %dma_start3A_182 = tpu.memref_squeeze %dma_start3A_181 : memref<1x1x64xf32, #tpu.memory_space<vmem>> -> memref<64xf32, #tpu.memory_space<vmem>>
      %dma_start3A_183 = arith.constant 0 : i32
      %dma_start3A_184 = tpu.memref_slice %arg3[%shift_right_logical3A_166, %and3A_168, %dma_start3A_183] : memref<125000x8x64xf32, #tpu.memory_space<hbm>> -> memref<1x1x64xf32, #tpu.memory_space<hbm>>
      %dma_start3A_185 = tpu.memref_squeeze %dma_start3A_184 : memref<1x1x64xf32, #tpu.memory_space<hbm>> -> memref<64xf32, #tpu.memory_space<hbm>>
      tpu.enqueue_dma source(%dma_start3A_185 : memref<64xf32, #tpu.memory_space<hbm>>) target(%dma_start3A_182 : memref<64xf32, #tpu.memory_space<vmem>>) target_semaphore(%arg7 : memref<!tpu.dma_semaphore, #tpu.memory_space<semaphore_mem>>)
      %slice3A_186 = vector.extract_strided_slice %get3A_98 {offsets = [4], sizes = [1], strides = [1]} : vector<16xi32> to vector<1xi32>
      %squeeze3A_187 = vector.extract %slice3A_186[0] : i32 from vector<1xi32>
      %shift_right_logical3A_188 = arith.constant 3 : i32
      %shift_right_logical3A_189 = arith.shrui %squeeze3A_187, %shift_right_logical3A_188 : i32
      %and3A_190 = arith.constant 7 : i32
      %and3A_191 = arith.andi %squeeze3A_187, %and3A_190 : i32
      %mul3A_192 = arith.constant 16 : i32
      %mul3A_193 = arith.muli %scan3A_93, %mul3A_192 : i32
      %add3A_194 = arith.constant 4 : i32
      %add3A_195 = arith.addi %mul3A_193, %add3A_194 : i32
      %dma_start3A_196 = arith.constant 0 : i32
      %dma_start3A_197 = arith.constant 0 : i32
      %dma_start3A_198 = tpu.memref_slice %arg6[%dma_start3A_196, %add3A_195, %dma_start3A_197] : memref<4x128x64xf32, #tpu.memory_space<vmem>> -> memref<1x1x64xf32, #tpu.memory_space<vmem>>
      %dma_start3A_199 = tpu.memref_squeeze %dma_start3A_198 : memref<1x1x64xf32, #tpu.memory_space<vmem>> -> memref<64xf32, #tpu.memory_space<vmem>>
      %dma_start3A_200 = arith.constant 0 : i32
      %dma_start3A_201 = tpu.memref_slice %arg3[%shift_right_logical3A_189, %and3A_191, %dma_start3A_200] : memref<125000x8x64xf32, #tpu.memory_space<hbm>> -> memref<1x1x64xf32, #tpu.memory_space<hbm>>
      %dma_start3A_202 = tpu.memref_squeeze %dma_start3A_201 : memref<1x1x64xf32, #tpu.memory_space<hbm>> -> memref<64xf32, #tpu.memory_space<hbm>>
      %dma_start3A_203 = arith.constant 0 : i32
      %dma_start3A_204 = tpu.memref_slice %arg6[%dma_start3A_196, %add3A_195, %dma_start3A_203] : memref<4x128x64xf32, #tpu.memory_space<vmem>> -> memref<1x1x64xf32, #tpu.memory_space<vmem>>
      %dma_start3A_205 = tpu.memref_squeeze %dma_start3A_204 : memref<1x1x64xf32, #tpu.memory_space<vmem>> -> memref<64xf32, #tpu.memory_space<vmem>>
      %dma_start3A_206 = arith.constant 0 : i32
      %dma_start3A_207 = tpu.memref_slice %arg3[%shift_right_logical3A_189, %and3A_191, %dma_start3A_206] : memref<125000x8x64xf32, #tpu.memory_space<hbm>> -> memref<1x1x64xf32, #tpu.memory_space<hbm>>
      %dma_start3A_208 = tpu.memref_squeeze %dma_start3A_207 : memref<1x1x64xf32, #tpu.memory_space<hbm>> -> memref<64xf32, #tpu.memory_space<hbm>>
      tpu.enqueue_dma source(%dma_start3A_208 : memref<64xf32, #tpu.memory_space<hbm>>) target(%dma_start3A_205 : memref<64xf32, #tpu.memory_space<vmem>>) target_semaphore(%arg7 : memref<!tpu.dma_semaphore, #tpu.memory_space<semaphore_mem>>)
      %slice3A_209 = vector.extract_strided_slice %get3A_98 {offsets = [5], sizes = [1], strides = [1]} : vector<16xi32> to vector<1xi32>
      %squeeze3A_210 = vector.extract %slice3A_209[0] : i32 from vector<1xi32>
      %shift_right_logical3A_211 = arith.constant 3 : i32
      %shift_right_logical3A_212 = arith.shrui %squeeze3A_210, %shift_right_logical3A_211 : i32
      %and3A_213 = arith.constant 7 : i32
      %and3A_214 = arith.andi %squeeze3A_210, %and3A_213 : i32
      %mul3A_215 = arith.constant 16 : i32
      %mul3A_216 = arith.muli %scan3A_93, %mul3A_215 : i32
      %add3A_217 = arith.constant 5 : i32
      %add3A_218 = arith.addi %mul3A_216, %add3A_217 : i32
      %dma_start3A_219 = arith.constant 0 : i32
      %dma_start3A_220 = arith.constant 0 : i32
      %dma_start3A_221 = tpu.memref_slice %arg6[%dma_start3A_219, %add3A_218, %dma_start3A_220] : memref<4x128x64xf32, #tpu.memory_space<vmem>> -> memref<1x1x64xf32, #tpu.memory_space<vmem>>
      %dma_start3A_222 = tpu.memref_squeeze %dma_start3A_221 : memref<1x1x64xf32, #tpu.memory_space<vmem>> -> memref<64xf32, #tpu.memory_space<vmem>>
      %dma_start3A_223 = arith.constant 0 : i32
      %dma_start3A_224 = tpu.memref_slice %arg3[%shift_right_logical3A_212, %and3A_214, %dma_start3A_223] : memref<125000x8x64xf32, #tpu.memory_space<hbm>> -> memref<1x1x64xf32, #tpu.memory_space<hbm>>
      %dma_start3A_225 = tpu.memref_squeeze %dma_start3A_224 : memref<1x1x64xf32, #tpu.memory_space<hbm>> -> memref<64xf32, #tpu.memory_space<hbm>>
      %dma_start3A_226 = arith.constant 0 : i32
      %dma_start3A_227 = tpu.memref_slice %arg6[%dma_start3A_219, %add3A_218, %dma_start3A_226] : memref<4x128x64xf32, #tpu.memory_space<vmem>> -> memref<1x1x64xf32, #tpu.memory_space<vmem>>
      %dma_start3A_228 = tpu.memref_squeeze %dma_start3A_227 : memref<1x1x64xf32, #tpu.memory_space<vmem>> -> memref<64xf32, #tpu.memory_space<vmem>>
      %dma_start3A_229 = arith.constant 0 : i32
      %dma_start3A_230 = tpu.memref_slice %arg3[%shift_right_logical3A_212, %and3A_214, %dma_start3A_229] : memref<125000x8x64xf32, #tpu.memory_space<hbm>> -> memref<1x1x64xf32, #tpu.memory_space<hbm>>
      %dma_start3A_231 = tpu.memref_squeeze %dma_start3A_230 : memref<1x1x64xf32, #tpu.memory_space<hbm>> -> memref<64xf32, #tpu.memory_space<hbm>>
      tpu.enqueue_dma source(%dma_start3A_231 : memref<64xf32, #tpu.memory_space<hbm>>) target(%dma_start3A_228 : memref<64xf32, #tpu.memory_space<vmem>>) target_semaphore(%arg7 : memref<!tpu.dma_semaphore, #tpu.memory_space<semaphore_mem>>)
      %slice3A_232 = vector.extract_strided_slice %get3A_98 {offsets = [6], sizes = [1], strides = [1]} : vector<16xi32> to vector<1xi32>
      %squeeze3A_233 = vector.extract %slice3A_232[0] : i32 from vector<1xi32>
      %shift_right_logical3A_234 = arith.constant 3 : i32
      %shift_right_logical3A_235 = arith.shrui %squeeze3A_233, %shift_right_logical3A_234 : i32
      %and3A_236 = arith.constant 7 : i32
      %and3A_237 = arith.andi %squeeze3A_233, %and3A_236 : i32
      %mul3A_238 = arith.constant 16 : i32
      %mul3A_239 = arith.muli %scan3A_93, %mul3A_238 : i32
      %add3A_240 = arith.constant 6 : i32
      %add3A_241 = arith.addi %mul3A_239, %add3A_240 : i32
      %dma_start3A_242 = arith.constant 0 : i32
      %dma_start3A_243 = arith.constant 0 : i32
      %dma_start3A_244 = tpu.memref_slice %arg6[%dma_start3A_242, %add3A_241, %dma_start3A_243] : memref<4x128x64xf32, #tpu.memory_space<vmem>> -> memref<1x1x64xf32, #tpu.memory_space<vmem>>
      %dma_start3A_245 = tpu.memref_squeeze %dma_start3A_244 : memref<1x1x64xf32, #tpu.memory_space<vmem>> -> memref<64xf32, #tpu.memory_space<vmem>>
      %dma_start3A_246 = arith.constant 0 : i32
      %dma_start3A_247 = tpu.memref_slice %arg3[%shift_right_logical3A_235, %and3A_237, %dma_start3A_246] : memref<125000x8x64xf32, #tpu.memory_space<hbm>> -> memref<1x1x64xf32, #tpu.memory_space<hbm>>
      %dma_start3A_248 = tpu.memref_squeeze %dma_start3A_247 : memref<1x1x64xf32, #tpu.memory_space<hbm>> -> memref<64xf32, #tpu.memory_space<hbm>>
      %dma_start3A_249 = arith.constant 0 : i32
      %dma_start3A_250 = tpu.memref_slice %arg6[%dma_start3A_242, %add3A_241, %dma_start3A_249] : memref<4x128x64xf32, #tpu.memory_space<vmem>> -> memref<1x1x64xf32, #tpu.memory_space<vmem>>
      %dma_start3A_251 = tpu.memref_squeeze %dma_start3A_250 : memref<1x1x64xf32, #tpu.memory_space<vmem>> -> memref<64xf32, #tpu.memory_space<vmem>>
      %dma_start3A_252 = arith.constant 0 : i32
      %dma_start3A_253 = tpu.memref_slice %arg3[%shift_right_logical3A_235, %and3A_237, %dma_start3A_252] : memref<125000x8x64xf32, #tpu.memory_space<hbm>> -> memref<1x1x64xf32, #tpu.memory_space<hbm>>
      %dma_start3A_254 = tpu.memref_squeeze %dma_start3A_253 : memref<1x1x64xf32, #tpu.memory_space<hbm>> -> memref<64xf32, #tpu.memory_space<hbm>>
      tpu.enqueue_dma source(%dma_start3A_254 : memref<64xf32, #tpu.memory_space<hbm>>) target(%dma_start3A_251 : memref<64xf32, #tpu.memory_space<vmem>>) target_semaphore(%arg7 : memref<!tpu.dma_semaphore, #tpu.memory_space<semaphore_mem>>)
      %slice3A_255 = vector.extract_strided_slice %get3A_98 {offsets = [7], sizes = [1], strides = [1]} : vector<16xi32> to vector<1xi32>
      %squeeze3A_256 = vector.extract %slice3A_255[0] : i32 from vector<1xi32>
      %shift_right_logical3A_257 = arith.constant 3 : i32
      %shift_right_logical3A_258 = arith.shrui %squeeze3A_256, %shift_right_logical3A_257 : i32
      %and3A_259 = arith.constant 7 : i32
      %and3A_260 = arith.andi %squeeze3A_256, %and3A_259 : i32
      %mul3A_261 = arith.constant 16 : i32
      %mul3A_262 = arith.muli %scan3A_93, %mul3A_261 : i32
      %add3A_263 = arith.constant 7 : i32
      %add3A_264 = arith.addi %mul3A_262, %add3A_263 : i32
      %dma_start3A_265 = arith.constant 0 : i32
      %dma_start3A_266 = arith.constant 0 : i32
      %dma_start3A_267 = tpu.memref_slice %arg6[%dma_start3A_265, %add3A_264, %dma_start3A_266] : memref<4x128x64xf32, #tpu.memory_space<vmem>> -> memref<1x1x64xf32, #tpu.memory_space<vmem>>
      %dma_start3A_268 = tpu.memref_squeeze %dma_start3A_267 : memref<1x1x64xf32, #tpu.memory_space<vmem>> -> memref<64xf32, #tpu.memory_space<vmem>>
      %dma_start3A_269 = arith.constant 0 : i32
      %dma_start3A_270 = tpu.memref_slice %arg3[%shift_right_logical3A_258, %and3A_260, %dma_start3A_269] : memref<125000x8x64xf32, #tpu.memory_space<hbm>> -> memref<1x1x64xf32, #tpu.memory_space<hbm>>
      %dma_start3A_271 = tpu.memref_squeeze %dma_start3A_270 : memref<1x1x64xf32, #tpu.memory_space<hbm>> -> memref<64xf32, #tpu.memory_space<hbm>>
      %dma_start3A_272 = arith.constant 0 : i32
      %dma_start3A_273 = tpu.memref_slice %arg6[%dma_start3A_265, %add3A_264, %dma_start3A_272] : memref<4x128x64xf32, #tpu.memory_space<vmem>> -> memref<1x1x64xf32, #tpu.memory_space<vmem>>
      %dma_start3A_274 = tpu.memref_squeeze %dma_start3A_273 : memref<1x1x64xf32, #tpu.memory_space<vmem>> -> memref<64xf32, #tpu.memory_space<vmem>>
      %dma_start3A_275 = arith.constant 0 : i32
      %dma_start3A_276 = tpu.memref_slice %arg3[%shift_right_logical3A_258, %and3A_260, %dma_start3A_275] : memref<125000x8x64xf32, #tpu.memory_space<hbm>> -> memref<1x1x64xf32, #tpu.memory_space<hbm>>
      %dma_start3A_277 = tpu.memref_squeeze %dma_start3A_276 : memref<1x1x64xf32, #tpu.memory_space<hbm>> -> memref<64xf32, #tpu.memory_space<hbm>>
      tpu.enqueue_dma source(%dma_start3A_277 : memref<64xf32, #tpu.memory_space<hbm>>) target(%dma_start3A_274 : memref<64xf32, #tpu.memory_space<vmem>>) target_semaphore(%arg7 : memref<!tpu.dma_semaphore, #tpu.memory_space<semaphore_mem>>)
      %slice3A_278 = vector.extract_strided_slice %get3A_98 {offsets = [8], sizes = [1], strides = [1]} : vector<16xi32> to vector<1xi32>
      %squeeze3A_279 = vector.extract %slice3A_278[0] : i32 from vector<1xi32>
      %shift_right_logical3A_280 = arith.constant 3 : i32
      %shift_right_logical3A_281 = arith.shrui %squeeze3A_279, %shift_right_logical3A_280 : i32
      %and3A_282 = arith.constant 7 : i32
      %and3A_283 = arith.andi %squeeze3A_279, %and3A_282 : i32
      %mul3A_284 = arith.constant 16 : i32
      %mul3A_285 = arith.muli %scan3A_93, %mul3A_284 : i32
      %add3A_286 = arith.constant 8 : i32
      %add3A_287 = arith.addi %mul3A_285, %add3A_286 : i32
      %dma_start3A_288 = arith.constant 0 : i32
      %dma_start3A_289 = arith.constant 0 : i32
      %dma_start3A_290 = tpu.memref_slice %arg6[%dma_start3A_288, %add3A_287, %dma_start3A_289] : memref<4x128x64xf32, #tpu.memory_space<vmem>> -> memref<1x1x64xf32, #tpu.memory_space<vmem>>
      %dma_start3A_291 = tpu.memref_squeeze %dma_start3A_290 : memref<1x1x64xf32, #tpu.memory_space<vmem>> -> memref<64xf32, #tpu.memory_space<vmem>>
      %dma_start3A_292 = arith.constant 0 : i32
      %dma_start3A_293 = tpu.memref_slice %arg3[%shift_right_logical3A_281, %and3A_283, %dma_start3A_292] : memref<125000x8x64xf32, #tpu.memory_space<hbm>> -> memref<1x1x64xf32, #tpu.memory_space<hbm>>
      %dma_start3A_294 = tpu.memref_squeeze %dma_start3A_293 : memref<1x1x64xf32, #tpu.memory_space<hbm>> -> memref<64xf32, #tpu.memory_space<hbm>>
      %dma_start3A_295 = arith.constant 0 : i32
      %dma_start3A_296 = tpu.memref_slice %arg6[%dma_start3A_288, %add3A_287, %dma_start3A_295] : memref<4x128x64xf32, #tpu.memory_space<vmem>> -> memref<1x1x64xf32, #tpu.memory_space<vmem>>
      %dma_start3A_297 = tpu.memref_squeeze %dma_start3A_296 : memref<1x1x64xf32, #tpu.memory_space<vmem>> -> memref<64xf32, #tpu.memory_space<vmem>>
      %dma_start3A_298 = arith.constant 0 : i32
      %dma_start3A_299 = tpu.memref_slice %arg3[%shift_right_logical3A_281, %and3A_283, %dma_start3A_298] : memref<125000x8x64xf32, #tpu.memory_space<hbm>> -> memref<1x1x64xf32, #tpu.memory_space<hbm>>
      %dma_start3A_300 = tpu.memref_squeeze %dma_start3A_299 : memref<1x1x64xf32, #tpu.memory_space<hbm>> -> memref<64xf32, #tpu.memory_space<hbm>>
      tpu.enqueue_dma source(%dma_start3A_300 : memref<64xf32, #tpu.memory_space<hbm>>) target(%dma_start3A_297 : memref<64xf32, #tpu.memory_space<vmem>>) target_semaphore(%arg7 : memref<!tpu.dma_semaphore, #tpu.memory_space<semaphore_mem>>)
      %slice3A_301 = vector.extract_strided_slice %get3A_98 {offsets = [9], sizes = [1], strides = [1]} : vector<16xi32> to vector<1xi32>
      %squeeze3A_302 = vector.extract %slice3A_301[0] : i32 from vector<1xi32>
      %shift_right_logical3A_303 = arith.constant 3 : i32
      %shift_right_logical3A_304 = arith.shrui %squeeze3A_302, %shift_right_logical3A_303 : i32
      %and3A_305 = arith.constant 7 : i32
      %and3A_306 = arith.andi %squeeze3A_302, %and3A_305 : i32
      %mul3A_307 = arith.constant 16 : i32
      %mul3A_308 = arith.muli %scan3A_93, %mul3A_307 : i32
      %add3A_309 = arith.constant 9 : i32
      %add3A_310 = arith.addi %mul3A_308, %add3A_309 : i32
      %dma_start3A_311 = arith.constant 0 : i32
      %dma_start3A_312 = arith.constant 0 : i32
      %dma_start3A_313 = tpu.memref_slice %arg6[%dma_start3A_311, %add3A_310, %dma_start3A_312] : memref<4x128x64xf32, #tpu.memory_space<vmem>> -> memref<1x1x64xf32, #tpu.memory_space<vmem>>
      %dma_start3A_314 = tpu.memref_squeeze %dma_start3A_313 : memref<1x1x64xf32, #tpu.memory_space<vmem>> -> memref<64xf32, #tpu.memory_space<vmem>>
      %dma_start3A_315 = arith.constant 0 : i32
      %dma_start3A_316 = tpu.memref_slice %arg3[%shift_right_logical3A_304, %and3A_306, %dma_start3A_315] : memref<125000x8x64xf32, #tpu.memory_space<hbm>> -> memref<1x1x64xf32, #tpu.memory_space<hbm>>
      %dma_start3A_317 = tpu.memref_squeeze %dma_start3A_316 : memref<1x1x64xf32, #tpu.memory_space<hbm>> -> memref<64xf32, #tpu.memory_space<hbm>>
      %dma_start3A_318 = arith.constant 0 : i32
      %dma_start3A_319 = tpu.memref_slice %arg6[%dma_start3A_311, %add3A_310, %dma_start3A_318] : memref<4x128x64xf32, #tpu.memory_space<vmem>> -> memref<1x1x64xf32, #tpu.memory_space<vmem>>
      %dma_start3A_320 = tpu.memref_squeeze %dma_start3A_319 : memref<1x1x64xf32, #tpu.memory_space<vmem>> -> memref<64xf32, #tpu.memory_space<vmem>>
      %dma_start3A_321 = arith.constant 0 : i32
      %dma_start3A_322 = tpu.memref_slice %arg3[%shift_right_logical3A_304, %and3A_306, %dma_start3A_321] : memref<125000x8x64xf32, #tpu.memory_space<hbm>> -> memref<1x1x64xf32, #tpu.memory_space<hbm>>
      %dma_start3A_323 = tpu.memref_squeeze %dma_start3A_322 : memref<1x1x64xf32, #tpu.memory_space<hbm>> -> memref<64xf32, #tpu.memory_space<hbm>>
      tpu.enqueue_dma source(%dma_start3A_323 : memref<64xf32, #tpu.memory_space<hbm>>) target(%dma_start3A_320 : memref<64xf32, #tpu.memory_space<vmem>>) target_semaphore(%arg7 : memref<!tpu.dma_semaphore, #tpu.memory_space<semaphore_mem>>)
      %slice3A_324 = vector.extract_strided_slice %get3A_98 {offsets = [10], sizes = [1], strides = [1]} : vector<16xi32> to vector<1xi32>
      %squeeze3A_325 = vector.extract %slice3A_324[0] : i32 from vector<1xi32>
      %shift_right_logical3A_326 = arith.constant 3 : i32
      %shift_right_logical3A_327 = arith.shrui %squeeze3A_325, %shift_right_logical3A_326 : i32
      %and3A_328 = arith.constant 7 : i32
      %and3A_329 = arith.andi %squeeze3A_325, %and3A_328 : i32
      %mul3A_330 = arith.constant 16 : i32
      %mul3A_331 = arith.muli %scan3A_93, %mul3A_330 : i32
      %add3A_332 = arith.constant 10 : i32
      %add3A_333 = arith.addi %mul3A_331, %add3A_332 : i32
      %dma_start3A_334 = arith.constant 0 : i32
      %dma_start3A_335 = arith.constant 0 : i32
      %dma_start3A_336 = tpu.memref_slice %arg6[%dma_start3A_334, %add3A_333, %dma_start3A_335] : memref<4x128x64xf32, #tpu.memory_space<vmem>> -> memref<1x1x64xf32, #tpu.memory_space<vmem>>
      %dma_start3A_337 = tpu.memref_squeeze %dma_start3A_336 : memref<1x1x64xf32, #tpu.memory_space<vmem>> -> memref<64xf32, #tpu.memory_space<vmem>>
      %dma_start3A_338 = arith.constant 0 : i32
      %dma_start3A_339 = tpu.memref_slice %arg3[%shift_right_logical3A_327, %and3A_329, %dma_start3A_338] : memref<125000x8x64xf32, #tpu.memory_space<hbm>> -> memref<1x1x64xf32, #tpu.memory_space<hbm>>
      %dma_start3A_340 = tpu.memref_squeeze %dma_start3A_339 : memref<1x1x64xf32, #tpu.memory_space<hbm>> -> memref<64xf32, #tpu.memory_space<hbm>>
      %dma_start3A_341 = arith.constant 0 : i32
      %dma_start3A_342 = tpu.memref_slice %arg6[%dma_start3A_334, %add3A_333, %dma_start3A_341] : memref<4x128x64xf32, #tpu.memory_space<vmem>> -> memref<1x1x64xf32, #tpu.memory_space<vmem>>
      %dma_start3A_343 = tpu.memref_squeeze %dma_start3A_342 : memref<1x1x64xf32, #tpu.memory_space<vmem>> -> memref<64xf32, #tpu.memory_space<vmem>>
      %dma_start3A_344 = arith.constant 0 : i32
      %dma_start3A_345 = tpu.memref_slice %arg3[%shift_right_logical3A_327, %and3A_329, %dma_start3A_344] : memref<125000x8x64xf32, #tpu.memory_space<hbm>> -> memref<1x1x64xf32, #tpu.memory_space<hbm>>
      %dma_start3A_346 = tpu.memref_squeeze %dma_start3A_345 : memref<1x1x64xf32, #tpu.memory_space<hbm>> -> memref<64xf32, #tpu.memory_space<hbm>>
      tpu.enqueue_dma source(%dma_start3A_346 : memref<64xf32, #tpu.memory_space<hbm>>) target(%dma_start3A_343 : memref<64xf32, #tpu.memory_space<vmem>>) target_semaphore(%arg7 : memref<!tpu.dma_semaphore, #tpu.memory_space<semaphore_mem>>)
      %slice3A_347 = vector.extract_strided_slice %get3A_98 {offsets = [11], sizes = [1], strides = [1]} : vector<16xi32> to vector<1xi32>
      %squeeze3A_348 = vector.extract %slice3A_347[0] : i32 from vector<1xi32>
      %shift_right_logical3A_349 = arith.constant 3 : i32
      %shift_right_logical3A_350 = arith.shrui %squeeze3A_348, %shift_right_logical3A_349 : i32
      %and3A_351 = arith.constant 7 : i32
      %and3A_352 = arith.andi %squeeze3A_348, %and3A_351 : i32
      %mul3A_353 = arith.constant 16 : i32
      %mul3A_354 = arith.muli %scan3A_93, %mul3A_353 : i32
      %add3A_355 = arith.constant 11 : i32
      %add3A_356 = arith.addi %mul3A_354, %add3A_355 : i32
      %dma_start3A_357 = arith.constant 0 : i32
      %dma_start3A_358 = arith.constant 0 : i32
      %dma_start3A_359 = tpu.memref_slice %arg6[%dma_start3A_357, %add3A_356, %dma_start3A_358] : memref<4x128x64xf32, #tpu.memory_space<vmem>> -> memref<1x1x64xf32, #tpu.memory_space<vmem>>
      %dma_start3A_360 = tpu.memref_squeeze %dma_start3A_359 : memref<1x1x64xf32, #tpu.memory_space<vmem>> -> memref<64xf32, #tpu.memory_space<vmem>>
      %dma_start3A_361 = arith.constant 0 : i32
      %dma_start3A_362 = tpu.memref_slice %arg3[%shift_right_logical3A_350, %and3A_352, %dma_start3A_361] : memref<125000x8x64xf32, #tpu.memory_space<hbm>> -> memref<1x1x64xf32, #tpu.memory_space<hbm>>
      %dma_start3A_363 = tpu.memref_squeeze %dma_start3A_362 : memref<1x1x64xf32, #tpu.memory_space<hbm>> -> memref<64xf32, #tpu.memory_space<hbm>>
      %dma_start3A_364 = arith.constant 0 : i32
      %dma_start3A_365 = tpu.memref_slice %arg6[%dma_start3A_357, %add3A_356, %dma_start3A_364] : memref<4x128x64xf32, #tpu.memory_space<vmem>> -> memref<1x1x64xf32, #tpu.memory_space<vmem>>
      %dma_start3A_366 = tpu.memref_squeeze %dma_start3A_365 : memref<1x1x64xf32, #tpu.memory_space<vmem>> -> memref<64xf32, #tpu.memory_space<vmem>>
      %dma_start3A_367 = arith.constant 0 : i32
      %dma_start3A_368 = tpu.memref_slice %arg3[%shift_right_logical3A_350, %and3A_352, %dma_start3A_367] : memref<125000x8x64xf32, #tpu.memory_space<hbm>> -> memref<1x1x64xf32, #tpu.memory_space<hbm>>
      %dma_start3A_369 = tpu.memref_squeeze %dma_start3A_368 : memref<1x1x64xf32, #tpu.memory_space<hbm>> -> memref<64xf32, #tpu.memory_space<hbm>>
      tpu.enqueue_dma source(%dma_start3A_369 : memref<64xf32, #tpu.memory_space<hbm>>) target(%dma_start3A_366 : memref<64xf32, #tpu.memory_space<vmem>>) target_semaphore(%arg7 : memref<!tpu.dma_semaphore, #tpu.memory_space<semaphore_mem>>)
      %slice3A_370 = vector.extract_strided_slice %get3A_98 {offsets = [12], sizes = [1], strides = [1]} : vector<16xi32> to vector<1xi32>
      %squeeze3A_371 = vector.extract %slice3A_370[0] : i32 from vector<1xi32>
      %shift_right_logical3A_372 = arith.constant 3 : i32
      %shift_right_logical3A_373 = arith.shrui %squeeze3A_371, %shift_right_logical3A_372 : i32
      %and3A_374 = arith.constant 7 : i32
      %and3A_375 = arith.andi %squeeze3A_371, %and3A_374 : i32
      %mul3A_376 = arith.constant 16 : i32
      %mul3A_377 = arith.muli %scan3A_93, %mul3A_376 : i32
      %add3A_378 = arith.constant 12 : i32
      %add3A_379 = arith.addi %mul3A_377, %add3A_378 : i32
      %dma_start3A_380 = arith.constant 0 : i32
      %dma_start3A_381 = arith.constant 0 : i32
      %dma_start3A_382 = tpu.memref_slice %arg6[%dma_start3A_380, %add3A_379, %dma_start3A_381] : memref<4x128x64xf32, #tpu.memory_space<vmem>> -> memref<1x1x64xf32, #tpu.memory_space<vmem>>
      %dma_start3A_383 = tpu.memref_squeeze %dma_start3A_382 : memref<1x1x64xf32, #tpu.memory_space<vmem>> -> memref<64xf32, #tpu.memory_space<vmem>>
      %dma_start3A_384 = arith.constant 0 : i32
      %dma_start3A_385 = tpu.memref_slice %arg3[%shift_right_logical3A_373, %and3A_375, %dma_start3A_384] : memref<125000x8x64xf32, #tpu.memory_space<hbm>> -> memref<1x1x64xf32, #tpu.memory_space<hbm>>
      %dma_start3A_386 = tpu.memref_squeeze %dma_start3A_385 : memref<1x1x64xf32, #tpu.memory_space<hbm>> -> memref<64xf32, #tpu.memory_space<hbm>>
      %dma_start3A_387 = arith.constant 0 : i32
      %dma_start3A_388 = tpu.memref_slice %arg6[%dma_start3A_380, %add3A_379, %dma_start3A_387] : memref<4x128x64xf32, #tpu.memory_space<vmem>> -> memref<1x1x64xf32, #tpu.memory_space<vmem>>
      %dma_start3A_389 = tpu.memref_squeeze %dma_start3A_388 : memref<1x1x64xf32, #tpu.memory_space<vmem>> -> memref<64xf32, #tpu.memory_space<vmem>>
      %dma_start3A_390 = arith.constant 0 : i32
      %dma_start3A_391 = tpu.memref_slice %arg3[%shift_right_logical3A_373, %and3A_375, %dma_start3A_390] : memref<125000x8x64xf32, #tpu.memory_space<hbm>> -> memref<1x1x64xf32, #tpu.memory_space<hbm>>
      %dma_start3A_392 = tpu.memref_squeeze %dma_start3A_391 : memref<1x1x64xf32, #tpu.memory_space<hbm>> -> memref<64xf32, #tpu.memory_space<hbm>>
      tpu.enqueue_dma source(%dma_start3A_392 : memref<64xf32, #tpu.memory_space<hbm>>) target(%dma_start3A_389 : memref<64xf32, #tpu.memory_space<vmem>>) target_semaphore(%arg7 : memref<!tpu.dma_semaphore, #tpu.memory_space<semaphore_mem>>)
      %slice3A_393 = vector.extract_strided_slice %get3A_98 {offsets = [13], sizes = [1], strides = [1]} : vector<16xi32> to vector<1xi32>
      %squeeze3A_394 = vector.extract %slice3A_393[0] : i32 from vector<1xi32>
      %shift_right_logical3A_395 = arith.constant 3 : i32
      %shift_right_logical3A_396 = arith.shrui %squeeze3A_394, %shift_right_logical3A_395 : i32
      %and3A_397 = arith.constant 7 : i32
      %and3A_398 = arith.andi %squeeze3A_394, %and3A_397 : i32
      %mul3A_399 = arith.constant 16 : i32
      %mul3A_400 = arith.muli %scan3A_93, %mul3A_399 : i32
      %add3A_401 = arith.constant 13 : i32
      %add3A_402 = arith.addi %mul3A_400, %add3A_401 : i32
      %dma_start3A_403 = arith.constant 0 : i32
      %dma_start3A_404 = arith.constant 0 : i32
      %dma_start3A_405 = tpu.memref_slice %arg6[%dma_start3A_403, %add3A_402, %dma_start3A_404] : memref<4x128x64xf32, #tpu.memory_space<vmem>> -> memref<1x1x64xf32, #tpu.memory_space<vmem>>
      %dma_start3A_406 = tpu.memref_squeeze %dma_start3A_405 : memref<1x1x64xf32, #tpu.memory_space<vmem>> -> memref<64xf32, #tpu.memory_space<vmem>>
      %dma_start3A_407 = arith.constant 0 : i32
      %dma_start3A_408 = tpu.memref_slice %arg3[%shift_right_logical3A_396, %and3A_398, %dma_start3A_407] : memref<125000x8x64xf32, #tpu.memory_space<hbm>> -> memref<1x1x64xf32, #tpu.memory_space<hbm>>
      %dma_start3A_409 = tpu.memref_squeeze %dma_start3A_408 : memref<1x1x64xf32, #tpu.memory_space<hbm>> -> memref<64xf32, #tpu.memory_space<hbm>>
      %dma_start3A_410 = arith.constant 0 : i32
      %dma_start3A_411 = tpu.memref_slice %arg6[%dma_start3A_403, %add3A_402, %dma_start3A_410] : memref<4x128x64xf32, #tpu.memory_space<vmem>> -> memref<1x1x64xf32, #tpu.memory_space<vmem>>
      %dma_start3A_412 = tpu.memref_squeeze %dma_start3A_411 : memref<1x1x64xf32, #tpu.memory_space<vmem>> -> memref<64xf32, #tpu.memory_space<vmem>>
      %dma_start3A_413 = arith.constant 0 : i32
      %dma_start3A_414 = tpu.memref_slice %arg3[%shift_right_logical3A_396, %and3A_398, %dma_start3A_413] : memref<125000x8x64xf32, #tpu.memory_space<hbm>> -> memref<1x1x64xf32, #tpu.memory_space<hbm>>
      %dma_start3A_415 = tpu.memref_squeeze %dma_start3A_414 : memref<1x1x64xf32, #tpu.memory_space<hbm>> -> memref<64xf32, #tpu.memory_space<hbm>>
      tpu.enqueue_dma source(%dma_start3A_415 : memref<64xf32, #tpu.memory_space<hbm>>) target(%dma_start3A_412 : memref<64xf32, #tpu.memory_space<vmem>>) target_semaphore(%arg7 : memref<!tpu.dma_semaphore, #tpu.memory_space<semaphore_mem>>)
      %slice3A_416 = vector.extract_strided_slice %get3A_98 {offsets = [14], sizes = [1], strides = [1]} : vector<16xi32> to vector<1xi32>
      %squeeze3A_417 = vector.extract %slice3A_416[0] : i32 from vector<1xi32>
      %shift_right_logical3A_418 = arith.constant 3 : i32
      %shift_right_logical3A_419 = arith.shrui %squeeze3A_417, %shift_right_logical3A_418 : i32
      %and3A_420 = arith.constant 7 : i32
      %and3A_421 = arith.andi %squeeze3A_417, %and3A_420 : i32
      %mul3A_422 = arith.constant 16 : i32
      %mul3A_423 = arith.muli %scan3A_93, %mul3A_422 : i32
      %add3A_424 = arith.constant 14 : i32
      %add3A_425 = arith.addi %mul3A_423, %add3A_424 : i32
      %dma_start3A_426 = arith.constant 0 : i32
      %dma_start3A_427 = arith.constant 0 : i32
      %dma_start3A_428 = tpu.memref_slice %arg6[%dma_start3A_426, %add3A_425, %dma_start3A_427] : memref<4x128x64xf32, #tpu.memory_space<vmem>> -> memref<1x1x64xf32, #tpu.memory_space<vmem>>
      %dma_start3A_429 = tpu.memref_squeeze %dma_start3A_428 : memref<1x1x64xf32, #tpu.memory_space<vmem>> -> memref<64xf32, #tpu.memory_space<vmem>>
      %dma_start3A_430 = arith.constant 0 : i32
      %dma_start3A_431 = tpu.memref_slice %arg3[%shift_right_logical3A_419, %and3A_421, %dma_start3A_430] : memref<125000x8x64xf32, #tpu.memory_space<hbm>> -> memref<1x1x64xf32, #tpu.memory_space<hbm>>
      %dma_start3A_432 = tpu.memref_squeeze %dma_start3A_431 : memref<1x1x64xf32, #tpu.memory_space<hbm>> -> memref<64xf32, #tpu.memory_space<hbm>>
      %dma_start3A_433 = arith.constant 0 : i32
      %dma_start3A_434 = tpu.memref_slice %arg6[%dma_start3A_426, %add3A_425, %dma_start3A_433] : memref<4x128x64xf32, #tpu.memory_space<vmem>> -> memref<1x1x64xf32, #tpu.memory_space<vmem>>
      %dma_start3A_435 = tpu.memref_squeeze %dma_start3A_434 : memref<1x1x64xf32, #tpu.memory_space<vmem>> -> memref<64xf32, #tpu.memory_space<vmem>>
      %dma_start3A_436 = arith.constant 0 : i32
      %dma_start3A_437 = tpu.memref_slice %arg3[%shift_right_logical3A_419, %and3A_421, %dma_start3A_436] : memref<125000x8x64xf32, #tpu.memory_space<hbm>> -> memref<1x1x64xf32, #tpu.memory_space<hbm>>
      %dma_start3A_438 = tpu.memref_squeeze %dma_start3A_437 : memref<1x1x64xf32, #tpu.memory_space<hbm>> -> memref<64xf32, #tpu.memory_space<hbm>>
      tpu.enqueue_dma source(%dma_start3A_438 : memref<64xf32, #tpu.memory_space<hbm>>) target(%dma_start3A_435 : memref<64xf32, #tpu.memory_space<vmem>>) target_semaphore(%arg7 : memref<!tpu.dma_semaphore, #tpu.memory_space<semaphore_mem>>)
      %slice3A_439 = vector.extract_strided_slice %get3A_98 {offsets = [15], sizes = [1], strides = [1]} : vector<16xi32> to vector<1xi32>
      %squeeze3A_440 = vector.extract %slice3A_439[0] : i32 from vector<1xi32>
      %shift_right_logical3A_441 = arith.constant 3 : i32
      %shift_right_logical3A_442 = arith.shrui %squeeze3A_440, %shift_right_logical3A_441 : i32
      %and3A_443 = arith.constant 7 : i32
      %and3A_444 = arith.andi %squeeze3A_440, %and3A_443 : i32
      %mul3A_445 = arith.constant 16 : i32
      %mul3A_446 = arith.muli %scan3A_93, %mul3A_445 : i32
      %add3A_447 = arith.constant 15 : i32
      %add3A_448 = arith.addi %mul3A_446, %add3A_447 : i32
      %dma_start3A_449 = arith.constant 0 : i32
      %dma_start3A_450 = arith.constant 0 : i32
      %dma_start3A_451 = tpu.memref_slice %arg6[%dma_start3A_449, %add3A_448, %dma_start3A_450] : memref<4x128x64xf32, #tpu.memory_space<vmem>> -> memref<1x1x64xf32, #tpu.memory_space<vmem>>
      %dma_start3A_452 = tpu.memref_squeeze %dma_start3A_451 : memref<1x1x64xf32, #tpu.memory_space<vmem>> -> memref<64xf32, #tpu.memory_space<vmem>>
      %dma_start3A_453 = arith.constant 0 : i32
      %dma_start3A_454 = tpu.memref_slice %arg3[%shift_right_logical3A_442, %and3A_444, %dma_start3A_453] : memref<125000x8x64xf32, #tpu.memory_space<hbm>> -> memref<1x1x64xf32, #tpu.memory_space<hbm>>
      %dma_start3A_455 = tpu.memref_squeeze %dma_start3A_454 : memref<1x1x64xf32, #tpu.memory_space<hbm>> -> memref<64xf32, #tpu.memory_space<hbm>>
      %dma_start3A_456 = arith.constant 0 : i32
      %dma_start3A_457 = tpu.memref_slice %arg6[%dma_start3A_449, %add3A_448, %dma_start3A_456] : memref<4x128x64xf32, #tpu.memory_space<vmem>> -> memref<1x1x64xf32, #tpu.memory_space<vmem>>
      %dma_start3A_458 = tpu.memref_squeeze %dma_start3A_457 : memref<1x1x64xf32, #tpu.memory_space<vmem>> -> memref<64xf32, #tpu.memory_space<vmem>>
      %dma_start3A_459 = arith.constant 0 : i32
      %dma_start3A_460 = tpu.memref_slice %arg3[%shift_right_logical3A_442, %and3A_444, %dma_start3A_459] : memref<125000x8x64xf32, #tpu.memory_space<hbm>> -> memref<1x1x64xf32, #tpu.memory_space<hbm>>
      %dma_start3A_461 = tpu.memref_squeeze %dma_start3A_460 : memref<1x1x64xf32, #tpu.memory_space<hbm>> -> memref<64xf32, #tpu.memory_space<hbm>>
      tpu.enqueue_dma source(%dma_start3A_461 : memref<64xf32, #tpu.memory_space<hbm>>) target(%dma_start3A_458 : memref<64xf32, #tpu.memory_space<vmem>>) target_semaphore(%arg7 : memref<!tpu.dma_semaphore, #tpu.memory_space<semaphore_mem>>)
    }
    %scan3A_9 = arith.constant 8 : i32
    %scan3A_10 = arith.constant 0 : i32
    %scan3A_11 = arith.constant 0 : i32
    %scan3A_12 = arith.constant 8 : i32
    %scan3A_13 = arith.addi %scan3A_11, %scan3A_12 : i32
    %scan3A_14 = arith.constant 1 : i32
    scf.for %scan3A_93 = %scan3A_11 to %scan3A_13 step %scan3A_14  : i32 {
      %mul3A_94 = arith.constant 16 : i32
      %mul3A_95 = arith.muli %scan3A_93, %mul3A_94 : i32
      %get3A = arith.constant 1 : i32
      %get3A_96 = arith.index_cast %get3A : i32 to index
      %get3A_97 = arith.index_cast %mul3A_95 : i32 to index
      %get3A_98 = tpu.vector_load %arg5[%get3A_96, %get3A_97] {strides = array<i32>} : memref<200x128xi32, #tpu.memory_space<vmem>>, vector<16xi32>,
      %slice3A = vector.extract_strided_slice %get3A_98 {offsets = [0], sizes = [1], strides = [1]} : vector<16xi32> to vector<1xi32>
      %squeeze3A = vector.extract %slice3A[0] : i32 from vector<1xi32>
      %shift_right_logical3A = arith.constant 3 : i32
      %shift_right_logical3A_99 = arith.shrui %squeeze3A, %shift_right_logical3A : i32
      %and3A = arith.constant 7 : i32
      %and3A_100 = arith.andi %squeeze3A, %and3A : i32
      %mul3A_101 = arith.constant 16 : i32
      %mul3A_102 = arith.muli %scan3A_93, %mul3A_101 : i32
      %add3A_103 = arith.constant 0 : i32
      %add3A_104 = arith.addi %mul3A_102, %add3A_103 : i32
      %dma_start3A = arith.constant 1 : i32
      %dma_start3A_105 = arith.constant 0 : i32
      %dma_start3A_106 = tpu.memref_slice %arg6[%dma_start3A, %add3A_104, %dma_start3A_105] : memref<4x128x64xf32, #tpu.memory_space<vmem>> -> memref<1x1x64xf32, #tpu.memory_space<vmem>>
      %dma_start3A_107 = tpu.memref_squeeze %dma_start3A_106 : memref<1x1x64xf32, #tpu.memory_space<vmem>> -> memref<64xf32, #tpu.memory_space<vmem>>
      %dma_start3A_108 = arith.constant 0 : i32
      %dma_start3A_109 = tpu.memref_slice %arg3[%shift_right_logical3A_99, %and3A_100, %dma_start3A_108] : memref<125000x8x64xf32, #tpu.memory_space<hbm>> -> memref<1x1x64xf32, #tpu.memory_space<hbm>>
      %dma_start3A_110 = tpu.memref_squeeze %dma_start3A_109 : memref<1x1x64xf32, #tpu.memory_space<hbm>> -> memref<64xf32, #tpu.memory_space<hbm>>
      %dma_start3A_111 = arith.constant 0 : i32
      %dma_start3A_112 = tpu.memref_slice %arg6[%dma_start3A, %add3A_104, %dma_start3A_111] : memref<4x128x64xf32, #tpu.memory_space<vmem>> -> memref<1x1x64xf32, #tpu.memory_space<vmem>>
      %dma_start3A_113 = tpu.memref_squeeze %dma_start3A_112 : memref<1x1x64xf32, #tpu.memory_space<vmem>> -> memref<64xf32, #tpu.memory_space<vmem>>
      %dma_start3A_114 = arith.constant 0 : i32
      %dma_start3A_115 = tpu.memref_slice %arg3[%shift_right_logical3A_99, %and3A_100, %dma_start3A_114] : memref<125000x8x64xf32, #tpu.memory_space<hbm>> -> memref<1x1x64xf32, #tpu.memory_space<hbm>>
      %dma_start3A_116 = tpu.memref_squeeze %dma_start3A_115 : memref<1x1x64xf32, #tpu.memory_space<hbm>> -> memref<64xf32, #tpu.memory_space<hbm>>
      tpu.enqueue_dma source(%dma_start3A_116 : memref<64xf32, #tpu.memory_space<hbm>>) target(%dma_start3A_113 : memref<64xf32, #tpu.memory_space<vmem>>) target_semaphore(%arg8 : memref<!tpu.dma_semaphore, #tpu.memory_space<semaphore_mem>>)
      %slice3A_117 = vector.extract_strided_slice %get3A_98 {offsets = [1], sizes = [1], strides = [1]} : vector<16xi32> to vector<1xi32>
      %squeeze3A_118 = vector.extract %slice3A_117[0] : i32 from vector<1xi32>
      %shift_right_logical3A_119 = arith.constant 3 : i32
      %shift_right_logical3A_120 = arith.shrui %squeeze3A_118, %shift_right_logical3A_119 : i32
      %and3A_121 = arith.constant 7 : i32
      %and3A_122 = arith.andi %squeeze3A_118, %and3A_121 : i32
      %mul3A_123 = arith.constant 16 : i32
      %mul3A_124 = arith.muli %scan3A_93, %mul3A_123 : i32
      %add3A_125 = arith.constant 1 : i32
      %add3A_126 = arith.addi %mul3A_124, %add3A_125 : i32
      %dma_start3A_127 = arith.constant 1 : i32
      %dma_start3A_128 = arith.constant 0 : i32
      %dma_start3A_129 = tpu.memref_slice %arg6[%dma_start3A_127, %add3A_126, %dma_start3A_128] : memref<4x128x64xf32, #tpu.memory_space<vmem>> -> memref<1x1x64xf32, #tpu.memory_space<vmem>>
      %dma_start3A_130 = tpu.memref_squeeze %dma_start3A_129 : memref<1x1x64xf32, #tpu.memory_space<vmem>> -> memref<64xf32, #tpu.memory_space<vmem>>
      %dma_start3A_131 = arith.constant 0 : i32
      %dma_start3A_132 = tpu.memref_slice %arg3[%shift_right_logical3A_120, %and3A_122, %dma_start3A_131] : memref<125000x8x64xf32, #tpu.memory_space<hbm>> -> memref<1x1x64xf32, #tpu.memory_space<hbm>>
      %dma_start3A_133 = tpu.memref_squeeze %dma_start3A_132 : memref<1x1x64xf32, #tpu.memory_space<hbm>> -> memref<64xf32, #tpu.memory_space<hbm>>
      %dma_start3A_134 = arith.constant 0 : i32
      %dma_start3A_135 = tpu.memref_slice %arg6[%dma_start3A_127, %add3A_126, %dma_start3A_134] : memref<4x128x64xf32, #tpu.memory_space<vmem>> -> memref<1x1x64xf32, #tpu.memory_space<vmem>>
      %dma_start3A_136 = tpu.memref_squeeze %dma_start3A_135 : memref<1x1x64xf32, #tpu.memory_space<vmem>> -> memref<64xf32, #tpu.memory_space<vmem>>
      %dma_start3A_137 = arith.constant 0 : i32
      %dma_start3A_138 = tpu.memref_slice %arg3[%shift_right_logical3A_120, %and3A_122, %dma_start3A_137] : memref<125000x8x64xf32, #tpu.memory_space<hbm>> -> memref<1x1x64xf32, #tpu.memory_space<hbm>>
      %dma_start3A_139 = tpu.memref_squeeze %dma_start3A_138 : memref<1x1x64xf32, #tpu.memory_space<hbm>> -> memref<64xf32, #tpu.memory_space<hbm>>
      tpu.enqueue_dma source(%dma_start3A_139 : memref<64xf32, #tpu.memory_space<hbm>>) target(%dma_start3A_136 : memref<64xf32, #tpu.memory_space<vmem>>) target_semaphore(%arg8 : memref<!tpu.dma_semaphore, #tpu.memory_space<semaphore_mem>>)
      %slice3A_140 = vector.extract_strided_slice %get3A_98 {offsets = [2], sizes = [1], strides = [1]} : vector<16xi32> to vector<1xi32>
      %squeeze3A_141 = vector.extract %slice3A_140[0] : i32 from vector<1xi32>
      %shift_right_logical3A_142 = arith.constant 3 : i32
      %shift_right_logical3A_143 = arith.shrui %squeeze3A_141, %shift_right_logical3A_142 : i32
      %and3A_144 = arith.constant 7 : i32
      %and3A_145 = arith.andi %squeeze3A_141, %and3A_144 : i32
      %mul3A_146 = arith.constant 16 : i32
      %mul3A_147 = arith.muli %scan3A_93, %mul3A_146 : i32
      %add3A_148 = arith.constant 2 : i32
      %add3A_149 = arith.addi %mul3A_147, %add3A_148 : i32
      %dma_start3A_150 = arith.constant 1 : i32
      %dma_start3A_151 = arith.constant 0 : i32
      %dma_start3A_152 = tpu.memref_slice %arg6[%dma_start3A_150, %add3A_149, %dma_start3A_151] : memref<4x128x64xf32, #tpu.memory_space<vmem>> -> memref<1x1x64xf32, #tpu.memory_space<vmem>>
      %dma_start3A_153 = tpu.memref_squeeze %dma_start3A_152 : memref<1x1x64xf32, #tpu.memory_space<vmem>> -> memref<64xf32, #tpu.memory_space<vmem>>
      %dma_start3A_154 = arith.constant 0 : i32
      %dma_start3A_155 = tpu.memref_slice %arg3[%shift_right_logical3A_143, %and3A_145, %dma_start3A_154] : memref<125000x8x64xf32, #tpu.memory_space<hbm>> -> memref<1x1x64xf32, #tpu.memory_space<hbm>>
      %dma_start3A_156 = tpu.memref_squeeze %dma_start3A_155 : memref<1x1x64xf32, #tpu.memory_space<hbm>> -> memref<64xf32, #tpu.memory_space<hbm>>
      %dma_start3A_157 = arith.constant 0 : i32
      %dma_start3A_158 = tpu.memref_slice %arg6[%dma_start3A_150, %add3A_149, %dma_start3A_157] : memref<4x128x64xf32, #tpu.memory_space<vmem>> -> memref<1x1x64xf32, #tpu.memory_space<vmem>>
      %dma_start3A_159 = tpu.memref_squeeze %dma_start3A_158 : memref<1x1x64xf32, #tpu.memory_space<vmem>> -> memref<64xf32, #tpu.memory_space<vmem>>
      %dma_start3A_160 = arith.constant 0 : i32
      %dma_start3A_161 = tpu.memref_slice %arg3[%shift_right_logical3A_143, %and3A_145, %dma_start3A_160] : memref<125000x8x64xf32, #tpu.memory_space<hbm>> -> memref<1x1x64xf32, #tpu.memory_space<hbm>>
      %dma_start3A_162 = tpu.memref_squeeze %dma_start3A_161 : memref<1x1x64xf32, #tpu.memory_space<hbm>> -> memref<64xf32, #tpu.memory_space<hbm>>
      tpu.enqueue_dma source(%dma_start3A_162 : memref<64xf32, #tpu.memory_space<hbm>>) target(%dma_start3A_159 : memref<64xf32, #tpu.memory_space<vmem>>) target_semaphore(%arg8 : memref<!tpu.dma_semaphore, #tpu.memory_space<semaphore_mem>>)
      %slice3A_163 = vector.extract_strided_slice %get3A_98 {offsets = [3], sizes = [1], strides = [1]} : vector<16xi32> to vector<1xi32>
      %squeeze3A_164 = vector.extract %slice3A_163[0] : i32 from vector<1xi32>
      %shift_right_logical3A_165 = arith.constant 3 : i32
      %shift_right_logical3A_166 = arith.shrui %squeeze3A_164, %shift_right_logical3A_165 : i32
      %and3A_167 = arith.constant 7 : i32
      %and3A_168 = arith.andi %squeeze3A_164, %and3A_167 : i32
      %mul3A_169 = arith.constant 16 : i32
      %mul3A_170 = arith.muli %scan3A_93, %mul3A_169 : i32
      %add3A_171 = arith.constant 3 : i32
      %add3A_172 = arith.addi %mul3A_170, %add3A_171 : i32
      %dma_start3A_173 = arith.constant 1 : i32
      %dma_start3A_174 = arith.constant 0 : i32
      %dma_start3A_175 = tpu.memref_slice %arg6[%dma_start3A_173, %add3A_172, %dma_start3A_174] : memref<4x128x64xf32, #tpu.memory_space<vmem>> -> memref<1x1x64xf32, #tpu.memory_space<vmem>>
      %dma_start3A_176 = tpu.memref_squeeze %dma_start3A_175 : memref<1x1x64xf32, #tpu.memory_space<vmem>> -> memref<64xf32, #tpu.memory_space<vmem>>
      %dma_start3A_177 = arith.constant 0 : i32
      %dma_start3A_178 = tpu.memref_slice %arg3[%shift_right_logical3A_166, %and3A_168, %dma_start3A_177] : memref<125000x8x64xf32, #tpu.memory_space<hbm>> -> memref<1x1x64xf32, #tpu.memory_space<hbm>>
      %dma_start3A_179 = tpu.memref_squeeze %dma_start3A_178 : memref<1x1x64xf32, #tpu.memory_space<hbm>> -> memref<64xf32, #tpu.memory_space<hbm>>
      %dma_start3A_180 = arith.constant 0 : i32
      %dma_start3A_181 = tpu.memref_slice %arg6[%dma_start3A_173, %add3A_172, %dma_start3A_180] : memref<4x128x64xf32, #tpu.memory_space<vmem>> -> memref<1x1x64xf32, #tpu.memory_space<vmem>>
      %dma_start3A_182 = tpu.memref_squeeze %dma_start3A_181 : memref<1x1x64xf32, #tpu.memory_space<vmem>> -> memref<64xf32, #tpu.memory_space<vmem>>
      %dma_start3A_183 = arith.constant 0 : i32
      %dma_start3A_184 = tpu.memref_slice %arg3[%shift_right_logical3A_166, %and3A_168, %dma_start3A_183] : memref<125000x8x64xf32, #tpu.memory_space<hbm>> -> memref<1x1x64xf32, #tpu.memory_space<hbm>>
      %dma_start3A_185 = tpu.memref_squeeze %dma_start3A_184 : memref<1x1x64xf32, #tpu.memory_space<hbm>> -> memref<64xf32, #tpu.memory_space<hbm>>
      tpu.enqueue_dma source(%dma_start3A_185 : memref<64xf32, #tpu.memory_space<hbm>>) target(%dma_start3A_182 : memref<64xf32, #tpu.memory_space<vmem>>) target_semaphore(%arg8 : memref<!tpu.dma_semaphore, #tpu.memory_space<semaphore_mem>>)
      %slice3A_186 = vector.extract_strided_slice %get3A_98 {offsets = [4], sizes = [1], strides = [1]} : vector<16xi32> to vector<1xi32>
      %squeeze3A_187 = vector.extract %slice3A_186[0] : i32 from vector<1xi32>
      %shift_right_logical3A_188 = arith.constant 3 : i32
      %shift_right_logical3A_189 = arith.shrui %squeeze3A_187, %shift_right_logical3A_188 : i32
      %and3A_190 = arith.constant 7 : i32
      %and3A_191 = arith.andi %squeeze3A_187, %and3A_190 : i32
      %mul3A_192 = arith.constant 16 : i32
      %mul3A_193 = arith.muli %scan3A_93, %mul3A_192 : i32
      %add3A_194 = arith.constant 4 : i32
      %add3A_195 = arith.addi %mul3A_193, %add3A_194 : i32
      %dma_start3A_196 = arith.constant 1 : i32
      %dma_start3A_197 = arith.constant 0 : i32
      %dma_start3A_198 = tpu.memref_slice %arg6[%dma_start3A_196, %add3A_195, %dma_start3A_197] : memref<4x128x64xf32, #tpu.memory_space<vmem>> -> memref<1x1x64xf32, #tpu.memory_space<vmem>>
      %dma_start3A_199 = tpu.memref_squeeze %dma_start3A_198 : memref<1x1x64xf32, #tpu.memory_space<vmem>> -> memref<64xf32, #tpu.memory_space<vmem>>
      %dma_start3A_200 = arith.constant 0 : i32
      %dma_start3A_201 = tpu.memref_slice %arg3[%shift_right_logical3A_189, %and3A_191, %dma_start3A_200] : memref<125000x8x64xf32, #tpu.memory_space<hbm>> -> memref<1x1x64xf32, #tpu.memory_space<hbm>>
      %dma_start3A_202 = tpu.memref_squeeze %dma_start3A_201 : memref<1x1x64xf32, #tpu.memory_space<hbm>> -> memref<64xf32, #tpu.memory_space<hbm>>
      %dma_start3A_203 = arith.constant 0 : i32
      %dma_start3A_204 = tpu.memref_slice %arg6[%dma_start3A_196, %add3A_195, %dma_start3A_203] : memref<4x128x64xf32, #tpu.memory_space<vmem>> -> memref<1x1x64xf32, #tpu.memory_space<vmem>>
      %dma_start3A_205 = tpu.memref_squeeze %dma_start3A_204 : memref<1x1x64xf32, #tpu.memory_space<vmem>> -> memref<64xf32, #tpu.memory_space<vmem>>
      %dma_start3A_206 = arith.constant 0 : i32
      %dma_start3A_207 = tpu.memref_slice %arg3[%shift_right_logical3A_189, %and3A_191, %dma_start3A_206] : memref<125000x8x64xf32, #tpu.memory_space<hbm>> -> memref<1x1x64xf32, #tpu.memory_space<hbm>>
      %dma_start3A_208 = tpu.memref_squeeze %dma_start3A_207 : memref<1x1x64xf32, #tpu.memory_space<hbm>> -> memref<64xf32, #tpu.memory_space<hbm>>
      tpu.enqueue_dma source(%dma_start3A_208 : memref<64xf32, #tpu.memory_space<hbm>>) target(%dma_start3A_205 : memref<64xf32, #tpu.memory_space<vmem>>) target_semaphore(%arg8 : memref<!tpu.dma_semaphore, #tpu.memory_space<semaphore_mem>>)
      %slice3A_209 = vector.extract_strided_slice %get3A_98 {offsets = [5], sizes = [1], strides = [1]} : vector<16xi32> to vector<1xi32>
      %squeeze3A_210 = vector.extract %slice3A_209[0] : i32 from vector<1xi32>
      %shift_right_logical3A_211 = arith.constant 3 : i32
      %shift_right_logical3A_212 = arith.shrui %squeeze3A_210, %shift_right_logical3A_211 : i32
      %and3A_213 = arith.constant 7 : i32
      %and3A_214 = arith.andi %squeeze3A_210, %and3A_213 : i32
      %mul3A_215 = arith.constant 16 : i32
      %mul3A_216 = arith.muli %scan3A_93, %mul3A_215 : i32
      %add3A_217 = arith.constant 5 : i32
      %add3A_218 = arith.addi %mul3A_216, %add3A_217 : i32
      %dma_start3A_219 = arith.constant 1 : i32
      %dma_start3A_220 = arith.constant 0 : i32
      %dma_start3A_221 = tpu.memref_slice %arg6[%dma_start3A_219, %add3A_218, %dma_start3A_220] : memref<4x128x64xf32, #tpu.memory_space<vmem>> -> memref<1x1x64xf32, #tpu.memory_space<vmem>>
      %dma_start3A_222 = tpu.memref_squeeze %dma_start3A_221 : memref<1x1x64xf32, #tpu.memory_space<vmem>> -> memref<64xf32, #tpu.memory_space<vmem>>
      %dma_start3A_223 = arith.constant 0 : i32
      %dma_start3A_224 = tpu.memref_slice %arg3[%shift_right_logical3A_212, %and3A_214, %dma_start3A_223] : memref<125000x8x64xf32, #tpu.memory_space<hbm>> -> memref<1x1x64xf32, #tpu.memory_space<hbm>>
      %dma_start3A_225 = tpu.memref_squeeze %dma_start3A_224 : memref<1x1x64xf32, #tpu.memory_space<hbm>> -> memref<64xf32, #tpu.memory_space<hbm>>
      %dma_start3A_226 = arith.constant 0 : i32
      %dma_start3A_227 = tpu.memref_slice %arg6[%dma_start3A_219, %add3A_218, %dma_start3A_226] : memref<4x128x64xf32, #tpu.memory_space<vmem>> -> memref<1x1x64xf32, #tpu.memory_space<vmem>>
      %dma_start3A_228 = tpu.memref_squeeze %dma_start3A_227 : memref<1x1x64xf32, #tpu.memory_space<vmem>> -> memref<64xf32, #tpu.memory_space<vmem>>
      %dma_start3A_229 = arith.constant 0 : i32
      %dma_start3A_230 = tpu.memref_slice %arg3[%shift_right_logical3A_212, %and3A_214, %dma_start3A_229] : memref<125000x8x64xf32, #tpu.memory_space<hbm>> -> memref<1x1x64xf32, #tpu.memory_space<hbm>>
      %dma_start3A_231 = tpu.memref_squeeze %dma_start3A_230 : memref<1x1x64xf32, #tpu.memory_space<hbm>> -> memref<64xf32, #tpu.memory_space<hbm>>
      tpu.enqueue_dma source(%dma_start3A_231 : memref<64xf32, #tpu.memory_space<hbm>>) target(%dma_start3A_228 : memref<64xf32, #tpu.memory_space<vmem>>) target_semaphore(%arg8 : memref<!tpu.dma_semaphore, #tpu.memory_space<semaphore_mem>>)
      %slice3A_232 = vector.extract_strided_slice %get3A_98 {offsets = [6], sizes = [1], strides = [1]} : vector<16xi32> to vector<1xi32>
      %squeeze3A_233 = vector.extract %slice3A_232[0] : i32 from vector<1xi32>
      %shift_right_logical3A_234 = arith.constant 3 : i32
      %shift_right_logical3A_235 = arith.shrui %squeeze3A_233, %shift_right_logical3A_234 : i32
      %and3A_236 = arith.constant 7 : i32
      %and3A_237 = arith.andi %squeeze3A_233, %and3A_236 : i32
      %mul3A_238 = arith.constant 16 : i32
      %mul3A_239 = arith.muli %scan3A_93, %mul3A_238 : i32
      %add3A_240 = arith.constant 6 : i32
      %add3A_241 = arith.addi %mul3A_239, %add3A_240 : i32
      %dma_start3A_242 = arith.constant 1 : i32
      %dma_start3A_243 = arith.constant 0 : i32
      %dma_start3A_244 = tpu.memref_slice %arg6[%dma_start3A_242, %add3A_241, %dma_start3A_243] : memref<4x128x64xf32, #tpu.memory_space<vmem>> -> memref<1x1x64xf32, #tpu.memory_space<vmem>>
      %dma_start3A_245 = tpu.memref_squeeze %dma_start3A_244 : memref<1x1x64xf32, #tpu.memory_space<vmem>> -> memref<64xf32, #tpu.memory_space<vmem>>
      %dma_start3A_246 = arith.constant 0 : i32
      %dma_start3A_247 = tpu.memref_slice %arg3[%shift_right_logical3A_235, %and3A_237, %dma_start3A_246] : memref<125000x8x64xf32, #tpu.memory_space<hbm>> -> memref<1x1x64xf32, #tpu.memory_space<hbm>>
      %dma_start3A_248 = tpu.memref_squeeze %dma_start3A_247 : memref<1x1x64xf32, #tpu.memory_space<hbm>> -> memref<64xf32, #tpu.memory_space<hbm>>
      %dma_start3A_249 = arith.constant 0 : i32
      %dma_start3A_250 = tpu.memref_slice %arg6[%dma_start3A_242, %add3A_241, %dma_start3A_249] : memref<4x128x64xf32, #tpu.memory_space<vmem>> -> memref<1x1x64xf32, #tpu.memory_space<vmem>>
      %dma_start3A_251 = tpu.memref_squeeze %dma_start3A_250 : memref<1x1x64xf32, #tpu.memory_space<vmem>> -> memref<64xf32, #tpu.memory_space<vmem>>
      %dma_start3A_252 = arith.constant 0 : i32
      %dma_start3A_253 = tpu.memref_slice %arg3[%shift_right_logical3A_235, %and3A_237, %dma_start3A_252] : memref<125000x8x64xf32, #tpu.memory_space<hbm>> -> memref<1x1x64xf32, #tpu.memory_space<hbm>>
      %dma_start3A_254 = tpu.memref_squeeze %dma_start3A_253 : memref<1x1x64xf32, #tpu.memory_space<hbm>> -> memref<64xf32, #tpu.memory_space<hbm>>
      tpu.enqueue_dma source(%dma_start3A_254 : memref<64xf32, #tpu.memory_space<hbm>>) target(%dma_start3A_251 : memref<64xf32, #tpu.memory_space<vmem>>) target_semaphore(%arg8 : memref<!tpu.dma_semaphore, #tpu.memory_space<semaphore_mem>>)
      %slice3A_255 = vector.extract_strided_slice %get3A_98 {offsets = [7], sizes = [1], strides = [1]} : vector<16xi32> to vector<1xi32>
      %squeeze3A_256 = vector.extract %slice3A_255[0] : i32 from vector<1xi32>
      %shift_right_logical3A_257 = arith.constant 3 : i32
      %shift_right_logical3A_258 = arith.shrui %squeeze3A_256, %shift_right_logical3A_257 : i32
      %and3A_259 = arith.constant 7 : i32
      %and3A_260 = arith.andi %squeeze3A_256, %and3A_259 : i32
      %mul3A_261 = arith.constant 16 : i32
      %mul3A_262 = arith.muli %scan3A_93, %mul3A_261 : i32
      %add3A_263 = arith.constant 7 : i32
      %add3A_264 = arith.addi %mul3A_262, %add3A_263 : i32
      %dma_start3A_265 = arith.constant 1 : i32
      %dma_start3A_266 = arith.constant 0 : i32
      %dma_start3A_267 = tpu.memref_slice %arg6[%dma_start3A_265, %add3A_264, %dma_start3A_266] : memref<4x128x64xf32, #tpu.memory_space<vmem>> -> memref<1x1x64xf32, #tpu.memory_space<vmem>>
      %dma_start3A_268 = tpu.memref_squeeze %dma_start3A_267 : memref<1x1x64xf32, #tpu.memory_space<vmem>> -> memref<64xf32, #tpu.memory_space<vmem>>
      %dma_start3A_269 = arith.constant 0 : i32
      %dma_start3A_270 = tpu.memref_slice %arg3[%shift_right_logical3A_258, %and3A_260, %dma_start3A_269] : memref<125000x8x64xf32, #tpu.memory_space<hbm>> -> memref<1x1x64xf32, #tpu.memory_space<hbm>>
      %dma_start3A_271 = tpu.memref_squeeze %dma_start3A_270 : memref<1x1x64xf32, #tpu.memory_space<hbm>> -> memref<64xf32, #tpu.memory_space<hbm>>
      %dma_start3A_272 = arith.constant 0 : i32
      %dma_start3A_273 = tpu.memref_slice %arg6[%dma_start3A_265, %add3A_264, %dma_start3A_272] : memref<4x128x64xf32, #tpu.memory_space<vmem>> -> memref<1x1x64xf32, #tpu.memory_space<vmem>>
      %dma_start3A_274 = tpu.memref_squeeze %dma_start3A_273 : memref<1x1x64xf32, #tpu.memory_space<vmem>> -> memref<64xf32, #tpu.memory_space<vmem>>
      %dma_start3A_275 = arith.constant 0 : i32
      %dma_start3A_276 = tpu.memref_slice %arg3[%shift_right_logical3A_258, %and3A_260, %dma_start3A_275] : memref<125000x8x64xf32, #tpu.memory_space<hbm>> -> memref<1x1x64xf32, #tpu.memory_space<hbm>>
      %dma_start3A_277 = tpu.memref_squeeze %dma_start3A_276 : memref<1x1x64xf32, #tpu.memory_space<hbm>> -> memref<64xf32, #tpu.memory_space<hbm>>
      tpu.enqueue_dma source(%dma_start3A_277 : memref<64xf32, #tpu.memory_space<hbm>>) target(%dma_start3A_274 : memref<64xf32, #tpu.memory_space<vmem>>) target_semaphore(%arg8 : memref<!tpu.dma_semaphore, #tpu.memory_space<semaphore_mem>>)
      %slice3A_278 = vector.extract_strided_slice %get3A_98 {offsets = [8], sizes = [1], strides = [1]} : vector<16xi32> to vector<1xi32>
      %squeeze3A_279 = vector.extract %slice3A_278[0] : i32 from vector<1xi32>
      %shift_right_logical3A_280 = arith.constant 3 : i32
      %shift_right_logical3A_281 = arith.shrui %squeeze3A_279, %shift_right_logical3A_280 : i32
      %and3A_282 = arith.constant 7 : i32
      %and3A_283 = arith.andi %squeeze3A_279, %and3A_282 : i32
      %mul3A_284 = arith.constant 16 : i32
      %mul3A_285 = arith.muli %scan3A_93, %mul3A_284 : i32
      %add3A_286 = arith.constant 8 : i32
      %add3A_287 = arith.addi %mul3A_285, %add3A_286 : i32
      %dma_start3A_288 = arith.constant 1 : i32
      %dma_start3A_289 = arith.constant 0 : i32
      %dma_start3A_290 = tpu.memref_slice %arg6[%dma_start3A_288, %add3A_287, %dma_start3A_289] : memref<4x128x64xf32, #tpu.memory_space<vmem>> -> memref<1x1x64xf32, #tpu.memory_space<vmem>>
      %dma_start3A_291 = tpu.memref_squeeze %dma_start3A_290 : memref<1x1x64xf32, #tpu.memory_space<vmem>> -> memref<64xf32, #tpu.memory_space<vmem>>
      %dma_start3A_292 = arith.constant 0 : i32
      %dma_start3A_293 = tpu.memref_slice %arg3[%shift_right_logical3A_281, %and3A_283, %dma_start3A_292] : memref<125000x8x64xf32, #tpu.memory_space<hbm>> -> memref<1x1x64xf32, #tpu.memory_space<hbm>>
      %dma_start3A_294 = tpu.memref_squeeze %dma_start3A_293 : memref<1x1x64xf32, #tpu.memory_space<hbm>> -> memref<64xf32, #tpu.memory_space<hbm>>
      %dma_start3A_295 = arith.constant 0 : i32
      %dma_start3A_296 = tpu.memref_slice %arg6[%dma_start3A_288, %add3A_287, %dma_start3A_295] : memref<4x128x64xf32, #tpu.memory_space<vmem>> -> memref<1x1x64xf32, #tpu.memory_space<vmem>>
      %dma_start3A_297 = tpu.memref_squeeze %dma_start3A_296 : memref<1x1x64xf32, #tpu.memory_space<vmem>> -> memref<64xf32, #tpu.memory_space<vmem>>
      %dma_start3A_298 = arith.constant 0 : i32
      %dma_start3A_299 = tpu.memref_slice %arg3[%shift_right_logical3A_281, %and3A_283, %dma_start3A_298] : memref<125000x8x64xf32, #tpu.memory_space<hbm>> -> memref<1x1x64xf32, #tpu.memory_space<hbm>>
      %dma_start3A_300 = tpu.memref_squeeze %dma_start3A_299 : memref<1x1x64xf32, #tpu.memory_space<hbm>> -> memref<64xf32, #tpu.memory_space<hbm>>
      tpu.enqueue_dma source(%dma_start3A_300 : memref<64xf32, #tpu.memory_space<hbm>>) target(%dma_start3A_297 : memref<64xf32, #tpu.memory_space<vmem>>) target_semaphore(%arg8 : memref<!tpu.dma_semaphore, #tpu.memory_space<semaphore_mem>>)
      %slice3A_301 = vector.extract_strided_slice %get3A_98 {offsets = [9], sizes = [1], strides = [1]} : vector<16xi32> to vector<1xi32>
      %squeeze3A_302 = vector.extract %slice3A_301[0] : i32 from vector<1xi32>
      %shift_right_logical3A_303 = arith.constant 3 : i32
      %shift_right_logical3A_304 = arith.shrui %squeeze3A_302, %shift_right_logical3A_303 : i32
      %and3A_305 = arith.constant 7 : i32
      %and3A_306 = arith.andi %squeeze3A_302, %and3A_305 : i32
      %mul3A_307 = arith.constant 16 : i32
      %mul3A_308 = arith.muli %scan3A_93, %mul3A_307 : i32
      %add3A_309 = arith.constant 9 : i32
      %add3A_310 = arith.addi %mul3A_308, %add3A_309 : i32
      %dma_start3A_311 = arith.constant 1 : i32
      %dma_start3A_312 = arith.constant 0 : i32
      %dma_start3A_313 = tpu.memref_slice %arg6[%dma_start3A_311, %add3A_310, %dma_start3A_312] : memref<4x128x64xf32, #tpu.memory_space<vmem>> -> memref<1x1x64xf32, #tpu.memory_space<vmem>>
      %dma_start3A_314 = tpu.memref_squeeze %dma_start3A_313 : memref<1x1x64xf32, #tpu.memory_space<vmem>> -> memref<64xf32, #tpu.memory_space<vmem>>
      %dma_start3A_315 = arith.constant 0 : i32
      %dma_start3A_316 = tpu.memref_slice %arg3[%shift_right_logical3A_304, %and3A_306, %dma_start3A_315] : memref<125000x8x64xf32, #tpu.memory_space<hbm>> -> memref<1x1x64xf32, #tpu.memory_space<hbm>>
      %dma_start3A_317 = tpu.memref_squeeze %dma_start3A_316 : memref<1x1x64xf32, #tpu.memory_space<hbm>> -> memref<64xf32, #tpu.memory_space<hbm>>
      %dma_start3A_318 = arith.constant 0 : i32
      %dma_start3A_319 = tpu.memref_slice %arg6[%dma_start3A_311, %add3A_310, %dma_start3A_318] : memref<4x128x64xf32, #tpu.memory_space<vmem>> -> memref<1x1x64xf32, #tpu.memory_space<vmem>>
      %dma_start3A_320 = tpu.memref_squeeze %dma_start3A_319 : memref<1x1x64xf32, #tpu.memory_space<vmem>> -> memref<64xf32, #tpu.memory_space<vmem>>
      %dma_start3A_321 = arith.constant 0 : i32
      %dma_start3A_322 = tpu.memref_slice %arg3[%shift_right_logical3A_304, %and3A_306, %dma_start3A_321] : memref<125000x8x64xf32, #tpu.memory_space<hbm>> -> memref<1x1x64xf32, #tpu.memory_space<hbm>>
      %dma_start3A_323 = tpu.memref_squeeze %dma_start3A_322 : memref<1x1x64xf32, #tpu.memory_space<hbm>> -> memref<64xf32, #tpu.memory_space<hbm>>
      tpu.enqueue_dma source(%dma_start3A_323 : memref<64xf32, #tpu.memory_space<hbm>>) target(%dma_start3A_320 : memref<64xf32, #tpu.memory_space<vmem>>) target_semaphore(%arg8 : memref<!tpu.dma_semaphore, #tpu.memory_space<semaphore_mem>>)
      %slice3A_324 = vector.extract_strided_slice %get3A_98 {offsets = [10], sizes = [1], strides = [1]} : vector<16xi32> to vector<1xi32>
      %squeeze3A_325 = vector.extract %slice3A_324[0] : i32 from vector<1xi32>
      %shift_right_logical3A_326 = arith.constant 3 : i32
      %shift_right_logical3A_327 = arith.shrui %squeeze3A_325, %shift_right_logical3A_326 : i32
      %and3A_328 = arith.constant 7 : i32
      %and3A_329 = arith.andi %squeeze3A_325, %and3A_328 : i32
      %mul3A_330 = arith.constant 16 : i32
      %mul3A_331 = arith.muli %scan3A_93, %mul3A_330 : i32
      %add3A_332 = arith.constant 10 : i32
      %add3A_333 = arith.addi %mul3A_331, %add3A_332 : i32
      %dma_start3A_334 = arith.constant 1 : i32
      %dma_start3A_335 = arith.constant 0 : i32
      %dma_start3A_336 = tpu.memref_slice %arg6[%dma_start3A_334, %add3A_333, %dma_start3A_335] : memref<4x128x64xf32, #tpu.memory_space<vmem>> -> memref<1x1x64xf32, #tpu.memory_space<vmem>>
      %dma_start3A_337 = tpu.memref_squeeze %dma_start3A_336 : memref<1x1x64xf32, #tpu.memory_space<vmem>> -> memref<64xf32, #tpu.memory_space<vmem>>
      %dma_start3A_338 = arith.constant 0 : i32
      %dma_start3A_339 = tpu.memref_slice %arg3[%shift_right_logical3A_327, %and3A_329, %dma_start3A_338] : memref<125000x8x64xf32, #tpu.memory_space<hbm>> -> memref<1x1x64xf32, #tpu.memory_space<hbm>>
      %dma_start3A_340 = tpu.memref_squeeze %dma_start3A_339 : memref<1x1x64xf32, #tpu.memory_space<hbm>> -> memref<64xf32, #tpu.memory_space<hbm>>
      %dma_start3A_341 = arith.constant 0 : i32
      %dma_start3A_342 = tpu.memref_slice %arg6[%dma_start3A_334, %add3A_333, %dma_start3A_341] : memref<4x128x64xf32, #tpu.memory_space<vmem>> -> memref<1x1x64xf32, #tpu.memory_space<vmem>>
      %dma_start3A_343 = tpu.memref_squeeze %dma_start3A_342 : memref<1x1x64xf32, #tpu.memory_space<vmem>> -> memref<64xf32, #tpu.memory_space<vmem>>
      %dma_start3A_344 = arith.constant 0 : i32
      %dma_start3A_345 = tpu.memref_slice %arg3[%shift_right_logical3A_327, %and3A_329, %dma_start3A_344] : memref<125000x8x64xf32, #tpu.memory_space<hbm>> -> memref<1x1x64xf32, #tpu.memory_space<hbm>>
      %dma_start3A_346 = tpu.memref_squeeze %dma_start3A_345 : memref<1x1x64xf32, #tpu.memory_space<hbm>> -> memref<64xf32, #tpu.memory_space<hbm>>
      tpu.enqueue_dma source(%dma_start3A_346 : memref<64xf32, #tpu.memory_space<hbm>>) target(%dma_start3A_343 : memref<64xf32, #tpu.memory_space<vmem>>) target_semaphore(%arg8 : memref<!tpu.dma_semaphore, #tpu.memory_space<semaphore_mem>>)
      %slice3A_347 = vector.extract_strided_slice %get3A_98 {offsets = [11], sizes = [1], strides = [1]} : vector<16xi32> to vector<1xi32>
      %squeeze3A_348 = vector.extract %slice3A_347[0] : i32 from vector<1xi32>
      %shift_right_logical3A_349 = arith.constant 3 : i32
      %shift_right_logical3A_350 = arith.shrui %squeeze3A_348, %shift_right_logical3A_349 : i32
      %and3A_351 = arith.constant 7 : i32
      %and3A_352 = arith.andi %squeeze3A_348, %and3A_351 : i32
      %mul3A_353 = arith.constant 16 : i32
      %mul3A_354 = arith.muli %scan3A_93, %mul3A_353 : i32
      %add3A_355 = arith.constant 11 : i32
      %add3A_356 = arith.addi %mul3A_354, %add3A_355 : i32
      %dma_start3A_357 = arith.constant 1 : i32
      %dma_start3A_358 = arith.constant 0 : i32
      %dma_start3A_359 = tpu.memref_slice %arg6[%dma_start3A_357, %add3A_356, %dma_start3A_358] : memref<4x128x64xf32, #tpu.memory_space<vmem>> -> memref<1x1x64xf32, #tpu.memory_space<vmem>>
      %dma_start3A_360 = tpu.memref_squeeze %dma_start3A_359 : memref<1x1x64xf32, #tpu.memory_space<vmem>> -> memref<64xf32, #tpu.memory_space<vmem>>
      %dma_start3A_361 = arith.constant 0 : i32
      %dma_start3A_362 = tpu.memref_slice %arg3[%shift_right_logical3A_350, %and3A_352, %dma_start3A_361] : memref<125000x8x64xf32, #tpu.memory_space<hbm>> -> memref<1x1x64xf32, #tpu.memory_space<hbm>>
      %dma_start3A_363 = tpu.memref_squeeze %dma_start3A_362 : memref<1x1x64xf32, #tpu.memory_space<hbm>> -> memref<64xf32, #tpu.memory_space<hbm>>
      %dma_start3A_364 = arith.constant 0 : i32
      %dma_start3A_365 = tpu.memref_slice %arg6[%dma_start3A_357, %add3A_356, %dma_start3A_364] : memref<4x128x64xf32, #tpu.memory_space<vmem>> -> memref<1x1x64xf32, #tpu.memory_space<vmem>>
      %dma_start3A_366 = tpu.memref_squeeze %dma_start3A_365 : memref<1x1x64xf32, #tpu.memory_space<vmem>> -> memref<64xf32, #tpu.memory_space<vmem>>
      %dma_start3A_367 = arith.constant 0 : i32
      %dma_start3A_368 = tpu.memref_slice %arg3[%shift_right_logical3A_350, %and3A_352, %dma_start3A_367] : memref<125000x8x64xf32, #tpu.memory_space<hbm>> -> memref<1x1x64xf32, #tpu.memory_space<hbm>>
      %dma_start3A_369 = tpu.memref_squeeze %dma_start3A_368 : memref<1x1x64xf32, #tpu.memory_space<hbm>> -> memref<64xf32, #tpu.memory_space<hbm>>
      tpu.enqueue_dma source(%dma_start3A_369 : memref<64xf32, #tpu.memory_space<hbm>>) target(%dma_start3A_366 : memref<64xf32, #tpu.memory_space<vmem>>) target_semaphore(%arg8 : memref<!tpu.dma_semaphore, #tpu.memory_space<semaphore_mem>>)
      %slice3A_370 = vector.extract_strided_slice %get3A_98 {offsets = [12], sizes = [1], strides = [1]} : vector<16xi32> to vector<1xi32>
      %squeeze3A_371 = vector.extract %slice3A_370[0] : i32 from vector<1xi32>
      %shift_right_logical3A_372 = arith.constant 3 : i32
      %shift_right_logical3A_373 = arith.shrui %squeeze3A_371, %shift_right_logical3A_372 : i32
      %and3A_374 = arith.constant 7 : i32
      %and3A_375 = arith.andi %squeeze3A_371, %and3A_374 : i32
      %mul3A_376 = arith.constant 16 : i32
      %mul3A_377 = arith.muli %scan3A_93, %mul3A_376 : i32
      %add3A_378 = arith.constant 12 : i32
      %add3A_379 = arith.addi %mul3A_377, %add3A_378 : i32
      %dma_start3A_380 = arith.constant 1 : i32
      %dma_start3A_381 = arith.constant 0 : i32
      %dma_start3A_382 = tpu.memref_slice %arg6[%dma_start3A_380, %add3A_379, %dma_start3A_381] : memref<4x128x64xf32, #tpu.memory_space<vmem>> -> memref<1x1x64xf32, #tpu.memory_space<vmem>>
      %dma_start3A_383 = tpu.memref_squeeze %dma_start3A_382 : memref<1x1x64xf32, #tpu.memory_space<vmem>> -> memref<64xf32, #tpu.memory_space<vmem>>
      %dma_start3A_384 = arith.constant 0 : i32
      %dma_start3A_385 = tpu.memref_slice %arg3[%shift_right_logical3A_373, %and3A_375, %dma_start3A_384] : memref<125000x8x64xf32, #tpu.memory_space<hbm>> -> memref<1x1x64xf32, #tpu.memory_space<hbm>>
      %dma_start3A_386 = tpu.memref_squeeze %dma_start3A_385 : memref<1x1x64xf32, #tpu.memory_space<hbm>> -> memref<64xf32, #tpu.memory_space<hbm>>
      %dma_start3A_387 = arith.constant 0 : i32
      %dma_start3A_388 = tpu.memref_slice %arg6[%dma_start3A_380, %add3A_379, %dma_start3A_387] : memref<4x128x64xf32, #tpu.memory_space<vmem>> -> memref<1x1x64xf32, #tpu.memory_space<vmem>>
      %dma_start3A_389 = tpu.memref_squeeze %dma_start3A_388 : memref<1x1x64xf32, #tpu.memory_space<vmem>> -> memref<64xf32, #tpu.memory_space<vmem>>
      %dma_start3A_390 = arith.constant 0 : i32
      %dma_start3A_391 = tpu.memref_slice %arg3[%shift_right_logical3A_373, %and3A_375, %dma_start3A_390] : memref<125000x8x64xf32, #tpu.memory_space<hbm>> -> memref<1x1x64xf32, #tpu.memory_space<hbm>>
      %dma_start3A_392 = tpu.memref_squeeze %dma_start3A_391 : memref<1x1x64xf32, #tpu.memory_space<hbm>> -> memref<64xf32, #tpu.memory_space<hbm>>
      tpu.enqueue_dma source(%dma_start3A_392 : memref<64xf32, #tpu.memory_space<hbm>>) target(%dma_start3A_389 : memref<64xf32, #tpu.memory_space<vmem>>) target_semaphore(%arg8 : memref<!tpu.dma_semaphore, #tpu.memory_space<semaphore_mem>>)
      %slice3A_393 = vector.extract_strided_slice %get3A_98 {offsets = [13], sizes = [1], strides = [1]} : vector<16xi32> to vector<1xi32>
      %squeeze3A_394 = vector.extract %slice3A_393[0] : i32 from vector<1xi32>
      %shift_right_logical3A_395 = arith.constant 3 : i32
      %shift_right_logical3A_396 = arith.shrui %squeeze3A_394, %shift_right_logical3A_395 : i32
      %and3A_397 = arith.constant 7 : i32
      %and3A_398 = arith.andi %squeeze3A_394, %and3A_397 : i32
      %mul3A_399 = arith.constant 16 : i32
      %mul3A_400 = arith.muli %scan3A_93, %mul3A_399 : i32
      %add3A_401 = arith.constant 13 : i32
      %add3A_402 = arith.addi %mul3A_400, %add3A_401 : i32
      %dma_start3A_403 = arith.constant 1 : i32
      %dma_start3A_404 = arith.constant 0 : i32
      %dma_start3A_405 = tpu.memref_slice %arg6[%dma_start3A_403, %add3A_402, %dma_start3A_404] : memref<4x128x64xf32, #tpu.memory_space<vmem>> -> memref<1x1x64xf32, #tpu.memory_space<vmem>>
      %dma_start3A_406 = tpu.memref_squeeze %dma_start3A_405 : memref<1x1x64xf32, #tpu.memory_space<vmem>> -> memref<64xf32, #tpu.memory_space<vmem>>
      %dma_start3A_407 = arith.constant 0 : i32
      %dma_start3A_408 = tpu.memref_slice %arg3[%shift_right_logical3A_396, %and3A_398, %dma_start3A_407] : memref<125000x8x64xf32, #tpu.memory_space<hbm>> -> memref<1x1x64xf32, #tpu.memory_space<hbm>>
      %dma_start3A_409 = tpu.memref_squeeze %dma_start3A_408 : memref<1x1x64xf32, #tpu.memory_space<hbm>> -> memref<64xf32, #tpu.memory_space<hbm>>
      %dma_start3A_410 = arith.constant 0 : i32
      %dma_start3A_411 = tpu.memref_slice %arg6[%dma_start3A_403, %add3A_402, %dma_start3A_410] : memref<4x128x64xf32, #tpu.memory_space<vmem>> -> memref<1x1x64xf32, #tpu.memory_space<vmem>>
      %dma_start3A_412 = tpu.memref_squeeze %dma_start3A_411 : memref<1x1x64xf32, #tpu.memory_space<vmem>> -> memref<64xf32, #tpu.memory_space<vmem>>
      %dma_start3A_413 = arith.constant 0 : i32
      %dma_start3A_414 = tpu.memref_slice %arg3[%shift_right_logical3A_396, %and3A_398, %dma_start3A_413] : memref<125000x8x64xf32, #tpu.memory_space<hbm>> -> memref<1x1x64xf32, #tpu.memory_space<hbm>>
      %dma_start3A_415 = tpu.memref_squeeze %dma_start3A_414 : memref<1x1x64xf32, #tpu.memory_space<hbm>> -> memref<64xf32, #tpu.memory_space<hbm>>
      tpu.enqueue_dma source(%dma_start3A_415 : memref<64xf32, #tpu.memory_space<hbm>>) target(%dma_start3A_412 : memref<64xf32, #tpu.memory_space<vmem>>) target_semaphore(%arg8 : memref<!tpu.dma_semaphore, #tpu.memory_space<semaphore_mem>>)
      %slice3A_416 = vector.extract_strided_slice %get3A_98 {offsets = [14], sizes = [1], strides = [1]} : vector<16xi32> to vector<1xi32>
      %squeeze3A_417 = vector.extract %slice3A_416[0] : i32 from vector<1xi32>
      %shift_right_logical3A_418 = arith.constant 3 : i32
      %shift_right_logical3A_419 = arith.shrui %squeeze3A_417, %shift_right_logical3A_418 : i32
      %and3A_420 = arith.constant 7 : i32
      %and3A_421 = arith.andi %squeeze3A_417, %and3A_420 : i32
      %mul3A_422 = arith.constant 16 : i32
      %mul3A_423 = arith.muli %scan3A_93, %mul3A_422 : i32
      %add3A_424 = arith.constant 14 : i32
      %add3A_425 = arith.addi %mul3A_423, %add3A_424 : i32
      %dma_start3A_426 = arith.constant 1 : i32
      %dma_start3A_427 = arith.constant 0 : i32
      %dma_start3A_428 = tpu.memref_slice %arg6[%dma_start3A_426, %add3A_425, %dma_start3A_427] : memref<4x128x64xf32, #tpu.memory_space<vmem>> -> memref<1x1x64xf32, #tpu.memory_space<vmem>>
      %dma_start3A_429 = tpu.memref_squeeze %dma_start3A_428 : memref<1x1x64xf32, #tpu.memory_space<vmem>> -> memref<64xf32, #tpu.memory_space<vmem>>
      %dma_start3A_430 = arith.constant 0 : i32
      %dma_start3A_431 = tpu.memref_slice %arg3[%shift_right_logical3A_419, %and3A_421, %dma_start3A_430] : memref<125000x8x64xf32, #tpu.memory_space<hbm>> -> memref<1x1x64xf32, #tpu.memory_space<hbm>>
      %dma_start3A_432 = tpu.memref_squeeze %dma_start3A_431 : memref<1x1x64xf32, #tpu.memory_space<hbm>> -> memref<64xf32, #tpu.memory_space<hbm>>
      %dma_start3A_433 = arith.constant 0 : i32
      %dma_start3A_434 = tpu.memref_slice %arg6[%dma_start3A_426, %add3A_425, %dma_start3A_433] : memref<4x128x64xf32, #tpu.memory_space<vmem>> -> memref<1x1x64xf32, #tpu.memory_space<vmem>>
      %dma_start3A_435 = tpu.memref_squeeze %dma_start3A_434 : memref<1x1x64xf32, #tpu.memory_space<vmem>> -> memref<64xf32, #tpu.memory_space<vmem>>
      %dma_start3A_436 = arith.constant 0 : i32
      %dma_start3A_437 = tpu.memref_slice %arg3[%shift_right_logical3A_419, %and3A_421, %dma_start3A_436] : memref<125000x8x64xf32, #tpu.memory_space<hbm>> -> memref<1x1x64xf32, #tpu.memory_space<hbm>>
      %dma_start3A_438 = tpu.memref_squeeze %dma_start3A_437 : memref<1x1x64xf32, #tpu.memory_space<hbm>> -> memref<64xf32, #tpu.memory_space<hbm>>
      tpu.enqueue_dma source(%dma_start3A_438 : memref<64xf32, #tpu.memory_space<hbm>>) target(%dma_start3A_435 : memref<64xf32, #tpu.memory_space<vmem>>) target_semaphore(%arg8 : memref<!tpu.dma_semaphore, #tpu.memory_space<semaphore_mem>>)
      %slice3A_439 = vector.extract_strided_slice %get3A_98 {offsets = [15], sizes = [1], strides = [1]} : vector<16xi32> to vector<1xi32>
      %squeeze3A_440 = vector.extract %slice3A_439[0] : i32 from vector<1xi32>
      %shift_right_logical3A_441 = arith.constant 3 : i32
      %shift_right_logical3A_442 = arith.shrui %squeeze3A_440, %shift_right_logical3A_441 : i32
      %and3A_443 = arith.constant 7 : i32
      %and3A_444 = arith.andi %squeeze3A_440, %and3A_443 : i32
      %mul3A_445 = arith.constant 16 : i32
      %mul3A_446 = arith.muli %scan3A_93, %mul3A_445 : i32
      %add3A_447 = arith.constant 15 : i32
      %add3A_448 = arith.addi %mul3A_446, %add3A_447 : i32
      %dma_start3A_449 = arith.constant 1 : i32
      %dma_start3A_450 = arith.constant 0 : i32
      %dma_start3A_451 = tpu.memref_slice %arg6[%dma_start3A_449, %add3A_448, %dma_start3A_450] : memref<4x128x64xf32, #tpu.memory_space<vmem>> -> memref<1x1x64xf32, #tpu.memory_space<vmem>>
      %dma_start3A_452 = tpu.memref_squeeze %dma_start3A_451 : memref<1x1x64xf32, #tpu.memory_space<vmem>> -> memref<64xf32, #tpu.memory_space<vmem>>
      %dma_start3A_453 = arith.constant 0 : i32
      %dma_start3A_454 = tpu.memref_slice %arg3[%shift_right_logical3A_442, %and3A_444, %dma_start3A_453] : memref<125000x8x64xf32, #tpu.memory_space<hbm>> -> memref<1x1x64xf32, #tpu.memory_space<hbm>>
      %dma_start3A_455 = tpu.memref_squeeze %dma_start3A_454 : memref<1x1x64xf32, #tpu.memory_space<hbm>> -> memref<64xf32, #tpu.memory_space<hbm>>
      %dma_start3A_456 = arith.constant 0 : i32
      %dma_start3A_457 = tpu.memref_slice %arg6[%dma_start3A_449, %add3A_448, %dma_start3A_456] : memref<4x128x64xf32, #tpu.memory_space<vmem>> -> memref<1x1x64xf32, #tpu.memory_space<vmem>>
      %dma_start3A_458 = tpu.memref_squeeze %dma_start3A_457 : memref<1x1x64xf32, #tpu.memory_space<vmem>> -> memref<64xf32, #tpu.memory_space<vmem>>
      %dma_start3A_459 = arith.constant 0 : i32
      %dma_start3A_460 = tpu.memref_slice %arg3[%shift_right_logical3A_442, %and3A_444, %dma_start3A_459] : memref<125000x8x64xf32, #tpu.memory_space<hbm>> -> memref<1x1x64xf32, #tpu.memory_space<hbm>>
      %dma_start3A_461 = tpu.memref_squeeze %dma_start3A_460 : memref<1x1x64xf32, #tpu.memory_space<hbm>> -> memref<64xf32, #tpu.memory_space<hbm>>
      tpu.enqueue_dma source(%dma_start3A_461 : memref<64xf32, #tpu.memory_space<hbm>>) target(%dma_start3A_458 : memref<64xf32, #tpu.memory_space<vmem>>) target_semaphore(%arg8 : memref<!tpu.dma_semaphore, #tpu.memory_space<semaphore_mem>>)
    }
    %scan3A_15 = arith.constant 8 : i32
    %scan3A_16 = arith.constant 0 : i32
    %scan3A_17 = arith.constant 0 : i32
    %scan3A_18 = arith.constant 8 : i32
    %scan3A_19 = arith.addi %scan3A_17, %scan3A_18 : i32
    %scan3A_20 = arith.constant 1 : i32
    scf.for %scan3A_93 = %scan3A_17 to %scan3A_19 step %scan3A_20  : i32 {
      %mul3A_94 = arith.constant 16 : i32
      %mul3A_95 = arith.muli %scan3A_93, %mul3A_94 : i32
      %get3A = arith.constant 2 : i32
      %get3A_96 = arith.index_cast %get3A : i32 to index
      %get3A_97 = arith.index_cast %mul3A_95 : i32 to index
      %get3A_98 = tpu.vector_load %arg5[%get3A_96, %get3A_97] {strides = array<i32>} : memref<200x128xi32, #tpu.memory_space<vmem>>, vector<16xi32>,
      %slice3A = vector.extract_strided_slice %get3A_98 {offsets = [0], sizes = [1], strides = [1]} : vector<16xi32> to vector<1xi32>
      %squeeze3A = vector.extract %slice3A[0] : i32 from vector<1xi32>
      %shift_right_logical3A = arith.constant 3 : i32
      %shift_right_logical3A_99 = arith.shrui %squeeze3A, %shift_right_logical3A : i32
      %and3A = arith.constant 7 : i32
      %and3A_100 = arith.andi %squeeze3A, %and3A : i32
      %mul3A_101 = arith.constant 16 : i32
      %mul3A_102 = arith.muli %scan3A_93, %mul3A_101 : i32
      %add3A_103 = arith.constant 0 : i32
      %add3A_104 = arith.addi %mul3A_102, %add3A_103 : i32
      %dma_start3A = arith.constant 2 : i32
      %dma_start3A_105 = arith.constant 0 : i32
      %dma_start3A_106 = tpu.memref_slice %arg6[%dma_start3A, %add3A_104, %dma_start3A_105] : memref<4x128x64xf32, #tpu.memory_space<vmem>> -> memref<1x1x64xf32, #tpu.memory_space<vmem>>
      %dma_start3A_107 = tpu.memref_squeeze %dma_start3A_106 : memref<1x1x64xf32, #tpu.memory_space<vmem>> -> memref<64xf32, #tpu.memory_space<vmem>>
      %dma_start3A_108 = arith.constant 0 : i32
      %dma_start3A_109 = tpu.memref_slice %arg3[%shift_right_logical3A_99, %and3A_100, %dma_start3A_108] : memref<125000x8x64xf32, #tpu.memory_space<hbm>> -> memref<1x1x64xf32, #tpu.memory_space<hbm>>
      %dma_start3A_110 = tpu.memref_squeeze %dma_start3A_109 : memref<1x1x64xf32, #tpu.memory_space<hbm>> -> memref<64xf32, #tpu.memory_space<hbm>>
      %dma_start3A_111 = arith.constant 0 : i32
      %dma_start3A_112 = tpu.memref_slice %arg6[%dma_start3A, %add3A_104, %dma_start3A_111] : memref<4x128x64xf32, #tpu.memory_space<vmem>> -> memref<1x1x64xf32, #tpu.memory_space<vmem>>
      %dma_start3A_113 = tpu.memref_squeeze %dma_start3A_112 : memref<1x1x64xf32, #tpu.memory_space<vmem>> -> memref<64xf32, #tpu.memory_space<vmem>>
      %dma_start3A_114 = arith.constant 0 : i32
      %dma_start3A_115 = tpu.memref_slice %arg3[%shift_right_logical3A_99, %and3A_100, %dma_start3A_114] : memref<125000x8x64xf32, #tpu.memory_space<hbm>> -> memref<1x1x64xf32, #tpu.memory_space<hbm>>
      %dma_start3A_116 = tpu.memref_squeeze %dma_start3A_115 : memref<1x1x64xf32, #tpu.memory_space<hbm>> -> memref<64xf32, #tpu.memory_space<hbm>>
      tpu.enqueue_dma source(%dma_start3A_116 : memref<64xf32, #tpu.memory_space<hbm>>) target(%dma_start3A_113 : memref<64xf32, #tpu.memory_space<vmem>>) target_semaphore(%arg9 : memref<!tpu.dma_semaphore, #tpu.memory_space<semaphore_mem>>)
      %slice3A_117 = vector.extract_strided_slice %get3A_98 {offsets = [1], sizes = [1], strides = [1]} : vector<16xi32> to vector<1xi32>
      %squeeze3A_118 = vector.extract %slice3A_117[0] : i32 from vector<1xi32>
      %shift_right_logical3A_119 = arith.constant 3 : i32
      %shift_right_logical3A_120 = arith.shrui %squeeze3A_118, %shift_right_logical3A_119 : i32
      %and3A_121 = arith.constant 7 : i32
      %and3A_122 = arith.andi %squeeze3A_118, %and3A_121 : i32
      %mul3A_123 = arith.constant 16 : i32
      %mul3A_124 = arith.muli %scan3A_93, %mul3A_123 : i32
      %add3A_125 = arith.constant 1 : i32
      %add3A_126 = arith.addi %mul3A_124, %add3A_125 : i32
      %dma_start3A_127 = arith.constant 2 : i32
      %dma_start3A_128 = arith.constant 0 : i32
      %dma_start3A_129 = tpu.memref_slice %arg6[%dma_start3A_127, %add3A_126, %dma_start3A_128] : memref<4x128x64xf32, #tpu.memory_space<vmem>> -> memref<1x1x64xf32, #tpu.memory_space<vmem>>
      %dma_start3A_130 = tpu.memref_squeeze %dma_start3A_129 : memref<1x1x64xf32, #tpu.memory_space<vmem>> -> memref<64xf32, #tpu.memory_space<vmem>>
      %dma_start3A_131 = arith.constant 0 : i32
      %dma_start3A_132 = tpu.memref_slice %arg3[%shift_right_logical3A_120, %and3A_122, %dma_start3A_131] : memref<125000x8x64xf32, #tpu.memory_space<hbm>> -> memref<1x1x64xf32, #tpu.memory_space<hbm>>
      %dma_start3A_133 = tpu.memref_squeeze %dma_start3A_132 : memref<1x1x64xf32, #tpu.memory_space<hbm>> -> memref<64xf32, #tpu.memory_space<hbm>>
      %dma_start3A_134 = arith.constant 0 : i32
      %dma_start3A_135 = tpu.memref_slice %arg6[%dma_start3A_127, %add3A_126, %dma_start3A_134] : memref<4x128x64xf32, #tpu.memory_space<vmem>> -> memref<1x1x64xf32, #tpu.memory_space<vmem>>
      %dma_start3A_136 = tpu.memref_squeeze %dma_start3A_135 : memref<1x1x64xf32, #tpu.memory_space<vmem>> -> memref<64xf32, #tpu.memory_space<vmem>>
      %dma_start3A_137 = arith.constant 0 : i32
      %dma_start3A_138 = tpu.memref_slice %arg3[%shift_right_logical3A_120, %and3A_122, %dma_start3A_137] : memref<125000x8x64xf32, #tpu.memory_space<hbm>> -> memref<1x1x64xf32, #tpu.memory_space<hbm>>
      %dma_start3A_139 = tpu.memref_squeeze %dma_start3A_138 : memref<1x1x64xf32, #tpu.memory_space<hbm>> -> memref<64xf32, #tpu.memory_space<hbm>>
      tpu.enqueue_dma source(%dma_start3A_139 : memref<64xf32, #tpu.memory_space<hbm>>) target(%dma_start3A_136 : memref<64xf32, #tpu.memory_space<vmem>>) target_semaphore(%arg9 : memref<!tpu.dma_semaphore, #tpu.memory_space<semaphore_mem>>)
      %slice3A_140 = vector.extract_strided_slice %get3A_98 {offsets = [2], sizes = [1], strides = [1]} : vector<16xi32> to vector<1xi32>
      %squeeze3A_141 = vector.extract %slice3A_140[0] : i32 from vector<1xi32>
      %shift_right_logical3A_142 = arith.constant 3 : i32
      %shift_right_logical3A_143 = arith.shrui %squeeze3A_141, %shift_right_logical3A_142 : i32
      %and3A_144 = arith.constant 7 : i32
      %and3A_145 = arith.andi %squeeze3A_141, %and3A_144 : i32
      %mul3A_146 = arith.constant 16 : i32
      %mul3A_147 = arith.muli %scan3A_93, %mul3A_146 : i32
      %add3A_148 = arith.constant 2 : i32
      %add3A_149 = arith.addi %mul3A_147, %add3A_148 : i32
      %dma_start3A_150 = arith.constant 2 : i32
      %dma_start3A_151 = arith.constant 0 : i32
      %dma_start3A_152 = tpu.memref_slice %arg6[%dma_start3A_150, %add3A_149, %dma_start3A_151] : memref<4x128x64xf32, #tpu.memory_space<vmem>> -> memref<1x1x64xf32, #tpu.memory_space<vmem>>
      %dma_start3A_153 = tpu.memref_squeeze %dma_start3A_152 : memref<1x1x64xf32, #tpu.memory_space<vmem>> -> memref<64xf32, #tpu.memory_space<vmem>>
      %dma_start3A_154 = arith.constant 0 : i32
      %dma_start3A_155 = tpu.memref_slice %arg3[%shift_right_logical3A_143, %and3A_145, %dma_start3A_154] : memref<125000x8x64xf32, #tpu.memory_space<hbm>> -> memref<1x1x64xf32, #tpu.memory_space<hbm>>
      %dma_start3A_156 = tpu.memref_squeeze %dma_start3A_155 : memref<1x1x64xf32, #tpu.memory_space<hbm>> -> memref<64xf32, #tpu.memory_space<hbm>>
      %dma_start3A_157 = arith.constant 0 : i32
      %dma_start3A_158 = tpu.memref_slice %arg6[%dma_start3A_150, %add3A_149, %dma_start3A_157] : memref<4x128x64xf32, #tpu.memory_space<vmem>> -> memref<1x1x64xf32, #tpu.memory_space<vmem>>
      %dma_start3A_159 = tpu.memref_squeeze %dma_start3A_158 : memref<1x1x64xf32, #tpu.memory_space<vmem>> -> memref<64xf32, #tpu.memory_space<vmem>>
      %dma_start3A_160 = arith.constant 0 : i32
      %dma_start3A_161 = tpu.memref_slice %arg3[%shift_right_logical3A_143, %and3A_145, %dma_start3A_160] : memref<125000x8x64xf32, #tpu.memory_space<hbm>> -> memref<1x1x64xf32, #tpu.memory_space<hbm>>
      %dma_start3A_162 = tpu.memref_squeeze %dma_start3A_161 : memref<1x1x64xf32, #tpu.memory_space<hbm>> -> memref<64xf32, #tpu.memory_space<hbm>>
      tpu.enqueue_dma source(%dma_start3A_162 : memref<64xf32, #tpu.memory_space<hbm>>) target(%dma_start3A_159 : memref<64xf32, #tpu.memory_space<vmem>>) target_semaphore(%arg9 : memref<!tpu.dma_semaphore, #tpu.memory_space<semaphore_mem>>)
      %slice3A_163 = vector.extract_strided_slice %get3A_98 {offsets = [3], sizes = [1], strides = [1]} : vector<16xi32> to vector<1xi32>
      %squeeze3A_164 = vector.extract %slice3A_163[0] : i32 from vector<1xi32>
      %shift_right_logical3A_165 = arith.constant 3 : i32
      %shift_right_logical3A_166 = arith.shrui %squeeze3A_164, %shift_right_logical3A_165 : i32
      %and3A_167 = arith.constant 7 : i32
      %and3A_168 = arith.andi %squeeze3A_164, %and3A_167 : i32
      %mul3A_169 = arith.constant 16 : i32
      %mul3A_170 = arith.muli %scan3A_93, %mul3A_169 : i32
      %add3A_171 = arith.constant 3 : i32
      %add3A_172 = arith.addi %mul3A_170, %add3A_171 : i32
      %dma_start3A_173 = arith.constant 2 : i32
      %dma_start3A_174 = arith.constant 0 : i32
      %dma_start3A_175 = tpu.memref_slice %arg6[%dma_start3A_173, %add3A_172, %dma_start3A_174] : memref<4x128x64xf32, #tpu.memory_space<vmem>> -> memref<1x1x64xf32, #tpu.memory_space<vmem>>
      %dma_start3A_176 = tpu.memref_squeeze %dma_start3A_175 : memref<1x1x64xf32, #tpu.memory_space<vmem>> -> memref<64xf32, #tpu.memory_space<vmem>>
      %dma_start3A_177 = arith.constant 0 : i32
      %dma_start3A_178 = tpu.memref_slice %arg3[%shift_right_logical3A_166, %and3A_168, %dma_start3A_177] : memref<125000x8x64xf32, #tpu.memory_space<hbm>> -> memref<1x1x64xf32, #tpu.memory_space<hbm>>
      %dma_start3A_179 = tpu.memref_squeeze %dma_start3A_178 : memref<1x1x64xf32, #tpu.memory_space<hbm>> -> memref<64xf32, #tpu.memory_space<hbm>>
      %dma_start3A_180 = arith.constant 0 : i32
      %dma_start3A_181 = tpu.memref_slice %arg6[%dma_start3A_173, %add3A_172, %dma_start3A_180] : memref<4x128x64xf32, #tpu.memory_space<vmem>> -> memref<1x1x64xf32, #tpu.memory_space<vmem>>
      %dma_start3A_182 = tpu.memref_squeeze %dma_start3A_181 : memref<1x1x64xf32, #tpu.memory_space<vmem>> -> memref<64xf32, #tpu.memory_space<vmem>>
      %dma_start3A_183 = arith.constant 0 : i32
      %dma_start3A_184 = tpu.memref_slice %arg3[%shift_right_logical3A_166, %and3A_168, %dma_start3A_183] : memref<125000x8x64xf32, #tpu.memory_space<hbm>> -> memref<1x1x64xf32, #tpu.memory_space<hbm>>
      %dma_start3A_185 = tpu.memref_squeeze %dma_start3A_184 : memref<1x1x64xf32, #tpu.memory_space<hbm>> -> memref<64xf32, #tpu.memory_space<hbm>>
      tpu.enqueue_dma source(%dma_start3A_185 : memref<64xf32, #tpu.memory_space<hbm>>) target(%dma_start3A_182 : memref<64xf32, #tpu.memory_space<vmem>>) target_semaphore(%arg9 : memref<!tpu.dma_semaphore, #tpu.memory_space<semaphore_mem>>)
      %slice3A_186 = vector.extract_strided_slice %get3A_98 {offsets = [4], sizes = [1], strides = [1]} : vector<16xi32> to vector<1xi32>
      %squeeze3A_187 = vector.extract %slice3A_186[0] : i32 from vector<1xi32>
      %shift_right_logical3A_188 = arith.constant 3 : i32
      %shift_right_logical3A_189 = arith.shrui %squeeze3A_187, %shift_right_logical3A_188 : i32
      %and3A_190 = arith.constant 7 : i32
      %and3A_191 = arith.andi %squeeze3A_187, %and3A_190 : i32
      %mul3A_192 = arith.constant 16 : i32
      %mul3A_193 = arith.muli %scan3A_93, %mul3A_192 : i32
      %add3A_194 = arith.constant 4 : i32
      %add3A_195 = arith.addi %mul3A_193, %add3A_194 : i32
      %dma_start3A_196 = arith.constant 2 : i32
      %dma_start3A_197 = arith.constant 0 : i32
      %dma_start3A_198 = tpu.memref_slice %arg6[%dma_start3A_196, %add3A_195, %dma_start3A_197] : memref<4x128x64xf32, #tpu.memory_space<vmem>> -> memref<1x1x64xf32, #tpu.memory_space<vmem>>
      %dma_start3A_199 = tpu.memref_squeeze %dma_start3A_198 : memref<1x1x64xf32, #tpu.memory_space<vmem>> -> memref<64xf32, #tpu.memory_space<vmem>>
      %dma_start3A_200 = arith.constant 0 : i32
      %dma_start3A_201 = tpu.memref_slice %arg3[%shift_right_logical3A_189, %and3A_191, %dma_start3A_200] : memref<125000x8x64xf32, #tpu.memory_space<hbm>> -> memref<1x1x64xf32, #tpu.memory_space<hbm>>
      %dma_start3A_202 = tpu.memref_squeeze %dma_start3A_201 : memref<1x1x64xf32, #tpu.memory_space<hbm>> -> memref<64xf32, #tpu.memory_space<hbm>>
      %dma_start3A_203 = arith.constant 0 : i32
      %dma_start3A_204 = tpu.memref_slice %arg6[%dma_start3A_196, %add3A_195, %dma_start3A_203] : memref<4x128x64xf32, #tpu.memory_space<vmem>> -> memref<1x1x64xf32, #tpu.memory_space<vmem>>
      %dma_start3A_205 = tpu.memref_squeeze %dma_start3A_204 : memref<1x1x64xf32, #tpu.memory_space<vmem>> -> memref<64xf32, #tpu.memory_space<vmem>>
      %dma_start3A_206 = arith.constant 0 : i32
      %dma_start3A_207 = tpu.memref_slice %arg3[%shift_right_logical3A_189, %and3A_191, %dma_start3A_206] : memref<125000x8x64xf32, #tpu.memory_space<hbm>> -> memref<1x1x64xf32, #tpu.memory_space<hbm>>
      %dma_start3A_208 = tpu.memref_squeeze %dma_start3A_207 : memref<1x1x64xf32, #tpu.memory_space<hbm>> -> memref<64xf32, #tpu.memory_space<hbm>>
      tpu.enqueue_dma source(%dma_start3A_208 : memref<64xf32, #tpu.memory_space<hbm>>) target(%dma_start3A_205 : memref<64xf32, #tpu.memory_space<vmem>>) target_semaphore(%arg9 : memref<!tpu.dma_semaphore, #tpu.memory_space<semaphore_mem>>)
      %slice3A_209 = vector.extract_strided_slice %get3A_98 {offsets = [5], sizes = [1], strides = [1]} : vector<16xi32> to vector<1xi32>
      %squeeze3A_210 = vector.extract %slice3A_209[0] : i32 from vector<1xi32>
      %shift_right_logical3A_211 = arith.constant 3 : i32
      %shift_right_logical3A_212 = arith.shrui %squeeze3A_210, %shift_right_logical3A_211 : i32
      %and3A_213 = arith.constant 7 : i32
      %and3A_214 = arith.andi %squeeze3A_210, %and3A_213 : i32
      %mul3A_215 = arith.constant 16 : i32
      %mul3A_216 = arith.muli %scan3A_93, %mul3A_215 : i32
      %add3A_217 = arith.constant 5 : i32
      %add3A_218 = arith.addi %mul3A_216, %add3A_217 : i32
      %dma_start3A_219 = arith.constant 2 : i32
      %dma_start3A_220 = arith.constant 0 : i32
      %dma_start3A_221 = tpu.memref_slice %arg6[%dma_start3A_219, %add3A_218, %dma_start3A_220] : memref<4x128x64xf32, #tpu.memory_space<vmem>> -> memref<1x1x64xf32, #tpu.memory_space<vmem>>
      %dma_start3A_222 = tpu.memref_squeeze %dma_start3A_221 : memref<1x1x64xf32, #tpu.memory_space<vmem>> -> memref<64xf32, #tpu.memory_space<vmem>>
      %dma_start3A_223 = arith.constant 0 : i32
      %dma_start3A_224 = tpu.memref_slice %arg3[%shift_right_logical3A_212, %and3A_214, %dma_start3A_223] : memref<125000x8x64xf32, #tpu.memory_space<hbm>> -> memref<1x1x64xf32, #tpu.memory_space<hbm>>
      %dma_start3A_225 = tpu.memref_squeeze %dma_start3A_224 : memref<1x1x64xf32, #tpu.memory_space<hbm>> -> memref<64xf32, #tpu.memory_space<hbm>>
      %dma_start3A_226 = arith.constant 0 : i32
      %dma_start3A_227 = tpu.memref_slice %arg6[%dma_start3A_219, %add3A_218, %dma_start3A_226] : memref<4x128x64xf32, #tpu.memory_space<vmem>> -> memref<1x1x64xf32, #tpu.memory_space<vmem>>
      %dma_start3A_228 = tpu.memref_squeeze %dma_start3A_227 : memref<1x1x64xf32, #tpu.memory_space<vmem>> -> memref<64xf32, #tpu.memory_space<vmem>>
      %dma_start3A_229 = arith.constant 0 : i32
      %dma_start3A_230 = tpu.memref_slice %arg3[%shift_right_logical3A_212, %and3A_214, %dma_start3A_229] : memref<125000x8x64xf32, #tpu.memory_space<hbm>> -> memref<1x1x64xf32, #tpu.memory_space<hbm>>
      %dma_start3A_231 = tpu.memref_squeeze %dma_start3A_230 : memref<1x1x64xf32, #tpu.memory_space<hbm>> -> memref<64xf32, #tpu.memory_space<hbm>>
      tpu.enqueue_dma source(%dma_start3A_231 : memref<64xf32, #tpu.memory_space<hbm>>) target(%dma_start3A_228 : memref<64xf32, #tpu.memory_space<vmem>>) target_semaphore(%arg9 : memref<!tpu.dma_semaphore, #tpu.memory_space<semaphore_mem>>)
      %slice3A_232 = vector.extract_strided_slice %get3A_98 {offsets = [6], sizes = [1], strides = [1]} : vector<16xi32> to vector<1xi32>
      %squeeze3A_233 = vector.extract %slice3A_232[0] : i32 from vector<1xi32>
      %shift_right_logical3A_234 = arith.constant 3 : i32
      %shift_right_logical3A_235 = arith.shrui %squeeze3A_233, %shift_right_logical3A_234 : i32
      %and3A_236 = arith.constant 7 : i32
      %and3A_237 = arith.andi %squeeze3A_233, %and3A_236 : i32
      %mul3A_238 = arith.constant 16 : i32
      %mul3A_239 = arith.muli %scan3A_93, %mul3A_238 : i32
      %add3A_240 = arith.constant 6 : i32
      %add3A_241 = arith.addi %mul3A_239, %add3A_240 : i32
      %dma_start3A_242 = arith.constant 2 : i32
      %dma_start3A_243 = arith.constant 0 : i32
      %dma_start3A_244 = tpu.memref_slice %arg6[%dma_start3A_242, %add3A_241, %dma_start3A_243] : memref<4x128x64xf32, #tpu.memory_space<vmem>> -> memref<1x1x64xf32, #tpu.memory_space<vmem>>
      %dma_start3A_245 = tpu.memref_squeeze %dma_start3A_244 : memref<1x1x64xf32, #tpu.memory_space<vmem>> -> memref<64xf32, #tpu.memory_space<vmem>>
      %dma_start3A_246 = arith.constant 0 : i32
      %dma_start3A_247 = tpu.memref_slice %arg3[%shift_right_logical3A_235, %and3A_237, %dma_start3A_246] : memref<125000x8x64xf32, #tpu.memory_space<hbm>> -> memref<1x1x64xf32, #tpu.memory_space<hbm>>
      %dma_start3A_248 = tpu.memref_squeeze %dma_start3A_247 : memref<1x1x64xf32, #tpu.memory_space<hbm>> -> memref<64xf32, #tpu.memory_space<hbm>>
      %dma_start3A_249 = arith.constant 0 : i32
      %dma_start3A_250 = tpu.memref_slice %arg6[%dma_start3A_242, %add3A_241, %dma_start3A_249] : memref<4x128x64xf32, #tpu.memory_space<vmem>> -> memref<1x1x64xf32, #tpu.memory_space<vmem>>
      %dma_start3A_251 = tpu.memref_squeeze %dma_start3A_250 : memref<1x1x64xf32, #tpu.memory_space<vmem>> -> memref<64xf32, #tpu.memory_space<vmem>>
      %dma_start3A_252 = arith.constant 0 : i32
      %dma_start3A_253 = tpu.memref_slice %arg3[%shift_right_logical3A_235, %and3A_237, %dma_start3A_252] : memref<125000x8x64xf32, #tpu.memory_space<hbm>> -> memref<1x1x64xf32, #tpu.memory_space<hbm>>
      %dma_start3A_254 = tpu.memref_squeeze %dma_start3A_253 : memref<1x1x64xf32, #tpu.memory_space<hbm>> -> memref<64xf32, #tpu.memory_space<hbm>>
      tpu.enqueue_dma source(%dma_start3A_254 : memref<64xf32, #tpu.memory_space<hbm>>) target(%dma_start3A_251 : memref<64xf32, #tpu.memory_space<vmem>>) target_semaphore(%arg9 : memref<!tpu.dma_semaphore, #tpu.memory_space<semaphore_mem>>)
      %slice3A_255 = vector.extract_strided_slice %get3A_98 {offsets = [7], sizes = [1], strides = [1]} : vector<16xi32> to vector<1xi32>
      %squeeze3A_256 = vector.extract %slice3A_255[0] : i32 from vector<1xi32>
      %shift_right_logical3A_257 = arith.constant 3 : i32
      %shift_right_logical3A_258 = arith.shrui %squeeze3A_256, %shift_right_logical3A_257 : i32
      %and3A_259 = arith.constant 7 : i32
      %and3A_260 = arith.andi %squeeze3A_256, %and3A_259 : i32
      %mul3A_261 = arith.constant 16 : i32
      %mul3A_262 = arith.muli %scan3A_93, %mul3A_261 : i32
      %add3A_263 = arith.constant 7 : i32
      %add3A_264 = arith.addi %mul3A_262, %add3A_263 : i32
      %dma_start3A_265 = arith.constant 2 : i32
      %dma_start3A_266 = arith.constant 0 : i32
      %dma_start3A_267 = tpu.memref_slice %arg6[%dma_start3A_265, %add3A_264, %dma_start3A_266] : memref<4x128x64xf32, #tpu.memory_space<vmem>> -> memref<1x1x64xf32, #tpu.memory_space<vmem>>
      %dma_start3A_268 = tpu.memref_squeeze %dma_start3A_267 : memref<1x1x64xf32, #tpu.memory_space<vmem>> -> memref<64xf32, #tpu.memory_space<vmem>>
      %dma_start3A_269 = arith.constant 0 : i32
      %dma_start3A_270 = tpu.memref_slice %arg3[%shift_right_logical3A_258, %and3A_260, %dma_start3A_269] : memref<125000x8x64xf32, #tpu.memory_space<hbm>> -> memref<1x1x64xf32, #tpu.memory_space<hbm>>
      %dma_start3A_271 = tpu.memref_squeeze %dma_start3A_270 : memref<1x1x64xf32, #tpu.memory_space<hbm>> -> memref<64xf32, #tpu.memory_space<hbm>>
      %dma_start3A_272 = arith.constant 0 : i32
      %dma_start3A_273 = tpu.memref_slice %arg6[%dma_start3A_265, %add3A_264, %dma_start3A_272] : memref<4x128x64xf32, #tpu.memory_space<vmem>> -> memref<1x1x64xf32, #tpu.memory_space<vmem>>
      %dma_start3A_274 = tpu.memref_squeeze %dma_start3A_273 : memref<1x1x64xf32, #tpu.memory_space<vmem>> -> memref<64xf32, #tpu.memory_space<vmem>>
      %dma_start3A_275 = arith.constant 0 : i32
      %dma_start3A_276 = tpu.memref_slice %arg3[%shift_right_logical3A_258, %and3A_260, %dma_start3A_275] : memref<125000x8x64xf32, #tpu.memory_space<hbm>> -> memref<1x1x64xf32, #tpu.memory_space<hbm>>
      %dma_start3A_277 = tpu.memref_squeeze %dma_start3A_276 : memref<1x1x64xf32, #tpu.memory_space<hbm>> -> memref<64xf32, #tpu.memory_space<hbm>>
      tpu.enqueue_dma source(%dma_start3A_277 : memref<64xf32, #tpu.memory_space<hbm>>) target(%dma_start3A_274 : memref<64xf32, #tpu.memory_space<vmem>>) target_semaphore(%arg9 : memref<!tpu.dma_semaphore, #tpu.memory_space<semaphore_mem>>)
      %slice3A_278 = vector.extract_strided_slice %get3A_98 {offsets = [8], sizes = [1], strides = [1]} : vector<16xi32> to vector<1xi32>
      %squeeze3A_279 = vector.extract %slice3A_278[0] : i32 from vector<1xi32>
      %shift_right_logical3A_280 = arith.constant 3 : i32
      %shift_right_logical3A_281 = arith.shrui %squeeze3A_279, %shift_right_logical3A_280 : i32
      %and3A_282 = arith.constant 7 : i32
      %and3A_283 = arith.andi %squeeze3A_279, %and3A_282 : i32
      %mul3A_284 = arith.constant 16 : i32
      %mul3A_285 = arith.muli %scan3A_93, %mul3A_284 : i32
      %add3A_286 = arith.constant 8 : i32
      %add3A_287 = arith.addi %mul3A_285, %add3A_286 : i32
      %dma_start3A_288 = arith.constant 2 : i32
      %dma_start3A_289 = arith.constant 0 : i32
      %dma_start3A_290 = tpu.memref_slice %arg6[%dma_start3A_288, %add3A_287, %dma_start3A_289] : memref<4x128x64xf32, #tpu.memory_space<vmem>> -> memref<1x1x64xf32, #tpu.memory_space<vmem>>
      %dma_start3A_291 = tpu.memref_squeeze %dma_start3A_290 : memref<1x1x64xf32, #tpu.memory_space<vmem>> -> memref<64xf32, #tpu.memory_space<vmem>>
      %dma_start3A_292 = arith.constant 0 : i32
      %dma_start3A_293 = tpu.memref_slice %arg3[%shift_right_logical3A_281, %and3A_283, %dma_start3A_292] : memref<125000x8x64xf32, #tpu.memory_space<hbm>> -> memref<1x1x64xf32, #tpu.memory_space<hbm>>
      %dma_start3A_294 = tpu.memref_squeeze %dma_start3A_293 : memref<1x1x64xf32, #tpu.memory_space<hbm>> -> memref<64xf32, #tpu.memory_space<hbm>>
      %dma_start3A_295 = arith.constant 0 : i32
      %dma_start3A_296 = tpu.memref_slice %arg6[%dma_start3A_288, %add3A_287, %dma_start3A_295] : memref<4x128x64xf32, #tpu.memory_space<vmem>> -> memref<1x1x64xf32, #tpu.memory_space<vmem>>
      %dma_start3A_297 = tpu.memref_squeeze %dma_start3A_296 : memref<1x1x64xf32, #tpu.memory_space<vmem>> -> memref<64xf32, #tpu.memory_space<vmem>>
      %dma_start3A_298 = arith.constant 0 : i32
      %dma_start3A_299 = tpu.memref_slice %arg3[%shift_right_logical3A_281, %and3A_283, %dma_start3A_298] : memref<125000x8x64xf32, #tpu.memory_space<hbm>> -> memref<1x1x64xf32, #tpu.memory_space<hbm>>
      %dma_start3A_300 = tpu.memref_squeeze %dma_start3A_299 : memref<1x1x64xf32, #tpu.memory_space<hbm>> -> memref<64xf32, #tpu.memory_space<hbm>>
      tpu.enqueue_dma source(%dma_start3A_300 : memref<64xf32, #tpu.memory_space<hbm>>) target(%dma_start3A_297 : memref<64xf32, #tpu.memory_space<vmem>>) target_semaphore(%arg9 : memref<!tpu.dma_semaphore, #tpu.memory_space<semaphore_mem>>)
      %slice3A_301 = vector.extract_strided_slice %get3A_98 {offsets = [9], sizes = [1], strides = [1]} : vector<16xi32> to vector<1xi32>
      %squeeze3A_302 = vector.extract %slice3A_301[0] : i32 from vector<1xi32>
      %shift_right_logical3A_303 = arith.constant 3 : i32
      %shift_right_logical3A_304 = arith.shrui %squeeze3A_302, %shift_right_logical3A_303 : i32
      %and3A_305 = arith.constant 7 : i32
      %and3A_306 = arith.andi %squeeze3A_302, %and3A_305 : i32
      %mul3A_307 = arith.constant 16 : i32
      %mul3A_308 = arith.muli %scan3A_93, %mul3A_307 : i32
      %add3A_309 = arith.constant 9 : i32
      %add3A_310 = arith.addi %mul3A_308, %add3A_309 : i32
      %dma_start3A_311 = arith.constant 2 : i32
      %dma_start3A_312 = arith.constant 0 : i32
      %dma_start3A_313 = tpu.memref_slice %arg6[%dma_start3A_311, %add3A_310, %dma_start3A_312] : memref<4x128x64xf32, #tpu.memory_space<vmem>> -> memref<1x1x64xf32, #tpu.memory_space<vmem>>
      %dma_start3A_314 = tpu.memref_squeeze %dma_start3A_313 : memref<1x1x64xf32, #tpu.memory_space<vmem>> -> memref<64xf32, #tpu.memory_space<vmem>>
      %dma_start3A_315 = arith.constant 0 : i32
      %dma_start3A_316 = tpu.memref_slice %arg3[%shift_right_logical3A_304, %and3A_306, %dma_start3A_315] : memref<125000x8x64xf32, #tpu.memory_space<hbm>> -> memref<1x1x64xf32, #tpu.memory_space<hbm>>
      %dma_start3A_317 = tpu.memref_squeeze %dma_start3A_316 : memref<1x1x64xf32, #tpu.memory_space<hbm>> -> memref<64xf32, #tpu.memory_space<hbm>>
      %dma_start3A_318 = arith.constant 0 : i32
      %dma_start3A_319 = tpu.memref_slice %arg6[%dma_start3A_311, %add3A_310, %dma_start3A_318] : memref<4x128x64xf32, #tpu.memory_space<vmem>> -> memref<1x1x64xf32, #tpu.memory_space<vmem>>
      %dma_start3A_320 = tpu.memref_squeeze %dma_start3A_319 : memref<1x1x64xf32, #tpu.memory_space<vmem>> -> memref<64xf32, #tpu.memory_space<vmem>>
      %dma_start3A_321 = arith.constant 0 : i32
      %dma_start3A_322 = tpu.memref_slice %arg3[%shift_right_logical3A_304, %and3A_306, %dma_start3A_321] : memref<125000x8x64xf32, #tpu.memory_space<hbm>> -> memref<1x1x64xf32, #tpu.memory_space<hbm>>
      %dma_start3A_323 = tpu.memref_squeeze %dma_start3A_322 : memref<1x1x64xf32, #tpu.memory_space<hbm>> -> memref<64xf32, #tpu.memory_space<hbm>>
      tpu.enqueue_dma source(%dma_start3A_323 : memref<64xf32, #tpu.memory_space<hbm>>) target(%dma_start3A_320 : memref<64xf32, #tpu.memory_space<vmem>>) target_semaphore(%arg9 : memref<!tpu.dma_semaphore, #tpu.memory_space<semaphore_mem>>)
      %slice3A_324 = vector.extract_strided_slice %get3A_98 {offsets = [10], sizes = [1], strides = [1]} : vector<16xi32> to vector<1xi32>
      %squeeze3A_325 = vector.extract %slice3A_324[0] : i32 from vector<1xi32>
      %shift_right_logical3A_326 = arith.constant 3 : i32
      %shift_right_logical3A_327 = arith.shrui %squeeze3A_325, %shift_right_logical3A_326 : i32
      %and3A_328 = arith.constant 7 : i32
      %and3A_329 = arith.andi %squeeze3A_325, %and3A_328 : i32
      %mul3A_330 = arith.constant 16 : i32
      %mul3A_331 = arith.muli %scan3A_93, %mul3A_330 : i32
      %add3A_332 = arith.constant 10 : i32
      %add3A_333 = arith.addi %mul3A_331, %add3A_332 : i32
      %dma_start3A_334 = arith.constant 2 : i32
      %dma_start3A_335 = arith.constant 0 : i32
      %dma_start3A_336 = tpu.memref_slice %arg6[%dma_start3A_334, %add3A_333, %dma_start3A_335] : memref<4x128x64xf32, #tpu.memory_space<vmem>> -> memref<1x1x64xf32, #tpu.memory_space<vmem>>
      %dma_start3A_337 = tpu.memref_squeeze %dma_start3A_336 : memref<1x1x64xf32, #tpu.memory_space<vmem>> -> memref<64xf32, #tpu.memory_space<vmem>>
      %dma_start3A_338 = arith.constant 0 : i32
      %dma_start3A_339 = tpu.memref_slice %arg3[%shift_right_logical3A_327, %and3A_329, %dma_start3A_338] : memref<125000x8x64xf32, #tpu.memory_space<hbm>> -> memref<1x1x64xf32, #tpu.memory_space<hbm>>
      %dma_start3A_340 = tpu.memref_squeeze %dma_start3A_339 : memref<1x1x64xf32, #tpu.memory_space<hbm>> -> memref<64xf32, #tpu.memory_space<hbm>>
      %dma_start3A_341 = arith.constant 0 : i32
      %dma_start3A_342 = tpu.memref_slice %arg6[%dma_start3A_334, %add3A_333, %dma_start3A_341] : memref<4x128x64xf32, #tpu.memory_space<vmem>> -> memref<1x1x64xf32, #tpu.memory_space<vmem>>
      %dma_start3A_343 = tpu.memref_squeeze %dma_start3A_342 : memref<1x1x64xf32, #tpu.memory_space<vmem>> -> memref<64xf32, #tpu.memory_space<vmem>>
      %dma_start3A_344 = arith.constant 0 : i32
      %dma_start3A_345 = tpu.memref_slice %arg3[%shift_right_logical3A_327, %and3A_329, %dma_start3A_344] : memref<125000x8x64xf32, #tpu.memory_space<hbm>> -> memref<1x1x64xf32, #tpu.memory_space<hbm>>
      %dma_start3A_346 = tpu.memref_squeeze %dma_start3A_345 : memref<1x1x64xf32, #tpu.memory_space<hbm>> -> memref<64xf32, #tpu.memory_space<hbm>>
      tpu.enqueue_dma source(%dma_start3A_346 : memref<64xf32, #tpu.memory_space<hbm>>) target(%dma_start3A_343 : memref<64xf32, #tpu.memory_space<vmem>>) target_semaphore(%arg9 : memref<!tpu.dma_semaphore, #tpu.memory_space<semaphore_mem>>)
      %slice3A_347 = vector.extract_strided_slice %get3A_98 {offsets = [11], sizes = [1], strides = [1]} : vector<16xi32> to vector<1xi32>
      %squeeze3A_348 = vector.extract %slice3A_347[0] : i32 from vector<1xi32>
      %shift_right_logical3A_349 = arith.constant 3 : i32
      %shift_right_logical3A_350 = arith.shrui %squeeze3A_348, %shift_right_logical3A_349 : i32
      %and3A_351 = arith.constant 7 : i32
      %and3A_352 = arith.andi %squeeze3A_348, %and3A_351 : i32
      %mul3A_353 = arith.constant 16 : i32
      %mul3A_354 = arith.muli %scan3A_93, %mul3A_353 : i32
      %add3A_355 = arith.constant 11 : i32
      %add3A_356 = arith.addi %mul3A_354, %add3A_355 : i32
      %dma_start3A_357 = arith.constant 2 : i32
      %dma_start3A_358 = arith.constant 0 : i32
      %dma_start3A_359 = tpu.memref_slice %arg6[%dma_start3A_357, %add3A_356, %dma_start3A_358] : memref<4x128x64xf32, #tpu.memory_space<vmem>> -> memref<1x1x64xf32, #tpu.memory_space<vmem>>
      %dma_start3A_360 = tpu.memref_squeeze %dma_start3A_359 : memref<1x1x64xf32, #tpu.memory_space<vmem>> -> memref<64xf32, #tpu.memory_space<vmem>>
      %dma_start3A_361 = arith.constant 0 : i32
      %dma_start3A_362 = tpu.memref_slice %arg3[%shift_right_logical3A_350, %and3A_352, %dma_start3A_361] : memref<125000x8x64xf32, #tpu.memory_space<hbm>> -> memref<1x1x64xf32, #tpu.memory_space<hbm>>
      %dma_start3A_363 = tpu.memref_squeeze %dma_start3A_362 : memref<1x1x64xf32, #tpu.memory_space<hbm>> -> memref<64xf32, #tpu.memory_space<hbm>>
      %dma_start3A_364 = arith.constant 0 : i32
      %dma_start3A_365 = tpu.memref_slice %arg6[%dma_start3A_357, %add3A_356, %dma_start3A_364] : memref<4x128x64xf32, #tpu.memory_space<vmem>> -> memref<1x1x64xf32, #tpu.memory_space<vmem>>
      %dma_start3A_366 = tpu.memref_squeeze %dma_start3A_365 : memref<1x1x64xf32, #tpu.memory_space<vmem>> -> memref<64xf32, #tpu.memory_space<vmem>>
      %dma_start3A_367 = arith.constant 0 : i32
      %dma_start3A_368 = tpu.memref_slice %arg3[%shift_right_logical3A_350, %and3A_352, %dma_start3A_367] : memref<125000x8x64xf32, #tpu.memory_space<hbm>> -> memref<1x1x64xf32, #tpu.memory_space<hbm>>
      %dma_start3A_369 = tpu.memref_squeeze %dma_start3A_368 : memref<1x1x64xf32, #tpu.memory_space<hbm>> -> memref<64xf32, #tpu.memory_space<hbm>>
      tpu.enqueue_dma source(%dma_start3A_369 : memref<64xf32, #tpu.memory_space<hbm>>) target(%dma_start3A_366 : memref<64xf32, #tpu.memory_space<vmem>>) target_semaphore(%arg9 : memref<!tpu.dma_semaphore, #tpu.memory_space<semaphore_mem>>)
      %slice3A_370 = vector.extract_strided_slice %get3A_98 {offsets = [12], sizes = [1], strides = [1]} : vector<16xi32> to vector<1xi32>
      %squeeze3A_371 = vector.extract %slice3A_370[0] : i32 from vector<1xi32>
      %shift_right_logical3A_372 = arith.constant 3 : i32
      %shift_right_logical3A_373 = arith.shrui %squeeze3A_371, %shift_right_logical3A_372 : i32
      %and3A_374 = arith.constant 7 : i32
      %and3A_375 = arith.andi %squeeze3A_371, %and3A_374 : i32
      %mul3A_376 = arith.constant 16 : i32
      %mul3A_377 = arith.muli %scan3A_93, %mul3A_376 : i32
      %add3A_378 = arith.constant 12 : i32
      %add3A_379 = arith.addi %mul3A_377, %add3A_378 : i32
      %dma_start3A_380 = arith.constant 2 : i32
      %dma_start3A_381 = arith.constant 0 : i32
      %dma_start3A_382 = tpu.memref_slice %arg6[%dma_start3A_380, %add3A_379, %dma_start3A_381] : memref<4x128x64xf32, #tpu.memory_space<vmem>> -> memref<1x1x64xf32, #tpu.memory_space<vmem>>
      %dma_start3A_383 = tpu.memref_squeeze %dma_start3A_382 : memref<1x1x64xf32, #tpu.memory_space<vmem>> -> memref<64xf32, #tpu.memory_space<vmem>>
      %dma_start3A_384 = arith.constant 0 : i32
      %dma_start3A_385 = tpu.memref_slice %arg3[%shift_right_logical3A_373, %and3A_375, %dma_start3A_384] : memref<125000x8x64xf32, #tpu.memory_space<hbm>> -> memref<1x1x64xf32, #tpu.memory_space<hbm>>
      %dma_start3A_386 = tpu.memref_squeeze %dma_start3A_385 : memref<1x1x64xf32, #tpu.memory_space<hbm>> -> memref<64xf32, #tpu.memory_space<hbm>>
      %dma_start3A_387 = arith.constant 0 : i32
      %dma_start3A_388 = tpu.memref_slice %arg6[%dma_start3A_380, %add3A_379, %dma_start3A_387] : memref<4x128x64xf32, #tpu.memory_space<vmem>> -> memref<1x1x64xf32, #tpu.memory_space<vmem>>
      %dma_start3A_389 = tpu.memref_squeeze %dma_start3A_388 : memref<1x1x64xf32, #tpu.memory_space<vmem>> -> memref<64xf32, #tpu.memory_space<vmem>>
      %dma_start3A_390 = arith.constant 0 : i32
      %dma_start3A_391 = tpu.memref_slice %arg3[%shift_right_logical3A_373, %and3A_375, %dma_start3A_390] : memref<125000x8x64xf32, #tpu.memory_space<hbm>> -> memref<1x1x64xf32, #tpu.memory_space<hbm>>
      %dma_start3A_392 = tpu.memref_squeeze %dma_start3A_391 : memref<1x1x64xf32, #tpu.memory_space<hbm>> -> memref<64xf32, #tpu.memory_space<hbm>>
      tpu.enqueue_dma source(%dma_start3A_392 : memref<64xf32, #tpu.memory_space<hbm>>) target(%dma_start3A_389 : memref<64xf32, #tpu.memory_space<vmem>>) target_semaphore(%arg9 : memref<!tpu.dma_semaphore, #tpu.memory_space<semaphore_mem>>)
      %slice3A_393 = vector.extract_strided_slice %get3A_98 {offsets = [13], sizes = [1], strides = [1]} : vector<16xi32> to vector<1xi32>
      %squeeze3A_394 = vector.extract %slice3A_393[0] : i32 from vector<1xi32>
      %shift_right_logical3A_395 = arith.constant 3 : i32
      %shift_right_logical3A_396 = arith.shrui %squeeze3A_394, %shift_right_logical3A_395 : i32
      %and3A_397 = arith.constant 7 : i32
      %and3A_398 = arith.andi %squeeze3A_394, %and3A_397 : i32
      %mul3A_399 = arith.constant 16 : i32
      %mul3A_400 = arith.muli %scan3A_93, %mul3A_399 : i32
      %add3A_401 = arith.constant 13 : i32
      %add3A_402 = arith.addi %mul3A_400, %add3A_401 : i32
      %dma_start3A_403 = arith.constant 2 : i32
      %dma_start3A_404 = arith.constant 0 : i32
      %dma_start3A_405 = tpu.memref_slice %arg6[%dma_start3A_403, %add3A_402, %dma_start3A_404] : memref<4x128x64xf32, #tpu.memory_space<vmem>> -> memref<1x1x64xf32, #tpu.memory_space<vmem>>
      %dma_start3A_406 = tpu.memref_squeeze %dma_start3A_405 : memref<1x1x64xf32, #tpu.memory_space<vmem>> -> memref<64xf32, #tpu.memory_space<vmem>>
      %dma_start3A_407 = arith.constant 0 : i32
      %dma_start3A_408 = tpu.memref_slice %arg3[%shift_right_logical3A_396, %and3A_398, %dma_start3A_407] : memref<125000x8x64xf32, #tpu.memory_space<hbm>> -> memref<1x1x64xf32, #tpu.memory_space<hbm>>
      %dma_start3A_409 = tpu.memref_squeeze %dma_start3A_408 : memref<1x1x64xf32, #tpu.memory_space<hbm>> -> memref<64xf32, #tpu.memory_space<hbm>>
      %dma_start3A_410 = arith.constant 0 : i32
      %dma_start3A_411 = tpu.memref_slice %arg6[%dma_start3A_403, %add3A_402, %dma_start3A_410] : memref<4x128x64xf32, #tpu.memory_space<vmem>> -> memref<1x1x64xf32, #tpu.memory_space<vmem>>
      %dma_start3A_412 = tpu.memref_squeeze %dma_start3A_411 : memref<1x1x64xf32, #tpu.memory_space<vmem>> -> memref<64xf32, #tpu.memory_space<vmem>>
      %dma_start3A_413 = arith.constant 0 : i32
      %dma_start3A_414 = tpu.memref_slice %arg3[%shift_right_logical3A_396, %and3A_398, %dma_start3A_413] : memref<125000x8x64xf32, #tpu.memory_space<hbm>> -> memref<1x1x64xf32, #tpu.memory_space<hbm>>
      %dma_start3A_415 = tpu.memref_squeeze %dma_start3A_414 : memref<1x1x64xf32, #tpu.memory_space<hbm>> -> memref<64xf32, #tpu.memory_space<hbm>>
      tpu.enqueue_dma source(%dma_start3A_415 : memref<64xf32, #tpu.memory_space<hbm>>) target(%dma_start3A_412 : memref<64xf32, #tpu.memory_space<vmem>>) target_semaphore(%arg9 : memref<!tpu.dma_semaphore, #tpu.memory_space<semaphore_mem>>)
      %slice3A_416 = vector.extract_strided_slice %get3A_98 {offsets = [14], sizes = [1], strides = [1]} : vector<16xi32> to vector<1xi32>
      %squeeze3A_417 = vector.extract %slice3A_416[0] : i32 from vector<1xi32>
      %shift_right_logical3A_418 = arith.constant 3 : i32
      %shift_right_logical3A_419 = arith.shrui %squeeze3A_417, %shift_right_logical3A_418 : i32
      %and3A_420 = arith.constant 7 : i32
      %and3A_421 = arith.andi %squeeze3A_417, %and3A_420 : i32
      %mul3A_422 = arith.constant 16 : i32
      %mul3A_423 = arith.muli %scan3A_93, %mul3A_422 : i32
      %add3A_424 = arith.constant 14 : i32
      %add3A_425 = arith.addi %mul3A_423, %add3A_424 : i32
      %dma_start3A_426 = arith.constant 2 : i32
      %dma_start3A_427 = arith.constant 0 : i32
      %dma_start3A_428 = tpu.memref_slice %arg6[%dma_start3A_426, %add3A_425, %dma_start3A_427] : memref<4x128x64xf32, #tpu.memory_space<vmem>> -> memref<1x1x64xf32, #tpu.memory_space<vmem>>
      %dma_start3A_429 = tpu.memref_squeeze %dma_start3A_428 : memref<1x1x64xf32, #tpu.memory_space<vmem>> -> memref<64xf32, #tpu.memory_space<vmem>>
      %dma_start3A_430 = arith.constant 0 : i32
      %dma_start3A_431 = tpu.memref_slice %arg3[%shift_right_logical3A_419, %and3A_421, %dma_start3A_430] : memref<125000x8x64xf32, #tpu.memory_space<hbm>> -> memref<1x1x64xf32, #tpu.memory_space<hbm>>
      %dma_start3A_432 = tpu.memref_squeeze %dma_start3A_431 : memref<1x1x64xf32, #tpu.memory_space<hbm>> -> memref<64xf32, #tpu.memory_space<hbm>>
      %dma_start3A_433 = arith.constant 0 : i32
      %dma_start3A_434 = tpu.memref_slice %arg6[%dma_start3A_426, %add3A_425, %dma_start3A_433] : memref<4x128x64xf32, #tpu.memory_space<vmem>> -> memref<1x1x64xf32, #tpu.memory_space<vmem>>
      %dma_start3A_435 = tpu.memref_squeeze %dma_start3A_434 : memref<1x1x64xf32, #tpu.memory_space<vmem>> -> memref<64xf32, #tpu.memory_space<vmem>>
      %dma_start3A_436 = arith.constant 0 : i32
      %dma_start3A_437 = tpu.memref_slice %arg3[%shift_right_logical3A_419, %and3A_421, %dma_start3A_436] : memref<125000x8x64xf32, #tpu.memory_space<hbm>> -> memref<1x1x64xf32, #tpu.memory_space<hbm>>
      %dma_start3A_438 = tpu.memref_squeeze %dma_start3A_437 : memref<1x1x64xf32, #tpu.memory_space<hbm>> -> memref<64xf32, #tpu.memory_space<hbm>>
      tpu.enqueue_dma source(%dma_start3A_438 : memref<64xf32, #tpu.memory_space<hbm>>) target(%dma_start3A_435 : memref<64xf32, #tpu.memory_space<vmem>>) target_semaphore(%arg9 : memref<!tpu.dma_semaphore, #tpu.memory_space<semaphore_mem>>)
      %slice3A_439 = vector.extract_strided_slice %get3A_98 {offsets = [15], sizes = [1], strides = [1]} : vector<16xi32> to vector<1xi32>
      %squeeze3A_440 = vector.extract %slice3A_439[0] : i32 from vector<1xi32>
      %shift_right_logical3A_441 = arith.constant 3 : i32
      %shift_right_logical3A_442 = arith.shrui %squeeze3A_440, %shift_right_logical3A_441 : i32
      %and3A_443 = arith.constant 7 : i32
      %and3A_444 = arith.andi %squeeze3A_440, %and3A_443 : i32
      %mul3A_445 = arith.constant 16 : i32
      %mul3A_446 = arith.muli %scan3A_93, %mul3A_445 : i32
      %add3A_447 = arith.constant 15 : i32
      %add3A_448 = arith.addi %mul3A_446, %add3A_447 : i32
      %dma_start3A_449 = arith.constant 2 : i32
      %dma_start3A_450 = arith.constant 0 : i32
      %dma_start3A_451 = tpu.memref_slice %arg6[%dma_start3A_449, %add3A_448, %dma_start3A_450] : memref<4x128x64xf32, #tpu.memory_space<vmem>> -> memref<1x1x64xf32, #tpu.memory_space<vmem>>
      %dma_start3A_452 = tpu.memref_squeeze %dma_start3A_451 : memref<1x1x64xf32, #tpu.memory_space<vmem>> -> memref<64xf32, #tpu.memory_space<vmem>>
      %dma_start3A_453 = arith.constant 0 : i32
      %dma_start3A_454 = tpu.memref_slice %arg3[%shift_right_logical3A_442, %and3A_444, %dma_start3A_453] : memref<125000x8x64xf32, #tpu.memory_space<hbm>> -> memref<1x1x64xf32, #tpu.memory_space<hbm>>
      %dma_start3A_455 = tpu.memref_squeeze %dma_start3A_454 : memref<1x1x64xf32, #tpu.memory_space<hbm>> -> memref<64xf32, #tpu.memory_space<hbm>>
      %dma_start3A_456 = arith.constant 0 : i32
      %dma_start3A_457 = tpu.memref_slice %arg6[%dma_start3A_449, %add3A_448, %dma_start3A_456] : memref<4x128x64xf32, #tpu.memory_space<vmem>> -> memref<1x1x64xf32, #tpu.memory_space<vmem>>
      %dma_start3A_458 = tpu.memref_squeeze %dma_start3A_457 : memref<1x1x64xf32, #tpu.memory_space<vmem>> -> memref<64xf32, #tpu.memory_space<vmem>>
      %dma_start3A_459 = arith.constant 0 : i32
      %dma_start3A_460 = tpu.memref_slice %arg3[%shift_right_logical3A_442, %and3A_444, %dma_start3A_459] : memref<125000x8x64xf32, #tpu.memory_space<hbm>> -> memref<1x1x64xf32, #tpu.memory_space<hbm>>
      %dma_start3A_461 = tpu.memref_squeeze %dma_start3A_460 : memref<1x1x64xf32, #tpu.memory_space<hbm>> -> memref<64xf32, #tpu.memory_space<hbm>>
      tpu.enqueue_dma source(%dma_start3A_461 : memref<64xf32, #tpu.memory_space<hbm>>) target(%dma_start3A_458 : memref<64xf32, #tpu.memory_space<vmem>>) target_semaphore(%arg9 : memref<!tpu.dma_semaphore, #tpu.memory_space<semaphore_mem>>)
    }
    %scan3A_21 = arith.constant 8 : i32
    %scan3A_22 = arith.constant 0 : i32
    %scan3A_23 = arith.constant 0 : i32
    %scan3A_24 = arith.constant 8 : i32
    %scan3A_25 = arith.addi %scan3A_23, %scan3A_24 : i32
    %scan3A_26 = arith.constant 1 : i32
    scf.for %scan3A_93 = %scan3A_23 to %scan3A_25 step %scan3A_26  : i32 {
      %mul3A_94 = arith.constant 16 : i32
      %mul3A_95 = arith.muli %scan3A_93, %mul3A_94 : i32
      %get3A = arith.constant 3 : i32
      %get3A_96 = arith.index_cast %get3A : i32 to index
      %get3A_97 = arith.index_cast %mul3A_95 : i32 to index
      %get3A_98 = tpu.vector_load %arg5[%get3A_96, %get3A_97] {strides = array<i32>} : memref<200x128xi32, #tpu.memory_space<vmem>>, vector<16xi32>,
      %slice3A = vector.extract_strided_slice %get3A_98 {offsets = [0], sizes = [1], strides = [1]} : vector<16xi32> to vector<1xi32>
      %squeeze3A = vector.extract %slice3A[0] : i32 from vector<1xi32>
      %shift_right_logical3A = arith.constant 3 : i32
      %shift_right_logical3A_99 = arith.shrui %squeeze3A, %shift_right_logical3A : i32
      %and3A = arith.constant 7 : i32
      %and3A_100 = arith.andi %squeeze3A, %and3A : i32
      %mul3A_101 = arith.constant 16 : i32
      %mul3A_102 = arith.muli %scan3A_93, %mul3A_101 : i32
      %add3A_103 = arith.constant 0 : i32
      %add3A_104 = arith.addi %mul3A_102, %add3A_103 : i32
      %dma_start3A = arith.constant 3 : i32
      %dma_start3A_105 = arith.constant 0 : i32
      %dma_start3A_106 = tpu.memref_slice %arg6[%dma_start3A, %add3A_104, %dma_start3A_105] : memref<4x128x64xf32, #tpu.memory_space<vmem>> -> memref<1x1x64xf32, #tpu.memory_space<vmem>>
      %dma_start3A_107 = tpu.memref_squeeze %dma_start3A_106 : memref<1x1x64xf32, #tpu.memory_space<vmem>> -> memref<64xf32, #tpu.memory_space<vmem>>
      %dma_start3A_108 = arith.constant 0 : i32
      %dma_start3A_109 = tpu.memref_slice %arg3[%shift_right_logical3A_99, %and3A_100, %dma_start3A_108] : memref<125000x8x64xf32, #tpu.memory_space<hbm>> -> memref<1x1x64xf32, #tpu.memory_space<hbm>>
      %dma_start3A_110 = tpu.memref_squeeze %dma_start3A_109 : memref<1x1x64xf32, #tpu.memory_space<hbm>> -> memref<64xf32, #tpu.memory_space<hbm>>
      %dma_start3A_111 = arith.constant 0 : i32
      %dma_start3A_112 = tpu.memref_slice %arg6[%dma_start3A, %add3A_104, %dma_start3A_111] : memref<4x128x64xf32, #tpu.memory_space<vmem>> -> memref<1x1x64xf32, #tpu.memory_space<vmem>>
      %dma_start3A_113 = tpu.memref_squeeze %dma_start3A_112 : memref<1x1x64xf32, #tpu.memory_space<vmem>> -> memref<64xf32, #tpu.memory_space<vmem>>
      %dma_start3A_114 = arith.constant 0 : i32
      %dma_start3A_115 = tpu.memref_slice %arg3[%shift_right_logical3A_99, %and3A_100, %dma_start3A_114] : memref<125000x8x64xf32, #tpu.memory_space<hbm>> -> memref<1x1x64xf32, #tpu.memory_space<hbm>>
      %dma_start3A_116 = tpu.memref_squeeze %dma_start3A_115 : memref<1x1x64xf32, #tpu.memory_space<hbm>> -> memref<64xf32, #tpu.memory_space<hbm>>
      tpu.enqueue_dma source(%dma_start3A_116 : memref<64xf32, #tpu.memory_space<hbm>>) target(%dma_start3A_113 : memref<64xf32, #tpu.memory_space<vmem>>) target_semaphore(%arg10 : memref<!tpu.dma_semaphore, #tpu.memory_space<semaphore_mem>>)
      %slice3A_117 = vector.extract_strided_slice %get3A_98 {offsets = [1], sizes = [1], strides = [1]} : vector<16xi32> to vector<1xi32>
      %squeeze3A_118 = vector.extract %slice3A_117[0] : i32 from vector<1xi32>
      %shift_right_logical3A_119 = arith.constant 3 : i32
      %shift_right_logical3A_120 = arith.shrui %squeeze3A_118, %shift_right_logical3A_119 : i32
      %and3A_121 = arith.constant 7 : i32
      %and3A_122 = arith.andi %squeeze3A_118, %and3A_121 : i32
      %mul3A_123 = arith.constant 16 : i32
      %mul3A_124 = arith.muli %scan3A_93, %mul3A_123 : i32
      %add3A_125 = arith.constant 1 : i32
      %add3A_126 = arith.addi %mul3A_124, %add3A_125 : i32
      %dma_start3A_127 = arith.constant 3 : i32
      %dma_start3A_128 = arith.constant 0 : i32
      %dma_start3A_129 = tpu.memref_slice %arg6[%dma_start3A_127, %add3A_126, %dma_start3A_128] : memref<4x128x64xf32, #tpu.memory_space<vmem>> -> memref<1x1x64xf32, #tpu.memory_space<vmem>>
      %dma_start3A_130 = tpu.memref_squeeze %dma_start3A_129 : memref<1x1x64xf32, #tpu.memory_space<vmem>> -> memref<64xf32, #tpu.memory_space<vmem>>
      %dma_start3A_131 = arith.constant 0 : i32
      %dma_start3A_132 = tpu.memref_slice %arg3[%shift_right_logical3A_120, %and3A_122, %dma_start3A_131] : memref<125000x8x64xf32, #tpu.memory_space<hbm>> -> memref<1x1x64xf32, #tpu.memory_space<hbm>>
      %dma_start3A_133 = tpu.memref_squeeze %dma_start3A_132 : memref<1x1x64xf32, #tpu.memory_space<hbm>> -> memref<64xf32, #tpu.memory_space<hbm>>
      %dma_start3A_134 = arith.constant 0 : i32
      %dma_start3A_135 = tpu.memref_slice %arg6[%dma_start3A_127, %add3A_126, %dma_start3A_134] : memref<4x128x64xf32, #tpu.memory_space<vmem>> -> memref<1x1x64xf32, #tpu.memory_space<vmem>>
      %dma_start3A_136 = tpu.memref_squeeze %dma_start3A_135 : memref<1x1x64xf32, #tpu.memory_space<vmem>> -> memref<64xf32, #tpu.memory_space<vmem>>
      %dma_start3A_137 = arith.constant 0 : i32
      %dma_start3A_138 = tpu.memref_slice %arg3[%shift_right_logical3A_120, %and3A_122, %dma_start3A_137] : memref<125000x8x64xf32, #tpu.memory_space<hbm>> -> memref<1x1x64xf32, #tpu.memory_space<hbm>>
      %dma_start3A_139 = tpu.memref_squeeze %dma_start3A_138 : memref<1x1x64xf32, #tpu.memory_space<hbm>> -> memref<64xf32, #tpu.memory_space<hbm>>
      tpu.enqueue_dma source(%dma_start3A_139 : memref<64xf32, #tpu.memory_space<hbm>>) target(%dma_start3A_136 : memref<64xf32, #tpu.memory_space<vmem>>) target_semaphore(%arg10 : memref<!tpu.dma_semaphore, #tpu.memory_space<semaphore_mem>>)
      %slice3A_140 = vector.extract_strided_slice %get3A_98 {offsets = [2], sizes = [1], strides = [1]} : vector<16xi32> to vector<1xi32>
      %squeeze3A_141 = vector.extract %slice3A_140[0] : i32 from vector<1xi32>
      %shift_right_logical3A_142 = arith.constant 3 : i32
      %shift_right_logical3A_143 = arith.shrui %squeeze3A_141, %shift_right_logical3A_142 : i32
      %and3A_144 = arith.constant 7 : i32
      %and3A_145 = arith.andi %squeeze3A_141, %and3A_144 : i32
      %mul3A_146 = arith.constant 16 : i32
      %mul3A_147 = arith.muli %scan3A_93, %mul3A_146 : i32
      %add3A_148 = arith.constant 2 : i32
      %add3A_149 = arith.addi %mul3A_147, %add3A_148 : i32
      %dma_start3A_150 = arith.constant 3 : i32
      %dma_start3A_151 = arith.constant 0 : i32
      %dma_start3A_152 = tpu.memref_slice %arg6[%dma_start3A_150, %add3A_149, %dma_start3A_151] : memref<4x128x64xf32, #tpu.memory_space<vmem>> -> memref<1x1x64xf32, #tpu.memory_space<vmem>>
      %dma_start3A_153 = tpu.memref_squeeze %dma_start3A_152 : memref<1x1x64xf32, #tpu.memory_space<vmem>> -> memref<64xf32, #tpu.memory_space<vmem>>
      %dma_start3A_154 = arith.constant 0 : i32
      %dma_start3A_155 = tpu.memref_slice %arg3[%shift_right_logical3A_143, %and3A_145, %dma_start3A_154] : memref<125000x8x64xf32, #tpu.memory_space<hbm>> -> memref<1x1x64xf32, #tpu.memory_space<hbm>>
      %dma_start3A_156 = tpu.memref_squeeze %dma_start3A_155 : memref<1x1x64xf32, #tpu.memory_space<hbm>> -> memref<64xf32, #tpu.memory_space<hbm>>
      %dma_start3A_157 = arith.constant 0 : i32
      %dma_start3A_158 = tpu.memref_slice %arg6[%dma_start3A_150, %add3A_149, %dma_start3A_157] : memref<4x128x64xf32, #tpu.memory_space<vmem>> -> memref<1x1x64xf32, #tpu.memory_space<vmem>>
      %dma_start3A_159 = tpu.memref_squeeze %dma_start3A_158 : memref<1x1x64xf32, #tpu.memory_space<vmem>> -> memref<64xf32, #tpu.memory_space<vmem>>
      %dma_start3A_160 = arith.constant 0 : i32
      %dma_start3A_161 = tpu.memref_slice %arg3[%shift_right_logical3A_143, %and3A_145, %dma_start3A_160] : memref<125000x8x64xf32, #tpu.memory_space<hbm>> -> memref<1x1x64xf32, #tpu.memory_space<hbm>>
      %dma_start3A_162 = tpu.memref_squeeze %dma_start3A_161 : memref<1x1x64xf32, #tpu.memory_space<hbm>> -> memref<64xf32, #tpu.memory_space<hbm>>
      tpu.enqueue_dma source(%dma_start3A_162 : memref<64xf32, #tpu.memory_space<hbm>>) target(%dma_start3A_159 : memref<64xf32, #tpu.memory_space<vmem>>) target_semaphore(%arg10 : memref<!tpu.dma_semaphore, #tpu.memory_space<semaphore_mem>>)
      %slice3A_163 = vector.extract_strided_slice %get3A_98 {offsets = [3], sizes = [1], strides = [1]} : vector<16xi32> to vector<1xi32>
      %squeeze3A_164 = vector.extract %slice3A_163[0] : i32 from vector<1xi32>
      %shift_right_logical3A_165 = arith.constant 3 : i32
      %shift_right_logical3A_166 = arith.shrui %squeeze3A_164, %shift_right_logical3A_165 : i32
      %and3A_167 = arith.constant 7 : i32
      %and3A_168 = arith.andi %squeeze3A_164, %and3A_167 : i32
      %mul3A_169 = arith.constant 16 : i32
      %mul3A_170 = arith.muli %scan3A_93, %mul3A_169 : i32
      %add3A_171 = arith.constant 3 : i32
      %add3A_172 = arith.addi %mul3A_170, %add3A_171 : i32
      %dma_start3A_173 = arith.constant 3 : i32
      %dma_start3A_174 = arith.constant 0 : i32
      %dma_start3A_175 = tpu.memref_slice %arg6[%dma_start3A_173, %add3A_172, %dma_start3A_174] : memref<4x128x64xf32, #tpu.memory_space<vmem>> -> memref<1x1x64xf32, #tpu.memory_space<vmem>>
      %dma_start3A_176 = tpu.memref_squeeze %dma_start3A_175 : memref<1x1x64xf32, #tpu.memory_space<vmem>> -> memref<64xf32, #tpu.memory_space<vmem>>
      %dma_start3A_177 = arith.constant 0 : i32
      %dma_start3A_178 = tpu.memref_slice %arg3[%shift_right_logical3A_166, %and3A_168, %dma_start3A_177] : memref<125000x8x64xf32, #tpu.memory_space<hbm>> -> memref<1x1x64xf32, #tpu.memory_space<hbm>>
      %dma_start3A_179 = tpu.memref_squeeze %dma_start3A_178 : memref<1x1x64xf32, #tpu.memory_space<hbm>> -> memref<64xf32, #tpu.memory_space<hbm>>
      %dma_start3A_180 = arith.constant 0 : i32
      %dma_start3A_181 = tpu.memref_slice %arg6[%dma_start3A_173, %add3A_172, %dma_start3A_180] : memref<4x128x64xf32, #tpu.memory_space<vmem>> -> memref<1x1x64xf32, #tpu.memory_space<vmem>>
      %dma_start3A_182 = tpu.memref_squeeze %dma_start3A_181 : memref<1x1x64xf32, #tpu.memory_space<vmem>> -> memref<64xf32, #tpu.memory_space<vmem>>
      %dma_start3A_183 = arith.constant 0 : i32
      %dma_start3A_184 = tpu.memref_slice %arg3[%shift_right_logical3A_166, %and3A_168, %dma_start3A_183] : memref<125000x8x64xf32, #tpu.memory_space<hbm>> -> memref<1x1x64xf32, #tpu.memory_space<hbm>>
      %dma_start3A_185 = tpu.memref_squeeze %dma_start3A_184 : memref<1x1x64xf32, #tpu.memory_space<hbm>> -> memref<64xf32, #tpu.memory_space<hbm>>
      tpu.enqueue_dma source(%dma_start3A_185 : memref<64xf32, #tpu.memory_space<hbm>>) target(%dma_start3A_182 : memref<64xf32, #tpu.memory_space<vmem>>) target_semaphore(%arg10 : memref<!tpu.dma_semaphore, #tpu.memory_space<semaphore_mem>>)
      %slice3A_186 = vector.extract_strided_slice %get3A_98 {offsets = [4], sizes = [1], strides = [1]} : vector<16xi32> to vector<1xi32>
      %squeeze3A_187 = vector.extract %slice3A_186[0] : i32 from vector<1xi32>
      %shift_right_logical3A_188 = arith.constant 3 : i32
      %shift_right_logical3A_189 = arith.shrui %squeeze3A_187, %shift_right_logical3A_188 : i32
      %and3A_190 = arith.constant 7 : i32
      %and3A_191 = arith.andi %squeeze3A_187, %and3A_190 : i32
      %mul3A_192 = arith.constant 16 : i32
      %mul3A_193 = arith.muli %scan3A_93, %mul3A_192 : i32
      %add3A_194 = arith.constant 4 : i32
      %add3A_195 = arith.addi %mul3A_193, %add3A_194 : i32
      %dma_start3A_196 = arith.constant 3 : i32
      %dma_start3A_197 = arith.constant 0 : i32
      %dma_start3A_198 = tpu.memref_slice %arg6[%dma_start3A_196, %add3A_195, %dma_start3A_197] : memref<4x128x64xf32, #tpu.memory_space<vmem>> -> memref<1x1x64xf32, #tpu.memory_space<vmem>>
      %dma_start3A_199 = tpu.memref_squeeze %dma_start3A_198 : memref<1x1x64xf32, #tpu.memory_space<vmem>> -> memref<64xf32, #tpu.memory_space<vmem>>
      %dma_start3A_200 = arith.constant 0 : i32
      %dma_start3A_201 = tpu.memref_slice %arg3[%shift_right_logical3A_189, %and3A_191, %dma_start3A_200] : memref<125000x8x64xf32, #tpu.memory_space<hbm>> -> memref<1x1x64xf32, #tpu.memory_space<hbm>>
      %dma_start3A_202 = tpu.memref_squeeze %dma_start3A_201 : memref<1x1x64xf32, #tpu.memory_space<hbm>> -> memref<64xf32, #tpu.memory_space<hbm>>
      %dma_start3A_203 = arith.constant 0 : i32
      %dma_start3A_204 = tpu.memref_slice %arg6[%dma_start3A_196, %add3A_195, %dma_start3A_203] : memref<4x128x64xf32, #tpu.memory_space<vmem>> -> memref<1x1x64xf32, #tpu.memory_space<vmem>>
      %dma_start3A_205 = tpu.memref_squeeze %dma_start3A_204 : memref<1x1x64xf32, #tpu.memory_space<vmem>> -> memref<64xf32, #tpu.memory_space<vmem>>
      %dma_start3A_206 = arith.constant 0 : i32
      %dma_start3A_207 = tpu.memref_slice %arg3[%shift_right_logical3A_189, %and3A_191, %dma_start3A_206] : memref<125000x8x64xf32, #tpu.memory_space<hbm>> -> memref<1x1x64xf32, #tpu.memory_space<hbm>>
      %dma_start3A_208 = tpu.memref_squeeze %dma_start3A_207 : memref<1x1x64xf32, #tpu.memory_space<hbm>> -> memref<64xf32, #tpu.memory_space<hbm>>
      tpu.enqueue_dma source(%dma_start3A_208 : memref<64xf32, #tpu.memory_space<hbm>>) target(%dma_start3A_205 : memref<64xf32, #tpu.memory_space<vmem>>) target_semaphore(%arg10 : memref<!tpu.dma_semaphore, #tpu.memory_space<semaphore_mem>>)
      %slice3A_209 = vector.extract_strided_slice %get3A_98 {offsets = [5], sizes = [1], strides = [1]} : vector<16xi32> to vector<1xi32>
      %squeeze3A_210 = vector.extract %slice3A_209[0] : i32 from vector<1xi32>
      %shift_right_logical3A_211 = arith.constant 3 : i32
      %shift_right_logical3A_212 = arith.shrui %squeeze3A_210, %shift_right_logical3A_211 : i32
      %and3A_213 = arith.constant 7 : i32
      %and3A_214 = arith.andi %squeeze3A_210, %and3A_213 : i32
      %mul3A_215 = arith.constant 16 : i32
      %mul3A_216 = arith.muli %scan3A_93, %mul3A_215 : i32
      %add3A_217 = arith.constant 5 : i32
      %add3A_218 = arith.addi %mul3A_216, %add3A_217 : i32
      %dma_start3A_219 = arith.constant 3 : i32
      %dma_start3A_220 = arith.constant 0 : i32
      %dma_start3A_221 = tpu.memref_slice %arg6[%dma_start3A_219, %add3A_218, %dma_start3A_220] : memref<4x128x64xf32, #tpu.memory_space<vmem>> -> memref<1x1x64xf32, #tpu.memory_space<vmem>>
      %dma_start3A_222 = tpu.memref_squeeze %dma_start3A_221 : memref<1x1x64xf32, #tpu.memory_space<vmem>> -> memref<64xf32, #tpu.memory_space<vmem>>
      %dma_start3A_223 = arith.constant 0 : i32
      %dma_start3A_224 = tpu.memref_slice %arg3[%shift_right_logical3A_212, %and3A_214, %dma_start3A_223] : memref<125000x8x64xf32, #tpu.memory_space<hbm>> -> memref<1x1x64xf32, #tpu.memory_space<hbm>>
      %dma_start3A_225 = tpu.memref_squeeze %dma_start3A_224 : memref<1x1x64xf32, #tpu.memory_space<hbm>> -> memref<64xf32, #tpu.memory_space<hbm>>
      %dma_start3A_226 = arith.constant 0 : i32
      %dma_start3A_227 = tpu.memref_slice %arg6[%dma_start3A_219, %add3A_218, %dma_start3A_226] : memref<4x128x64xf32, #tpu.memory_space<vmem>> -> memref<1x1x64xf32, #tpu.memory_space<vmem>>
      %dma_start3A_228 = tpu.memref_squeeze %dma_start3A_227 : memref<1x1x64xf32, #tpu.memory_space<vmem>> -> memref<64xf32, #tpu.memory_space<vmem>>
      %dma_start3A_229 = arith.constant 0 : i32
      %dma_start3A_230 = tpu.memref_slice %arg3[%shift_right_logical3A_212, %and3A_214, %dma_start3A_229] : memref<125000x8x64xf32, #tpu.memory_space<hbm>> -> memref<1x1x64xf32, #tpu.memory_space<hbm>>
      %dma_start3A_231 = tpu.memref_squeeze %dma_start3A_230 : memref<1x1x64xf32, #tpu.memory_space<hbm>> -> memref<64xf32, #tpu.memory_space<hbm>>
      tpu.enqueue_dma source(%dma_start3A_231 : memref<64xf32, #tpu.memory_space<hbm>>) target(%dma_start3A_228 : memref<64xf32, #tpu.memory_space<vmem>>) target_semaphore(%arg10 : memref<!tpu.dma_semaphore, #tpu.memory_space<semaphore_mem>>)
      %slice3A_232 = vector.extract_strided_slice %get3A_98 {offsets = [6], sizes = [1], strides = [1]} : vector<16xi32> to vector<1xi32>
      %squeeze3A_233 = vector.extract %slice3A_232[0] : i32 from vector<1xi32>
      %shift_right_logical3A_234 = arith.constant 3 : i32
      %shift_right_logical3A_235 = arith.shrui %squeeze3A_233, %shift_right_logical3A_234 : i32
      %and3A_236 = arith.constant 7 : i32
      %and3A_237 = arith.andi %squeeze3A_233, %and3A_236 : i32
      %mul3A_238 = arith.constant 16 : i32
      %mul3A_239 = arith.muli %scan3A_93, %mul3A_238 : i32
      %add3A_240 = arith.constant 6 : i32
      %add3A_241 = arith.addi %mul3A_239, %add3A_240 : i32
      %dma_start3A_242 = arith.constant 3 : i32
      %dma_start3A_243 = arith.constant 0 : i32
      %dma_start3A_244 = tpu.memref_slice %arg6[%dma_start3A_242, %add3A_241, %dma_start3A_243] : memref<4x128x64xf32, #tpu.memory_space<vmem>> -> memref<1x1x64xf32, #tpu.memory_space<vmem>>
      %dma_start3A_245 = tpu.memref_squeeze %dma_start3A_244 : memref<1x1x64xf32, #tpu.memory_space<vmem>> -> memref<64xf32, #tpu.memory_space<vmem>>
      %dma_start3A_246 = arith.constant 0 : i32
      %dma_start3A_247 = tpu.memref_slice %arg3[%shift_right_logical3A_235, %and3A_237, %dma_start3A_246] : memref<125000x8x64xf32, #tpu.memory_space<hbm>> -> memref<1x1x64xf32, #tpu.memory_space<hbm>>
      %dma_start3A_248 = tpu.memref_squeeze %dma_start3A_247 : memref<1x1x64xf32, #tpu.memory_space<hbm>> -> memref<64xf32, #tpu.memory_space<hbm>>
      %dma_start3A_249 = arith.constant 0 : i32
      %dma_start3A_250 = tpu.memref_slice %arg6[%dma_start3A_242, %add3A_241, %dma_start3A_249] : memref<4x128x64xf32, #tpu.memory_space<vmem>> -> memref<1x1x64xf32, #tpu.memory_space<vmem>>
      %dma_start3A_251 = tpu.memref_squeeze %dma_start3A_250 : memref<1x1x64xf32, #tpu.memory_space<vmem>> -> memref<64xf32, #tpu.memory_space<vmem>>
      %dma_start3A_252 = arith.constant 0 : i32
      %dma_start3A_253 = tpu.memref_slice %arg3[%shift_right_logical3A_235, %and3A_237, %dma_start3A_252] : memref<125000x8x64xf32, #tpu.memory_space<hbm>> -> memref<1x1x64xf32, #tpu.memory_space<hbm>>
      %dma_start3A_254 = tpu.memref_squeeze %dma_start3A_253 : memref<1x1x64xf32, #tpu.memory_space<hbm>> -> memref<64xf32, #tpu.memory_space<hbm>>
      tpu.enqueue_dma source(%dma_start3A_254 : memref<64xf32, #tpu.memory_space<hbm>>) target(%dma_start3A_251 : memref<64xf32, #tpu.memory_space<vmem>>) target_semaphore(%arg10 : memref<!tpu.dma_semaphore, #tpu.memory_space<semaphore_mem>>)
      %slice3A_255 = vector.extract_strided_slice %get3A_98 {offsets = [7], sizes = [1], strides = [1]} : vector<16xi32> to vector<1xi32>
      %squeeze3A_256 = vector.extract %slice3A_255[0] : i32 from vector<1xi32>
      %shift_right_logical3A_257 = arith.constant 3 : i32
      %shift_right_logical3A_258 = arith.shrui %squeeze3A_256, %shift_right_logical3A_257 : i32
      %and3A_259 = arith.constant 7 : i32
      %and3A_260 = arith.andi %squeeze3A_256, %and3A_259 : i32
      %mul3A_261 = arith.constant 16 : i32
      %mul3A_262 = arith.muli %scan3A_93, %mul3A_261 : i32
      %add3A_263 = arith.constant 7 : i32
      %add3A_264 = arith.addi %mul3A_262, %add3A_263 : i32
      %dma_start3A_265 = arith.constant 3 : i32
      %dma_start3A_266 = arith.constant 0 : i32
      %dma_start3A_267 = tpu.memref_slice %arg6[%dma_start3A_265, %add3A_264, %dma_start3A_266] : memref<4x128x64xf32, #tpu.memory_space<vmem>> -> memref<1x1x64xf32, #tpu.memory_space<vmem>>
      %dma_start3A_268 = tpu.memref_squeeze %dma_start3A_267 : memref<1x1x64xf32, #tpu.memory_space<vmem>> -> memref<64xf32, #tpu.memory_space<vmem>>
      %dma_start3A_269 = arith.constant 0 : i32
      %dma_start3A_270 = tpu.memref_slice %arg3[%shift_right_logical3A_258, %and3A_260, %dma_start3A_269] : memref<125000x8x64xf32, #tpu.memory_space<hbm>> -> memref<1x1x64xf32, #tpu.memory_space<hbm>>
      %dma_start3A_271 = tpu.memref_squeeze %dma_start3A_270 : memref<1x1x64xf32, #tpu.memory_space<hbm>> -> memref<64xf32, #tpu.memory_space<hbm>>
      %dma_start3A_272 = arith.constant 0 : i32
      %dma_start3A_273 = tpu.memref_slice %arg6[%dma_start3A_265, %add3A_264, %dma_start3A_272] : memref<4x128x64xf32, #tpu.memory_space<vmem>> -> memref<1x1x64xf32, #tpu.memory_space<vmem>>
      %dma_start3A_274 = tpu.memref_squeeze %dma_start3A_273 : memref<1x1x64xf32, #tpu.memory_space<vmem>> -> memref<64xf32, #tpu.memory_space<vmem>>
      %dma_start3A_275 = arith.constant 0 : i32
      %dma_start3A_276 = tpu.memref_slice %arg3[%shift_right_logical3A_258, %and3A_260, %dma_start3A_275] : memref<125000x8x64xf32, #tpu.memory_space<hbm>> -> memref<1x1x64xf32, #tpu.memory_space<hbm>>
      %dma_start3A_277 = tpu.memref_squeeze %dma_start3A_276 : memref<1x1x64xf32, #tpu.memory_space<hbm>> -> memref<64xf32, #tpu.memory_space<hbm>>
      tpu.enqueue_dma source(%dma_start3A_277 : memref<64xf32, #tpu.memory_space<hbm>>) target(%dma_start3A_274 : memref<64xf32, #tpu.memory_space<vmem>>) target_semaphore(%arg10 : memref<!tpu.dma_semaphore, #tpu.memory_space<semaphore_mem>>)
      %slice3A_278 = vector.extract_strided_slice %get3A_98 {offsets = [8], sizes = [1], strides = [1]} : vector<16xi32> to vector<1xi32>
      %squeeze3A_279 = vector.extract %slice3A_278[0] : i32 from vector<1xi32>
      %shift_right_logical3A_280 = arith.constant 3 : i32
      %shift_right_logical3A_281 = arith.shrui %squeeze3A_279, %shift_right_logical3A_280 : i32
      %and3A_282 = arith.constant 7 : i32
      %and3A_283 = arith.andi %squeeze3A_279, %and3A_282 : i32
      %mul3A_284 = arith.constant 16 : i32
      %mul3A_285 = arith.muli %scan3A_93, %mul3A_284 : i32
      %add3A_286 = arith.constant 8 : i32
      %add3A_287 = arith.addi %mul3A_285, %add3A_286 : i32
      %dma_start3A_288 = arith.constant 3 : i32
      %dma_start3A_289 = arith.constant 0 : i32
      %dma_start3A_290 = tpu.memref_slice %arg6[%dma_start3A_288, %add3A_287, %dma_start3A_289] : memref<4x128x64xf32, #tpu.memory_space<vmem>> -> memref<1x1x64xf32, #tpu.memory_space<vmem>>
      %dma_start3A_291 = tpu.memref_squeeze %dma_start3A_290 : memref<1x1x64xf32, #tpu.memory_space<vmem>> -> memref<64xf32, #tpu.memory_space<vmem>>
      %dma_start3A_292 = arith.constant 0 : i32
      %dma_start3A_293 = tpu.memref_slice %arg3[%shift_right_logical3A_281, %and3A_283, %dma_start3A_292] : memref<125000x8x64xf32, #tpu.memory_space<hbm>> -> memref<1x1x64xf32, #tpu.memory_space<hbm>>
      %dma_start3A_294 = tpu.memref_squeeze %dma_start3A_293 : memref<1x1x64xf32, #tpu.memory_space<hbm>> -> memref<64xf32, #tpu.memory_space<hbm>>
      %dma_start3A_295 = arith.constant 0 : i32
      %dma_start3A_296 = tpu.memref_slice %arg6[%dma_start3A_288, %add3A_287, %dma_start3A_295] : memref<4x128x64xf32, #tpu.memory_space<vmem>> -> memref<1x1x64xf32, #tpu.memory_space<vmem>>
      %dma_start3A_297 = tpu.memref_squeeze %dma_start3A_296 : memref<1x1x64xf32, #tpu.memory_space<vmem>> -> memref<64xf32, #tpu.memory_space<vmem>>
      %dma_start3A_298 = arith.constant 0 : i32
      %dma_start3A_299 = tpu.memref_slice %arg3[%shift_right_logical3A_281, %and3A_283, %dma_start3A_298] : memref<125000x8x64xf32, #tpu.memory_space<hbm>> -> memref<1x1x64xf32, #tpu.memory_space<hbm>>
      %dma_start3A_300 = tpu.memref_squeeze %dma_start3A_299 : memref<1x1x64xf32, #tpu.memory_space<hbm>> -> memref<64xf32, #tpu.memory_space<hbm>>
      tpu.enqueue_dma source(%dma_start3A_300 : memref<64xf32, #tpu.memory_space<hbm>>) target(%dma_start3A_297 : memref<64xf32, #tpu.memory_space<vmem>>) target_semaphore(%arg10 : memref<!tpu.dma_semaphore, #tpu.memory_space<semaphore_mem>>)
      %slice3A_301 = vector.extract_strided_slice %get3A_98 {offsets = [9], sizes = [1], strides = [1]} : vector<16xi32> to vector<1xi32>
      %squeeze3A_302 = vector.extract %slice3A_301[0] : i32 from vector<1xi32>
      %shift_right_logical3A_303 = arith.constant 3 : i32
      %shift_right_logical3A_304 = arith.shrui %squeeze3A_302, %shift_right_logical3A_303 : i32
      %and3A_305 = arith.constant 7 : i32
      %and3A_306 = arith.andi %squeeze3A_302, %and3A_305 : i32
      %mul3A_307 = arith.constant 16 : i32
      %mul3A_308 = arith.muli %scan3A_93, %mul3A_307 : i32
      %add3A_309 = arith.constant 9 : i32
      %add3A_310 = arith.addi %mul3A_308, %add3A_309 : i32
      %dma_start3A_311 = arith.constant 3 : i32
      %dma_start3A_312 = arith.constant 0 : i32
      %dma_start3A_313 = tpu.memref_slice %arg6[%dma_start3A_311, %add3A_310, %dma_start3A_312] : memref<4x128x64xf32, #tpu.memory_space<vmem>> -> memref<1x1x64xf32, #tpu.memory_space<vmem>>
      %dma_start3A_314 = tpu.memref_squeeze %dma_start3A_313 : memref<1x1x64xf32, #tpu.memory_space<vmem>> -> memref<64xf32, #tpu.memory_space<vmem>>
      %dma_start3A_315 = arith.constant 0 : i32
      %dma_start3A_316 = tpu.memref_slice %arg3[%shift_right_logical3A_304, %and3A_306, %dma_start3A_315] : memref<125000x8x64xf32, #tpu.memory_space<hbm>> -> memref<1x1x64xf32, #tpu.memory_space<hbm>>
      %dma_start3A_317 = tpu.memref_squeeze %dma_start3A_316 : memref<1x1x64xf32, #tpu.memory_space<hbm>> -> memref<64xf32, #tpu.memory_space<hbm>>
      %dma_start3A_318 = arith.constant 0 : i32
      %dma_start3A_319 = tpu.memref_slice %arg6[%dma_start3A_311, %add3A_310, %dma_start3A_318] : memref<4x128x64xf32, #tpu.memory_space<vmem>> -> memref<1x1x64xf32, #tpu.memory_space<vmem>>
      %dma_start3A_320 = tpu.memref_squeeze %dma_start3A_319 : memref<1x1x64xf32, #tpu.memory_space<vmem>> -> memref<64xf32, #tpu.memory_space<vmem>>
      %dma_start3A_321 = arith.constant 0 : i32
      %dma_start3A_322 = tpu.memref_slice %arg3[%shift_right_logical3A_304, %and3A_306, %dma_start3A_321] : memref<125000x8x64xf32, #tpu.memory_space<hbm>> -> memref<1x1x64xf32, #tpu.memory_space<hbm>>
      %dma_start3A_323 = tpu.memref_squeeze %dma_start3A_322 : memref<1x1x64xf32, #tpu.memory_space<hbm>> -> memref<64xf32, #tpu.memory_space<hbm>>
      tpu.enqueue_dma source(%dma_start3A_323 : memref<64xf32, #tpu.memory_space<hbm>>) target(%dma_start3A_320 : memref<64xf32, #tpu.memory_space<vmem>>) target_semaphore(%arg10 : memref<!tpu.dma_semaphore, #tpu.memory_space<semaphore_mem>>)
      %slice3A_324 = vector.extract_strided_slice %get3A_98 {offsets = [10], sizes = [1], strides = [1]} : vector<16xi32> to vector<1xi32>
      %squeeze3A_325 = vector.extract %slice3A_324[0] : i32 from vector<1xi32>
      %shift_right_logical3A_326 = arith.constant 3 : i32
      %shift_right_logical3A_327 = arith.shrui %squeeze3A_325, %shift_right_logical3A_326 : i32
      %and3A_328 = arith.constant 7 : i32
      %and3A_329 = arith.andi %squeeze3A_325, %and3A_328 : i32
      %mul3A_330 = arith.constant 16 : i32
      %mul3A_331 = arith.muli %scan3A_93, %mul3A_330 : i32
      %add3A_332 = arith.constant 10 : i32
      %add3A_333 = arith.addi %mul3A_331, %add3A_332 : i32
      %dma_start3A_334 = arith.constant 3 : i32
      %dma_start3A_335 = arith.constant 0 : i32
      %dma_start3A_336 = tpu.memref_slice %arg6[%dma_start3A_334, %add3A_333, %dma_start3A_335] : memref<4x128x64xf32, #tpu.memory_space<vmem>> -> memref<1x1x64xf32, #tpu.memory_space<vmem>>
      %dma_start3A_337 = tpu.memref_squeeze %dma_start3A_336 : memref<1x1x64xf32, #tpu.memory_space<vmem>> -> memref<64xf32, #tpu.memory_space<vmem>>
      %dma_start3A_338 = arith.constant 0 : i32
      %dma_start3A_339 = tpu.memref_slice %arg3[%shift_right_logical3A_327, %and3A_329, %dma_start3A_338] : memref<125000x8x64xf32, #tpu.memory_space<hbm>> -> memref<1x1x64xf32, #tpu.memory_space<hbm>>
      %dma_start3A_340 = tpu.memref_squeeze %dma_start3A_339 : memref<1x1x64xf32, #tpu.memory_space<hbm>> -> memref<64xf32, #tpu.memory_space<hbm>>
      %dma_start3A_341 = arith.constant 0 : i32
      %dma_start3A_342 = tpu.memref_slice %arg6[%dma_start3A_334, %add3A_333, %dma_start3A_341] : memref<4x128x64xf32, #tpu.memory_space<vmem>> -> memref<1x1x64xf32, #tpu.memory_space<vmem>>
      %dma_start3A_343 = tpu.memref_squeeze %dma_start3A_342 : memref<1x1x64xf32, #tpu.memory_space<vmem>> -> memref<64xf32, #tpu.memory_space<vmem>>
      %dma_start3A_344 = arith.constant 0 : i32
      %dma_start3A_345 = tpu.memref_slice %arg3[%shift_right_logical3A_327, %and3A_329, %dma_start3A_344] : memref<125000x8x64xf32, #tpu.memory_space<hbm>> -> memref<1x1x64xf32, #tpu.memory_space<hbm>>
      %dma_start3A_346 = tpu.memref_squeeze %dma_start3A_345 : memref<1x1x64xf32, #tpu.memory_space<hbm>> -> memref<64xf32, #tpu.memory_space<hbm>>
      tpu.enqueue_dma source(%dma_start3A_346 : memref<64xf32, #tpu.memory_space<hbm>>) target(%dma_start3A_343 : memref<64xf32, #tpu.memory_space<vmem>>) target_semaphore(%arg10 : memref<!tpu.dma_semaphore, #tpu.memory_space<semaphore_mem>>)
      %slice3A_347 = vector.extract_strided_slice %get3A_98 {offsets = [11], sizes = [1], strides = [1]} : vector<16xi32> to vector<1xi32>
      %squeeze3A_348 = vector.extract %slice3A_347[0] : i32 from vector<1xi32>
      %shift_right_logical3A_349 = arith.constant 3 : i32
      %shift_right_logical3A_350 = arith.shrui %squeeze3A_348, %shift_right_logical3A_349 : i32
      %and3A_351 = arith.constant 7 : i32
      %and3A_352 = arith.andi %squeeze3A_348, %and3A_351 : i32
      %mul3A_353 = arith.constant 16 : i32
      %mul3A_354 = arith.muli %scan3A_93, %mul3A_353 : i32
      %add3A_355 = arith.constant 11 : i32
      %add3A_356 = arith.addi %mul3A_354, %add3A_355 : i32
      %dma_start3A_357 = arith.constant 3 : i32
      %dma_start3A_358 = arith.constant 0 : i32
      %dma_start3A_359 = tpu.memref_slice %arg6[%dma_start3A_357, %add3A_356, %dma_start3A_358] : memref<4x128x64xf32, #tpu.memory_space<vmem>> -> memref<1x1x64xf32, #tpu.memory_space<vmem>>
      %dma_start3A_360 = tpu.memref_squeeze %dma_start3A_359 : memref<1x1x64xf32, #tpu.memory_space<vmem>> -> memref<64xf32, #tpu.memory_space<vmem>>
      %dma_start3A_361 = arith.constant 0 : i32
      %dma_start3A_362 = tpu.memref_slice %arg3[%shift_right_logical3A_350, %and3A_352, %dma_start3A_361] : memref<125000x8x64xf32, #tpu.memory_space<hbm>> -> memref<1x1x64xf32, #tpu.memory_space<hbm>>
      %dma_start3A_363 = tpu.memref_squeeze %dma_start3A_362 : memref<1x1x64xf32, #tpu.memory_space<hbm>> -> memref<64xf32, #tpu.memory_space<hbm>>
      %dma_start3A_364 = arith.constant 0 : i32
      %dma_start3A_365 = tpu.memref_slice %arg6[%dma_start3A_357, %add3A_356, %dma_start3A_364] : memref<4x128x64xf32, #tpu.memory_space<vmem>> -> memref<1x1x64xf32, #tpu.memory_space<vmem>>
      %dma_start3A_366 = tpu.memref_squeeze %dma_start3A_365 : memref<1x1x64xf32, #tpu.memory_space<vmem>> -> memref<64xf32, #tpu.memory_space<vmem>>
      %dma_start3A_367 = arith.constant 0 : i32
      %dma_start3A_368 = tpu.memref_slice %arg3[%shift_right_logical3A_350, %and3A_352, %dma_start3A_367] : memref<125000x8x64xf32, #tpu.memory_space<hbm>> -> memref<1x1x64xf32, #tpu.memory_space<hbm>>
      %dma_start3A_369 = tpu.memref_squeeze %dma_start3A_368 : memref<1x1x64xf32, #tpu.memory_space<hbm>> -> memref<64xf32, #tpu.memory_space<hbm>>
      tpu.enqueue_dma source(%dma_start3A_369 : memref<64xf32, #tpu.memory_space<hbm>>) target(%dma_start3A_366 : memref<64xf32, #tpu.memory_space<vmem>>) target_semaphore(%arg10 : memref<!tpu.dma_semaphore, #tpu.memory_space<semaphore_mem>>)
      %slice3A_370 = vector.extract_strided_slice %get3A_98 {offsets = [12], sizes = [1], strides = [1]} : vector<16xi32> to vector<1xi32>
      %squeeze3A_371 = vector.extract %slice3A_370[0] : i32 from vector<1xi32>
      %shift_right_logical3A_372 = arith.constant 3 : i32
      %shift_right_logical3A_373 = arith.shrui %squeeze3A_371, %shift_right_logical3A_372 : i32
      %and3A_374 = arith.constant 7 : i32
      %and3A_375 = arith.andi %squeeze3A_371, %and3A_374 : i32
      %mul3A_376 = arith.constant 16 : i32
      %mul3A_377 = arith.muli %scan3A_93, %mul3A_376 : i32
      %add3A_378 = arith.constant 12 : i32
      %add3A_379 = arith.addi %mul3A_377, %add3A_378 : i32
      %dma_start3A_380 = arith.constant 3 : i32
      %dma_start3A_381 = arith.constant 0 : i32
      %dma_start3A_382 = tpu.memref_slice %arg6[%dma_start3A_380, %add3A_379, %dma_start3A_381] : memref<4x128x64xf32, #tpu.memory_space<vmem>> -> memref<1x1x64xf32, #tpu.memory_space<vmem>>
      %dma_start3A_383 = tpu.memref_squeeze %dma_start3A_382 : memref<1x1x64xf32, #tpu.memory_space<vmem>> -> memref<64xf32, #tpu.memory_space<vmem>>
      %dma_start3A_384 = arith.constant 0 : i32
      %dma_start3A_385 = tpu.memref_slice %arg3[%shift_right_logical3A_373, %and3A_375, %dma_start3A_384] : memref<125000x8x64xf32, #tpu.memory_space<hbm>> -> memref<1x1x64xf32, #tpu.memory_space<hbm>>
      %dma_start3A_386 = tpu.memref_squeeze %dma_start3A_385 : memref<1x1x64xf32, #tpu.memory_space<hbm>> -> memref<64xf32, #tpu.memory_space<hbm>>
      %dma_start3A_387 = arith.constant 0 : i32
      %dma_start3A_388 = tpu.memref_slice %arg6[%dma_start3A_380, %add3A_379, %dma_start3A_387] : memref<4x128x64xf32, #tpu.memory_space<vmem>> -> memref<1x1x64xf32, #tpu.memory_space<vmem>>
      %dma_start3A_389 = tpu.memref_squeeze %dma_start3A_388 : memref<1x1x64xf32, #tpu.memory_space<vmem>> -> memref<64xf32, #tpu.memory_space<vmem>>
      %dma_start3A_390 = arith.constant 0 : i32
      %dma_start3A_391 = tpu.memref_slice %arg3[%shift_right_logical3A_373, %and3A_375, %dma_start3A_390] : memref<125000x8x64xf32, #tpu.memory_space<hbm>> -> memref<1x1x64xf32, #tpu.memory_space<hbm>>
      %dma_start3A_392 = tpu.memref_squeeze %dma_start3A_391 : memref<1x1x64xf32, #tpu.memory_space<hbm>> -> memref<64xf32, #tpu.memory_space<hbm>>
      tpu.enqueue_dma source(%dma_start3A_392 : memref<64xf32, #tpu.memory_space<hbm>>) target(%dma_start3A_389 : memref<64xf32, #tpu.memory_space<vmem>>) target_semaphore(%arg10 : memref<!tpu.dma_semaphore, #tpu.memory_space<semaphore_mem>>)
      %slice3A_393 = vector.extract_strided_slice %get3A_98 {offsets = [13], sizes = [1], strides = [1]} : vector<16xi32> to vector<1xi32>
      %squeeze3A_394 = vector.extract %slice3A_393[0] : i32 from vector<1xi32>
      %shift_right_logical3A_395 = arith.constant 3 : i32
      %shift_right_logical3A_396 = arith.shrui %squeeze3A_394, %shift_right_logical3A_395 : i32
      %and3A_397 = arith.constant 7 : i32
      %and3A_398 = arith.andi %squeeze3A_394, %and3A_397 : i32
      %mul3A_399 = arith.constant 16 : i32
      %mul3A_400 = arith.muli %scan3A_93, %mul3A_399 : i32
      %add3A_401 = arith.constant 13 : i32
      %add3A_402 = arith.addi %mul3A_400, %add3A_401 : i32
      %dma_start3A_403 = arith.constant 3 : i32
      %dma_start3A_404 = arith.constant 0 : i32
      %dma_start3A_405 = tpu.memref_slice %arg6[%dma_start3A_403, %add3A_402, %dma_start3A_404] : memref<4x128x64xf32, #tpu.memory_space<vmem>> -> memref<1x1x64xf32, #tpu.memory_space<vmem>>
      %dma_start3A_406 = tpu.memref_squeeze %dma_start3A_405 : memref<1x1x64xf32, #tpu.memory_space<vmem>> -> memref<64xf32, #tpu.memory_space<vmem>>
      %dma_start3A_407 = arith.constant 0 : i32
      %dma_start3A_408 = tpu.memref_slice %arg3[%shift_right_logical3A_396, %and3A_398, %dma_start3A_407] : memref<125000x8x64xf32, #tpu.memory_space<hbm>> -> memref<1x1x64xf32, #tpu.memory_space<hbm>>
      %dma_start3A_409 = tpu.memref_squeeze %dma_start3A_408 : memref<1x1x64xf32, #tpu.memory_space<hbm>> -> memref<64xf32, #tpu.memory_space<hbm>>
      %dma_start3A_410 = arith.constant 0 : i32
      %dma_start3A_411 = tpu.memref_slice %arg6[%dma_start3A_403, %add3A_402, %dma_start3A_410] : memref<4x128x64xf32, #tpu.memory_space<vmem>> -> memref<1x1x64xf32, #tpu.memory_space<vmem>>
      %dma_start3A_412 = tpu.memref_squeeze %dma_start3A_411 : memref<1x1x64xf32, #tpu.memory_space<vmem>> -> memref<64xf32, #tpu.memory_space<vmem>>
      %dma_start3A_413 = arith.constant 0 : i32
      %dma_start3A_414 = tpu.memref_slice %arg3[%shift_right_logical3A_396, %and3A_398, %dma_start3A_413] : memref<125000x8x64xf32, #tpu.memory_space<hbm>> -> memref<1x1x64xf32, #tpu.memory_space<hbm>>
      %dma_start3A_415 = tpu.memref_squeeze %dma_start3A_414 : memref<1x1x64xf32, #tpu.memory_space<hbm>> -> memref<64xf32, #tpu.memory_space<hbm>>
      tpu.enqueue_dma source(%dma_start3A_415 : memref<64xf32, #tpu.memory_space<hbm>>) target(%dma_start3A_412 : memref<64xf32, #tpu.memory_space<vmem>>) target_semaphore(%arg10 : memref<!tpu.dma_semaphore, #tpu.memory_space<semaphore_mem>>)
      %slice3A_416 = vector.extract_strided_slice %get3A_98 {offsets = [14], sizes = [1], strides = [1]} : vector<16xi32> to vector<1xi32>
      %squeeze3A_417 = vector.extract %slice3A_416[0] : i32 from vector<1xi32>
      %shift_right_logical3A_418 = arith.constant 3 : i32
      %shift_right_logical3A_419 = arith.shrui %squeeze3A_417, %shift_right_logical3A_418 : i32
      %and3A_420 = arith.constant 7 : i32
      %and3A_421 = arith.andi %squeeze3A_417, %and3A_420 : i32
      %mul3A_422 = arith.constant 16 : i32
      %mul3A_423 = arith.muli %scan3A_93, %mul3A_422 : i32
      %add3A_424 = arith.constant 14 : i32
      %add3A_425 = arith.addi %mul3A_423, %add3A_424 : i32
      %dma_start3A_426 = arith.constant 3 : i32
      %dma_start3A_427 = arith.constant 0 : i32
      %dma_start3A_428 = tpu.memref_slice %arg6[%dma_start3A_426, %add3A_425, %dma_start3A_427] : memref<4x128x64xf32, #tpu.memory_space<vmem>> -> memref<1x1x64xf32, #tpu.memory_space<vmem>>
      %dma_start3A_429 = tpu.memref_squeeze %dma_start3A_428 : memref<1x1x64xf32, #tpu.memory_space<vmem>> -> memref<64xf32, #tpu.memory_space<vmem>>
      %dma_start3A_430 = arith.constant 0 : i32
      %dma_start3A_431 = tpu.memref_slice %arg3[%shift_right_logical3A_419, %and3A_421, %dma_start3A_430] : memref<125000x8x64xf32, #tpu.memory_space<hbm>> -> memref<1x1x64xf32, #tpu.memory_space<hbm>>
      %dma_start3A_432 = tpu.memref_squeeze %dma_start3A_431 : memref<1x1x64xf32, #tpu.memory_space<hbm>> -> memref<64xf32, #tpu.memory_space<hbm>>
      %dma_start3A_433 = arith.constant 0 : i32
      %dma_start3A_434 = tpu.memref_slice %arg6[%dma_start3A_426, %add3A_425, %dma_start3A_433] : memref<4x128x64xf32, #tpu.memory_space<vmem>> -> memref<1x1x64xf32, #tpu.memory_space<vmem>>
      %dma_start3A_435 = tpu.memref_squeeze %dma_start3A_434 : memref<1x1x64xf32, #tpu.memory_space<vmem>> -> memref<64xf32, #tpu.memory_space<vmem>>
      %dma_start3A_436 = arith.constant 0 : i32
      %dma_start3A_437 = tpu.memref_slice %arg3[%shift_right_logical3A_419, %and3A_421, %dma_start3A_436] : memref<125000x8x64xf32, #tpu.memory_space<hbm>> -> memref<1x1x64xf32, #tpu.memory_space<hbm>>
      %dma_start3A_438 = tpu.memref_squeeze %dma_start3A_437 : memref<1x1x64xf32, #tpu.memory_space<hbm>> -> memref<64xf32, #tpu.memory_space<hbm>>
      tpu.enqueue_dma source(%dma_start3A_438 : memref<64xf32, #tpu.memory_space<hbm>>) target(%dma_start3A_435 : memref<64xf32, #tpu.memory_space<vmem>>) target_semaphore(%arg10 : memref<!tpu.dma_semaphore, #tpu.memory_space<semaphore_mem>>)
      %slice3A_439 = vector.extract_strided_slice %get3A_98 {offsets = [15], sizes = [1], strides = [1]} : vector<16xi32> to vector<1xi32>
      %squeeze3A_440 = vector.extract %slice3A_439[0] : i32 from vector<1xi32>
      %shift_right_logical3A_441 = arith.constant 3 : i32
      %shift_right_logical3A_442 = arith.shrui %squeeze3A_440, %shift_right_logical3A_441 : i32
      %and3A_443 = arith.constant 7 : i32
      %and3A_444 = arith.andi %squeeze3A_440, %and3A_443 : i32
      %mul3A_445 = arith.constant 16 : i32
      %mul3A_446 = arith.muli %scan3A_93, %mul3A_445 : i32
      %add3A_447 = arith.constant 15 : i32
      %add3A_448 = arith.addi %mul3A_446, %add3A_447 : i32
      %dma_start3A_449 = arith.constant 3 : i32
      %dma_start3A_450 = arith.constant 0 : i32
      %dma_start3A_451 = tpu.memref_slice %arg6[%dma_start3A_449, %add3A_448, %dma_start3A_450] : memref<4x128x64xf32, #tpu.memory_space<vmem>> -> memref<1x1x64xf32, #tpu.memory_space<vmem>>
      %dma_start3A_452 = tpu.memref_squeeze %dma_start3A_451 : memref<1x1x64xf32, #tpu.memory_space<vmem>> -> memref<64xf32, #tpu.memory_space<vmem>>
      %dma_start3A_453 = arith.constant 0 : i32
      %dma_start3A_454 = tpu.memref_slice %arg3[%shift_right_logical3A_442, %and3A_444, %dma_start3A_453] : memref<125000x8x64xf32, #tpu.memory_space<hbm>> -> memref<1x1x64xf32, #tpu.memory_space<hbm>>
      %dma_start3A_455 = tpu.memref_squeeze %dma_start3A_454 : memref<1x1x64xf32, #tpu.memory_space<hbm>> -> memref<64xf32, #tpu.memory_space<hbm>>
      %dma_start3A_456 = arith.constant 0 : i32
      %dma_start3A_457 = tpu.memref_slice %arg6[%dma_start3A_449, %add3A_448, %dma_start3A_456] : memref<4x128x64xf32, #tpu.memory_space<vmem>> -> memref<1x1x64xf32, #tpu.memory_space<vmem>>
      %dma_start3A_458 = tpu.memref_squeeze %dma_start3A_457 : memref<1x1x64xf32, #tpu.memory_space<vmem>> -> memref<64xf32, #tpu.memory_space<vmem>>
      %dma_start3A_459 = arith.constant 0 : i32
      %dma_start3A_460 = tpu.memref_slice %arg3[%shift_right_logical3A_442, %and3A_444, %dma_start3A_459] : memref<125000x8x64xf32, #tpu.memory_space<hbm>> -> memref<1x1x64xf32, #tpu.memory_space<hbm>>
      %dma_start3A_461 = tpu.memref_squeeze %dma_start3A_460 : memref<1x1x64xf32, #tpu.memory_space<hbm>> -> memref<64xf32, #tpu.memory_space<hbm>>
      tpu.enqueue_dma source(%dma_start3A_461 : memref<64xf32, #tpu.memory_space<hbm>>) target(%dma_start3A_458 : memref<64xf32, #tpu.memory_space<vmem>>) target_semaphore(%arg10 : memref<!tpu.dma_semaphore, #tpu.memory_space<semaphore_mem>>)
    }
    %scan3A_27 = arith.constant 8 : i32
    %scan3A_28 = arith.constant 0 : i32
    %scan3A_29 = arith.constant 0 : i32
    %scan3A_30 = arith.constant 50 : i32
    %scan3A_31 = arith.addi %scan3A_29, %scan3A_30 : i32
    %scan3A_32 = arith.constant 1 : i32
    scf.for %scan3A_93 = %scan3A_29 to %scan3A_31 step %scan3A_32  : i32 {
      %mul3A_94 = arith.constant 4 : i32
      %mul3A_95 = arith.muli %scan3A_93, %mul3A_94 : i32
      %add3A_96 = arith.constant 0 : i32
      %add3A_97 = arith.addi %mul3A_95, %add3A_96 : i32
      %mul3A_98 = arith.constant 128 : i32
      %mul3A_99 = arith.muli %add3A_97, %mul3A_98 : i32
      %add3A_100 = arith.addi %mul3A_4, %mul3A_99 : i32
      %dma_wait3A_101 = arith.constant 0 : i32
      %dma_wait3A_102 = arith.constant 0 : i32
      %dma_wait3A_103 = arith.constant 0 : i32
      %dma_wait3A_104 = tpu.memref_slice %arg6[%dma_wait3A_101, %dma_wait3A_102, %dma_wait3A_103] : memref<4x128x64xf32, #tpu.memory_space<vmem>> -> memref<1x128x64xf32, #tpu.memory_space<vmem>>
      %dma_wait3A_105 = tpu.memref_squeeze %dma_wait3A_104 : memref<1x128x64xf32, #tpu.memory_space<vmem>> -> memref<128x64xf32, #tpu.memory_space<vmem>>
      %dma_wait3A_106 = arith.constant 0 : i32
      %dma_wait3A_107 = tpu.memref_slice %arg4[%add3A_100, %dma_wait3A_106] : memref<819200x64xf32, #tpu.memory_space<hbm>> -> memref<128x64xf32, #tpu.memory_space<hbm>>
      %dma_wait3A_108 = arith.constant 0 : i32
      %dma_wait3A_109 = arith.constant 0 : i32
      %dma_wait3A_110 = tpu.memref_slice %arg6[%dma_wait3A_101, %dma_wait3A_108, %dma_wait3A_109] : memref<4x128x64xf32, #tpu.memory_space<vmem>> -> memref<1x128x64xf32, #tpu.memory_space<vmem>>
      %dma_wait3A_111 = tpu.memref_squeeze %dma_wait3A_110 : memref<1x128x64xf32, #tpu.memory_space<vmem>> -> memref<128x64xf32, #tpu.memory_space<vmem>>
      %dma_wait3A_112 = arith.constant 0 : i32
      %dma_wait3A_113 = tpu.memref_slice %arg4[%add3A_100, %dma_wait3A_112] : memref<819200x64xf32, #tpu.memory_space<hbm>> -> memref<128x64xf32, #tpu.memory_space<hbm>>
      tpu.wait_dma2 semaphore(%arg7 : memref<!tpu.dma_semaphore, #tpu.memory_space<semaphore_mem>>) src(%dma_wait3A_113 : memref<128x64xf32, #tpu.memory_space<hbm>>) dst(%dma_wait3A_111 : memref<128x64xf32, #tpu.memory_space<vmem>>)
      %dma_start3A = arith.constant 0 : i32
      %dma_start3A_114 = arith.constant 0 : i32
      %dma_start3A_115 = arith.constant 0 : i32
      %dma_start3A_116 = tpu.memref_slice %arg6[%dma_start3A, %dma_start3A_114, %dma_start3A_115] : memref<4x128x64xf32, #tpu.memory_space<vmem>> -> memref<1x128x64xf32, #tpu.memory_space<vmem>>
      %dma_start3A_117 = tpu.memref_squeeze %dma_start3A_116 : memref<1x128x64xf32, #tpu.memory_space<vmem>> -> memref<128x64xf32, #tpu.memory_space<vmem>>
      %dma_start3A_118 = arith.constant 0 : i32
      %dma_start3A_119 = tpu.memref_slice %arg4[%add3A_100, %dma_start3A_118] : memref<819200x64xf32, #tpu.memory_space<hbm>> -> memref<128x64xf32, #tpu.memory_space<hbm>>
      %dma_start3A_120 = arith.constant 0 : i32
      %dma_start3A_121 = tpu.memref_slice %arg4[%add3A_100, %dma_start3A_120] : memref<819200x64xf32, #tpu.memory_space<hbm>> -> memref<128x64xf32, #tpu.memory_space<hbm>>
      %dma_start3A_122 = arith.constant 0 : i32
      %dma_start3A_123 = arith.constant 0 : i32
      %dma_start3A_124 = tpu.memref_slice %arg6[%dma_start3A, %dma_start3A_122, %dma_start3A_123] : memref<4x128x64xf32, #tpu.memory_space<vmem>> -> memref<1x128x64xf32, #tpu.memory_space<vmem>>
      %dma_start3A_125 = tpu.memref_squeeze %dma_start3A_124 : memref<1x128x64xf32, #tpu.memory_space<vmem>> -> memref<128x64xf32, #tpu.memory_space<vmem>>
      tpu.enqueue_dma source(%dma_start3A_125 : memref<128x64xf32, #tpu.memory_space<vmem>>) target(%dma_start3A_121 : memref<128x64xf32, #tpu.memory_space<hbm>>) target_semaphore(%arg11 : memref<!tpu.dma_semaphore, #tpu.memory_space<semaphore_mem>>)
      %add3A_126 = arith.constant 4 : i32
      %add3A_127 = arith.addi %add3A_97, %add3A_126 : i32
      %lt3A = arith.constant 200 : i32
      %lt3A_128 = arith.cmpi slt, %add3A_127, %lt3A : i32
      %convert_element_type3A = arith.extui %lt3A_128 : i1 to i32
      %cond3A = arith.constant 0 : i32
      %cond3A_129 = arith.cmpi ne, %convert_element_type3A, %cond3A : i32
      scf.if %cond3A_129 {
        %dma_wait3A_250 = arith.constant 0 : i32
        %dma_wait3A_251 = arith.constant 0 : i32
        %dma_wait3A_252 = arith.constant 0 : i32
        %dma_wait3A_253 = tpu.memref_slice %arg6[%dma_wait3A_250, %dma_wait3A_251, %dma_wait3A_252] : memref<4x128x64xf32, #tpu.memory_space<vmem>> -> memref<1x128x64xf32, #tpu.memory_space<vmem>>
        %dma_wait3A_254 = tpu.memref_squeeze %dma_wait3A_253 : memref<1x128x64xf32, #tpu.memory_space<vmem>> -> memref<128x64xf32, #tpu.memory_space<vmem>>
        %dma_wait3A_255 = arith.constant 0 : i32
        %dma_wait3A_256 = tpu.memref_slice %arg4[%add3A_100, %dma_wait3A_255] : memref<819200x64xf32, #tpu.memory_space<hbm>> -> memref<128x64xf32, #tpu.memory_space<hbm>>
        %dma_wait3A_257 = arith.constant 0 : i32
        %dma_wait3A_258 = tpu.memref_slice %arg4[%add3A_100, %dma_wait3A_257] : memref<819200x64xf32, #tpu.memory_space<hbm>> -> memref<128x64xf32, #tpu.memory_space<hbm>>
        %dma_wait3A_259 = arith.constant 0 : i32
        %dma_wait3A_260 = arith.constant 0 : i32
        %dma_wait3A_261 = tpu.memref_slice %arg6[%dma_wait3A_250, %dma_wait3A_259, %dma_wait3A_260] : memref<4x128x64xf32, #tpu.memory_space<vmem>> -> memref<1x128x64xf32, #tpu.memory_space<vmem>>
        %dma_wait3A_262 = tpu.memref_squeeze %dma_wait3A_261 : memref<1x128x64xf32, #tpu.memory_space<vmem>> -> memref<128x64xf32, #tpu.memory_space<vmem>>
        tpu.wait_dma2 semaphore(%arg11 : memref<!tpu.dma_semaphore, #tpu.memory_space<semaphore_mem>>) src(%dma_wait3A_262 : memref<128x64xf32, #tpu.memory_space<vmem>>) dst(%dma_wait3A_258 : memref<128x64xf32, #tpu.memory_space<hbm>>)
        %scan3A_263 = arith.constant 0 : i32
        %scan3A_264 = arith.constant 0 : i32
        %scan3A_265 = arith.constant 8 : i32
        %scan3A_266 = arith.addi %scan3A_264, %scan3A_265 : i32
        %scan3A_267 = arith.constant 1 : i32
        scf.for %scan3A_269 = %scan3A_264 to %scan3A_266 step %scan3A_267  : i32 {
          %mul3A_270 = arith.constant 16 : i32
          %mul3A_271 = arith.muli %scan3A_269, %mul3A_270 : i32
          %get3A = arith.index_cast %add3A_127 : i32 to index
          %get3A_272 = arith.index_cast %mul3A_271 : i32 to index
          %get3A_273 = tpu.vector_load %arg5[%get3A, %get3A_272] {strides = array<i32>} : memref<200x128xi32, #tpu.memory_space<vmem>>, vector<16xi32>,
          %slice3A = vector.extract_strided_slice %get3A_273 {offsets = [0], sizes = [1], strides = [1]} : vector<16xi32> to vector<1xi32>
          %squeeze3A = vector.extract %slice3A[0] : i32 from vector<1xi32>
          %shift_right_logical3A = arith.constant 3 : i32
          %shift_right_logical3A_274 = arith.shrui %squeeze3A, %shift_right_logical3A : i32
          %and3A = arith.constant 7 : i32
          %and3A_275 = arith.andi %squeeze3A, %and3A : i32
          %mul3A_276 = arith.constant 16 : i32
          %mul3A_277 = arith.muli %scan3A_269, %mul3A_276 : i32
          %add3A_278 = arith.constant 0 : i32
          %add3A_279 = arith.addi %mul3A_277, %add3A_278 : i32
          %dma_start3A_280 = arith.constant 0 : i32
          %dma_start3A_281 = arith.constant 0 : i32
          %dma_start3A_282 = tpu.memref_slice %arg6[%dma_start3A_280, %add3A_279, %dma_start3A_281] : memref<4x128x64xf32, #tpu.memory_space<vmem>> -> memref<1x1x64xf32, #tpu.memory_space<vmem>>
          %dma_start3A_283 = tpu.memref_squeeze %dma_start3A_282 : memref<1x1x64xf32, #tpu.memory_space<vmem>> -> memref<64xf32, #tpu.memory_space<vmem>>
          %dma_start3A_284 = arith.constant 0 : i32
          %dma_start3A_285 = tpu.memref_slice %arg3[%shift_right_logical3A_274, %and3A_275, %dma_start3A_284] : memref<125000x8x64xf32, #tpu.memory_space<hbm>> -> memref<1x1x64xf32, #tpu.memory_space<hbm>>
          %dma_start3A_286 = tpu.memref_squeeze %dma_start3A_285 : memref<1x1x64xf32, #tpu.memory_space<hbm>> -> memref<64xf32, #tpu.memory_space<hbm>>
          %dma_start3A_287 = arith.constant 0 : i32
          %dma_start3A_288 = tpu.memref_slice %arg6[%dma_start3A_280, %add3A_279, %dma_start3A_287] : memref<4x128x64xf32, #tpu.memory_space<vmem>> -> memref<1x1x64xf32, #tpu.memory_space<vmem>>
          %dma_start3A_289 = tpu.memref_squeeze %dma_start3A_288 : memref<1x1x64xf32, #tpu.memory_space<vmem>> -> memref<64xf32, #tpu.memory_space<vmem>>
          %dma_start3A_290 = arith.constant 0 : i32
          %dma_start3A_291 = tpu.memref_slice %arg3[%shift_right_logical3A_274, %and3A_275, %dma_start3A_290] : memref<125000x8x64xf32, #tpu.memory_space<hbm>> -> memref<1x1x64xf32, #tpu.memory_space<hbm>>
          %dma_start3A_292 = tpu.memref_squeeze %dma_start3A_291 : memref<1x1x64xf32, #tpu.memory_space<hbm>> -> memref<64xf32, #tpu.memory_space<hbm>>
          tpu.enqueue_dma source(%dma_start3A_292 : memref<64xf32, #tpu.memory_space<hbm>>) target(%dma_start3A_289 : memref<64xf32, #tpu.memory_space<vmem>>) target_semaphore(%arg7 : memref<!tpu.dma_semaphore, #tpu.memory_space<semaphore_mem>>)
          %slice3A_293 = vector.extract_strided_slice %get3A_273 {offsets = [1], sizes = [1], strides = [1]} : vector<16xi32> to vector<1xi32>
          %squeeze3A_294 = vector.extract %slice3A_293[0] : i32 from vector<1xi32>
          %shift_right_logical3A_295 = arith.constant 3 : i32
          %shift_right_logical3A_296 = arith.shrui %squeeze3A_294, %shift_right_logical3A_295 : i32
          %and3A_297 = arith.constant 7 : i32
          %and3A_298 = arith.andi %squeeze3A_294, %and3A_297 : i32
          %mul3A_299 = arith.constant 16 : i32
          %mul3A_300 = arith.muli %scan3A_269, %mul3A_299 : i32
          %add3A_301 = arith.constant 1 : i32
          %add3A_302 = arith.addi %mul3A_300, %add3A_301 : i32
          %dma_start3A_303 = arith.constant 0 : i32
          %dma_start3A_304 = arith.constant 0 : i32
          %dma_start3A_305 = tpu.memref_slice %arg6[%dma_start3A_303, %add3A_302, %dma_start3A_304] : memref<4x128x64xf32, #tpu.memory_space<vmem>> -> memref<1x1x64xf32, #tpu.memory_space<vmem>>
          %dma_start3A_306 = tpu.memref_squeeze %dma_start3A_305 : memref<1x1x64xf32, #tpu.memory_space<vmem>> -> memref<64xf32, #tpu.memory_space<vmem>>
          %dma_start3A_307 = arith.constant 0 : i32
          %dma_start3A_308 = tpu.memref_slice %arg3[%shift_right_logical3A_296, %and3A_298, %dma_start3A_307] : memref<125000x8x64xf32, #tpu.memory_space<hbm>> -> memref<1x1x64xf32, #tpu.memory_space<hbm>>
          %dma_start3A_309 = tpu.memref_squeeze %dma_start3A_308 : memref<1x1x64xf32, #tpu.memory_space<hbm>> -> memref<64xf32, #tpu.memory_space<hbm>>
          %dma_start3A_310 = arith.constant 0 : i32
          %dma_start3A_311 = tpu.memref_slice %arg6[%dma_start3A_303, %add3A_302, %dma_start3A_310] : memref<4x128x64xf32, #tpu.memory_space<vmem>> -> memref<1x1x64xf32, #tpu.memory_space<vmem>>
          %dma_start3A_312 = tpu.memref_squeeze %dma_start3A_311 : memref<1x1x64xf32, #tpu.memory_space<vmem>> -> memref<64xf32, #tpu.memory_space<vmem>>
          %dma_start3A_313 = arith.constant 0 : i32
          %dma_start3A_314 = tpu.memref_slice %arg3[%shift_right_logical3A_296, %and3A_298, %dma_start3A_313] : memref<125000x8x64xf32, #tpu.memory_space<hbm>> -> memref<1x1x64xf32, #tpu.memory_space<hbm>>
          %dma_start3A_315 = tpu.memref_squeeze %dma_start3A_314 : memref<1x1x64xf32, #tpu.memory_space<hbm>> -> memref<64xf32, #tpu.memory_space<hbm>>
          tpu.enqueue_dma source(%dma_start3A_315 : memref<64xf32, #tpu.memory_space<hbm>>) target(%dma_start3A_312 : memref<64xf32, #tpu.memory_space<vmem>>) target_semaphore(%arg7 : memref<!tpu.dma_semaphore, #tpu.memory_space<semaphore_mem>>)
          %slice3A_316 = vector.extract_strided_slice %get3A_273 {offsets = [2], sizes = [1], strides = [1]} : vector<16xi32> to vector<1xi32>
          %squeeze3A_317 = vector.extract %slice3A_316[0] : i32 from vector<1xi32>
          %shift_right_logical3A_318 = arith.constant 3 : i32
          %shift_right_logical3A_319 = arith.shrui %squeeze3A_317, %shift_right_logical3A_318 : i32
          %and3A_320 = arith.constant 7 : i32
          %and3A_321 = arith.andi %squeeze3A_317, %and3A_320 : i32
          %mul3A_322 = arith.constant 16 : i32
          %mul3A_323 = arith.muli %scan3A_269, %mul3A_322 : i32
          %add3A_324 = arith.constant 2 : i32
          %add3A_325 = arith.addi %mul3A_323, %add3A_324 : i32
          %dma_start3A_326 = arith.constant 0 : i32
          %dma_start3A_327 = arith.constant 0 : i32
          %dma_start3A_328 = tpu.memref_slice %arg6[%dma_start3A_326, %add3A_325, %dma_start3A_327] : memref<4x128x64xf32, #tpu.memory_space<vmem>> -> memref<1x1x64xf32, #tpu.memory_space<vmem>>
          %dma_start3A_329 = tpu.memref_squeeze %dma_start3A_328 : memref<1x1x64xf32, #tpu.memory_space<vmem>> -> memref<64xf32, #tpu.memory_space<vmem>>
          %dma_start3A_330 = arith.constant 0 : i32
          %dma_start3A_331 = tpu.memref_slice %arg3[%shift_right_logical3A_319, %and3A_321, %dma_start3A_330] : memref<125000x8x64xf32, #tpu.memory_space<hbm>> -> memref<1x1x64xf32, #tpu.memory_space<hbm>>
          %dma_start3A_332 = tpu.memref_squeeze %dma_start3A_331 : memref<1x1x64xf32, #tpu.memory_space<hbm>> -> memref<64xf32, #tpu.memory_space<hbm>>
          %dma_start3A_333 = arith.constant 0 : i32
          %dma_start3A_334 = tpu.memref_slice %arg6[%dma_start3A_326, %add3A_325, %dma_start3A_333] : memref<4x128x64xf32, #tpu.memory_space<vmem>> -> memref<1x1x64xf32, #tpu.memory_space<vmem>>
          %dma_start3A_335 = tpu.memref_squeeze %dma_start3A_334 : memref<1x1x64xf32, #tpu.memory_space<vmem>> -> memref<64xf32, #tpu.memory_space<vmem>>
          %dma_start3A_336 = arith.constant 0 : i32
          %dma_start3A_337 = tpu.memref_slice %arg3[%shift_right_logical3A_319, %and3A_321, %dma_start3A_336] : memref<125000x8x64xf32, #tpu.memory_space<hbm>> -> memref<1x1x64xf32, #tpu.memory_space<hbm>>
          %dma_start3A_338 = tpu.memref_squeeze %dma_start3A_337 : memref<1x1x64xf32, #tpu.memory_space<hbm>> -> memref<64xf32, #tpu.memory_space<hbm>>
          tpu.enqueue_dma source(%dma_start3A_338 : memref<64xf32, #tpu.memory_space<hbm>>) target(%dma_start3A_335 : memref<64xf32, #tpu.memory_space<vmem>>) target_semaphore(%arg7 : memref<!tpu.dma_semaphore, #tpu.memory_space<semaphore_mem>>)
          %slice3A_339 = vector.extract_strided_slice %get3A_273 {offsets = [3], sizes = [1], strides = [1]} : vector<16xi32> to vector<1xi32>
          %squeeze3A_340 = vector.extract %slice3A_339[0] : i32 from vector<1xi32>
          %shift_right_logical3A_341 = arith.constant 3 : i32
          %shift_right_logical3A_342 = arith.shrui %squeeze3A_340, %shift_right_logical3A_341 : i32
          %and3A_343 = arith.constant 7 : i32
          %and3A_344 = arith.andi %squeeze3A_340, %and3A_343 : i32
          %mul3A_345 = arith.constant 16 : i32
          %mul3A_346 = arith.muli %scan3A_269, %mul3A_345 : i32
          %add3A_347 = arith.constant 3 : i32
          %add3A_348 = arith.addi %mul3A_346, %add3A_347 : i32
          %dma_start3A_349 = arith.constant 0 : i32
          %dma_start3A_350 = arith.constant 0 : i32
          %dma_start3A_351 = tpu.memref_slice %arg6[%dma_start3A_349, %add3A_348, %dma_start3A_350] : memref<4x128x64xf32, #tpu.memory_space<vmem>> -> memref<1x1x64xf32, #tpu.memory_space<vmem>>
          %dma_start3A_352 = tpu.memref_squeeze %dma_start3A_351 : memref<1x1x64xf32, #tpu.memory_space<vmem>> -> memref<64xf32, #tpu.memory_space<vmem>>
          %dma_start3A_353 = arith.constant 0 : i32
          %dma_start3A_354 = tpu.memref_slice %arg3[%shift_right_logical3A_342, %and3A_344, %dma_start3A_353] : memref<125000x8x64xf32, #tpu.memory_space<hbm>> -> memref<1x1x64xf32, #tpu.memory_space<hbm>>
          %dma_start3A_355 = tpu.memref_squeeze %dma_start3A_354 : memref<1x1x64xf32, #tpu.memory_space<hbm>> -> memref<64xf32, #tpu.memory_space<hbm>>
          %dma_start3A_356 = arith.constant 0 : i32
          %dma_start3A_357 = tpu.memref_slice %arg6[%dma_start3A_349, %add3A_348, %dma_start3A_356] : memref<4x128x64xf32, #tpu.memory_space<vmem>> -> memref<1x1x64xf32, #tpu.memory_space<vmem>>
          %dma_start3A_358 = tpu.memref_squeeze %dma_start3A_357 : memref<1x1x64xf32, #tpu.memory_space<vmem>> -> memref<64xf32, #tpu.memory_space<vmem>>
          %dma_start3A_359 = arith.constant 0 : i32
          %dma_start3A_360 = tpu.memref_slice %arg3[%shift_right_logical3A_342, %and3A_344, %dma_start3A_359] : memref<125000x8x64xf32, #tpu.memory_space<hbm>> -> memref<1x1x64xf32, #tpu.memory_space<hbm>>
          %dma_start3A_361 = tpu.memref_squeeze %dma_start3A_360 : memref<1x1x64xf32, #tpu.memory_space<hbm>> -> memref<64xf32, #tpu.memory_space<hbm>>
          tpu.enqueue_dma source(%dma_start3A_361 : memref<64xf32, #tpu.memory_space<hbm>>) target(%dma_start3A_358 : memref<64xf32, #tpu.memory_space<vmem>>) target_semaphore(%arg7 : memref<!tpu.dma_semaphore, #tpu.memory_space<semaphore_mem>>)
          %slice3A_362 = vector.extract_strided_slice %get3A_273 {offsets = [4], sizes = [1], strides = [1]} : vector<16xi32> to vector<1xi32>
          %squeeze3A_363 = vector.extract %slice3A_362[0] : i32 from vector<1xi32>
          %shift_right_logical3A_364 = arith.constant 3 : i32
          %shift_right_logical3A_365 = arith.shrui %squeeze3A_363, %shift_right_logical3A_364 : i32
          %and3A_366 = arith.constant 7 : i32
          %and3A_367 = arith.andi %squeeze3A_363, %and3A_366 : i32
          %mul3A_368 = arith.constant 16 : i32
          %mul3A_369 = arith.muli %scan3A_269, %mul3A_368 : i32
          %add3A_370 = arith.constant 4 : i32
          %add3A_371 = arith.addi %mul3A_369, %add3A_370 : i32
          %dma_start3A_372 = arith.constant 0 : i32
          %dma_start3A_373 = arith.constant 0 : i32
          %dma_start3A_374 = tpu.memref_slice %arg6[%dma_start3A_372, %add3A_371, %dma_start3A_373] : memref<4x128x64xf32, #tpu.memory_space<vmem>> -> memref<1x1x64xf32, #tpu.memory_space<vmem>>
          %dma_start3A_375 = tpu.memref_squeeze %dma_start3A_374 : memref<1x1x64xf32, #tpu.memory_space<vmem>> -> memref<64xf32, #tpu.memory_space<vmem>>
          %dma_start3A_376 = arith.constant 0 : i32
          %dma_start3A_377 = tpu.memref_slice %arg3[%shift_right_logical3A_365, %and3A_367, %dma_start3A_376] : memref<125000x8x64xf32, #tpu.memory_space<hbm>> -> memref<1x1x64xf32, #tpu.memory_space<hbm>>
          %dma_start3A_378 = tpu.memref_squeeze %dma_start3A_377 : memref<1x1x64xf32, #tpu.memory_space<hbm>> -> memref<64xf32, #tpu.memory_space<hbm>>
          %dma_start3A_379 = arith.constant 0 : i32
          %dma_start3A_380 = tpu.memref_slice %arg6[%dma_start3A_372, %add3A_371, %dma_start3A_379] : memref<4x128x64xf32, #tpu.memory_space<vmem>> -> memref<1x1x64xf32, #tpu.memory_space<vmem>>
          %dma_start3A_381 = tpu.memref_squeeze %dma_start3A_380 : memref<1x1x64xf32, #tpu.memory_space<vmem>> -> memref<64xf32, #tpu.memory_space<vmem>>
          %dma_start3A_382 = arith.constant 0 : i32
          %dma_start3A_383 = tpu.memref_slice %arg3[%shift_right_logical3A_365, %and3A_367, %dma_start3A_382] : memref<125000x8x64xf32, #tpu.memory_space<hbm>> -> memref<1x1x64xf32, #tpu.memory_space<hbm>>
          %dma_start3A_384 = tpu.memref_squeeze %dma_start3A_383 : memref<1x1x64xf32, #tpu.memory_space<hbm>> -> memref<64xf32, #tpu.memory_space<hbm>>
          tpu.enqueue_dma source(%dma_start3A_384 : memref<64xf32, #tpu.memory_space<hbm>>) target(%dma_start3A_381 : memref<64xf32, #tpu.memory_space<vmem>>) target_semaphore(%arg7 : memref<!tpu.dma_semaphore, #tpu.memory_space<semaphore_mem>>)
          %slice3A_385 = vector.extract_strided_slice %get3A_273 {offsets = [5], sizes = [1], strides = [1]} : vector<16xi32> to vector<1xi32>
          %squeeze3A_386 = vector.extract %slice3A_385[0] : i32 from vector<1xi32>
          %shift_right_logical3A_387 = arith.constant 3 : i32
          %shift_right_logical3A_388 = arith.shrui %squeeze3A_386, %shift_right_logical3A_387 : i32
          %and3A_389 = arith.constant 7 : i32
          %and3A_390 = arith.andi %squeeze3A_386, %and3A_389 : i32
          %mul3A_391 = arith.constant 16 : i32
          %mul3A_392 = arith.muli %scan3A_269, %mul3A_391 : i32
          %add3A_393 = arith.constant 5 : i32
          %add3A_394 = arith.addi %mul3A_392, %add3A_393 : i32
          %dma_start3A_395 = arith.constant 0 : i32
          %dma_start3A_396 = arith.constant 0 : i32
          %dma_start3A_397 = tpu.memref_slice %arg6[%dma_start3A_395, %add3A_394, %dma_start3A_396] : memref<4x128x64xf32, #tpu.memory_space<vmem>> -> memref<1x1x64xf32, #tpu.memory_space<vmem>>
          %dma_start3A_398 = tpu.memref_squeeze %dma_start3A_397 : memref<1x1x64xf32, #tpu.memory_space<vmem>> -> memref<64xf32, #tpu.memory_space<vmem>>
          %dma_start3A_399 = arith.constant 0 : i32
          %dma_start3A_400 = tpu.memref_slice %arg3[%shift_right_logical3A_388, %and3A_390, %dma_start3A_399] : memref<125000x8x64xf32, #tpu.memory_space<hbm>> -> memref<1x1x64xf32, #tpu.memory_space<hbm>>
          %dma_start3A_401 = tpu.memref_squeeze %dma_start3A_400 : memref<1x1x64xf32, #tpu.memory_space<hbm>> -> memref<64xf32, #tpu.memory_space<hbm>>
          %dma_start3A_402 = arith.constant 0 : i32
          %dma_start3A_403 = tpu.memref_slice %arg6[%dma_start3A_395, %add3A_394, %dma_start3A_402] : memref<4x128x64xf32, #tpu.memory_space<vmem>> -> memref<1x1x64xf32, #tpu.memory_space<vmem>>
          %dma_start3A_404 = tpu.memref_squeeze %dma_start3A_403 : memref<1x1x64xf32, #tpu.memory_space<vmem>> -> memref<64xf32, #tpu.memory_space<vmem>>
          %dma_start3A_405 = arith.constant 0 : i32
          %dma_start3A_406 = tpu.memref_slice %arg3[%shift_right_logical3A_388, %and3A_390, %dma_start3A_405] : memref<125000x8x64xf32, #tpu.memory_space<hbm>> -> memref<1x1x64xf32, #tpu.memory_space<hbm>>
          %dma_start3A_407 = tpu.memref_squeeze %dma_start3A_406 : memref<1x1x64xf32, #tpu.memory_space<hbm>> -> memref<64xf32, #tpu.memory_space<hbm>>
          tpu.enqueue_dma source(%dma_start3A_407 : memref<64xf32, #tpu.memory_space<hbm>>) target(%dma_start3A_404 : memref<64xf32, #tpu.memory_space<vmem>>) target_semaphore(%arg7 : memref<!tpu.dma_semaphore, #tpu.memory_space<semaphore_mem>>)
          %slice3A_408 = vector.extract_strided_slice %get3A_273 {offsets = [6], sizes = [1], strides = [1]} : vector<16xi32> to vector<1xi32>
          %squeeze3A_409 = vector.extract %slice3A_408[0] : i32 from vector<1xi32>
          %shift_right_logical3A_410 = arith.constant 3 : i32
          %shift_right_logical3A_411 = arith.shrui %squeeze3A_409, %shift_right_logical3A_410 : i32
          %and3A_412 = arith.constant 7 : i32
          %and3A_413 = arith.andi %squeeze3A_409, %and3A_412 : i32
          %mul3A_414 = arith.constant 16 : i32
          %mul3A_415 = arith.muli %scan3A_269, %mul3A_414 : i32
          %add3A_416 = arith.constant 6 : i32
          %add3A_417 = arith.addi %mul3A_415, %add3A_416 : i32
          %dma_start3A_418 = arith.constant 0 : i32
          %dma_start3A_419 = arith.constant 0 : i32
          %dma_start3A_420 = tpu.memref_slice %arg6[%dma_start3A_418, %add3A_417, %dma_start3A_419] : memref<4x128x64xf32, #tpu.memory_space<vmem>> -> memref<1x1x64xf32, #tpu.memory_space<vmem>>
          %dma_start3A_421 = tpu.memref_squeeze %dma_start3A_420 : memref<1x1x64xf32, #tpu.memory_space<vmem>> -> memref<64xf32, #tpu.memory_space<vmem>>
          %dma_start3A_422 = arith.constant 0 : i32
          %dma_start3A_423 = tpu.memref_slice %arg3[%shift_right_logical3A_411, %and3A_413, %dma_start3A_422] : memref<125000x8x64xf32, #tpu.memory_space<hbm>> -> memref<1x1x64xf32, #tpu.memory_space<hbm>>
          %dma_start3A_424 = tpu.memref_squeeze %dma_start3A_423 : memref<1x1x64xf32, #tpu.memory_space<hbm>> -> memref<64xf32, #tpu.memory_space<hbm>>
          %dma_start3A_425 = arith.constant 0 : i32
          %dma_start3A_426 = tpu.memref_slice %arg6[%dma_start3A_418, %add3A_417, %dma_start3A_425] : memref<4x128x64xf32, #tpu.memory_space<vmem>> -> memref<1x1x64xf32, #tpu.memory_space<vmem>>
          %dma_start3A_427 = tpu.memref_squeeze %dma_start3A_426 : memref<1x1x64xf32, #tpu.memory_space<vmem>> -> memref<64xf32, #tpu.memory_space<vmem>>
          %dma_start3A_428 = arith.constant 0 : i32
          %dma_start3A_429 = tpu.memref_slice %arg3[%shift_right_logical3A_411, %and3A_413, %dma_start3A_428] : memref<125000x8x64xf32, #tpu.memory_space<hbm>> -> memref<1x1x64xf32, #tpu.memory_space<hbm>>
          %dma_start3A_430 = tpu.memref_squeeze %dma_start3A_429 : memref<1x1x64xf32, #tpu.memory_space<hbm>> -> memref<64xf32, #tpu.memory_space<hbm>>
          tpu.enqueue_dma source(%dma_start3A_430 : memref<64xf32, #tpu.memory_space<hbm>>) target(%dma_start3A_427 : memref<64xf32, #tpu.memory_space<vmem>>) target_semaphore(%arg7 : memref<!tpu.dma_semaphore, #tpu.memory_space<semaphore_mem>>)
          %slice3A_431 = vector.extract_strided_slice %get3A_273 {offsets = [7], sizes = [1], strides = [1]} : vector<16xi32> to vector<1xi32>
          %squeeze3A_432 = vector.extract %slice3A_431[0] : i32 from vector<1xi32>
          %shift_right_logical3A_433 = arith.constant 3 : i32
          %shift_right_logical3A_434 = arith.shrui %squeeze3A_432, %shift_right_logical3A_433 : i32
          %and3A_435 = arith.constant 7 : i32
          %and3A_436 = arith.andi %squeeze3A_432, %and3A_435 : i32
          %mul3A_437 = arith.constant 16 : i32
          %mul3A_438 = arith.muli %scan3A_269, %mul3A_437 : i32
          %add3A_439 = arith.constant 7 : i32
          %add3A_440 = arith.addi %mul3A_438, %add3A_439 : i32
          %dma_start3A_441 = arith.constant 0 : i32
          %dma_start3A_442 = arith.constant 0 : i32
          %dma_start3A_443 = tpu.memref_slice %arg6[%dma_start3A_441, %add3A_440, %dma_start3A_442] : memref<4x128x64xf32, #tpu.memory_space<vmem>> -> memref<1x1x64xf32, #tpu.memory_space<vmem>>
          %dma_start3A_444 = tpu.memref_squeeze %dma_start3A_443 : memref<1x1x64xf32, #tpu.memory_space<vmem>> -> memref<64xf32, #tpu.memory_space<vmem>>
          %dma_start3A_445 = arith.constant 0 : i32
          %dma_start3A_446 = tpu.memref_slice %arg3[%shift_right_logical3A_434, %and3A_436, %dma_start3A_445] : memref<125000x8x64xf32, #tpu.memory_space<hbm>> -> memref<1x1x64xf32, #tpu.memory_space<hbm>>
          %dma_start3A_447 = tpu.memref_squeeze %dma_start3A_446 : memref<1x1x64xf32, #tpu.memory_space<hbm>> -> memref<64xf32, #tpu.memory_space<hbm>>
          %dma_start3A_448 = arith.constant 0 : i32
          %dma_start3A_449 = tpu.memref_slice %arg6[%dma_start3A_441, %add3A_440, %dma_start3A_448] : memref<4x128x64xf32, #tpu.memory_space<vmem>> -> memref<1x1x64xf32, #tpu.memory_space<vmem>>
          %dma_start3A_450 = tpu.memref_squeeze %dma_start3A_449 : memref<1x1x64xf32, #tpu.memory_space<vmem>> -> memref<64xf32, #tpu.memory_space<vmem>>
          %dma_start3A_451 = arith.constant 0 : i32
          %dma_start3A_452 = tpu.memref_slice %arg3[%shift_right_logical3A_434, %and3A_436, %dma_start3A_451] : memref<125000x8x64xf32, #tpu.memory_space<hbm>> -> memref<1x1x64xf32, #tpu.memory_space<hbm>>
          %dma_start3A_453 = tpu.memref_squeeze %dma_start3A_452 : memref<1x1x64xf32, #tpu.memory_space<hbm>> -> memref<64xf32, #tpu.memory_space<hbm>>
          tpu.enqueue_dma source(%dma_start3A_453 : memref<64xf32, #tpu.memory_space<hbm>>) target(%dma_start3A_450 : memref<64xf32, #tpu.memory_space<vmem>>) target_semaphore(%arg7 : memref<!tpu.dma_semaphore, #tpu.memory_space<semaphore_mem>>)
          %slice3A_454 = vector.extract_strided_slice %get3A_273 {offsets = [8], sizes = [1], strides = [1]} : vector<16xi32> to vector<1xi32>
          %squeeze3A_455 = vector.extract %slice3A_454[0] : i32 from vector<1xi32>
          %shift_right_logical3A_456 = arith.constant 3 : i32
          %shift_right_logical3A_457 = arith.shrui %squeeze3A_455, %shift_right_logical3A_456 : i32
          %and3A_458 = arith.constant 7 : i32
          %and3A_459 = arith.andi %squeeze3A_455, %and3A_458 : i32
          %mul3A_460 = arith.constant 16 : i32
          %mul3A_461 = arith.muli %scan3A_269, %mul3A_460 : i32
          %add3A_462 = arith.constant 8 : i32
          %add3A_463 = arith.addi %mul3A_461, %add3A_462 : i32
          %dma_start3A_464 = arith.constant 0 : i32
          %dma_start3A_465 = arith.constant 0 : i32
          %dma_start3A_466 = tpu.memref_slice %arg6[%dma_start3A_464, %add3A_463, %dma_start3A_465] : memref<4x128x64xf32, #tpu.memory_space<vmem>> -> memref<1x1x64xf32, #tpu.memory_space<vmem>>
          %dma_start3A_467 = tpu.memref_squeeze %dma_start3A_466 : memref<1x1x64xf32, #tpu.memory_space<vmem>> -> memref<64xf32, #tpu.memory_space<vmem>>
          %dma_start3A_468 = arith.constant 0 : i32
          %dma_start3A_469 = tpu.memref_slice %arg3[%shift_right_logical3A_457, %and3A_459, %dma_start3A_468] : memref<125000x8x64xf32, #tpu.memory_space<hbm>> -> memref<1x1x64xf32, #tpu.memory_space<hbm>>
          %dma_start3A_470 = tpu.memref_squeeze %dma_start3A_469 : memref<1x1x64xf32, #tpu.memory_space<hbm>> -> memref<64xf32, #tpu.memory_space<hbm>>
          %dma_start3A_471 = arith.constant 0 : i32
          %dma_start3A_472 = tpu.memref_slice %arg6[%dma_start3A_464, %add3A_463, %dma_start3A_471] : memref<4x128x64xf32, #tpu.memory_space<vmem>> -> memref<1x1x64xf32, #tpu.memory_space<vmem>>
          %dma_start3A_473 = tpu.memref_squeeze %dma_start3A_472 : memref<1x1x64xf32, #tpu.memory_space<vmem>> -> memref<64xf32, #tpu.memory_space<vmem>>
          %dma_start3A_474 = arith.constant 0 : i32
          %dma_start3A_475 = tpu.memref_slice %arg3[%shift_right_logical3A_457, %and3A_459, %dma_start3A_474] : memref<125000x8x64xf32, #tpu.memory_space<hbm>> -> memref<1x1x64xf32, #tpu.memory_space<hbm>>
          %dma_start3A_476 = tpu.memref_squeeze %dma_start3A_475 : memref<1x1x64xf32, #tpu.memory_space<hbm>> -> memref<64xf32, #tpu.memory_space<hbm>>
          tpu.enqueue_dma source(%dma_start3A_476 : memref<64xf32, #tpu.memory_space<hbm>>) target(%dma_start3A_473 : memref<64xf32, #tpu.memory_space<vmem>>) target_semaphore(%arg7 : memref<!tpu.dma_semaphore, #tpu.memory_space<semaphore_mem>>)
          %slice3A_477 = vector.extract_strided_slice %get3A_273 {offsets = [9], sizes = [1], strides = [1]} : vector<16xi32> to vector<1xi32>
          %squeeze3A_478 = vector.extract %slice3A_477[0] : i32 from vector<1xi32>
          %shift_right_logical3A_479 = arith.constant 3 : i32
          %shift_right_logical3A_480 = arith.shrui %squeeze3A_478, %shift_right_logical3A_479 : i32
          %and3A_481 = arith.constant 7 : i32
          %and3A_482 = arith.andi %squeeze3A_478, %and3A_481 : i32
          %mul3A_483 = arith.constant 16 : i32
          %mul3A_484 = arith.muli %scan3A_269, %mul3A_483 : i32
          %add3A_485 = arith.constant 9 : i32
          %add3A_486 = arith.addi %mul3A_484, %add3A_485 : i32
          %dma_start3A_487 = arith.constant 0 : i32
          %dma_start3A_488 = arith.constant 0 : i32
          %dma_start3A_489 = tpu.memref_slice %arg6[%dma_start3A_487, %add3A_486, %dma_start3A_488] : memref<4x128x64xf32, #tpu.memory_space<vmem>> -> memref<1x1x64xf32, #tpu.memory_space<vmem>>
          %dma_start3A_490 = tpu.memref_squeeze %dma_start3A_489 : memref<1x1x64xf32, #tpu.memory_space<vmem>> -> memref<64xf32, #tpu.memory_space<vmem>>
          %dma_start3A_491 = arith.constant 0 : i32
          %dma_start3A_492 = tpu.memref_slice %arg3[%shift_right_logical3A_480, %and3A_482, %dma_start3A_491] : memref<125000x8x64xf32, #tpu.memory_space<hbm>> -> memref<1x1x64xf32, #tpu.memory_space<hbm>>
          %dma_start3A_493 = tpu.memref_squeeze %dma_start3A_492 : memref<1x1x64xf32, #tpu.memory_space<hbm>> -> memref<64xf32, #tpu.memory_space<hbm>>
          %dma_start3A_494 = arith.constant 0 : i32
          %dma_start3A_495 = tpu.memref_slice %arg6[%dma_start3A_487, %add3A_486, %dma_start3A_494] : memref<4x128x64xf32, #tpu.memory_space<vmem>> -> memref<1x1x64xf32, #tpu.memory_space<vmem>>
          %dma_start3A_496 = tpu.memref_squeeze %dma_start3A_495 : memref<1x1x64xf32, #tpu.memory_space<vmem>> -> memref<64xf32, #tpu.memory_space<vmem>>
          %dma_start3A_497 = arith.constant 0 : i32
          %dma_start3A_498 = tpu.memref_slice %arg3[%shift_right_logical3A_480, %and3A_482, %dma_start3A_497] : memref<125000x8x64xf32, #tpu.memory_space<hbm>> -> memref<1x1x64xf32, #tpu.memory_space<hbm>>
          %dma_start3A_499 = tpu.memref_squeeze %dma_start3A_498 : memref<1x1x64xf32, #tpu.memory_space<hbm>> -> memref<64xf32, #tpu.memory_space<hbm>>
          tpu.enqueue_dma source(%dma_start3A_499 : memref<64xf32, #tpu.memory_space<hbm>>) target(%dma_start3A_496 : memref<64xf32, #tpu.memory_space<vmem>>) target_semaphore(%arg7 : memref<!tpu.dma_semaphore, #tpu.memory_space<semaphore_mem>>)
          %slice3A_500 = vector.extract_strided_slice %get3A_273 {offsets = [10], sizes = [1], strides = [1]} : vector<16xi32> to vector<1xi32>
          %squeeze3A_501 = vector.extract %slice3A_500[0] : i32 from vector<1xi32>
          %shift_right_logical3A_502 = arith.constant 3 : i32
          %shift_right_logical3A_503 = arith.shrui %squeeze3A_501, %shift_right_logical3A_502 : i32
          %and3A_504 = arith.constant 7 : i32
          %and3A_505 = arith.andi %squeeze3A_501, %and3A_504 : i32
          %mul3A_506 = arith.constant 16 : i32
          %mul3A_507 = arith.muli %scan3A_269, %mul3A_506 : i32
          %add3A_508 = arith.constant 10 : i32
          %add3A_509 = arith.addi %mul3A_507, %add3A_508 : i32
          %dma_start3A_510 = arith.constant 0 : i32
          %dma_start3A_511 = arith.constant 0 : i32
          %dma_start3A_512 = tpu.memref_slice %arg6[%dma_start3A_510, %add3A_509, %dma_start3A_511] : memref<4x128x64xf32, #tpu.memory_space<vmem>> -> memref<1x1x64xf32, #tpu.memory_space<vmem>>
          %dma_start3A_513 = tpu.memref_squeeze %dma_start3A_512 : memref<1x1x64xf32, #tpu.memory_space<vmem>> -> memref<64xf32, #tpu.memory_space<vmem>>
          %dma_start3A_514 = arith.constant 0 : i32
          %dma_start3A_515 = tpu.memref_slice %arg3[%shift_right_logical3A_503, %and3A_505, %dma_start3A_514] : memref<125000x8x64xf32, #tpu.memory_space<hbm>> -> memref<1x1x64xf32, #tpu.memory_space<hbm>>
          %dma_start3A_516 = tpu.memref_squeeze %dma_start3A_515 : memref<1x1x64xf32, #tpu.memory_space<hbm>> -> memref<64xf32, #tpu.memory_space<hbm>>
          %dma_start3A_517 = arith.constant 0 : i32
          %dma_start3A_518 = tpu.memref_slice %arg6[%dma_start3A_510, %add3A_509, %dma_start3A_517] : memref<4x128x64xf32, #tpu.memory_space<vmem>> -> memref<1x1x64xf32, #tpu.memory_space<vmem>>
          %dma_start3A_519 = tpu.memref_squeeze %dma_start3A_518 : memref<1x1x64xf32, #tpu.memory_space<vmem>> -> memref<64xf32, #tpu.memory_space<vmem>>
          %dma_start3A_520 = arith.constant 0 : i32
          %dma_start3A_521 = tpu.memref_slice %arg3[%shift_right_logical3A_503, %and3A_505, %dma_start3A_520] : memref<125000x8x64xf32, #tpu.memory_space<hbm>> -> memref<1x1x64xf32, #tpu.memory_space<hbm>>
          %dma_start3A_522 = tpu.memref_squeeze %dma_start3A_521 : memref<1x1x64xf32, #tpu.memory_space<hbm>> -> memref<64xf32, #tpu.memory_space<hbm>>
          tpu.enqueue_dma source(%dma_start3A_522 : memref<64xf32, #tpu.memory_space<hbm>>) target(%dma_start3A_519 : memref<64xf32, #tpu.memory_space<vmem>>) target_semaphore(%arg7 : memref<!tpu.dma_semaphore, #tpu.memory_space<semaphore_mem>>)
          %slice3A_523 = vector.extract_strided_slice %get3A_273 {offsets = [11], sizes = [1], strides = [1]} : vector<16xi32> to vector<1xi32>
          %squeeze3A_524 = vector.extract %slice3A_523[0] : i32 from vector<1xi32>
          %shift_right_logical3A_525 = arith.constant 3 : i32
          %shift_right_logical3A_526 = arith.shrui %squeeze3A_524, %shift_right_logical3A_525 : i32
          %and3A_527 = arith.constant 7 : i32
          %and3A_528 = arith.andi %squeeze3A_524, %and3A_527 : i32
          %mul3A_529 = arith.constant 16 : i32
          %mul3A_530 = arith.muli %scan3A_269, %mul3A_529 : i32
          %add3A_531 = arith.constant 11 : i32
          %add3A_532 = arith.addi %mul3A_530, %add3A_531 : i32
          %dma_start3A_533 = arith.constant 0 : i32
          %dma_start3A_534 = arith.constant 0 : i32
          %dma_start3A_535 = tpu.memref_slice %arg6[%dma_start3A_533, %add3A_532, %dma_start3A_534] : memref<4x128x64xf32, #tpu.memory_space<vmem>> -> memref<1x1x64xf32, #tpu.memory_space<vmem>>
          %dma_start3A_536 = tpu.memref_squeeze %dma_start3A_535 : memref<1x1x64xf32, #tpu.memory_space<vmem>> -> memref<64xf32, #tpu.memory_space<vmem>>
          %dma_start3A_537 = arith.constant 0 : i32
          %dma_start3A_538 = tpu.memref_slice %arg3[%shift_right_logical3A_526, %and3A_528, %dma_start3A_537] : memref<125000x8x64xf32, #tpu.memory_space<hbm>> -> memref<1x1x64xf32, #tpu.memory_space<hbm>>
          %dma_start3A_539 = tpu.memref_squeeze %dma_start3A_538 : memref<1x1x64xf32, #tpu.memory_space<hbm>> -> memref<64xf32, #tpu.memory_space<hbm>>
          %dma_start3A_540 = arith.constant 0 : i32
          %dma_start3A_541 = tpu.memref_slice %arg6[%dma_start3A_533, %add3A_532, %dma_start3A_540] : memref<4x128x64xf32, #tpu.memory_space<vmem>> -> memref<1x1x64xf32, #tpu.memory_space<vmem>>
          %dma_start3A_542 = tpu.memref_squeeze %dma_start3A_541 : memref<1x1x64xf32, #tpu.memory_space<vmem>> -> memref<64xf32, #tpu.memory_space<vmem>>
          %dma_start3A_543 = arith.constant 0 : i32
          %dma_start3A_544 = tpu.memref_slice %arg3[%shift_right_logical3A_526, %and3A_528, %dma_start3A_543] : memref<125000x8x64xf32, #tpu.memory_space<hbm>> -> memref<1x1x64xf32, #tpu.memory_space<hbm>>
          %dma_start3A_545 = tpu.memref_squeeze %dma_start3A_544 : memref<1x1x64xf32, #tpu.memory_space<hbm>> -> memref<64xf32, #tpu.memory_space<hbm>>
          tpu.enqueue_dma source(%dma_start3A_545 : memref<64xf32, #tpu.memory_space<hbm>>) target(%dma_start3A_542 : memref<64xf32, #tpu.memory_space<vmem>>) target_semaphore(%arg7 : memref<!tpu.dma_semaphore, #tpu.memory_space<semaphore_mem>>)
          %slice3A_546 = vector.extract_strided_slice %get3A_273 {offsets = [12], sizes = [1], strides = [1]} : vector<16xi32> to vector<1xi32>
          %squeeze3A_547 = vector.extract %slice3A_546[0] : i32 from vector<1xi32>
          %shift_right_logical3A_548 = arith.constant 3 : i32
          %shift_right_logical3A_549 = arith.shrui %squeeze3A_547, %shift_right_logical3A_548 : i32
          %and3A_550 = arith.constant 7 : i32
          %and3A_551 = arith.andi %squeeze3A_547, %and3A_550 : i32
          %mul3A_552 = arith.constant 16 : i32
          %mul3A_553 = arith.muli %scan3A_269, %mul3A_552 : i32
          %add3A_554 = arith.constant 12 : i32
          %add3A_555 = arith.addi %mul3A_553, %add3A_554 : i32
          %dma_start3A_556 = arith.constant 0 : i32
          %dma_start3A_557 = arith.constant 0 : i32
          %dma_start3A_558 = tpu.memref_slice %arg6[%dma_start3A_556, %add3A_555, %dma_start3A_557] : memref<4x128x64xf32, #tpu.memory_space<vmem>> -> memref<1x1x64xf32, #tpu.memory_space<vmem>>
          %dma_start3A_559 = tpu.memref_squeeze %dma_start3A_558 : memref<1x1x64xf32, #tpu.memory_space<vmem>> -> memref<64xf32, #tpu.memory_space<vmem>>
          %dma_start3A_560 = arith.constant 0 : i32
          %dma_start3A_561 = tpu.memref_slice %arg3[%shift_right_logical3A_549, %and3A_551, %dma_start3A_560] : memref<125000x8x64xf32, #tpu.memory_space<hbm>> -> memref<1x1x64xf32, #tpu.memory_space<hbm>>
          %dma_start3A_562 = tpu.memref_squeeze %dma_start3A_561 : memref<1x1x64xf32, #tpu.memory_space<hbm>> -> memref<64xf32, #tpu.memory_space<hbm>>
          %dma_start3A_563 = arith.constant 0 : i32
          %dma_start3A_564 = tpu.memref_slice %arg6[%dma_start3A_556, %add3A_555, %dma_start3A_563] : memref<4x128x64xf32, #tpu.memory_space<vmem>> -> memref<1x1x64xf32, #tpu.memory_space<vmem>>
          %dma_start3A_565 = tpu.memref_squeeze %dma_start3A_564 : memref<1x1x64xf32, #tpu.memory_space<vmem>> -> memref<64xf32, #tpu.memory_space<vmem>>
          %dma_start3A_566 = arith.constant 0 : i32
          %dma_start3A_567 = tpu.memref_slice %arg3[%shift_right_logical3A_549, %and3A_551, %dma_start3A_566] : memref<125000x8x64xf32, #tpu.memory_space<hbm>> -> memref<1x1x64xf32, #tpu.memory_space<hbm>>
          %dma_start3A_568 = tpu.memref_squeeze %dma_start3A_567 : memref<1x1x64xf32, #tpu.memory_space<hbm>> -> memref<64xf32, #tpu.memory_space<hbm>>
          tpu.enqueue_dma source(%dma_start3A_568 : memref<64xf32, #tpu.memory_space<hbm>>) target(%dma_start3A_565 : memref<64xf32, #tpu.memory_space<vmem>>) target_semaphore(%arg7 : memref<!tpu.dma_semaphore, #tpu.memory_space<semaphore_mem>>)
          %slice3A_569 = vector.extract_strided_slice %get3A_273 {offsets = [13], sizes = [1], strides = [1]} : vector<16xi32> to vector<1xi32>
          %squeeze3A_570 = vector.extract %slice3A_569[0] : i32 from vector<1xi32>
          %shift_right_logical3A_571 = arith.constant 3 : i32
          %shift_right_logical3A_572 = arith.shrui %squeeze3A_570, %shift_right_logical3A_571 : i32
          %and3A_573 = arith.constant 7 : i32
          %and3A_574 = arith.andi %squeeze3A_570, %and3A_573 : i32
          %mul3A_575 = arith.constant 16 : i32
          %mul3A_576 = arith.muli %scan3A_269, %mul3A_575 : i32
          %add3A_577 = arith.constant 13 : i32
          %add3A_578 = arith.addi %mul3A_576, %add3A_577 : i32
          %dma_start3A_579 = arith.constant 0 : i32
          %dma_start3A_580 = arith.constant 0 : i32
          %dma_start3A_581 = tpu.memref_slice %arg6[%dma_start3A_579, %add3A_578, %dma_start3A_580] : memref<4x128x64xf32, #tpu.memory_space<vmem>> -> memref<1x1x64xf32, #tpu.memory_space<vmem>>
          %dma_start3A_582 = tpu.memref_squeeze %dma_start3A_581 : memref<1x1x64xf32, #tpu.memory_space<vmem>> -> memref<64xf32, #tpu.memory_space<vmem>>
          %dma_start3A_583 = arith.constant 0 : i32
          %dma_start3A_584 = tpu.memref_slice %arg3[%shift_right_logical3A_572, %and3A_574, %dma_start3A_583] : memref<125000x8x64xf32, #tpu.memory_space<hbm>> -> memref<1x1x64xf32, #tpu.memory_space<hbm>>
          %dma_start3A_585 = tpu.memref_squeeze %dma_start3A_584 : memref<1x1x64xf32, #tpu.memory_space<hbm>> -> memref<64xf32, #tpu.memory_space<hbm>>
          %dma_start3A_586 = arith.constant 0 : i32
          %dma_start3A_587 = tpu.memref_slice %arg6[%dma_start3A_579, %add3A_578, %dma_start3A_586] : memref<4x128x64xf32, #tpu.memory_space<vmem>> -> memref<1x1x64xf32, #tpu.memory_space<vmem>>
          %dma_start3A_588 = tpu.memref_squeeze %dma_start3A_587 : memref<1x1x64xf32, #tpu.memory_space<vmem>> -> memref<64xf32, #tpu.memory_space<vmem>>
          %dma_start3A_589 = arith.constant 0 : i32
          %dma_start3A_590 = tpu.memref_slice %arg3[%shift_right_logical3A_572, %and3A_574, %dma_start3A_589] : memref<125000x8x64xf32, #tpu.memory_space<hbm>> -> memref<1x1x64xf32, #tpu.memory_space<hbm>>
          %dma_start3A_591 = tpu.memref_squeeze %dma_start3A_590 : memref<1x1x64xf32, #tpu.memory_space<hbm>> -> memref<64xf32, #tpu.memory_space<hbm>>
          tpu.enqueue_dma source(%dma_start3A_591 : memref<64xf32, #tpu.memory_space<hbm>>) target(%dma_start3A_588 : memref<64xf32, #tpu.memory_space<vmem>>) target_semaphore(%arg7 : memref<!tpu.dma_semaphore, #tpu.memory_space<semaphore_mem>>)
          %slice3A_592 = vector.extract_strided_slice %get3A_273 {offsets = [14], sizes = [1], strides = [1]} : vector<16xi32> to vector<1xi32>
          %squeeze3A_593 = vector.extract %slice3A_592[0] : i32 from vector<1xi32>
          %shift_right_logical3A_594 = arith.constant 3 : i32
          %shift_right_logical3A_595 = arith.shrui %squeeze3A_593, %shift_right_logical3A_594 : i32
          %and3A_596 = arith.constant 7 : i32
          %and3A_597 = arith.andi %squeeze3A_593, %and3A_596 : i32
          %mul3A_598 = arith.constant 16 : i32
          %mul3A_599 = arith.muli %scan3A_269, %mul3A_598 : i32
          %add3A_600 = arith.constant 14 : i32
          %add3A_601 = arith.addi %mul3A_599, %add3A_600 : i32
          %dma_start3A_602 = arith.constant 0 : i32
          %dma_start3A_603 = arith.constant 0 : i32
          %dma_start3A_604 = tpu.memref_slice %arg6[%dma_start3A_602, %add3A_601, %dma_start3A_603] : memref<4x128x64xf32, #tpu.memory_space<vmem>> -> memref<1x1x64xf32, #tpu.memory_space<vmem>>
          %dma_start3A_605 = tpu.memref_squeeze %dma_start3A_604 : memref<1x1x64xf32, #tpu.memory_space<vmem>> -> memref<64xf32, #tpu.memory_space<vmem>>
          %dma_start3A_606 = arith.constant 0 : i32
          %dma_start3A_607 = tpu.memref_slice %arg3[%shift_right_logical3A_595, %and3A_597, %dma_start3A_606] : memref<125000x8x64xf32, #tpu.memory_space<hbm>> -> memref<1x1x64xf32, #tpu.memory_space<hbm>>
          %dma_start3A_608 = tpu.memref_squeeze %dma_start3A_607 : memref<1x1x64xf32, #tpu.memory_space<hbm>> -> memref<64xf32, #tpu.memory_space<hbm>>
          %dma_start3A_609 = arith.constant 0 : i32
          %dma_start3A_610 = tpu.memref_slice %arg6[%dma_start3A_602, %add3A_601, %dma_start3A_609] : memref<4x128x64xf32, #tpu.memory_space<vmem>> -> memref<1x1x64xf32, #tpu.memory_space<vmem>>
          %dma_start3A_611 = tpu.memref_squeeze %dma_start3A_610 : memref<1x1x64xf32, #tpu.memory_space<vmem>> -> memref<64xf32, #tpu.memory_space<vmem>>
          %dma_start3A_612 = arith.constant 0 : i32
          %dma_start3A_613 = tpu.memref_slice %arg3[%shift_right_logical3A_595, %and3A_597, %dma_start3A_612] : memref<125000x8x64xf32, #tpu.memory_space<hbm>> -> memref<1x1x64xf32, #tpu.memory_space<hbm>>
          %dma_start3A_614 = tpu.memref_squeeze %dma_start3A_613 : memref<1x1x64xf32, #tpu.memory_space<hbm>> -> memref<64xf32, #tpu.memory_space<hbm>>
          tpu.enqueue_dma source(%dma_start3A_614 : memref<64xf32, #tpu.memory_space<hbm>>) target(%dma_start3A_611 : memref<64xf32, #tpu.memory_space<vmem>>) target_semaphore(%arg7 : memref<!tpu.dma_semaphore, #tpu.memory_space<semaphore_mem>>)
          %slice3A_615 = vector.extract_strided_slice %get3A_273 {offsets = [15], sizes = [1], strides = [1]} : vector<16xi32> to vector<1xi32>
          %squeeze3A_616 = vector.extract %slice3A_615[0] : i32 from vector<1xi32>
          %shift_right_logical3A_617 = arith.constant 3 : i32
          %shift_right_logical3A_618 = arith.shrui %squeeze3A_616, %shift_right_logical3A_617 : i32
          %and3A_619 = arith.constant 7 : i32
          %and3A_620 = arith.andi %squeeze3A_616, %and3A_619 : i32
          %mul3A_621 = arith.constant 16 : i32
          %mul3A_622 = arith.muli %scan3A_269, %mul3A_621 : i32
          %add3A_623 = arith.constant 15 : i32
          %add3A_624 = arith.addi %mul3A_622, %add3A_623 : i32
          %dma_start3A_625 = arith.constant 0 : i32
          %dma_start3A_626 = arith.constant 0 : i32
          %dma_start3A_627 = tpu.memref_slice %arg6[%dma_start3A_625, %add3A_624, %dma_start3A_626] : memref<4x128x64xf32, #tpu.memory_space<vmem>> -> memref<1x1x64xf32, #tpu.memory_space<vmem>>
          %dma_start3A_628 = tpu.memref_squeeze %dma_start3A_627 : memref<1x1x64xf32, #tpu.memory_space<vmem>> -> memref<64xf32, #tpu.memory_space<vmem>>
          %dma_start3A_629 = arith.constant 0 : i32
          %dma_start3A_630 = tpu.memref_slice %arg3[%shift_right_logical3A_618, %and3A_620, %dma_start3A_629] : memref<125000x8x64xf32, #tpu.memory_space<hbm>> -> memref<1x1x64xf32, #tpu.memory_space<hbm>>
          %dma_start3A_631 = tpu.memref_squeeze %dma_start3A_630 : memref<1x1x64xf32, #tpu.memory_space<hbm>> -> memref<64xf32, #tpu.memory_space<hbm>>
          %dma_start3A_632 = arith.constant 0 : i32
          %dma_start3A_633 = tpu.memref_slice %arg6[%dma_start3A_625, %add3A_624, %dma_start3A_632] : memref<4x128x64xf32, #tpu.memory_space<vmem>> -> memref<1x1x64xf32, #tpu.memory_space<vmem>>
          %dma_start3A_634 = tpu.memref_squeeze %dma_start3A_633 : memref<1x1x64xf32, #tpu.memory_space<vmem>> -> memref<64xf32, #tpu.memory_space<vmem>>
          %dma_start3A_635 = arith.constant 0 : i32
          %dma_start3A_636 = tpu.memref_slice %arg3[%shift_right_logical3A_618, %and3A_620, %dma_start3A_635] : memref<125000x8x64xf32, #tpu.memory_space<hbm>> -> memref<1x1x64xf32, #tpu.memory_space<hbm>>
          %dma_start3A_637 = tpu.memref_squeeze %dma_start3A_636 : memref<1x1x64xf32, #tpu.memory_space<hbm>> -> memref<64xf32, #tpu.memory_space<hbm>>
          tpu.enqueue_dma source(%dma_start3A_637 : memref<64xf32, #tpu.memory_space<hbm>>) target(%dma_start3A_634 : memref<64xf32, #tpu.memory_space<vmem>>) target_semaphore(%arg7 : memref<!tpu.dma_semaphore, #tpu.memory_space<semaphore_mem>>)
        }
        %scan3A_268 = arith.constant 8 : i32
      } else {
      }
      %mul3A_130 = arith.constant 4 : i32
      %mul3A_131 = arith.muli %scan3A_93, %mul3A_130 : i32
      %add3A_132 = arith.constant 1 : i32
      %add3A_133 = arith.addi %mul3A_131, %add3A_132 : i32
      %mul3A_134 = arith.constant 128 : i32
      %mul3A_135 = arith.muli %add3A_133, %mul3A_134 : i32
      %add3A_136 = arith.addi %mul3A_4, %mul3A_135 : i32
      %dma_wait3A_137 = arith.constant 1 : i32
      %dma_wait3A_138 = arith.constant 0 : i32
      %dma_wait3A_139 = arith.constant 0 : i32
      %dma_wait3A_140 = tpu.memref_slice %arg6[%dma_wait3A_137, %dma_wait3A_138, %dma_wait3A_139] : memref<4x128x64xf32, #tpu.memory_space<vmem>> -> memref<1x128x64xf32, #tpu.memory_space<vmem>>
      %dma_wait3A_141 = tpu.memref_squeeze %dma_wait3A_140 : memref<1x128x64xf32, #tpu.memory_space<vmem>> -> memref<128x64xf32, #tpu.memory_space<vmem>>
      %dma_wait3A_142 = arith.constant 0 : i32
      %dma_wait3A_143 = tpu.memref_slice %arg4[%add3A_136, %dma_wait3A_142] : memref<819200x64xf32, #tpu.memory_space<hbm>> -> memref<128x64xf32, #tpu.memory_space<hbm>>
      %dma_wait3A_144 = arith.constant 0 : i32
      %dma_wait3A_145 = arith.constant 0 : i32
      %dma_wait3A_146 = tpu.memref_slice %arg6[%dma_wait3A_137, %dma_wait3A_144, %dma_wait3A_145] : memref<4x128x64xf32, #tpu.memory_space<vmem>> -> memref<1x128x64xf32, #tpu.memory_space<vmem>>
      %dma_wait3A_147 = tpu.memref_squeeze %dma_wait3A_146 : memref<1x128x64xf32, #tpu.memory_space<vmem>> -> memref<128x64xf32, #tpu.memory_space<vmem>>
      %dma_wait3A_148 = arith.constant 0 : i32
      %dma_wait3A_149 = tpu.memref_slice %arg4[%add3A_136, %dma_wait3A_148] : memref<819200x64xf32, #tpu.memory_space<hbm>> -> memref<128x64xf32, #tpu.memory_space<hbm>>
      tpu.wait_dma2 semaphore(%arg8 : memref<!tpu.dma_semaphore, #tpu.memory_space<semaphore_mem>>) src(%dma_wait3A_149 : memref<128x64xf32, #tpu.memory_space<hbm>>) dst(%dma_wait3A_147 : memref<128x64xf32, #tpu.memory_space<vmem>>)
      %dma_start3A_150 = arith.constant 1 : i32
      %dma_start3A_151 = arith.constant 0 : i32
      %dma_start3A_152 = arith.constant 0 : i32
      %dma_start3A_153 = tpu.memref_slice %arg6[%dma_start3A_150, %dma_start3A_151, %dma_start3A_152] : memref<4x128x64xf32, #tpu.memory_space<vmem>> -> memref<1x128x64xf32, #tpu.memory_space<vmem>>
      %dma_start3A_154 = tpu.memref_squeeze %dma_start3A_153 : memref<1x128x64xf32, #tpu.memory_space<vmem>> -> memref<128x64xf32, #tpu.memory_space<vmem>>
      %dma_start3A_155 = arith.constant 0 : i32
      %dma_start3A_156 = tpu.memref_slice %arg4[%add3A_136, %dma_start3A_155] : memref<819200x64xf32, #tpu.memory_space<hbm>> -> memref<128x64xf32, #tpu.memory_space<hbm>>
      %dma_start3A_157 = arith.constant 0 : i32
      %dma_start3A_158 = tpu.memref_slice %arg4[%add3A_136, %dma_start3A_157] : memref<819200x64xf32, #tpu.memory_space<hbm>> -> memref<128x64xf32, #tpu.memory_space<hbm>>
      %dma_start3A_159 = arith.constant 0 : i32
      %dma_start3A_160 = arith.constant 0 : i32
      %dma_start3A_161 = tpu.memref_slice %arg6[%dma_start3A_150, %dma_start3A_159, %dma_start3A_160] : memref<4x128x64xf32, #tpu.memory_space<vmem>> -> memref<1x128x64xf32, #tpu.memory_space<vmem>>
      %dma_start3A_162 = tpu.memref_squeeze %dma_start3A_161 : memref<1x128x64xf32, #tpu.memory_space<vmem>> -> memref<128x64xf32, #tpu.memory_space<vmem>>
      tpu.enqueue_dma source(%dma_start3A_162 : memref<128x64xf32, #tpu.memory_space<vmem>>) target(%dma_start3A_158 : memref<128x64xf32, #tpu.memory_space<hbm>>) target_semaphore(%arg12 : memref<!tpu.dma_semaphore, #tpu.memory_space<semaphore_mem>>)
      %add3A_163 = arith.constant 4 : i32
      %add3A_164 = arith.addi %add3A_133, %add3A_163 : i32
      %lt3A_165 = arith.constant 200 : i32
      %lt3A_166 = arith.cmpi slt, %add3A_164, %lt3A_165 : i32
      %convert_element_type3A_167 = arith.extui %lt3A_166 : i1 to i32
      %cond3A_168 = arith.constant 0 : i32
      %cond3A_169 = arith.cmpi ne, %convert_element_type3A_167, %cond3A_168 : i32
      scf.if %cond3A_169 {
        %dma_wait3A_250 = arith.constant 1 : i32
        %dma_wait3A_251 = arith.constant 0 : i32
        %dma_wait3A_252 = arith.constant 0 : i32
        %dma_wait3A_253 = tpu.memref_slice %arg6[%dma_wait3A_250, %dma_wait3A_251, %dma_wait3A_252] : memref<4x128x64xf32, #tpu.memory_space<vmem>> -> memref<1x128x64xf32, #tpu.memory_space<vmem>>
        %dma_wait3A_254 = tpu.memref_squeeze %dma_wait3A_253 : memref<1x128x64xf32, #tpu.memory_space<vmem>> -> memref<128x64xf32, #tpu.memory_space<vmem>>
        %dma_wait3A_255 = arith.constant 0 : i32
        %dma_wait3A_256 = tpu.memref_slice %arg4[%add3A_136, %dma_wait3A_255] : memref<819200x64xf32, #tpu.memory_space<hbm>> -> memref<128x64xf32, #tpu.memory_space<hbm>>
        %dma_wait3A_257 = arith.constant 0 : i32
        %dma_wait3A_258 = tpu.memref_slice %arg4[%add3A_136, %dma_wait3A_257] : memref<819200x64xf32, #tpu.memory_space<hbm>> -> memref<128x64xf32, #tpu.memory_space<hbm>>
        %dma_wait3A_259 = arith.constant 0 : i32
        %dma_wait3A_260 = arith.constant 0 : i32
        %dma_wait3A_261 = tpu.memref_slice %arg6[%dma_wait3A_250, %dma_wait3A_259, %dma_wait3A_260] : memref<4x128x64xf32, #tpu.memory_space<vmem>> -> memref<1x128x64xf32, #tpu.memory_space<vmem>>
        %dma_wait3A_262 = tpu.memref_squeeze %dma_wait3A_261 : memref<1x128x64xf32, #tpu.memory_space<vmem>> -> memref<128x64xf32, #tpu.memory_space<vmem>>
        tpu.wait_dma2 semaphore(%arg12 : memref<!tpu.dma_semaphore, #tpu.memory_space<semaphore_mem>>) src(%dma_wait3A_262 : memref<128x64xf32, #tpu.memory_space<vmem>>) dst(%dma_wait3A_258 : memref<128x64xf32, #tpu.memory_space<hbm>>)
        %scan3A_263 = arith.constant 0 : i32
        %scan3A_264 = arith.constant 0 : i32
        %scan3A_265 = arith.constant 8 : i32
        %scan3A_266 = arith.addi %scan3A_264, %scan3A_265 : i32
        %scan3A_267 = arith.constant 1 : i32
        scf.for %scan3A_269 = %scan3A_264 to %scan3A_266 step %scan3A_267  : i32 {
          %mul3A_270 = arith.constant 16 : i32
          %mul3A_271 = arith.muli %scan3A_269, %mul3A_270 : i32
          %get3A = arith.index_cast %add3A_164 : i32 to index
          %get3A_272 = arith.index_cast %mul3A_271 : i32 to index
          %get3A_273 = tpu.vector_load %arg5[%get3A, %get3A_272] {strides = array<i32>} : memref<200x128xi32, #tpu.memory_space<vmem>>, vector<16xi32>,
          %slice3A = vector.extract_strided_slice %get3A_273 {offsets = [0], sizes = [1], strides = [1]} : vector<16xi32> to vector<1xi32>
          %squeeze3A = vector.extract %slice3A[0] : i32 from vector<1xi32>
          %shift_right_logical3A = arith.constant 3 : i32
          %shift_right_logical3A_274 = arith.shrui %squeeze3A, %shift_right_logical3A : i32
          %and3A = arith.constant 7 : i32
          %and3A_275 = arith.andi %squeeze3A, %and3A : i32
          %mul3A_276 = arith.constant 16 : i32
          %mul3A_277 = arith.muli %scan3A_269, %mul3A_276 : i32
          %add3A_278 = arith.constant 0 : i32
          %add3A_279 = arith.addi %mul3A_277, %add3A_278 : i32
          %dma_start3A_280 = arith.constant 1 : i32
          %dma_start3A_281 = arith.constant 0 : i32
          %dma_start3A_282 = tpu.memref_slice %arg6[%dma_start3A_280, %add3A_279, %dma_start3A_281] : memref<4x128x64xf32, #tpu.memory_space<vmem>> -> memref<1x1x64xf32, #tpu.memory_space<vmem>>
          %dma_start3A_283 = tpu.memref_squeeze %dma_start3A_282 : memref<1x1x64xf32, #tpu.memory_space<vmem>> -> memref<64xf32, #tpu.memory_space<vmem>>
          %dma_start3A_284 = arith.constant 0 : i32
          %dma_start3A_285 = tpu.memref_slice %arg3[%shift_right_logical3A_274, %and3A_275, %dma_start3A_284] : memref<125000x8x64xf32, #tpu.memory_space<hbm>> -> memref<1x1x64xf32, #tpu.memory_space<hbm>>
          %dma_start3A_286 = tpu.memref_squeeze %dma_start3A_285 : memref<1x1x64xf32, #tpu.memory_space<hbm>> -> memref<64xf32, #tpu.memory_space<hbm>>
          %dma_start3A_287 = arith.constant 0 : i32
          %dma_start3A_288 = tpu.memref_slice %arg6[%dma_start3A_280, %add3A_279, %dma_start3A_287] : memref<4x128x64xf32, #tpu.memory_space<vmem>> -> memref<1x1x64xf32, #tpu.memory_space<vmem>>
          %dma_start3A_289 = tpu.memref_squeeze %dma_start3A_288 : memref<1x1x64xf32, #tpu.memory_space<vmem>> -> memref<64xf32, #tpu.memory_space<vmem>>
          %dma_start3A_290 = arith.constant 0 : i32
          %dma_start3A_291 = tpu.memref_slice %arg3[%shift_right_logical3A_274, %and3A_275, %dma_start3A_290] : memref<125000x8x64xf32, #tpu.memory_space<hbm>> -> memref<1x1x64xf32, #tpu.memory_space<hbm>>
          %dma_start3A_292 = tpu.memref_squeeze %dma_start3A_291 : memref<1x1x64xf32, #tpu.memory_space<hbm>> -> memref<64xf32, #tpu.memory_space<hbm>>
          tpu.enqueue_dma source(%dma_start3A_292 : memref<64xf32, #tpu.memory_space<hbm>>) target(%dma_start3A_289 : memref<64xf32, #tpu.memory_space<vmem>>) target_semaphore(%arg8 : memref<!tpu.dma_semaphore, #tpu.memory_space<semaphore_mem>>)
          %slice3A_293 = vector.extract_strided_slice %get3A_273 {offsets = [1], sizes = [1], strides = [1]} : vector<16xi32> to vector<1xi32>
          %squeeze3A_294 = vector.extract %slice3A_293[0] : i32 from vector<1xi32>
          %shift_right_logical3A_295 = arith.constant 3 : i32
          %shift_right_logical3A_296 = arith.shrui %squeeze3A_294, %shift_right_logical3A_295 : i32
          %and3A_297 = arith.constant 7 : i32
          %and3A_298 = arith.andi %squeeze3A_294, %and3A_297 : i32
          %mul3A_299 = arith.constant 16 : i32
          %mul3A_300 = arith.muli %scan3A_269, %mul3A_299 : i32
          %add3A_301 = arith.constant 1 : i32
          %add3A_302 = arith.addi %mul3A_300, %add3A_301 : i32
          %dma_start3A_303 = arith.constant 1 : i32
          %dma_start3A_304 = arith.constant 0 : i32
          %dma_start3A_305 = tpu.memref_slice %arg6[%dma_start3A_303, %add3A_302, %dma_start3A_304] : memref<4x128x64xf32, #tpu.memory_space<vmem>> -> memref<1x1x64xf32, #tpu.memory_space<vmem>>
          %dma_start3A_306 = tpu.memref_squeeze %dma_start3A_305 : memref<1x1x64xf32, #tpu.memory_space<vmem>> -> memref<64xf32, #tpu.memory_space<vmem>>
          %dma_start3A_307 = arith.constant 0 : i32
          %dma_start3A_308 = tpu.memref_slice %arg3[%shift_right_logical3A_296, %and3A_298, %dma_start3A_307] : memref<125000x8x64xf32, #tpu.memory_space<hbm>> -> memref<1x1x64xf32, #tpu.memory_space<hbm>>
          %dma_start3A_309 = tpu.memref_squeeze %dma_start3A_308 : memref<1x1x64xf32, #tpu.memory_space<hbm>> -> memref<64xf32, #tpu.memory_space<hbm>>
          %dma_start3A_310 = arith.constant 0 : i32
          %dma_start3A_311 = tpu.memref_slice %arg6[%dma_start3A_303, %add3A_302, %dma_start3A_310] : memref<4x128x64xf32, #tpu.memory_space<vmem>> -> memref<1x1x64xf32, #tpu.memory_space<vmem>>
          %dma_start3A_312 = tpu.memref_squeeze %dma_start3A_311 : memref<1x1x64xf32, #tpu.memory_space<vmem>> -> memref<64xf32, #tpu.memory_space<vmem>>
          %dma_start3A_313 = arith.constant 0 : i32
          %dma_start3A_314 = tpu.memref_slice %arg3[%shift_right_logical3A_296, %and3A_298, %dma_start3A_313] : memref<125000x8x64xf32, #tpu.memory_space<hbm>> -> memref<1x1x64xf32, #tpu.memory_space<hbm>>
          %dma_start3A_315 = tpu.memref_squeeze %dma_start3A_314 : memref<1x1x64xf32, #tpu.memory_space<hbm>> -> memref<64xf32, #tpu.memory_space<hbm>>
          tpu.enqueue_dma source(%dma_start3A_315 : memref<64xf32, #tpu.memory_space<hbm>>) target(%dma_start3A_312 : memref<64xf32, #tpu.memory_space<vmem>>) target_semaphore(%arg8 : memref<!tpu.dma_semaphore, #tpu.memory_space<semaphore_mem>>)
          %slice3A_316 = vector.extract_strided_slice %get3A_273 {offsets = [2], sizes = [1], strides = [1]} : vector<16xi32> to vector<1xi32>
          %squeeze3A_317 = vector.extract %slice3A_316[0] : i32 from vector<1xi32>
          %shift_right_logical3A_318 = arith.constant 3 : i32
          %shift_right_logical3A_319 = arith.shrui %squeeze3A_317, %shift_right_logical3A_318 : i32
          %and3A_320 = arith.constant 7 : i32
          %and3A_321 = arith.andi %squeeze3A_317, %and3A_320 : i32
          %mul3A_322 = arith.constant 16 : i32
          %mul3A_323 = arith.muli %scan3A_269, %mul3A_322 : i32
          %add3A_324 = arith.constant 2 : i32
          %add3A_325 = arith.addi %mul3A_323, %add3A_324 : i32
          %dma_start3A_326 = arith.constant 1 : i32
          %dma_start3A_327 = arith.constant 0 : i32
          %dma_start3A_328 = tpu.memref_slice %arg6[%dma_start3A_326, %add3A_325, %dma_start3A_327] : memref<4x128x64xf32, #tpu.memory_space<vmem>> -> memref<1x1x64xf32, #tpu.memory_space<vmem>>
          %dma_start3A_329 = tpu.memref_squeeze %dma_start3A_328 : memref<1x1x64xf32, #tpu.memory_space<vmem>> -> memref<64xf32, #tpu.memory_space<vmem>>
          %dma_start3A_330 = arith.constant 0 : i32
          %dma_start3A_331 = tpu.memref_slice %arg3[%shift_right_logical3A_319, %and3A_321, %dma_start3A_330] : memref<125000x8x64xf32, #tpu.memory_space<hbm>> -> memref<1x1x64xf32, #tpu.memory_space<hbm>>
          %dma_start3A_332 = tpu.memref_squeeze %dma_start3A_331 : memref<1x1x64xf32, #tpu.memory_space<hbm>> -> memref<64xf32, #tpu.memory_space<hbm>>
          %dma_start3A_333 = arith.constant 0 : i32
          %dma_start3A_334 = tpu.memref_slice %arg6[%dma_start3A_326, %add3A_325, %dma_start3A_333] : memref<4x128x64xf32, #tpu.memory_space<vmem>> -> memref<1x1x64xf32, #tpu.memory_space<vmem>>
          %dma_start3A_335 = tpu.memref_squeeze %dma_start3A_334 : memref<1x1x64xf32, #tpu.memory_space<vmem>> -> memref<64xf32, #tpu.memory_space<vmem>>
          %dma_start3A_336 = arith.constant 0 : i32
          %dma_start3A_337 = tpu.memref_slice %arg3[%shift_right_logical3A_319, %and3A_321, %dma_start3A_336] : memref<125000x8x64xf32, #tpu.memory_space<hbm>> -> memref<1x1x64xf32, #tpu.memory_space<hbm>>
          %dma_start3A_338 = tpu.memref_squeeze %dma_start3A_337 : memref<1x1x64xf32, #tpu.memory_space<hbm>> -> memref<64xf32, #tpu.memory_space<hbm>>
          tpu.enqueue_dma source(%dma_start3A_338 : memref<64xf32, #tpu.memory_space<hbm>>) target(%dma_start3A_335 : memref<64xf32, #tpu.memory_space<vmem>>) target_semaphore(%arg8 : memref<!tpu.dma_semaphore, #tpu.memory_space<semaphore_mem>>)
          %slice3A_339 = vector.extract_strided_slice %get3A_273 {offsets = [3], sizes = [1], strides = [1]} : vector<16xi32> to vector<1xi32>
          %squeeze3A_340 = vector.extract %slice3A_339[0] : i32 from vector<1xi32>
          %shift_right_logical3A_341 = arith.constant 3 : i32
          %shift_right_logical3A_342 = arith.shrui %squeeze3A_340, %shift_right_logical3A_341 : i32
          %and3A_343 = arith.constant 7 : i32
          %and3A_344 = arith.andi %squeeze3A_340, %and3A_343 : i32
          %mul3A_345 = arith.constant 16 : i32
          %mul3A_346 = arith.muli %scan3A_269, %mul3A_345 : i32
          %add3A_347 = arith.constant 3 : i32
          %add3A_348 = arith.addi %mul3A_346, %add3A_347 : i32
          %dma_start3A_349 = arith.constant 1 : i32
          %dma_start3A_350 = arith.constant 0 : i32
          %dma_start3A_351 = tpu.memref_slice %arg6[%dma_start3A_349, %add3A_348, %dma_start3A_350] : memref<4x128x64xf32, #tpu.memory_space<vmem>> -> memref<1x1x64xf32, #tpu.memory_space<vmem>>
          %dma_start3A_352 = tpu.memref_squeeze %dma_start3A_351 : memref<1x1x64xf32, #tpu.memory_space<vmem>> -> memref<64xf32, #tpu.memory_space<vmem>>
          %dma_start3A_353 = arith.constant 0 : i32
          %dma_start3A_354 = tpu.memref_slice %arg3[%shift_right_logical3A_342, %and3A_344, %dma_start3A_353] : memref<125000x8x64xf32, #tpu.memory_space<hbm>> -> memref<1x1x64xf32, #tpu.memory_space<hbm>>
          %dma_start3A_355 = tpu.memref_squeeze %dma_start3A_354 : memref<1x1x64xf32, #tpu.memory_space<hbm>> -> memref<64xf32, #tpu.memory_space<hbm>>
          %dma_start3A_356 = arith.constant 0 : i32
          %dma_start3A_357 = tpu.memref_slice %arg6[%dma_start3A_349, %add3A_348, %dma_start3A_356] : memref<4x128x64xf32, #tpu.memory_space<vmem>> -> memref<1x1x64xf32, #tpu.memory_space<vmem>>
          %dma_start3A_358 = tpu.memref_squeeze %dma_start3A_357 : memref<1x1x64xf32, #tpu.memory_space<vmem>> -> memref<64xf32, #tpu.memory_space<vmem>>
          %dma_start3A_359 = arith.constant 0 : i32
          %dma_start3A_360 = tpu.memref_slice %arg3[%shift_right_logical3A_342, %and3A_344, %dma_start3A_359] : memref<125000x8x64xf32, #tpu.memory_space<hbm>> -> memref<1x1x64xf32, #tpu.memory_space<hbm>>
          %dma_start3A_361 = tpu.memref_squeeze %dma_start3A_360 : memref<1x1x64xf32, #tpu.memory_space<hbm>> -> memref<64xf32, #tpu.memory_space<hbm>>
          tpu.enqueue_dma source(%dma_start3A_361 : memref<64xf32, #tpu.memory_space<hbm>>) target(%dma_start3A_358 : memref<64xf32, #tpu.memory_space<vmem>>) target_semaphore(%arg8 : memref<!tpu.dma_semaphore, #tpu.memory_space<semaphore_mem>>)
          %slice3A_362 = vector.extract_strided_slice %get3A_273 {offsets = [4], sizes = [1], strides = [1]} : vector<16xi32> to vector<1xi32>
          %squeeze3A_363 = vector.extract %slice3A_362[0] : i32 from vector<1xi32>
          %shift_right_logical3A_364 = arith.constant 3 : i32
          %shift_right_logical3A_365 = arith.shrui %squeeze3A_363, %shift_right_logical3A_364 : i32
          %and3A_366 = arith.constant 7 : i32
          %and3A_367 = arith.andi %squeeze3A_363, %and3A_366 : i32
          %mul3A_368 = arith.constant 16 : i32
          %mul3A_369 = arith.muli %scan3A_269, %mul3A_368 : i32
          %add3A_370 = arith.constant 4 : i32
          %add3A_371 = arith.addi %mul3A_369, %add3A_370 : i32
          %dma_start3A_372 = arith.constant 1 : i32
          %dma_start3A_373 = arith.constant 0 : i32
          %dma_start3A_374 = tpu.memref_slice %arg6[%dma_start3A_372, %add3A_371, %dma_start3A_373] : memref<4x128x64xf32, #tpu.memory_space<vmem>> -> memref<1x1x64xf32, #tpu.memory_space<vmem>>
          %dma_start3A_375 = tpu.memref_squeeze %dma_start3A_374 : memref<1x1x64xf32, #tpu.memory_space<vmem>> -> memref<64xf32, #tpu.memory_space<vmem>>
          %dma_start3A_376 = arith.constant 0 : i32
          %dma_start3A_377 = tpu.memref_slice %arg3[%shift_right_logical3A_365, %and3A_367, %dma_start3A_376] : memref<125000x8x64xf32, #tpu.memory_space<hbm>> -> memref<1x1x64xf32, #tpu.memory_space<hbm>>
          %dma_start3A_378 = tpu.memref_squeeze %dma_start3A_377 : memref<1x1x64xf32, #tpu.memory_space<hbm>> -> memref<64xf32, #tpu.memory_space<hbm>>
          %dma_start3A_379 = arith.constant 0 : i32
          %dma_start3A_380 = tpu.memref_slice %arg6[%dma_start3A_372, %add3A_371, %dma_start3A_379] : memref<4x128x64xf32, #tpu.memory_space<vmem>> -> memref<1x1x64xf32, #tpu.memory_space<vmem>>
          %dma_start3A_381 = tpu.memref_squeeze %dma_start3A_380 : memref<1x1x64xf32, #tpu.memory_space<vmem>> -> memref<64xf32, #tpu.memory_space<vmem>>
          %dma_start3A_382 = arith.constant 0 : i32
          %dma_start3A_383 = tpu.memref_slice %arg3[%shift_right_logical3A_365, %and3A_367, %dma_start3A_382] : memref<125000x8x64xf32, #tpu.memory_space<hbm>> -> memref<1x1x64xf32, #tpu.memory_space<hbm>>
          %dma_start3A_384 = tpu.memref_squeeze %dma_start3A_383 : memref<1x1x64xf32, #tpu.memory_space<hbm>> -> memref<64xf32, #tpu.memory_space<hbm>>
          tpu.enqueue_dma source(%dma_start3A_384 : memref<64xf32, #tpu.memory_space<hbm>>) target(%dma_start3A_381 : memref<64xf32, #tpu.memory_space<vmem>>) target_semaphore(%arg8 : memref<!tpu.dma_semaphore, #tpu.memory_space<semaphore_mem>>)
          %slice3A_385 = vector.extract_strided_slice %get3A_273 {offsets = [5], sizes = [1], strides = [1]} : vector<16xi32> to vector<1xi32>
          %squeeze3A_386 = vector.extract %slice3A_385[0] : i32 from vector<1xi32>
          %shift_right_logical3A_387 = arith.constant 3 : i32
          %shift_right_logical3A_388 = arith.shrui %squeeze3A_386, %shift_right_logical3A_387 : i32
          %and3A_389 = arith.constant 7 : i32
          %and3A_390 = arith.andi %squeeze3A_386, %and3A_389 : i32
          %mul3A_391 = arith.constant 16 : i32
          %mul3A_392 = arith.muli %scan3A_269, %mul3A_391 : i32
          %add3A_393 = arith.constant 5 : i32
          %add3A_394 = arith.addi %mul3A_392, %add3A_393 : i32
          %dma_start3A_395 = arith.constant 1 : i32
          %dma_start3A_396 = arith.constant 0 : i32
          %dma_start3A_397 = tpu.memref_slice %arg6[%dma_start3A_395, %add3A_394, %dma_start3A_396] : memref<4x128x64xf32, #tpu.memory_space<vmem>> -> memref<1x1x64xf32, #tpu.memory_space<vmem>>
          %dma_start3A_398 = tpu.memref_squeeze %dma_start3A_397 : memref<1x1x64xf32, #tpu.memory_space<vmem>> -> memref<64xf32, #tpu.memory_space<vmem>>
          %dma_start3A_399 = arith.constant 0 : i32
          %dma_start3A_400 = tpu.memref_slice %arg3[%shift_right_logical3A_388, %and3A_390, %dma_start3A_399] : memref<125000x8x64xf32, #tpu.memory_space<hbm>> -> memref<1x1x64xf32, #tpu.memory_space<hbm>>
          %dma_start3A_401 = tpu.memref_squeeze %dma_start3A_400 : memref<1x1x64xf32, #tpu.memory_space<hbm>> -> memref<64xf32, #tpu.memory_space<hbm>>
          %dma_start3A_402 = arith.constant 0 : i32
          %dma_start3A_403 = tpu.memref_slice %arg6[%dma_start3A_395, %add3A_394, %dma_start3A_402] : memref<4x128x64xf32, #tpu.memory_space<vmem>> -> memref<1x1x64xf32, #tpu.memory_space<vmem>>
          %dma_start3A_404 = tpu.memref_squeeze %dma_start3A_403 : memref<1x1x64xf32, #tpu.memory_space<vmem>> -> memref<64xf32, #tpu.memory_space<vmem>>
          %dma_start3A_405 = arith.constant 0 : i32
          %dma_start3A_406 = tpu.memref_slice %arg3[%shift_right_logical3A_388, %and3A_390, %dma_start3A_405] : memref<125000x8x64xf32, #tpu.memory_space<hbm>> -> memref<1x1x64xf32, #tpu.memory_space<hbm>>
          %dma_start3A_407 = tpu.memref_squeeze %dma_start3A_406 : memref<1x1x64xf32, #tpu.memory_space<hbm>> -> memref<64xf32, #tpu.memory_space<hbm>>
          tpu.enqueue_dma source(%dma_start3A_407 : memref<64xf32, #tpu.memory_space<hbm>>) target(%dma_start3A_404 : memref<64xf32, #tpu.memory_space<vmem>>) target_semaphore(%arg8 : memref<!tpu.dma_semaphore, #tpu.memory_space<semaphore_mem>>)
          %slice3A_408 = vector.extract_strided_slice %get3A_273 {offsets = [6], sizes = [1], strides = [1]} : vector<16xi32> to vector<1xi32>
          %squeeze3A_409 = vector.extract %slice3A_408[0] : i32 from vector<1xi32>
          %shift_right_logical3A_410 = arith.constant 3 : i32
          %shift_right_logical3A_411 = arith.shrui %squeeze3A_409, %shift_right_logical3A_410 : i32
          %and3A_412 = arith.constant 7 : i32
          %and3A_413 = arith.andi %squeeze3A_409, %and3A_412 : i32
          %mul3A_414 = arith.constant 16 : i32
          %mul3A_415 = arith.muli %scan3A_269, %mul3A_414 : i32
          %add3A_416 = arith.constant 6 : i32
          %add3A_417 = arith.addi %mul3A_415, %add3A_416 : i32
          %dma_start3A_418 = arith.constant 1 : i32
          %dma_start3A_419 = arith.constant 0 : i32
          %dma_start3A_420 = tpu.memref_slice %arg6[%dma_start3A_418, %add3A_417, %dma_start3A_419] : memref<4x128x64xf32, #tpu.memory_space<vmem>> -> memref<1x1x64xf32, #tpu.memory_space<vmem>>
          %dma_start3A_421 = tpu.memref_squeeze %dma_start3A_420 : memref<1x1x64xf32, #tpu.memory_space<vmem>> -> memref<64xf32, #tpu.memory_space<vmem>>
          %dma_start3A_422 = arith.constant 0 : i32
          %dma_start3A_423 = tpu.memref_slice %arg3[%shift_right_logical3A_411, %and3A_413, %dma_start3A_422] : memref<125000x8x64xf32, #tpu.memory_space<hbm>> -> memref<1x1x64xf32, #tpu.memory_space<hbm>>
          %dma_start3A_424 = tpu.memref_squeeze %dma_start3A_423 : memref<1x1x64xf32, #tpu.memory_space<hbm>> -> memref<64xf32, #tpu.memory_space<hbm>>
          %dma_start3A_425 = arith.constant 0 : i32
          %dma_start3A_426 = tpu.memref_slice %arg6[%dma_start3A_418, %add3A_417, %dma_start3A_425] : memref<4x128x64xf32, #tpu.memory_space<vmem>> -> memref<1x1x64xf32, #tpu.memory_space<vmem>>
          %dma_start3A_427 = tpu.memref_squeeze %dma_start3A_426 : memref<1x1x64xf32, #tpu.memory_space<vmem>> -> memref<64xf32, #tpu.memory_space<vmem>>
          %dma_start3A_428 = arith.constant 0 : i32
          %dma_start3A_429 = tpu.memref_slice %arg3[%shift_right_logical3A_411, %and3A_413, %dma_start3A_428] : memref<125000x8x64xf32, #tpu.memory_space<hbm>> -> memref<1x1x64xf32, #tpu.memory_space<hbm>>
          %dma_start3A_430 = tpu.memref_squeeze %dma_start3A_429 : memref<1x1x64xf32, #tpu.memory_space<hbm>> -> memref<64xf32, #tpu.memory_space<hbm>>
          tpu.enqueue_dma source(%dma_start3A_430 : memref<64xf32, #tpu.memory_space<hbm>>) target(%dma_start3A_427 : memref<64xf32, #tpu.memory_space<vmem>>) target_semaphore(%arg8 : memref<!tpu.dma_semaphore, #tpu.memory_space<semaphore_mem>>)
          %slice3A_431 = vector.extract_strided_slice %get3A_273 {offsets = [7], sizes = [1], strides = [1]} : vector<16xi32> to vector<1xi32>
          %squeeze3A_432 = vector.extract %slice3A_431[0] : i32 from vector<1xi32>
          %shift_right_logical3A_433 = arith.constant 3 : i32
          %shift_right_logical3A_434 = arith.shrui %squeeze3A_432, %shift_right_logical3A_433 : i32
          %and3A_435 = arith.constant 7 : i32
          %and3A_436 = arith.andi %squeeze3A_432, %and3A_435 : i32
          %mul3A_437 = arith.constant 16 : i32
          %mul3A_438 = arith.muli %scan3A_269, %mul3A_437 : i32
          %add3A_439 = arith.constant 7 : i32
          %add3A_440 = arith.addi %mul3A_438, %add3A_439 : i32
          %dma_start3A_441 = arith.constant 1 : i32
          %dma_start3A_442 = arith.constant 0 : i32
          %dma_start3A_443 = tpu.memref_slice %arg6[%dma_start3A_441, %add3A_440, %dma_start3A_442] : memref<4x128x64xf32, #tpu.memory_space<vmem>> -> memref<1x1x64xf32, #tpu.memory_space<vmem>>
          %dma_start3A_444 = tpu.memref_squeeze %dma_start3A_443 : memref<1x1x64xf32, #tpu.memory_space<vmem>> -> memref<64xf32, #tpu.memory_space<vmem>>
          %dma_start3A_445 = arith.constant 0 : i32
          %dma_start3A_446 = tpu.memref_slice %arg3[%shift_right_logical3A_434, %and3A_436, %dma_start3A_445] : memref<125000x8x64xf32, #tpu.memory_space<hbm>> -> memref<1x1x64xf32, #tpu.memory_space<hbm>>
          %dma_start3A_447 = tpu.memref_squeeze %dma_start3A_446 : memref<1x1x64xf32, #tpu.memory_space<hbm>> -> memref<64xf32, #tpu.memory_space<hbm>>
          %dma_start3A_448 = arith.constant 0 : i32
          %dma_start3A_449 = tpu.memref_slice %arg6[%dma_start3A_441, %add3A_440, %dma_start3A_448] : memref<4x128x64xf32, #tpu.memory_space<vmem>> -> memref<1x1x64xf32, #tpu.memory_space<vmem>>
          %dma_start3A_450 = tpu.memref_squeeze %dma_start3A_449 : memref<1x1x64xf32, #tpu.memory_space<vmem>> -> memref<64xf32, #tpu.memory_space<vmem>>
          %dma_start3A_451 = arith.constant 0 : i32
          %dma_start3A_452 = tpu.memref_slice %arg3[%shift_right_logical3A_434, %and3A_436, %dma_start3A_451] : memref<125000x8x64xf32, #tpu.memory_space<hbm>> -> memref<1x1x64xf32, #tpu.memory_space<hbm>>
          %dma_start3A_453 = tpu.memref_squeeze %dma_start3A_452 : memref<1x1x64xf32, #tpu.memory_space<hbm>> -> memref<64xf32, #tpu.memory_space<hbm>>
          tpu.enqueue_dma source(%dma_start3A_453 : memref<64xf32, #tpu.memory_space<hbm>>) target(%dma_start3A_450 : memref<64xf32, #tpu.memory_space<vmem>>) target_semaphore(%arg8 : memref<!tpu.dma_semaphore, #tpu.memory_space<semaphore_mem>>)
          %slice3A_454 = vector.extract_strided_slice %get3A_273 {offsets = [8], sizes = [1], strides = [1]} : vector<16xi32> to vector<1xi32>
          %squeeze3A_455 = vector.extract %slice3A_454[0] : i32 from vector<1xi32>
          %shift_right_logical3A_456 = arith.constant 3 : i32
          %shift_right_logical3A_457 = arith.shrui %squeeze3A_455, %shift_right_logical3A_456 : i32
          %and3A_458 = arith.constant 7 : i32
          %and3A_459 = arith.andi %squeeze3A_455, %and3A_458 : i32
          %mul3A_460 = arith.constant 16 : i32
          %mul3A_461 = arith.muli %scan3A_269, %mul3A_460 : i32
          %add3A_462 = arith.constant 8 : i32
          %add3A_463 = arith.addi %mul3A_461, %add3A_462 : i32
          %dma_start3A_464 = arith.constant 1 : i32
          %dma_start3A_465 = arith.constant 0 : i32
          %dma_start3A_466 = tpu.memref_slice %arg6[%dma_start3A_464, %add3A_463, %dma_start3A_465] : memref<4x128x64xf32, #tpu.memory_space<vmem>> -> memref<1x1x64xf32, #tpu.memory_space<vmem>>
          %dma_start3A_467 = tpu.memref_squeeze %dma_start3A_466 : memref<1x1x64xf32, #tpu.memory_space<vmem>> -> memref<64xf32, #tpu.memory_space<vmem>>
          %dma_start3A_468 = arith.constant 0 : i32
          %dma_start3A_469 = tpu.memref_slice %arg3[%shift_right_logical3A_457, %and3A_459, %dma_start3A_468] : memref<125000x8x64xf32, #tpu.memory_space<hbm>> -> memref<1x1x64xf32, #tpu.memory_space<hbm>>
          %dma_start3A_470 = tpu.memref_squeeze %dma_start3A_469 : memref<1x1x64xf32, #tpu.memory_space<hbm>> -> memref<64xf32, #tpu.memory_space<hbm>>
          %dma_start3A_471 = arith.constant 0 : i32
          %dma_start3A_472 = tpu.memref_slice %arg6[%dma_start3A_464, %add3A_463, %dma_start3A_471] : memref<4x128x64xf32, #tpu.memory_space<vmem>> -> memref<1x1x64xf32, #tpu.memory_space<vmem>>
          %dma_start3A_473 = tpu.memref_squeeze %dma_start3A_472 : memref<1x1x64xf32, #tpu.memory_space<vmem>> -> memref<64xf32, #tpu.memory_space<vmem>>
          %dma_start3A_474 = arith.constant 0 : i32
          %dma_start3A_475 = tpu.memref_slice %arg3[%shift_right_logical3A_457, %and3A_459, %dma_start3A_474] : memref<125000x8x64xf32, #tpu.memory_space<hbm>> -> memref<1x1x64xf32, #tpu.memory_space<hbm>>
          %dma_start3A_476 = tpu.memref_squeeze %dma_start3A_475 : memref<1x1x64xf32, #tpu.memory_space<hbm>> -> memref<64xf32, #tpu.memory_space<hbm>>
          tpu.enqueue_dma source(%dma_start3A_476 : memref<64xf32, #tpu.memory_space<hbm>>) target(%dma_start3A_473 : memref<64xf32, #tpu.memory_space<vmem>>) target_semaphore(%arg8 : memref<!tpu.dma_semaphore, #tpu.memory_space<semaphore_mem>>)
          %slice3A_477 = vector.extract_strided_slice %get3A_273 {offsets = [9], sizes = [1], strides = [1]} : vector<16xi32> to vector<1xi32>
          %squeeze3A_478 = vector.extract %slice3A_477[0] : i32 from vector<1xi32>
          %shift_right_logical3A_479 = arith.constant 3 : i32
          %shift_right_logical3A_480 = arith.shrui %squeeze3A_478, %shift_right_logical3A_479 : i32
          %and3A_481 = arith.constant 7 : i32
          %and3A_482 = arith.andi %squeeze3A_478, %and3A_481 : i32
          %mul3A_483 = arith.constant 16 : i32
          %mul3A_484 = arith.muli %scan3A_269, %mul3A_483 : i32
          %add3A_485 = arith.constant 9 : i32
          %add3A_486 = arith.addi %mul3A_484, %add3A_485 : i32
          %dma_start3A_487 = arith.constant 1 : i32
          %dma_start3A_488 = arith.constant 0 : i32
          %dma_start3A_489 = tpu.memref_slice %arg6[%dma_start3A_487, %add3A_486, %dma_start3A_488] : memref<4x128x64xf32, #tpu.memory_space<vmem>> -> memref<1x1x64xf32, #tpu.memory_space<vmem>>
          %dma_start3A_490 = tpu.memref_squeeze %dma_start3A_489 : memref<1x1x64xf32, #tpu.memory_space<vmem>> -> memref<64xf32, #tpu.memory_space<vmem>>
          %dma_start3A_491 = arith.constant 0 : i32
          %dma_start3A_492 = tpu.memref_slice %arg3[%shift_right_logical3A_480, %and3A_482, %dma_start3A_491] : memref<125000x8x64xf32, #tpu.memory_space<hbm>> -> memref<1x1x64xf32, #tpu.memory_space<hbm>>
          %dma_start3A_493 = tpu.memref_squeeze %dma_start3A_492 : memref<1x1x64xf32, #tpu.memory_space<hbm>> -> memref<64xf32, #tpu.memory_space<hbm>>
          %dma_start3A_494 = arith.constant 0 : i32
          %dma_start3A_495 = tpu.memref_slice %arg6[%dma_start3A_487, %add3A_486, %dma_start3A_494] : memref<4x128x64xf32, #tpu.memory_space<vmem>> -> memref<1x1x64xf32, #tpu.memory_space<vmem>>
          %dma_start3A_496 = tpu.memref_squeeze %dma_start3A_495 : memref<1x1x64xf32, #tpu.memory_space<vmem>> -> memref<64xf32, #tpu.memory_space<vmem>>
          %dma_start3A_497 = arith.constant 0 : i32
          %dma_start3A_498 = tpu.memref_slice %arg3[%shift_right_logical3A_480, %and3A_482, %dma_start3A_497] : memref<125000x8x64xf32, #tpu.memory_space<hbm>> -> memref<1x1x64xf32, #tpu.memory_space<hbm>>
          %dma_start3A_499 = tpu.memref_squeeze %dma_start3A_498 : memref<1x1x64xf32, #tpu.memory_space<hbm>> -> memref<64xf32, #tpu.memory_space<hbm>>
          tpu.enqueue_dma source(%dma_start3A_499 : memref<64xf32, #tpu.memory_space<hbm>>) target(%dma_start3A_496 : memref<64xf32, #tpu.memory_space<vmem>>) target_semaphore(%arg8 : memref<!tpu.dma_semaphore, #tpu.memory_space<semaphore_mem>>)
          %slice3A_500 = vector.extract_strided_slice %get3A_273 {offsets = [10], sizes = [1], strides = [1]} : vector<16xi32> to vector<1xi32>
          %squeeze3A_501 = vector.extract %slice3A_500[0] : i32 from vector<1xi32>
          %shift_right_logical3A_502 = arith.constant 3 : i32
          %shift_right_logical3A_503 = arith.shrui %squeeze3A_501, %shift_right_logical3A_502 : i32
          %and3A_504 = arith.constant 7 : i32
          %and3A_505 = arith.andi %squeeze3A_501, %and3A_504 : i32
          %mul3A_506 = arith.constant 16 : i32
          %mul3A_507 = arith.muli %scan3A_269, %mul3A_506 : i32
          %add3A_508 = arith.constant 10 : i32
          %add3A_509 = arith.addi %mul3A_507, %add3A_508 : i32
          %dma_start3A_510 = arith.constant 1 : i32
          %dma_start3A_511 = arith.constant 0 : i32
          %dma_start3A_512 = tpu.memref_slice %arg6[%dma_start3A_510, %add3A_509, %dma_start3A_511] : memref<4x128x64xf32, #tpu.memory_space<vmem>> -> memref<1x1x64xf32, #tpu.memory_space<vmem>>
          %dma_start3A_513 = tpu.memref_squeeze %dma_start3A_512 : memref<1x1x64xf32, #tpu.memory_space<vmem>> -> memref<64xf32, #tpu.memory_space<vmem>>
          %dma_start3A_514 = arith.constant 0 : i32
          %dma_start3A_515 = tpu.memref_slice %arg3[%shift_right_logical3A_503, %and3A_505, %dma_start3A_514] : memref<125000x8x64xf32, #tpu.memory_space<hbm>> -> memref<1x1x64xf32, #tpu.memory_space<hbm>>
          %dma_start3A_516 = tpu.memref_squeeze %dma_start3A_515 : memref<1x1x64xf32, #tpu.memory_space<hbm>> -> memref<64xf32, #tpu.memory_space<hbm>>
          %dma_start3A_517 = arith.constant 0 : i32
          %dma_start3A_518 = tpu.memref_slice %arg6[%dma_start3A_510, %add3A_509, %dma_start3A_517] : memref<4x128x64xf32, #tpu.memory_space<vmem>> -> memref<1x1x64xf32, #tpu.memory_space<vmem>>
          %dma_start3A_519 = tpu.memref_squeeze %dma_start3A_518 : memref<1x1x64xf32, #tpu.memory_space<vmem>> -> memref<64xf32, #tpu.memory_space<vmem>>
          %dma_start3A_520 = arith.constant 0 : i32
          %dma_start3A_521 = tpu.memref_slice %arg3[%shift_right_logical3A_503, %and3A_505, %dma_start3A_520] : memref<125000x8x64xf32, #tpu.memory_space<hbm>> -> memref<1x1x64xf32, #tpu.memory_space<hbm>>
          %dma_start3A_522 = tpu.memref_squeeze %dma_start3A_521 : memref<1x1x64xf32, #tpu.memory_space<hbm>> -> memref<64xf32, #tpu.memory_space<hbm>>
          tpu.enqueue_dma source(%dma_start3A_522 : memref<64xf32, #tpu.memory_space<hbm>>) target(%dma_start3A_519 : memref<64xf32, #tpu.memory_space<vmem>>) target_semaphore(%arg8 : memref<!tpu.dma_semaphore, #tpu.memory_space<semaphore_mem>>)
          %slice3A_523 = vector.extract_strided_slice %get3A_273 {offsets = [11], sizes = [1], strides = [1]} : vector<16xi32> to vector<1xi32>
          %squeeze3A_524 = vector.extract %slice3A_523[0] : i32 from vector<1xi32>
          %shift_right_logical3A_525 = arith.constant 3 : i32
          %shift_right_logical3A_526 = arith.shrui %squeeze3A_524, %shift_right_logical3A_525 : i32
          %and3A_527 = arith.constant 7 : i32
          %and3A_528 = arith.andi %squeeze3A_524, %and3A_527 : i32
          %mul3A_529 = arith.constant 16 : i32
          %mul3A_530 = arith.muli %scan3A_269, %mul3A_529 : i32
          %add3A_531 = arith.constant 11 : i32
          %add3A_532 = arith.addi %mul3A_530, %add3A_531 : i32
          %dma_start3A_533 = arith.constant 1 : i32
          %dma_start3A_534 = arith.constant 0 : i32
          %dma_start3A_535 = tpu.memref_slice %arg6[%dma_start3A_533, %add3A_532, %dma_start3A_534] : memref<4x128x64xf32, #tpu.memory_space<vmem>> -> memref<1x1x64xf32, #tpu.memory_space<vmem>>
          %dma_start3A_536 = tpu.memref_squeeze %dma_start3A_535 : memref<1x1x64xf32, #tpu.memory_space<vmem>> -> memref<64xf32, #tpu.memory_space<vmem>>
          %dma_start3A_537 = arith.constant 0 : i32
          %dma_start3A_538 = tpu.memref_slice %arg3[%shift_right_logical3A_526, %and3A_528, %dma_start3A_537] : memref<125000x8x64xf32, #tpu.memory_space<hbm>> -> memref<1x1x64xf32, #tpu.memory_space<hbm>>
          %dma_start3A_539 = tpu.memref_squeeze %dma_start3A_538 : memref<1x1x64xf32, #tpu.memory_space<hbm>> -> memref<64xf32, #tpu.memory_space<hbm>>
          %dma_start3A_540 = arith.constant 0 : i32
          %dma_start3A_541 = tpu.memref_slice %arg6[%dma_start3A_533, %add3A_532, %dma_start3A_540] : memref<4x128x64xf32, #tpu.memory_space<vmem>> -> memref<1x1x64xf32, #tpu.memory_space<vmem>>
          %dma_start3A_542 = tpu.memref_squeeze %dma_start3A_541 : memref<1x1x64xf32, #tpu.memory_space<vmem>> -> memref<64xf32, #tpu.memory_space<vmem>>
          %dma_start3A_543 = arith.constant 0 : i32
          %dma_start3A_544 = tpu.memref_slice %arg3[%shift_right_logical3A_526, %and3A_528, %dma_start3A_543] : memref<125000x8x64xf32, #tpu.memory_space<hbm>> -> memref<1x1x64xf32, #tpu.memory_space<hbm>>
          %dma_start3A_545 = tpu.memref_squeeze %dma_start3A_544 : memref<1x1x64xf32, #tpu.memory_space<hbm>> -> memref<64xf32, #tpu.memory_space<hbm>>
          tpu.enqueue_dma source(%dma_start3A_545 : memref<64xf32, #tpu.memory_space<hbm>>) target(%dma_start3A_542 : memref<64xf32, #tpu.memory_space<vmem>>) target_semaphore(%arg8 : memref<!tpu.dma_semaphore, #tpu.memory_space<semaphore_mem>>)
          %slice3A_546 = vector.extract_strided_slice %get3A_273 {offsets = [12], sizes = [1], strides = [1]} : vector<16xi32> to vector<1xi32>
          %squeeze3A_547 = vector.extract %slice3A_546[0] : i32 from vector<1xi32>
          %shift_right_logical3A_548 = arith.constant 3 : i32
          %shift_right_logical3A_549 = arith.shrui %squeeze3A_547, %shift_right_logical3A_548 : i32
          %and3A_550 = arith.constant 7 : i32
          %and3A_551 = arith.andi %squeeze3A_547, %and3A_550 : i32
          %mul3A_552 = arith.constant 16 : i32
          %mul3A_553 = arith.muli %scan3A_269, %mul3A_552 : i32
          %add3A_554 = arith.constant 12 : i32
          %add3A_555 = arith.addi %mul3A_553, %add3A_554 : i32
          %dma_start3A_556 = arith.constant 1 : i32
          %dma_start3A_557 = arith.constant 0 : i32
          %dma_start3A_558 = tpu.memref_slice %arg6[%dma_start3A_556, %add3A_555, %dma_start3A_557] : memref<4x128x64xf32, #tpu.memory_space<vmem>> -> memref<1x1x64xf32, #tpu.memory_space<vmem>>
          %dma_start3A_559 = tpu.memref_squeeze %dma_start3A_558 : memref<1x1x64xf32, #tpu.memory_space<vmem>> -> memref<64xf32, #tpu.memory_space<vmem>>
          %dma_start3A_560 = arith.constant 0 : i32
          %dma_start3A_561 = tpu.memref_slice %arg3[%shift_right_logical3A_549, %and3A_551, %dma_start3A_560] : memref<125000x8x64xf32, #tpu.memory_space<hbm>> -> memref<1x1x64xf32, #tpu.memory_space<hbm>>
          %dma_start3A_562 = tpu.memref_squeeze %dma_start3A_561 : memref<1x1x64xf32, #tpu.memory_space<hbm>> -> memref<64xf32, #tpu.memory_space<hbm>>
          %dma_start3A_563 = arith.constant 0 : i32
          %dma_start3A_564 = tpu.memref_slice %arg6[%dma_start3A_556, %add3A_555, %dma_start3A_563] : memref<4x128x64xf32, #tpu.memory_space<vmem>> -> memref<1x1x64xf32, #tpu.memory_space<vmem>>
          %dma_start3A_565 = tpu.memref_squeeze %dma_start3A_564 : memref<1x1x64xf32, #tpu.memory_space<vmem>> -> memref<64xf32, #tpu.memory_space<vmem>>
          %dma_start3A_566 = arith.constant 0 : i32
          %dma_start3A_567 = tpu.memref_slice %arg3[%shift_right_logical3A_549, %and3A_551, %dma_start3A_566] : memref<125000x8x64xf32, #tpu.memory_space<hbm>> -> memref<1x1x64xf32, #tpu.memory_space<hbm>>
          %dma_start3A_568 = tpu.memref_squeeze %dma_start3A_567 : memref<1x1x64xf32, #tpu.memory_space<hbm>> -> memref<64xf32, #tpu.memory_space<hbm>>
          tpu.enqueue_dma source(%dma_start3A_568 : memref<64xf32, #tpu.memory_space<hbm>>) target(%dma_start3A_565 : memref<64xf32, #tpu.memory_space<vmem>>) target_semaphore(%arg8 : memref<!tpu.dma_semaphore, #tpu.memory_space<semaphore_mem>>)
          %slice3A_569 = vector.extract_strided_slice %get3A_273 {offsets = [13], sizes = [1], strides = [1]} : vector<16xi32> to vector<1xi32>
          %squeeze3A_570 = vector.extract %slice3A_569[0] : i32 from vector<1xi32>
          %shift_right_logical3A_571 = arith.constant 3 : i32
          %shift_right_logical3A_572 = arith.shrui %squeeze3A_570, %shift_right_logical3A_571 : i32
          %and3A_573 = arith.constant 7 : i32
          %and3A_574 = arith.andi %squeeze3A_570, %and3A_573 : i32
          %mul3A_575 = arith.constant 16 : i32
          %mul3A_576 = arith.muli %scan3A_269, %mul3A_575 : i32
          %add3A_577 = arith.constant 13 : i32
          %add3A_578 = arith.addi %mul3A_576, %add3A_577 : i32
          %dma_start3A_579 = arith.constant 1 : i32
          %dma_start3A_580 = arith.constant 0 : i32
          %dma_start3A_581 = tpu.memref_slice %arg6[%dma_start3A_579, %add3A_578, %dma_start3A_580] : memref<4x128x64xf32, #tpu.memory_space<vmem>> -> memref<1x1x64xf32, #tpu.memory_space<vmem>>
          %dma_start3A_582 = tpu.memref_squeeze %dma_start3A_581 : memref<1x1x64xf32, #tpu.memory_space<vmem>> -> memref<64xf32, #tpu.memory_space<vmem>>
          %dma_start3A_583 = arith.constant 0 : i32
          %dma_start3A_584 = tpu.memref_slice %arg3[%shift_right_logical3A_572, %and3A_574, %dma_start3A_583] : memref<125000x8x64xf32, #tpu.memory_space<hbm>> -> memref<1x1x64xf32, #tpu.memory_space<hbm>>
          %dma_start3A_585 = tpu.memref_squeeze %dma_start3A_584 : memref<1x1x64xf32, #tpu.memory_space<hbm>> -> memref<64xf32, #tpu.memory_space<hbm>>
          %dma_start3A_586 = arith.constant 0 : i32
          %dma_start3A_587 = tpu.memref_slice %arg6[%dma_start3A_579, %add3A_578, %dma_start3A_586] : memref<4x128x64xf32, #tpu.memory_space<vmem>> -> memref<1x1x64xf32, #tpu.memory_space<vmem>>
          %dma_start3A_588 = tpu.memref_squeeze %dma_start3A_587 : memref<1x1x64xf32, #tpu.memory_space<vmem>> -> memref<64xf32, #tpu.memory_space<vmem>>
          %dma_start3A_589 = arith.constant 0 : i32
          %dma_start3A_590 = tpu.memref_slice %arg3[%shift_right_logical3A_572, %and3A_574, %dma_start3A_589] : memref<125000x8x64xf32, #tpu.memory_space<hbm>> -> memref<1x1x64xf32, #tpu.memory_space<hbm>>
          %dma_start3A_591 = tpu.memref_squeeze %dma_start3A_590 : memref<1x1x64xf32, #tpu.memory_space<hbm>> -> memref<64xf32, #tpu.memory_space<hbm>>
          tpu.enqueue_dma source(%dma_start3A_591 : memref<64xf32, #tpu.memory_space<hbm>>) target(%dma_start3A_588 : memref<64xf32, #tpu.memory_space<vmem>>) target_semaphore(%arg8 : memref<!tpu.dma_semaphore, #tpu.memory_space<semaphore_mem>>)
          %slice3A_592 = vector.extract_strided_slice %get3A_273 {offsets = [14], sizes = [1], strides = [1]} : vector<16xi32> to vector<1xi32>
          %squeeze3A_593 = vector.extract %slice3A_592[0] : i32 from vector<1xi32>
          %shift_right_logical3A_594 = arith.constant 3 : i32
          %shift_right_logical3A_595 = arith.shrui %squeeze3A_593, %shift_right_logical3A_594 : i32
          %and3A_596 = arith.constant 7 : i32
          %and3A_597 = arith.andi %squeeze3A_593, %and3A_596 : i32
          %mul3A_598 = arith.constant 16 : i32
          %mul3A_599 = arith.muli %scan3A_269, %mul3A_598 : i32
          %add3A_600 = arith.constant 14 : i32
          %add3A_601 = arith.addi %mul3A_599, %add3A_600 : i32
          %dma_start3A_602 = arith.constant 1 : i32
          %dma_start3A_603 = arith.constant 0 : i32
          %dma_start3A_604 = tpu.memref_slice %arg6[%dma_start3A_602, %add3A_601, %dma_start3A_603] : memref<4x128x64xf32, #tpu.memory_space<vmem>> -> memref<1x1x64xf32, #tpu.memory_space<vmem>>
          %dma_start3A_605 = tpu.memref_squeeze %dma_start3A_604 : memref<1x1x64xf32, #tpu.memory_space<vmem>> -> memref<64xf32, #tpu.memory_space<vmem>>
          %dma_start3A_606 = arith.constant 0 : i32
          %dma_start3A_607 = tpu.memref_slice %arg3[%shift_right_logical3A_595, %and3A_597, %dma_start3A_606] : memref<125000x8x64xf32, #tpu.memory_space<hbm>> -> memref<1x1x64xf32, #tpu.memory_space<hbm>>
          %dma_start3A_608 = tpu.memref_squeeze %dma_start3A_607 : memref<1x1x64xf32, #tpu.memory_space<hbm>> -> memref<64xf32, #tpu.memory_space<hbm>>
          %dma_start3A_609 = arith.constant 0 : i32
          %dma_start3A_610 = tpu.memref_slice %arg6[%dma_start3A_602, %add3A_601, %dma_start3A_609] : memref<4x128x64xf32, #tpu.memory_space<vmem>> -> memref<1x1x64xf32, #tpu.memory_space<vmem>>
          %dma_start3A_611 = tpu.memref_squeeze %dma_start3A_610 : memref<1x1x64xf32, #tpu.memory_space<vmem>> -> memref<64xf32, #tpu.memory_space<vmem>>
          %dma_start3A_612 = arith.constant 0 : i32
          %dma_start3A_613 = tpu.memref_slice %arg3[%shift_right_logical3A_595, %and3A_597, %dma_start3A_612] : memref<125000x8x64xf32, #tpu.memory_space<hbm>> -> memref<1x1x64xf32, #tpu.memory_space<hbm>>
          %dma_start3A_614 = tpu.memref_squeeze %dma_start3A_613 : memref<1x1x64xf32, #tpu.memory_space<hbm>> -> memref<64xf32, #tpu.memory_space<hbm>>
          tpu.enqueue_dma source(%dma_start3A_614 : memref<64xf32, #tpu.memory_space<hbm>>) target(%dma_start3A_611 : memref<64xf32, #tpu.memory_space<vmem>>) target_semaphore(%arg8 : memref<!tpu.dma_semaphore, #tpu.memory_space<semaphore_mem>>)
          %slice3A_615 = vector.extract_strided_slice %get3A_273 {offsets = [15], sizes = [1], strides = [1]} : vector<16xi32> to vector<1xi32>
          %squeeze3A_616 = vector.extract %slice3A_615[0] : i32 from vector<1xi32>
          %shift_right_logical3A_617 = arith.constant 3 : i32
          %shift_right_logical3A_618 = arith.shrui %squeeze3A_616, %shift_right_logical3A_617 : i32
          %and3A_619 = arith.constant 7 : i32
          %and3A_620 = arith.andi %squeeze3A_616, %and3A_619 : i32
          %mul3A_621 = arith.constant 16 : i32
          %mul3A_622 = arith.muli %scan3A_269, %mul3A_621 : i32
          %add3A_623 = arith.constant 15 : i32
          %add3A_624 = arith.addi %mul3A_622, %add3A_623 : i32
          %dma_start3A_625 = arith.constant 1 : i32
          %dma_start3A_626 = arith.constant 0 : i32
          %dma_start3A_627 = tpu.memref_slice %arg6[%dma_start3A_625, %add3A_624, %dma_start3A_626] : memref<4x128x64xf32, #tpu.memory_space<vmem>> -> memref<1x1x64xf32, #tpu.memory_space<vmem>>
          %dma_start3A_628 = tpu.memref_squeeze %dma_start3A_627 : memref<1x1x64xf32, #tpu.memory_space<vmem>> -> memref<64xf32, #tpu.memory_space<vmem>>
          %dma_start3A_629 = arith.constant 0 : i32
          %dma_start3A_630 = tpu.memref_slice %arg3[%shift_right_logical3A_618, %and3A_620, %dma_start3A_629] : memref<125000x8x64xf32, #tpu.memory_space<hbm>> -> memref<1x1x64xf32, #tpu.memory_space<hbm>>
          %dma_start3A_631 = tpu.memref_squeeze %dma_start3A_630 : memref<1x1x64xf32, #tpu.memory_space<hbm>> -> memref<64xf32, #tpu.memory_space<hbm>>
          %dma_start3A_632 = arith.constant 0 : i32
          %dma_start3A_633 = tpu.memref_slice %arg6[%dma_start3A_625, %add3A_624, %dma_start3A_632] : memref<4x128x64xf32, #tpu.memory_space<vmem>> -> memref<1x1x64xf32, #tpu.memory_space<vmem>>
          %dma_start3A_634 = tpu.memref_squeeze %dma_start3A_633 : memref<1x1x64xf32, #tpu.memory_space<vmem>> -> memref<64xf32, #tpu.memory_space<vmem>>
          %dma_start3A_635 = arith.constant 0 : i32
          %dma_start3A_636 = tpu.memref_slice %arg3[%shift_right_logical3A_618, %and3A_620, %dma_start3A_635] : memref<125000x8x64xf32, #tpu.memory_space<hbm>> -> memref<1x1x64xf32, #tpu.memory_space<hbm>>
          %dma_start3A_637 = tpu.memref_squeeze %dma_start3A_636 : memref<1x1x64xf32, #tpu.memory_space<hbm>> -> memref<64xf32, #tpu.memory_space<hbm>>
          tpu.enqueue_dma source(%dma_start3A_637 : memref<64xf32, #tpu.memory_space<hbm>>) target(%dma_start3A_634 : memref<64xf32, #tpu.memory_space<vmem>>) target_semaphore(%arg8 : memref<!tpu.dma_semaphore, #tpu.memory_space<semaphore_mem>>)
        }
        %scan3A_268 = arith.constant 8 : i32
      } else {
      }
      %mul3A_170 = arith.constant 4 : i32
      %mul3A_171 = arith.muli %scan3A_93, %mul3A_170 : i32
      %add3A_172 = arith.constant 2 : i32
      %add3A_173 = arith.addi %mul3A_171, %add3A_172 : i32
      %mul3A_174 = arith.constant 128 : i32
      %mul3A_175 = arith.muli %add3A_173, %mul3A_174 : i32
      %add3A_176 = arith.addi %mul3A_4, %mul3A_175 : i32
      %dma_wait3A_177 = arith.constant 2 : i32
      %dma_wait3A_178 = arith.constant 0 : i32
      %dma_wait3A_179 = arith.constant 0 : i32
      %dma_wait3A_180 = tpu.memref_slice %arg6[%dma_wait3A_177, %dma_wait3A_178, %dma_wait3A_179] : memref<4x128x64xf32, #tpu.memory_space<vmem>> -> memref<1x128x64xf32, #tpu.memory_space<vmem>>
      %dma_wait3A_181 = tpu.memref_squeeze %dma_wait3A_180 : memref<1x128x64xf32, #tpu.memory_space<vmem>> -> memref<128x64xf32, #tpu.memory_space<vmem>>
      %dma_wait3A_182 = arith.constant 0 : i32
      %dma_wait3A_183 = tpu.memref_slice %arg4[%add3A_176, %dma_wait3A_182] : memref<819200x64xf32, #tpu.memory_space<hbm>> -> memref<128x64xf32, #tpu.memory_space<hbm>>
      %dma_wait3A_184 = arith.constant 0 : i32
      %dma_wait3A_185 = arith.constant 0 : i32
      %dma_wait3A_186 = tpu.memref_slice %arg6[%dma_wait3A_177, %dma_wait3A_184, %dma_wait3A_185] : memref<4x128x64xf32, #tpu.memory_space<vmem>> -> memref<1x128x64xf32, #tpu.memory_space<vmem>>
      %dma_wait3A_187 = tpu.memref_squeeze %dma_wait3A_186 : memref<1x128x64xf32, #tpu.memory_space<vmem>> -> memref<128x64xf32, #tpu.memory_space<vmem>>
      %dma_wait3A_188 = arith.constant 0 : i32
      %dma_wait3A_189 = tpu.memref_slice %arg4[%add3A_176, %dma_wait3A_188] : memref<819200x64xf32, #tpu.memory_space<hbm>> -> memref<128x64xf32, #tpu.memory_space<hbm>>
      tpu.wait_dma2 semaphore(%arg9 : memref<!tpu.dma_semaphore, #tpu.memory_space<semaphore_mem>>) src(%dma_wait3A_189 : memref<128x64xf32, #tpu.memory_space<hbm>>) dst(%dma_wait3A_187 : memref<128x64xf32, #tpu.memory_space<vmem>>)
      %dma_start3A_190 = arith.constant 2 : i32
      %dma_start3A_191 = arith.constant 0 : i32
      %dma_start3A_192 = arith.constant 0 : i32
      %dma_start3A_193 = tpu.memref_slice %arg6[%dma_start3A_190, %dma_start3A_191, %dma_start3A_192] : memref<4x128x64xf32, #tpu.memory_space<vmem>> -> memref<1x128x64xf32, #tpu.memory_space<vmem>>
      %dma_start3A_194 = tpu.memref_squeeze %dma_start3A_193 : memref<1x128x64xf32, #tpu.memory_space<vmem>> -> memref<128x64xf32, #tpu.memory_space<vmem>>
      %dma_start3A_195 = arith.constant 0 : i32
      %dma_start3A_196 = tpu.memref_slice %arg4[%add3A_176, %dma_start3A_195] : memref<819200x64xf32, #tpu.memory_space<hbm>> -> memref<128x64xf32, #tpu.memory_space<hbm>>
      %dma_start3A_197 = arith.constant 0 : i32
      %dma_start3A_198 = tpu.memref_slice %arg4[%add3A_176, %dma_start3A_197] : memref<819200x64xf32, #tpu.memory_space<hbm>> -> memref<128x64xf32, #tpu.memory_space<hbm>>
      %dma_start3A_199 = arith.constant 0 : i32
      %dma_start3A_200 = arith.constant 0 : i32
      %dma_start3A_201 = tpu.memref_slice %arg6[%dma_start3A_190, %dma_start3A_199, %dma_start3A_200] : memref<4x128x64xf32, #tpu.memory_space<vmem>> -> memref<1x128x64xf32, #tpu.memory_space<vmem>>
      %dma_start3A_202 = tpu.memref_squeeze %dma_start3A_201 : memref<1x128x64xf32, #tpu.memory_space<vmem>> -> memref<128x64xf32, #tpu.memory_space<vmem>>
      tpu.enqueue_dma source(%dma_start3A_202 : memref<128x64xf32, #tpu.memory_space<vmem>>) target(%dma_start3A_198 : memref<128x64xf32, #tpu.memory_space<hbm>>) target_semaphore(%arg13 : memref<!tpu.dma_semaphore, #tpu.memory_space<semaphore_mem>>)
      %add3A_203 = arith.constant 4 : i32
      %add3A_204 = arith.addi %add3A_173, %add3A_203 : i32
      %lt3A_205 = arith.constant 200 : i32
      %lt3A_206 = arith.cmpi slt, %add3A_204, %lt3A_205 : i32
      %convert_element_type3A_207 = arith.extui %lt3A_206 : i1 to i32
      %cond3A_208 = arith.constant 0 : i32
      %cond3A_209 = arith.cmpi ne, %convert_element_type3A_207, %cond3A_208 : i32
      scf.if %cond3A_209 {
        %dma_wait3A_250 = arith.constant 2 : i32
        %dma_wait3A_251 = arith.constant 0 : i32
        %dma_wait3A_252 = arith.constant 0 : i32
        %dma_wait3A_253 = tpu.memref_slice %arg6[%dma_wait3A_250, %dma_wait3A_251, %dma_wait3A_252] : memref<4x128x64xf32, #tpu.memory_space<vmem>> -> memref<1x128x64xf32, #tpu.memory_space<vmem>>
        %dma_wait3A_254 = tpu.memref_squeeze %dma_wait3A_253 : memref<1x128x64xf32, #tpu.memory_space<vmem>> -> memref<128x64xf32, #tpu.memory_space<vmem>>
        %dma_wait3A_255 = arith.constant 0 : i32
        %dma_wait3A_256 = tpu.memref_slice %arg4[%add3A_176, %dma_wait3A_255] : memref<819200x64xf32, #tpu.memory_space<hbm>> -> memref<128x64xf32, #tpu.memory_space<hbm>>
        %dma_wait3A_257 = arith.constant 0 : i32
        %dma_wait3A_258 = tpu.memref_slice %arg4[%add3A_176, %dma_wait3A_257] : memref<819200x64xf32, #tpu.memory_space<hbm>> -> memref<128x64xf32, #tpu.memory_space<hbm>>
        %dma_wait3A_259 = arith.constant 0 : i32
        %dma_wait3A_260 = arith.constant 0 : i32
        %dma_wait3A_261 = tpu.memref_slice %arg6[%dma_wait3A_250, %dma_wait3A_259, %dma_wait3A_260] : memref<4x128x64xf32, #tpu.memory_space<vmem>> -> memref<1x128x64xf32, #tpu.memory_space<vmem>>
        %dma_wait3A_262 = tpu.memref_squeeze %dma_wait3A_261 : memref<1x128x64xf32, #tpu.memory_space<vmem>> -> memref<128x64xf32, #tpu.memory_space<vmem>>
        tpu.wait_dma2 semaphore(%arg13 : memref<!tpu.dma_semaphore, #tpu.memory_space<semaphore_mem>>) src(%dma_wait3A_262 : memref<128x64xf32, #tpu.memory_space<vmem>>) dst(%dma_wait3A_258 : memref<128x64xf32, #tpu.memory_space<hbm>>)
        %scan3A_263 = arith.constant 0 : i32
        %scan3A_264 = arith.constant 0 : i32
        %scan3A_265 = arith.constant 8 : i32
        %scan3A_266 = arith.addi %scan3A_264, %scan3A_265 : i32
        %scan3A_267 = arith.constant 1 : i32
        scf.for %scan3A_269 = %scan3A_264 to %scan3A_266 step %scan3A_267  : i32 {
          %mul3A_270 = arith.constant 16 : i32
          %mul3A_271 = arith.muli %scan3A_269, %mul3A_270 : i32
          %get3A = arith.index_cast %add3A_204 : i32 to index
          %get3A_272 = arith.index_cast %mul3A_271 : i32 to index
          %get3A_273 = tpu.vector_load %arg5[%get3A, %get3A_272] {strides = array<i32>} : memref<200x128xi32, #tpu.memory_space<vmem>>, vector<16xi32>,
          %slice3A = vector.extract_strided_slice %get3A_273 {offsets = [0], sizes = [1], strides = [1]} : vector<16xi32> to vector<1xi32>
          %squeeze3A = vector.extract %slice3A[0] : i32 from vector<1xi32>
          %shift_right_logical3A = arith.constant 3 : i32
          %shift_right_logical3A_274 = arith.shrui %squeeze3A, %shift_right_logical3A : i32
          %and3A = arith.constant 7 : i32
          %and3A_275 = arith.andi %squeeze3A, %and3A : i32
          %mul3A_276 = arith.constant 16 : i32
          %mul3A_277 = arith.muli %scan3A_269, %mul3A_276 : i32
          %add3A_278 = arith.constant 0 : i32
          %add3A_279 = arith.addi %mul3A_277, %add3A_278 : i32
          %dma_start3A_280 = arith.constant 2 : i32
          %dma_start3A_281 = arith.constant 0 : i32
          %dma_start3A_282 = tpu.memref_slice %arg6[%dma_start3A_280, %add3A_279, %dma_start3A_281] : memref<4x128x64xf32, #tpu.memory_space<vmem>> -> memref<1x1x64xf32, #tpu.memory_space<vmem>>
          %dma_start3A_283 = tpu.memref_squeeze %dma_start3A_282 : memref<1x1x64xf32, #tpu.memory_space<vmem>> -> memref<64xf32, #tpu.memory_space<vmem>>
          %dma_start3A_284 = arith.constant 0 : i32
          %dma_start3A_285 = tpu.memref_slice %arg3[%shift_right_logical3A_274, %and3A_275, %dma_start3A_284] : memref<125000x8x64xf32, #tpu.memory_space<hbm>> -> memref<1x1x64xf32, #tpu.memory_space<hbm>>
          %dma_start3A_286 = tpu.memref_squeeze %dma_start3A_285 : memref<1x1x64xf32, #tpu.memory_space<hbm>> -> memref<64xf32, #tpu.memory_space<hbm>>
          %dma_start3A_287 = arith.constant 0 : i32
          %dma_start3A_288 = tpu.memref_slice %arg6[%dma_start3A_280, %add3A_279, %dma_start3A_287] : memref<4x128x64xf32, #tpu.memory_space<vmem>> -> memref<1x1x64xf32, #tpu.memory_space<vmem>>
          %dma_start3A_289 = tpu.memref_squeeze %dma_start3A_288 : memref<1x1x64xf32, #tpu.memory_space<vmem>> -> memref<64xf32, #tpu.memory_space<vmem>>
          %dma_start3A_290 = arith.constant 0 : i32
          %dma_start3A_291 = tpu.memref_slice %arg3[%shift_right_logical3A_274, %and3A_275, %dma_start3A_290] : memref<125000x8x64xf32, #tpu.memory_space<hbm>> -> memref<1x1x64xf32, #tpu.memory_space<hbm>>
          %dma_start3A_292 = tpu.memref_squeeze %dma_start3A_291 : memref<1x1x64xf32, #tpu.memory_space<hbm>> -> memref<64xf32, #tpu.memory_space<hbm>>
          tpu.enqueue_dma source(%dma_start3A_292 : memref<64xf32, #tpu.memory_space<hbm>>) target(%dma_start3A_289 : memref<64xf32, #tpu.memory_space<vmem>>) target_semaphore(%arg9 : memref<!tpu.dma_semaphore, #tpu.memory_space<semaphore_mem>>)
          %slice3A_293 = vector.extract_strided_slice %get3A_273 {offsets = [1], sizes = [1], strides = [1]} : vector<16xi32> to vector<1xi32>
          %squeeze3A_294 = vector.extract %slice3A_293[0] : i32 from vector<1xi32>
          %shift_right_logical3A_295 = arith.constant 3 : i32
          %shift_right_logical3A_296 = arith.shrui %squeeze3A_294, %shift_right_logical3A_295 : i32
          %and3A_297 = arith.constant 7 : i32
          %and3A_298 = arith.andi %squeeze3A_294, %and3A_297 : i32
          %mul3A_299 = arith.constant 16 : i32
          %mul3A_300 = arith.muli %scan3A_269, %mul3A_299 : i32
          %add3A_301 = arith.constant 1 : i32
          %add3A_302 = arith.addi %mul3A_300, %add3A_301 : i32
          %dma_start3A_303 = arith.constant 2 : i32
          %dma_start3A_304 = arith.constant 0 : i32
          %dma_start3A_305 = tpu.memref_slice %arg6[%dma_start3A_303, %add3A_302, %dma_start3A_304] : memref<4x128x64xf32, #tpu.memory_space<vmem>> -> memref<1x1x64xf32, #tpu.memory_space<vmem>>
          %dma_start3A_306 = tpu.memref_squeeze %dma_start3A_305 : memref<1x1x64xf32, #tpu.memory_space<vmem>> -> memref<64xf32, #tpu.memory_space<vmem>>
          %dma_start3A_307 = arith.constant 0 : i32
          %dma_start3A_308 = tpu.memref_slice %arg3[%shift_right_logical3A_296, %and3A_298, %dma_start3A_307] : memref<125000x8x64xf32, #tpu.memory_space<hbm>> -> memref<1x1x64xf32, #tpu.memory_space<hbm>>
          %dma_start3A_309 = tpu.memref_squeeze %dma_start3A_308 : memref<1x1x64xf32, #tpu.memory_space<hbm>> -> memref<64xf32, #tpu.memory_space<hbm>>
          %dma_start3A_310 = arith.constant 0 : i32
          %dma_start3A_311 = tpu.memref_slice %arg6[%dma_start3A_303, %add3A_302, %dma_start3A_310] : memref<4x128x64xf32, #tpu.memory_space<vmem>> -> memref<1x1x64xf32, #tpu.memory_space<vmem>>
          %dma_start3A_312 = tpu.memref_squeeze %dma_start3A_311 : memref<1x1x64xf32, #tpu.memory_space<vmem>> -> memref<64xf32, #tpu.memory_space<vmem>>
          %dma_start3A_313 = arith.constant 0 : i32
          %dma_start3A_314 = tpu.memref_slice %arg3[%shift_right_logical3A_296, %and3A_298, %dma_start3A_313] : memref<125000x8x64xf32, #tpu.memory_space<hbm>> -> memref<1x1x64xf32, #tpu.memory_space<hbm>>
          %dma_start3A_315 = tpu.memref_squeeze %dma_start3A_314 : memref<1x1x64xf32, #tpu.memory_space<hbm>> -> memref<64xf32, #tpu.memory_space<hbm>>
          tpu.enqueue_dma source(%dma_start3A_315 : memref<64xf32, #tpu.memory_space<hbm>>) target(%dma_start3A_312 : memref<64xf32, #tpu.memory_space<vmem>>) target_semaphore(%arg9 : memref<!tpu.dma_semaphore, #tpu.memory_space<semaphore_mem>>)
          %slice3A_316 = vector.extract_strided_slice %get3A_273 {offsets = [2], sizes = [1], strides = [1]} : vector<16xi32> to vector<1xi32>
          %squeeze3A_317 = vector.extract %slice3A_316[0] : i32 from vector<1xi32>
          %shift_right_logical3A_318 = arith.constant 3 : i32
          %shift_right_logical3A_319 = arith.shrui %squeeze3A_317, %shift_right_logical3A_318 : i32
          %and3A_320 = arith.constant 7 : i32
          %and3A_321 = arith.andi %squeeze3A_317, %and3A_320 : i32
          %mul3A_322 = arith.constant 16 : i32
          %mul3A_323 = arith.muli %scan3A_269, %mul3A_322 : i32
          %add3A_324 = arith.constant 2 : i32
          %add3A_325 = arith.addi %mul3A_323, %add3A_324 : i32
          %dma_start3A_326 = arith.constant 2 : i32
          %dma_start3A_327 = arith.constant 0 : i32
          %dma_start3A_328 = tpu.memref_slice %arg6[%dma_start3A_326, %add3A_325, %dma_start3A_327] : memref<4x128x64xf32, #tpu.memory_space<vmem>> -> memref<1x1x64xf32, #tpu.memory_space<vmem>>
          %dma_start3A_329 = tpu.memref_squeeze %dma_start3A_328 : memref<1x1x64xf32, #tpu.memory_space<vmem>> -> memref<64xf32, #tpu.memory_space<vmem>>
          %dma_start3A_330 = arith.constant 0 : i32
          %dma_start3A_331 = tpu.memref_slice %arg3[%shift_right_logical3A_319, %and3A_321, %dma_start3A_330] : memref<125000x8x64xf32, #tpu.memory_space<hbm>> -> memref<1x1x64xf32, #tpu.memory_space<hbm>>
          %dma_start3A_332 = tpu.memref_squeeze %dma_start3A_331 : memref<1x1x64xf32, #tpu.memory_space<hbm>> -> memref<64xf32, #tpu.memory_space<hbm>>
          %dma_start3A_333 = arith.constant 0 : i32
          %dma_start3A_334 = tpu.memref_slice %arg6[%dma_start3A_326, %add3A_325, %dma_start3A_333] : memref<4x128x64xf32, #tpu.memory_space<vmem>> -> memref<1x1x64xf32, #tpu.memory_space<vmem>>
          %dma_start3A_335 = tpu.memref_squeeze %dma_start3A_334 : memref<1x1x64xf32, #tpu.memory_space<vmem>> -> memref<64xf32, #tpu.memory_space<vmem>>
          %dma_start3A_336 = arith.constant 0 : i32
          %dma_start3A_337 = tpu.memref_slice %arg3[%shift_right_logical3A_319, %and3A_321, %dma_start3A_336] : memref<125000x8x64xf32, #tpu.memory_space<hbm>> -> memref<1x1x64xf32, #tpu.memory_space<hbm>>
          %dma_start3A_338 = tpu.memref_squeeze %dma_start3A_337 : memref<1x1x64xf32, #tpu.memory_space<hbm>> -> memref<64xf32, #tpu.memory_space<hbm>>
          tpu.enqueue_dma source(%dma_start3A_338 : memref<64xf32, #tpu.memory_space<hbm>>) target(%dma_start3A_335 : memref<64xf32, #tpu.memory_space<vmem>>) target_semaphore(%arg9 : memref<!tpu.dma_semaphore, #tpu.memory_space<semaphore_mem>>)
          %slice3A_339 = vector.extract_strided_slice %get3A_273 {offsets = [3], sizes = [1], strides = [1]} : vector<16xi32> to vector<1xi32>
          %squeeze3A_340 = vector.extract %slice3A_339[0] : i32 from vector<1xi32>
          %shift_right_logical3A_341 = arith.constant 3 : i32
          %shift_right_logical3A_342 = arith.shrui %squeeze3A_340, %shift_right_logical3A_341 : i32
          %and3A_343 = arith.constant 7 : i32
          %and3A_344 = arith.andi %squeeze3A_340, %and3A_343 : i32
          %mul3A_345 = arith.constant 16 : i32
          %mul3A_346 = arith.muli %scan3A_269, %mul3A_345 : i32
          %add3A_347 = arith.constant 3 : i32
          %add3A_348 = arith.addi %mul3A_346, %add3A_347 : i32
          %dma_start3A_349 = arith.constant 2 : i32
          %dma_start3A_350 = arith.constant 0 : i32
          %dma_start3A_351 = tpu.memref_slice %arg6[%dma_start3A_349, %add3A_348, %dma_start3A_350] : memref<4x128x64xf32, #tpu.memory_space<vmem>> -> memref<1x1x64xf32, #tpu.memory_space<vmem>>
          %dma_start3A_352 = tpu.memref_squeeze %dma_start3A_351 : memref<1x1x64xf32, #tpu.memory_space<vmem>> -> memref<64xf32, #tpu.memory_space<vmem>>
          %dma_start3A_353 = arith.constant 0 : i32
          %dma_start3A_354 = tpu.memref_slice %arg3[%shift_right_logical3A_342, %and3A_344, %dma_start3A_353] : memref<125000x8x64xf32, #tpu.memory_space<hbm>> -> memref<1x1x64xf32, #tpu.memory_space<hbm>>
          %dma_start3A_355 = tpu.memref_squeeze %dma_start3A_354 : memref<1x1x64xf32, #tpu.memory_space<hbm>> -> memref<64xf32, #tpu.memory_space<hbm>>
          %dma_start3A_356 = arith.constant 0 : i32
          %dma_start3A_357 = tpu.memref_slice %arg6[%dma_start3A_349, %add3A_348, %dma_start3A_356] : memref<4x128x64xf32, #tpu.memory_space<vmem>> -> memref<1x1x64xf32, #tpu.memory_space<vmem>>
          %dma_start3A_358 = tpu.memref_squeeze %dma_start3A_357 : memref<1x1x64xf32, #tpu.memory_space<vmem>> -> memref<64xf32, #tpu.memory_space<vmem>>
          %dma_start3A_359 = arith.constant 0 : i32
          %dma_start3A_360 = tpu.memref_slice %arg3[%shift_right_logical3A_342, %and3A_344, %dma_start3A_359] : memref<125000x8x64xf32, #tpu.memory_space<hbm>> -> memref<1x1x64xf32, #tpu.memory_space<hbm>>
          %dma_start3A_361 = tpu.memref_squeeze %dma_start3A_360 : memref<1x1x64xf32, #tpu.memory_space<hbm>> -> memref<64xf32, #tpu.memory_space<hbm>>
          tpu.enqueue_dma source(%dma_start3A_361 : memref<64xf32, #tpu.memory_space<hbm>>) target(%dma_start3A_358 : memref<64xf32, #tpu.memory_space<vmem>>) target_semaphore(%arg9 : memref<!tpu.dma_semaphore, #tpu.memory_space<semaphore_mem>>)
          %slice3A_362 = vector.extract_strided_slice %get3A_273 {offsets = [4], sizes = [1], strides = [1]} : vector<16xi32> to vector<1xi32>
          %squeeze3A_363 = vector.extract %slice3A_362[0] : i32 from vector<1xi32>
          %shift_right_logical3A_364 = arith.constant 3 : i32
          %shift_right_logical3A_365 = arith.shrui %squeeze3A_363, %shift_right_logical3A_364 : i32
          %and3A_366 = arith.constant 7 : i32
          %and3A_367 = arith.andi %squeeze3A_363, %and3A_366 : i32
          %mul3A_368 = arith.constant 16 : i32
          %mul3A_369 = arith.muli %scan3A_269, %mul3A_368 : i32
          %add3A_370 = arith.constant 4 : i32
          %add3A_371 = arith.addi %mul3A_369, %add3A_370 : i32
          %dma_start3A_372 = arith.constant 2 : i32
          %dma_start3A_373 = arith.constant 0 : i32
          %dma_start3A_374 = tpu.memref_slice %arg6[%dma_start3A_372, %add3A_371, %dma_start3A_373] : memref<4x128x64xf32, #tpu.memory_space<vmem>> -> memref<1x1x64xf32, #tpu.memory_space<vmem>>
          %dma_start3A_375 = tpu.memref_squeeze %dma_start3A_374 : memref<1x1x64xf32, #tpu.memory_space<vmem>> -> memref<64xf32, #tpu.memory_space<vmem>>
          %dma_start3A_376 = arith.constant 0 : i32
          %dma_start3A_377 = tpu.memref_slice %arg3[%shift_right_logical3A_365, %and3A_367, %dma_start3A_376] : memref<125000x8x64xf32, #tpu.memory_space<hbm>> -> memref<1x1x64xf32, #tpu.memory_space<hbm>>
          %dma_start3A_378 = tpu.memref_squeeze %dma_start3A_377 : memref<1x1x64xf32, #tpu.memory_space<hbm>> -> memref<64xf32, #tpu.memory_space<hbm>>
          %dma_start3A_379 = arith.constant 0 : i32
          %dma_start3A_380 = tpu.memref_slice %arg6[%dma_start3A_372, %add3A_371, %dma_start3A_379] : memref<4x128x64xf32, #tpu.memory_space<vmem>> -> memref<1x1x64xf32, #tpu.memory_space<vmem>>
          %dma_start3A_381 = tpu.memref_squeeze %dma_start3A_380 : memref<1x1x64xf32, #tpu.memory_space<vmem>> -> memref<64xf32, #tpu.memory_space<vmem>>
          %dma_start3A_382 = arith.constant 0 : i32
          %dma_start3A_383 = tpu.memref_slice %arg3[%shift_right_logical3A_365, %and3A_367, %dma_start3A_382] : memref<125000x8x64xf32, #tpu.memory_space<hbm>> -> memref<1x1x64xf32, #tpu.memory_space<hbm>>
          %dma_start3A_384 = tpu.memref_squeeze %dma_start3A_383 : memref<1x1x64xf32, #tpu.memory_space<hbm>> -> memref<64xf32, #tpu.memory_space<hbm>>
          tpu.enqueue_dma source(%dma_start3A_384 : memref<64xf32, #tpu.memory_space<hbm>>) target(%dma_start3A_381 : memref<64xf32, #tpu.memory_space<vmem>>) target_semaphore(%arg9 : memref<!tpu.dma_semaphore, #tpu.memory_space<semaphore_mem>>)
          %slice3A_385 = vector.extract_strided_slice %get3A_273 {offsets = [5], sizes = [1], strides = [1]} : vector<16xi32> to vector<1xi32>
          %squeeze3A_386 = vector.extract %slice3A_385[0] : i32 from vector<1xi32>
          %shift_right_logical3A_387 = arith.constant 3 : i32
          %shift_right_logical3A_388 = arith.shrui %squeeze3A_386, %shift_right_logical3A_387 : i32
          %and3A_389 = arith.constant 7 : i32
          %and3A_390 = arith.andi %squeeze3A_386, %and3A_389 : i32
          %mul3A_391 = arith.constant 16 : i32
          %mul3A_392 = arith.muli %scan3A_269, %mul3A_391 : i32
          %add3A_393 = arith.constant 5 : i32
          %add3A_394 = arith.addi %mul3A_392, %add3A_393 : i32
          %dma_start3A_395 = arith.constant 2 : i32
          %dma_start3A_396 = arith.constant 0 : i32
          %dma_start3A_397 = tpu.memref_slice %arg6[%dma_start3A_395, %add3A_394, %dma_start3A_396] : memref<4x128x64xf32, #tpu.memory_space<vmem>> -> memref<1x1x64xf32, #tpu.memory_space<vmem>>
          %dma_start3A_398 = tpu.memref_squeeze %dma_start3A_397 : memref<1x1x64xf32, #tpu.memory_space<vmem>> -> memref<64xf32, #tpu.memory_space<vmem>>
          %dma_start3A_399 = arith.constant 0 : i32
          %dma_start3A_400 = tpu.memref_slice %arg3[%shift_right_logical3A_388, %and3A_390, %dma_start3A_399] : memref<125000x8x64xf32, #tpu.memory_space<hbm>> -> memref<1x1x64xf32, #tpu.memory_space<hbm>>
          %dma_start3A_401 = tpu.memref_squeeze %dma_start3A_400 : memref<1x1x64xf32, #tpu.memory_space<hbm>> -> memref<64xf32, #tpu.memory_space<hbm>>
          %dma_start3A_402 = arith.constant 0 : i32
          %dma_start3A_403 = tpu.memref_slice %arg6[%dma_start3A_395, %add3A_394, %dma_start3A_402] : memref<4x128x64xf32, #tpu.memory_space<vmem>> -> memref<1x1x64xf32, #tpu.memory_space<vmem>>
          %dma_start3A_404 = tpu.memref_squeeze %dma_start3A_403 : memref<1x1x64xf32, #tpu.memory_space<vmem>> -> memref<64xf32, #tpu.memory_space<vmem>>
          %dma_start3A_405 = arith.constant 0 : i32
          %dma_start3A_406 = tpu.memref_slice %arg3[%shift_right_logical3A_388, %and3A_390, %dma_start3A_405] : memref<125000x8x64xf32, #tpu.memory_space<hbm>> -> memref<1x1x64xf32, #tpu.memory_space<hbm>>
          %dma_start3A_407 = tpu.memref_squeeze %dma_start3A_406 : memref<1x1x64xf32, #tpu.memory_space<hbm>> -> memref<64xf32, #tpu.memory_space<hbm>>
          tpu.enqueue_dma source(%dma_start3A_407 : memref<64xf32, #tpu.memory_space<hbm>>) target(%dma_start3A_404 : memref<64xf32, #tpu.memory_space<vmem>>) target_semaphore(%arg9 : memref<!tpu.dma_semaphore, #tpu.memory_space<semaphore_mem>>)
          %slice3A_408 = vector.extract_strided_slice %get3A_273 {offsets = [6], sizes = [1], strides = [1]} : vector<16xi32> to vector<1xi32>
          %squeeze3A_409 = vector.extract %slice3A_408[0] : i32 from vector<1xi32>
          %shift_right_logical3A_410 = arith.constant 3 : i32
          %shift_right_logical3A_411 = arith.shrui %squeeze3A_409, %shift_right_logical3A_410 : i32
          %and3A_412 = arith.constant 7 : i32
          %and3A_413 = arith.andi %squeeze3A_409, %and3A_412 : i32
          %mul3A_414 = arith.constant 16 : i32
          %mul3A_415 = arith.muli %scan3A_269, %mul3A_414 : i32
          %add3A_416 = arith.constant 6 : i32
          %add3A_417 = arith.addi %mul3A_415, %add3A_416 : i32
          %dma_start3A_418 = arith.constant 2 : i32
          %dma_start3A_419 = arith.constant 0 : i32
          %dma_start3A_420 = tpu.memref_slice %arg6[%dma_start3A_418, %add3A_417, %dma_start3A_419] : memref<4x128x64xf32, #tpu.memory_space<vmem>> -> memref<1x1x64xf32, #tpu.memory_space<vmem>>
          %dma_start3A_421 = tpu.memref_squeeze %dma_start3A_420 : memref<1x1x64xf32, #tpu.memory_space<vmem>> -> memref<64xf32, #tpu.memory_space<vmem>>
          %dma_start3A_422 = arith.constant 0 : i32
          %dma_start3A_423 = tpu.memref_slice %arg3[%shift_right_logical3A_411, %and3A_413, %dma_start3A_422] : memref<125000x8x64xf32, #tpu.memory_space<hbm>> -> memref<1x1x64xf32, #tpu.memory_space<hbm>>
          %dma_start3A_424 = tpu.memref_squeeze %dma_start3A_423 : memref<1x1x64xf32, #tpu.memory_space<hbm>> -> memref<64xf32, #tpu.memory_space<hbm>>
          %dma_start3A_425 = arith.constant 0 : i32
          %dma_start3A_426 = tpu.memref_slice %arg6[%dma_start3A_418, %add3A_417, %dma_start3A_425] : memref<4x128x64xf32, #tpu.memory_space<vmem>> -> memref<1x1x64xf32, #tpu.memory_space<vmem>>
          %dma_start3A_427 = tpu.memref_squeeze %dma_start3A_426 : memref<1x1x64xf32, #tpu.memory_space<vmem>> -> memref<64xf32, #tpu.memory_space<vmem>>
          %dma_start3A_428 = arith.constant 0 : i32
          %dma_start3A_429 = tpu.memref_slice %arg3[%shift_right_logical3A_411, %and3A_413, %dma_start3A_428] : memref<125000x8x64xf32, #tpu.memory_space<hbm>> -> memref<1x1x64xf32, #tpu.memory_space<hbm>>
          %dma_start3A_430 = tpu.memref_squeeze %dma_start3A_429 : memref<1x1x64xf32, #tpu.memory_space<hbm>> -> memref<64xf32, #tpu.memory_space<hbm>>
          tpu.enqueue_dma source(%dma_start3A_430 : memref<64xf32, #tpu.memory_space<hbm>>) target(%dma_start3A_427 : memref<64xf32, #tpu.memory_space<vmem>>) target_semaphore(%arg9 : memref<!tpu.dma_semaphore, #tpu.memory_space<semaphore_mem>>)
          %slice3A_431 = vector.extract_strided_slice %get3A_273 {offsets = [7], sizes = [1], strides = [1]} : vector<16xi32> to vector<1xi32>
          %squeeze3A_432 = vector.extract %slice3A_431[0] : i32 from vector<1xi32>
          %shift_right_logical3A_433 = arith.constant 3 : i32
          %shift_right_logical3A_434 = arith.shrui %squeeze3A_432, %shift_right_logical3A_433 : i32
          %and3A_435 = arith.constant 7 : i32
          %and3A_436 = arith.andi %squeeze3A_432, %and3A_435 : i32
          %mul3A_437 = arith.constant 16 : i32
          %mul3A_438 = arith.muli %scan3A_269, %mul3A_437 : i32
          %add3A_439 = arith.constant 7 : i32
          %add3A_440 = arith.addi %mul3A_438, %add3A_439 : i32
          %dma_start3A_441 = arith.constant 2 : i32
          %dma_start3A_442 = arith.constant 0 : i32
          %dma_start3A_443 = tpu.memref_slice %arg6[%dma_start3A_441, %add3A_440, %dma_start3A_442] : memref<4x128x64xf32, #tpu.memory_space<vmem>> -> memref<1x1x64xf32, #tpu.memory_space<vmem>>
          %dma_start3A_444 = tpu.memref_squeeze %dma_start3A_443 : memref<1x1x64xf32, #tpu.memory_space<vmem>> -> memref<64xf32, #tpu.memory_space<vmem>>
          %dma_start3A_445 = arith.constant 0 : i32
          %dma_start3A_446 = tpu.memref_slice %arg3[%shift_right_logical3A_434, %and3A_436, %dma_start3A_445] : memref<125000x8x64xf32, #tpu.memory_space<hbm>> -> memref<1x1x64xf32, #tpu.memory_space<hbm>>
          %dma_start3A_447 = tpu.memref_squeeze %dma_start3A_446 : memref<1x1x64xf32, #tpu.memory_space<hbm>> -> memref<64xf32, #tpu.memory_space<hbm>>
          %dma_start3A_448 = arith.constant 0 : i32
          %dma_start3A_449 = tpu.memref_slice %arg6[%dma_start3A_441, %add3A_440, %dma_start3A_448] : memref<4x128x64xf32, #tpu.memory_space<vmem>> -> memref<1x1x64xf32, #tpu.memory_space<vmem>>
          %dma_start3A_450 = tpu.memref_squeeze %dma_start3A_449 : memref<1x1x64xf32, #tpu.memory_space<vmem>> -> memref<64xf32, #tpu.memory_space<vmem>>
          %dma_start3A_451 = arith.constant 0 : i32
          %dma_start3A_452 = tpu.memref_slice %arg3[%shift_right_logical3A_434, %and3A_436, %dma_start3A_451] : memref<125000x8x64xf32, #tpu.memory_space<hbm>> -> memref<1x1x64xf32, #tpu.memory_space<hbm>>
          %dma_start3A_453 = tpu.memref_squeeze %dma_start3A_452 : memref<1x1x64xf32, #tpu.memory_space<hbm>> -> memref<64xf32, #tpu.memory_space<hbm>>
          tpu.enqueue_dma source(%dma_start3A_453 : memref<64xf32, #tpu.memory_space<hbm>>) target(%dma_start3A_450 : memref<64xf32, #tpu.memory_space<vmem>>) target_semaphore(%arg9 : memref<!tpu.dma_semaphore, #tpu.memory_space<semaphore_mem>>)
          %slice3A_454 = vector.extract_strided_slice %get3A_273 {offsets = [8], sizes = [1], strides = [1]} : vector<16xi32> to vector<1xi32>
          %squeeze3A_455 = vector.extract %slice3A_454[0] : i32 from vector<1xi32>
          %shift_right_logical3A_456 = arith.constant 3 : i32
          %shift_right_logical3A_457 = arith.shrui %squeeze3A_455, %shift_right_logical3A_456 : i32
          %and3A_458 = arith.constant 7 : i32
          %and3A_459 = arith.andi %squeeze3A_455, %and3A_458 : i32
          %mul3A_460 = arith.constant 16 : i32
          %mul3A_461 = arith.muli %scan3A_269, %mul3A_460 : i32
          %add3A_462 = arith.constant 8 : i32
          %add3A_463 = arith.addi %mul3A_461, %add3A_462 : i32
          %dma_start3A_464 = arith.constant 2 : i32
          %dma_start3A_465 = arith.constant 0 : i32
          %dma_start3A_466 = tpu.memref_slice %arg6[%dma_start3A_464, %add3A_463, %dma_start3A_465] : memref<4x128x64xf32, #tpu.memory_space<vmem>> -> memref<1x1x64xf32, #tpu.memory_space<vmem>>
          %dma_start3A_467 = tpu.memref_squeeze %dma_start3A_466 : memref<1x1x64xf32, #tpu.memory_space<vmem>> -> memref<64xf32, #tpu.memory_space<vmem>>
          %dma_start3A_468 = arith.constant 0 : i32
          %dma_start3A_469 = tpu.memref_slice %arg3[%shift_right_logical3A_457, %and3A_459, %dma_start3A_468] : memref<125000x8x64xf32, #tpu.memory_space<hbm>> -> memref<1x1x64xf32, #tpu.memory_space<hbm>>
          %dma_start3A_470 = tpu.memref_squeeze %dma_start3A_469 : memref<1x1x64xf32, #tpu.memory_space<hbm>> -> memref<64xf32, #tpu.memory_space<hbm>>
          %dma_start3A_471 = arith.constant 0 : i32
          %dma_start3A_472 = tpu.memref_slice %arg6[%dma_start3A_464, %add3A_463, %dma_start3A_471] : memref<4x128x64xf32, #tpu.memory_space<vmem>> -> memref<1x1x64xf32, #tpu.memory_space<vmem>>
          %dma_start3A_473 = tpu.memref_squeeze %dma_start3A_472 : memref<1x1x64xf32, #tpu.memory_space<vmem>> -> memref<64xf32, #tpu.memory_space<vmem>>
          %dma_start3A_474 = arith.constant 0 : i32
          %dma_start3A_475 = tpu.memref_slice %arg3[%shift_right_logical3A_457, %and3A_459, %dma_start3A_474] : memref<125000x8x64xf32, #tpu.memory_space<hbm>> -> memref<1x1x64xf32, #tpu.memory_space<hbm>>
          %dma_start3A_476 = tpu.memref_squeeze %dma_start3A_475 : memref<1x1x64xf32, #tpu.memory_space<hbm>> -> memref<64xf32, #tpu.memory_space<hbm>>
          tpu.enqueue_dma source(%dma_start3A_476 : memref<64xf32, #tpu.memory_space<hbm>>) target(%dma_start3A_473 : memref<64xf32, #tpu.memory_space<vmem>>) target_semaphore(%arg9 : memref<!tpu.dma_semaphore, #tpu.memory_space<semaphore_mem>>)
          %slice3A_477 = vector.extract_strided_slice %get3A_273 {offsets = [9], sizes = [1], strides = [1]} : vector<16xi32> to vector<1xi32>
          %squeeze3A_478 = vector.extract %slice3A_477[0] : i32 from vector<1xi32>
          %shift_right_logical3A_479 = arith.constant 3 : i32
          %shift_right_logical3A_480 = arith.shrui %squeeze3A_478, %shift_right_logical3A_479 : i32
          %and3A_481 = arith.constant 7 : i32
          %and3A_482 = arith.andi %squeeze3A_478, %and3A_481 : i32
          %mul3A_483 = arith.constant 16 : i32
          %mul3A_484 = arith.muli %scan3A_269, %mul3A_483 : i32
          %add3A_485 = arith.constant 9 : i32
          %add3A_486 = arith.addi %mul3A_484, %add3A_485 : i32
          %dma_start3A_487 = arith.constant 2 : i32
          %dma_start3A_488 = arith.constant 0 : i32
          %dma_start3A_489 = tpu.memref_slice %arg6[%dma_start3A_487, %add3A_486, %dma_start3A_488] : memref<4x128x64xf32, #tpu.memory_space<vmem>> -> memref<1x1x64xf32, #tpu.memory_space<vmem>>
          %dma_start3A_490 = tpu.memref_squeeze %dma_start3A_489 : memref<1x1x64xf32, #tpu.memory_space<vmem>> -> memref<64xf32, #tpu.memory_space<vmem>>
          %dma_start3A_491 = arith.constant 0 : i32
          %dma_start3A_492 = tpu.memref_slice %arg3[%shift_right_logical3A_480, %and3A_482, %dma_start3A_491] : memref<125000x8x64xf32, #tpu.memory_space<hbm>> -> memref<1x1x64xf32, #tpu.memory_space<hbm>>
          %dma_start3A_493 = tpu.memref_squeeze %dma_start3A_492 : memref<1x1x64xf32, #tpu.memory_space<hbm>> -> memref<64xf32, #tpu.memory_space<hbm>>
          %dma_start3A_494 = arith.constant 0 : i32
          %dma_start3A_495 = tpu.memref_slice %arg6[%dma_start3A_487, %add3A_486, %dma_start3A_494] : memref<4x128x64xf32, #tpu.memory_space<vmem>> -> memref<1x1x64xf32, #tpu.memory_space<vmem>>
          %dma_start3A_496 = tpu.memref_squeeze %dma_start3A_495 : memref<1x1x64xf32, #tpu.memory_space<vmem>> -> memref<64xf32, #tpu.memory_space<vmem>>
          %dma_start3A_497 = arith.constant 0 : i32
          %dma_start3A_498 = tpu.memref_slice %arg3[%shift_right_logical3A_480, %and3A_482, %dma_start3A_497] : memref<125000x8x64xf32, #tpu.memory_space<hbm>> -> memref<1x1x64xf32, #tpu.memory_space<hbm>>
          %dma_start3A_499 = tpu.memref_squeeze %dma_start3A_498 : memref<1x1x64xf32, #tpu.memory_space<hbm>> -> memref<64xf32, #tpu.memory_space<hbm>>
          tpu.enqueue_dma source(%dma_start3A_499 : memref<64xf32, #tpu.memory_space<hbm>>) target(%dma_start3A_496 : memref<64xf32, #tpu.memory_space<vmem>>) target_semaphore(%arg9 : memref<!tpu.dma_semaphore, #tpu.memory_space<semaphore_mem>>)
          %slice3A_500 = vector.extract_strided_slice %get3A_273 {offsets = [10], sizes = [1], strides = [1]} : vector<16xi32> to vector<1xi32>
          %squeeze3A_501 = vector.extract %slice3A_500[0] : i32 from vector<1xi32>
          %shift_right_logical3A_502 = arith.constant 3 : i32
          %shift_right_logical3A_503 = arith.shrui %squeeze3A_501, %shift_right_logical3A_502 : i32
          %and3A_504 = arith.constant 7 : i32
          %and3A_505 = arith.andi %squeeze3A_501, %and3A_504 : i32
          %mul3A_506 = arith.constant 16 : i32
          %mul3A_507 = arith.muli %scan3A_269, %mul3A_506 : i32
          %add3A_508 = arith.constant 10 : i32
          %add3A_509 = arith.addi %mul3A_507, %add3A_508 : i32
          %dma_start3A_510 = arith.constant 2 : i32
          %dma_start3A_511 = arith.constant 0 : i32
          %dma_start3A_512 = tpu.memref_slice %arg6[%dma_start3A_510, %add3A_509, %dma_start3A_511] : memref<4x128x64xf32, #tpu.memory_space<vmem>> -> memref<1x1x64xf32, #tpu.memory_space<vmem>>
          %dma_start3A_513 = tpu.memref_squeeze %dma_start3A_512 : memref<1x1x64xf32, #tpu.memory_space<vmem>> -> memref<64xf32, #tpu.memory_space<vmem>>
          %dma_start3A_514 = arith.constant 0 : i32
          %dma_start3A_515 = tpu.memref_slice %arg3[%shift_right_logical3A_503, %and3A_505, %dma_start3A_514] : memref<125000x8x64xf32, #tpu.memory_space<hbm>> -> memref<1x1x64xf32, #tpu.memory_space<hbm>>
          %dma_start3A_516 = tpu.memref_squeeze %dma_start3A_515 : memref<1x1x64xf32, #tpu.memory_space<hbm>> -> memref<64xf32, #tpu.memory_space<hbm>>
          %dma_start3A_517 = arith.constant 0 : i32
          %dma_start3A_518 = tpu.memref_slice %arg6[%dma_start3A_510, %add3A_509, %dma_start3A_517] : memref<4x128x64xf32, #tpu.memory_space<vmem>> -> memref<1x1x64xf32, #tpu.memory_space<vmem>>
          %dma_start3A_519 = tpu.memref_squeeze %dma_start3A_518 : memref<1x1x64xf32, #tpu.memory_space<vmem>> -> memref<64xf32, #tpu.memory_space<vmem>>
          %dma_start3A_520 = arith.constant 0 : i32
          %dma_start3A_521 = tpu.memref_slice %arg3[%shift_right_logical3A_503, %and3A_505, %dma_start3A_520] : memref<125000x8x64xf32, #tpu.memory_space<hbm>> -> memref<1x1x64xf32, #tpu.memory_space<hbm>>
          %dma_start3A_522 = tpu.memref_squeeze %dma_start3A_521 : memref<1x1x64xf32, #tpu.memory_space<hbm>> -> memref<64xf32, #tpu.memory_space<hbm>>
          tpu.enqueue_dma source(%dma_start3A_522 : memref<64xf32, #tpu.memory_space<hbm>>) target(%dma_start3A_519 : memref<64xf32, #tpu.memory_space<vmem>>) target_semaphore(%arg9 : memref<!tpu.dma_semaphore, #tpu.memory_space<semaphore_mem>>)
          %slice3A_523 = vector.extract_strided_slice %get3A_273 {offsets = [11], sizes = [1], strides = [1]} : vector<16xi32> to vector<1xi32>
          %squeeze3A_524 = vector.extract %slice3A_523[0] : i32 from vector<1xi32>
          %shift_right_logical3A_525 = arith.constant 3 : i32
          %shift_right_logical3A_526 = arith.shrui %squeeze3A_524, %shift_right_logical3A_525 : i32
          %and3A_527 = arith.constant 7 : i32
          %and3A_528 = arith.andi %squeeze3A_524, %and3A_527 : i32
          %mul3A_529 = arith.constant 16 : i32
          %mul3A_530 = arith.muli %scan3A_269, %mul3A_529 : i32
          %add3A_531 = arith.constant 11 : i32
          %add3A_532 = arith.addi %mul3A_530, %add3A_531 : i32
          %dma_start3A_533 = arith.constant 2 : i32
          %dma_start3A_534 = arith.constant 0 : i32
          %dma_start3A_535 = tpu.memref_slice %arg6[%dma_start3A_533, %add3A_532, %dma_start3A_534] : memref<4x128x64xf32, #tpu.memory_space<vmem>> -> memref<1x1x64xf32, #tpu.memory_space<vmem>>
          %dma_start3A_536 = tpu.memref_squeeze %dma_start3A_535 : memref<1x1x64xf32, #tpu.memory_space<vmem>> -> memref<64xf32, #tpu.memory_space<vmem>>
          %dma_start3A_537 = arith.constant 0 : i32
          %dma_start3A_538 = tpu.memref_slice %arg3[%shift_right_logical3A_526, %and3A_528, %dma_start3A_537] : memref<125000x8x64xf32, #tpu.memory_space<hbm>> -> memref<1x1x64xf32, #tpu.memory_space<hbm>>
          %dma_start3A_539 = tpu.memref_squeeze %dma_start3A_538 : memref<1x1x64xf32, #tpu.memory_space<hbm>> -> memref<64xf32, #tpu.memory_space<hbm>>
          %dma_start3A_540 = arith.constant 0 : i32
          %dma_start3A_541 = tpu.memref_slice %arg6[%dma_start3A_533, %add3A_532, %dma_start3A_540] : memref<4x128x64xf32, #tpu.memory_space<vmem>> -> memref<1x1x64xf32, #tpu.memory_space<vmem>>
          %dma_start3A_542 = tpu.memref_squeeze %dma_start3A_541 : memref<1x1x64xf32, #tpu.memory_space<vmem>> -> memref<64xf32, #tpu.memory_space<vmem>>
          %dma_start3A_543 = arith.constant 0 : i32
          %dma_start3A_544 = tpu.memref_slice %arg3[%shift_right_logical3A_526, %and3A_528, %dma_start3A_543] : memref<125000x8x64xf32, #tpu.memory_space<hbm>> -> memref<1x1x64xf32, #tpu.memory_space<hbm>>
          %dma_start3A_545 = tpu.memref_squeeze %dma_start3A_544 : memref<1x1x64xf32, #tpu.memory_space<hbm>> -> memref<64xf32, #tpu.memory_space<hbm>>
          tpu.enqueue_dma source(%dma_start3A_545 : memref<64xf32, #tpu.memory_space<hbm>>) target(%dma_start3A_542 : memref<64xf32, #tpu.memory_space<vmem>>) target_semaphore(%arg9 : memref<!tpu.dma_semaphore, #tpu.memory_space<semaphore_mem>>)
          %slice3A_546 = vector.extract_strided_slice %get3A_273 {offsets = [12], sizes = [1], strides = [1]} : vector<16xi32> to vector<1xi32>
          %squeeze3A_547 = vector.extract %slice3A_546[0] : i32 from vector<1xi32>
          %shift_right_logical3A_548 = arith.constant 3 : i32
          %shift_right_logical3A_549 = arith.shrui %squeeze3A_547, %shift_right_logical3A_548 : i32
          %and3A_550 = arith.constant 7 : i32
          %and3A_551 = arith.andi %squeeze3A_547, %and3A_550 : i32
          %mul3A_552 = arith.constant 16 : i32
          %mul3A_553 = arith.muli %scan3A_269, %mul3A_552 : i32
          %add3A_554 = arith.constant 12 : i32
          %add3A_555 = arith.addi %mul3A_553, %add3A_554 : i32
          %dma_start3A_556 = arith.constant 2 : i32
          %dma_start3A_557 = arith.constant 0 : i32
          %dma_start3A_558 = tpu.memref_slice %arg6[%dma_start3A_556, %add3A_555, %dma_start3A_557] : memref<4x128x64xf32, #tpu.memory_space<vmem>> -> memref<1x1x64xf32, #tpu.memory_space<vmem>>
          %dma_start3A_559 = tpu.memref_squeeze %dma_start3A_558 : memref<1x1x64xf32, #tpu.memory_space<vmem>> -> memref<64xf32, #tpu.memory_space<vmem>>
          %dma_start3A_560 = arith.constant 0 : i32
          %dma_start3A_561 = tpu.memref_slice %arg3[%shift_right_logical3A_549, %and3A_551, %dma_start3A_560] : memref<125000x8x64xf32, #tpu.memory_space<hbm>> -> memref<1x1x64xf32, #tpu.memory_space<hbm>>
          %dma_start3A_562 = tpu.memref_squeeze %dma_start3A_561 : memref<1x1x64xf32, #tpu.memory_space<hbm>> -> memref<64xf32, #tpu.memory_space<hbm>>
          %dma_start3A_563 = arith.constant 0 : i32
          %dma_start3A_564 = tpu.memref_slice %arg6[%dma_start3A_556, %add3A_555, %dma_start3A_563] : memref<4x128x64xf32, #tpu.memory_space<vmem>> -> memref<1x1x64xf32, #tpu.memory_space<vmem>>
          %dma_start3A_565 = tpu.memref_squeeze %dma_start3A_564 : memref<1x1x64xf32, #tpu.memory_space<vmem>> -> memref<64xf32, #tpu.memory_space<vmem>>
          %dma_start3A_566 = arith.constant 0 : i32
          %dma_start3A_567 = tpu.memref_slice %arg3[%shift_right_logical3A_549, %and3A_551, %dma_start3A_566] : memref<125000x8x64xf32, #tpu.memory_space<hbm>> -> memref<1x1x64xf32, #tpu.memory_space<hbm>>
          %dma_start3A_568 = tpu.memref_squeeze %dma_start3A_567 : memref<1x1x64xf32, #tpu.memory_space<hbm>> -> memref<64xf32, #tpu.memory_space<hbm>>
          tpu.enqueue_dma source(%dma_start3A_568 : memref<64xf32, #tpu.memory_space<hbm>>) target(%dma_start3A_565 : memref<64xf32, #tpu.memory_space<vmem>>) target_semaphore(%arg9 : memref<!tpu.dma_semaphore, #tpu.memory_space<semaphore_mem>>)
          %slice3A_569 = vector.extract_strided_slice %get3A_273 {offsets = [13], sizes = [1], strides = [1]} : vector<16xi32> to vector<1xi32>
          %squeeze3A_570 = vector.extract %slice3A_569[0] : i32 from vector<1xi32>
          %shift_right_logical3A_571 = arith.constant 3 : i32
          %shift_right_logical3A_572 = arith.shrui %squeeze3A_570, %shift_right_logical3A_571 : i32
          %and3A_573 = arith.constant 7 : i32
          %and3A_574 = arith.andi %squeeze3A_570, %and3A_573 : i32
          %mul3A_575 = arith.constant 16 : i32
          %mul3A_576 = arith.muli %scan3A_269, %mul3A_575 : i32
          %add3A_577 = arith.constant 13 : i32
          %add3A_578 = arith.addi %mul3A_576, %add3A_577 : i32
          %dma_start3A_579 = arith.constant 2 : i32
          %dma_start3A_580 = arith.constant 0 : i32
          %dma_start3A_581 = tpu.memref_slice %arg6[%dma_start3A_579, %add3A_578, %dma_start3A_580] : memref<4x128x64xf32, #tpu.memory_space<vmem>> -> memref<1x1x64xf32, #tpu.memory_space<vmem>>
          %dma_start3A_582 = tpu.memref_squeeze %dma_start3A_581 : memref<1x1x64xf32, #tpu.memory_space<vmem>> -> memref<64xf32, #tpu.memory_space<vmem>>
          %dma_start3A_583 = arith.constant 0 : i32
          %dma_start3A_584 = tpu.memref_slice %arg3[%shift_right_logical3A_572, %and3A_574, %dma_start3A_583] : memref<125000x8x64xf32, #tpu.memory_space<hbm>> -> memref<1x1x64xf32, #tpu.memory_space<hbm>>
          %dma_start3A_585 = tpu.memref_squeeze %dma_start3A_584 : memref<1x1x64xf32, #tpu.memory_space<hbm>> -> memref<64xf32, #tpu.memory_space<hbm>>
          %dma_start3A_586 = arith.constant 0 : i32
          %dma_start3A_587 = tpu.memref_slice %arg6[%dma_start3A_579, %add3A_578, %dma_start3A_586] : memref<4x128x64xf32, #tpu.memory_space<vmem>> -> memref<1x1x64xf32, #tpu.memory_space<vmem>>
          %dma_start3A_588 = tpu.memref_squeeze %dma_start3A_587 : memref<1x1x64xf32, #tpu.memory_space<vmem>> -> memref<64xf32, #tpu.memory_space<vmem>>
          %dma_start3A_589 = arith.constant 0 : i32
          %dma_start3A_590 = tpu.memref_slice %arg3[%shift_right_logical3A_572, %and3A_574, %dma_start3A_589] : memref<125000x8x64xf32, #tpu.memory_space<hbm>> -> memref<1x1x64xf32, #tpu.memory_space<hbm>>
          %dma_start3A_591 = tpu.memref_squeeze %dma_start3A_590 : memref<1x1x64xf32, #tpu.memory_space<hbm>> -> memref<64xf32, #tpu.memory_space<hbm>>
          tpu.enqueue_dma source(%dma_start3A_591 : memref<64xf32, #tpu.memory_space<hbm>>) target(%dma_start3A_588 : memref<64xf32, #tpu.memory_space<vmem>>) target_semaphore(%arg9 : memref<!tpu.dma_semaphore, #tpu.memory_space<semaphore_mem>>)
          %slice3A_592 = vector.extract_strided_slice %get3A_273 {offsets = [14], sizes = [1], strides = [1]} : vector<16xi32> to vector<1xi32>
          %squeeze3A_593 = vector.extract %slice3A_592[0] : i32 from vector<1xi32>
          %shift_right_logical3A_594 = arith.constant 3 : i32
          %shift_right_logical3A_595 = arith.shrui %squeeze3A_593, %shift_right_logical3A_594 : i32
          %and3A_596 = arith.constant 7 : i32
          %and3A_597 = arith.andi %squeeze3A_593, %and3A_596 : i32
          %mul3A_598 = arith.constant 16 : i32
          %mul3A_599 = arith.muli %scan3A_269, %mul3A_598 : i32
          %add3A_600 = arith.constant 14 : i32
          %add3A_601 = arith.addi %mul3A_599, %add3A_600 : i32
          %dma_start3A_602 = arith.constant 2 : i32
          %dma_start3A_603 = arith.constant 0 : i32
          %dma_start3A_604 = tpu.memref_slice %arg6[%dma_start3A_602, %add3A_601, %dma_start3A_603] : memref<4x128x64xf32, #tpu.memory_space<vmem>> -> memref<1x1x64xf32, #tpu.memory_space<vmem>>
          %dma_start3A_605 = tpu.memref_squeeze %dma_start3A_604 : memref<1x1x64xf32, #tpu.memory_space<vmem>> -> memref<64xf32, #tpu.memory_space<vmem>>
          %dma_start3A_606 = arith.constant 0 : i32
          %dma_start3A_607 = tpu.memref_slice %arg3[%shift_right_logical3A_595, %and3A_597, %dma_start3A_606] : memref<125000x8x64xf32, #tpu.memory_space<hbm>> -> memref<1x1x64xf32, #tpu.memory_space<hbm>>
          %dma_start3A_608 = tpu.memref_squeeze %dma_start3A_607 : memref<1x1x64xf32, #tpu.memory_space<hbm>> -> memref<64xf32, #tpu.memory_space<hbm>>
          %dma_start3A_609 = arith.constant 0 : i32
          %dma_start3A_610 = tpu.memref_slice %arg6[%dma_start3A_602, %add3A_601, %dma_start3A_609] : memref<4x128x64xf32, #tpu.memory_space<vmem>> -> memref<1x1x64xf32, #tpu.memory_space<vmem>>
          %dma_start3A_611 = tpu.memref_squeeze %dma_start3A_610 : memref<1x1x64xf32, #tpu.memory_space<vmem>> -> memref<64xf32, #tpu.memory_space<vmem>>
          %dma_start3A_612 = arith.constant 0 : i32
          %dma_start3A_613 = tpu.memref_slice %arg3[%shift_right_logical3A_595, %and3A_597, %dma_start3A_612] : memref<125000x8x64xf32, #tpu.memory_space<hbm>> -> memref<1x1x64xf32, #tpu.memory_space<hbm>>
          %dma_start3A_614 = tpu.memref_squeeze %dma_start3A_613 : memref<1x1x64xf32, #tpu.memory_space<hbm>> -> memref<64xf32, #tpu.memory_space<hbm>>
          tpu.enqueue_dma source(%dma_start3A_614 : memref<64xf32, #tpu.memory_space<hbm>>) target(%dma_start3A_611 : memref<64xf32, #tpu.memory_space<vmem>>) target_semaphore(%arg9 : memref<!tpu.dma_semaphore, #tpu.memory_space<semaphore_mem>>)
          %slice3A_615 = vector.extract_strided_slice %get3A_273 {offsets = [15], sizes = [1], strides = [1]} : vector<16xi32> to vector<1xi32>
          %squeeze3A_616 = vector.extract %slice3A_615[0] : i32 from vector<1xi32>
          %shift_right_logical3A_617 = arith.constant 3 : i32
          %shift_right_logical3A_618 = arith.shrui %squeeze3A_616, %shift_right_logical3A_617 : i32
          %and3A_619 = arith.constant 7 : i32
          %and3A_620 = arith.andi %squeeze3A_616, %and3A_619 : i32
          %mul3A_621 = arith.constant 16 : i32
          %mul3A_622 = arith.muli %scan3A_269, %mul3A_621 : i32
          %add3A_623 = arith.constant 15 : i32
          %add3A_624 = arith.addi %mul3A_622, %add3A_623 : i32
          %dma_start3A_625 = arith.constant 2 : i32
          %dma_start3A_626 = arith.constant 0 : i32
          %dma_start3A_627 = tpu.memref_slice %arg6[%dma_start3A_625, %add3A_624, %dma_start3A_626] : memref<4x128x64xf32, #tpu.memory_space<vmem>> -> memref<1x1x64xf32, #tpu.memory_space<vmem>>
          %dma_start3A_628 = tpu.memref_squeeze %dma_start3A_627 : memref<1x1x64xf32, #tpu.memory_space<vmem>> -> memref<64xf32, #tpu.memory_space<vmem>>
          %dma_start3A_629 = arith.constant 0 : i32
          %dma_start3A_630 = tpu.memref_slice %arg3[%shift_right_logical3A_618, %and3A_620, %dma_start3A_629] : memref<125000x8x64xf32, #tpu.memory_space<hbm>> -> memref<1x1x64xf32, #tpu.memory_space<hbm>>
          %dma_start3A_631 = tpu.memref_squeeze %dma_start3A_630 : memref<1x1x64xf32, #tpu.memory_space<hbm>> -> memref<64xf32, #tpu.memory_space<hbm>>
          %dma_start3A_632 = arith.constant 0 : i32
          %dma_start3A_633 = tpu.memref_slice %arg6[%dma_start3A_625, %add3A_624, %dma_start3A_632] : memref<4x128x64xf32, #tpu.memory_space<vmem>> -> memref<1x1x64xf32, #tpu.memory_space<vmem>>
          %dma_start3A_634 = tpu.memref_squeeze %dma_start3A_633 : memref<1x1x64xf32, #tpu.memory_space<vmem>> -> memref<64xf32, #tpu.memory_space<vmem>>
          %dma_start3A_635 = arith.constant 0 : i32
          %dma_start3A_636 = tpu.memref_slice %arg3[%shift_right_logical3A_618, %and3A_620, %dma_start3A_635] : memref<125000x8x64xf32, #tpu.memory_space<hbm>> -> memref<1x1x64xf32, #tpu.memory_space<hbm>>
          %dma_start3A_637 = tpu.memref_squeeze %dma_start3A_636 : memref<1x1x64xf32, #tpu.memory_space<hbm>> -> memref<64xf32, #tpu.memory_space<hbm>>
          tpu.enqueue_dma source(%dma_start3A_637 : memref<64xf32, #tpu.memory_space<hbm>>) target(%dma_start3A_634 : memref<64xf32, #tpu.memory_space<vmem>>) target_semaphore(%arg9 : memref<!tpu.dma_semaphore, #tpu.memory_space<semaphore_mem>>)
        }
        %scan3A_268 = arith.constant 8 : i32
      } else {
      }
      %mul3A_210 = arith.constant 4 : i32
      %mul3A_211 = arith.muli %scan3A_93, %mul3A_210 : i32
      %add3A_212 = arith.constant 3 : i32
      %add3A_213 = arith.addi %mul3A_211, %add3A_212 : i32
      %mul3A_214 = arith.constant 128 : i32
      %mul3A_215 = arith.muli %add3A_213, %mul3A_214 : i32
      %add3A_216 = arith.addi %mul3A_4, %mul3A_215 : i32
      %dma_wait3A_217 = arith.constant 3 : i32
      %dma_wait3A_218 = arith.constant 0 : i32
      %dma_wait3A_219 = arith.constant 0 : i32
      %dma_wait3A_220 = tpu.memref_slice %arg6[%dma_wait3A_217, %dma_wait3A_218, %dma_wait3A_219] : memref<4x128x64xf32, #tpu.memory_space<vmem>> -> memref<1x128x64xf32, #tpu.memory_space<vmem>>
      %dma_wait3A_221 = tpu.memref_squeeze %dma_wait3A_220 : memref<1x128x64xf32, #tpu.memory_space<vmem>> -> memref<128x64xf32, #tpu.memory_space<vmem>>
      %dma_wait3A_222 = arith.constant 0 : i32
      %dma_wait3A_223 = tpu.memref_slice %arg4[%add3A_216, %dma_wait3A_222] : memref<819200x64xf32, #tpu.memory_space<hbm>> -> memref<128x64xf32, #tpu.memory_space<hbm>>
      %dma_wait3A_224 = arith.constant 0 : i32
      %dma_wait3A_225 = arith.constant 0 : i32
      %dma_wait3A_226 = tpu.memref_slice %arg6[%dma_wait3A_217, %dma_wait3A_224, %dma_wait3A_225] : memref<4x128x64xf32, #tpu.memory_space<vmem>> -> memref<1x128x64xf32, #tpu.memory_space<vmem>>
      %dma_wait3A_227 = tpu.memref_squeeze %dma_wait3A_226 : memref<1x128x64xf32, #tpu.memory_space<vmem>> -> memref<128x64xf32, #tpu.memory_space<vmem>>
      %dma_wait3A_228 = arith.constant 0 : i32
      %dma_wait3A_229 = tpu.memref_slice %arg4[%add3A_216, %dma_wait3A_228] : memref<819200x64xf32, #tpu.memory_space<hbm>> -> memref<128x64xf32, #tpu.memory_space<hbm>>
      tpu.wait_dma2 semaphore(%arg10 : memref<!tpu.dma_semaphore, #tpu.memory_space<semaphore_mem>>) src(%dma_wait3A_229 : memref<128x64xf32, #tpu.memory_space<hbm>>) dst(%dma_wait3A_227 : memref<128x64xf32, #tpu.memory_space<vmem>>)
      %dma_start3A_230 = arith.constant 3 : i32
      %dma_start3A_231 = arith.constant 0 : i32
      %dma_start3A_232 = arith.constant 0 : i32
      %dma_start3A_233 = tpu.memref_slice %arg6[%dma_start3A_230, %dma_start3A_231, %dma_start3A_232] : memref<4x128x64xf32, #tpu.memory_space<vmem>> -> memref<1x128x64xf32, #tpu.memory_space<vmem>>
      %dma_start3A_234 = tpu.memref_squeeze %dma_start3A_233 : memref<1x128x64xf32, #tpu.memory_space<vmem>> -> memref<128x64xf32, #tpu.memory_space<vmem>>
      %dma_start3A_235 = arith.constant 0 : i32
      %dma_start3A_236 = tpu.memref_slice %arg4[%add3A_216, %dma_start3A_235] : memref<819200x64xf32, #tpu.memory_space<hbm>> -> memref<128x64xf32, #tpu.memory_space<hbm>>
      %dma_start3A_237 = arith.constant 0 : i32
      %dma_start3A_238 = tpu.memref_slice %arg4[%add3A_216, %dma_start3A_237] : memref<819200x64xf32, #tpu.memory_space<hbm>> -> memref<128x64xf32, #tpu.memory_space<hbm>>
      %dma_start3A_239 = arith.constant 0 : i32
      %dma_start3A_240 = arith.constant 0 : i32
      %dma_start3A_241 = tpu.memref_slice %arg6[%dma_start3A_230, %dma_start3A_239, %dma_start3A_240] : memref<4x128x64xf32, #tpu.memory_space<vmem>> -> memref<1x128x64xf32, #tpu.memory_space<vmem>>
      %dma_start3A_242 = tpu.memref_squeeze %dma_start3A_241 : memref<1x128x64xf32, #tpu.memory_space<vmem>> -> memref<128x64xf32, #tpu.memory_space<vmem>>
      tpu.enqueue_dma source(%dma_start3A_242 : memref<128x64xf32, #tpu.memory_space<vmem>>) target(%dma_start3A_238 : memref<128x64xf32, #tpu.memory_space<hbm>>) target_semaphore(%arg14 : memref<!tpu.dma_semaphore, #tpu.memory_space<semaphore_mem>>)
      %add3A_243 = arith.constant 4 : i32
      %add3A_244 = arith.addi %add3A_213, %add3A_243 : i32
      %lt3A_245 = arith.constant 200 : i32
      %lt3A_246 = arith.cmpi slt, %add3A_244, %lt3A_245 : i32
      %convert_element_type3A_247 = arith.extui %lt3A_246 : i1 to i32
      %cond3A_248 = arith.constant 0 : i32
      %cond3A_249 = arith.cmpi ne, %convert_element_type3A_247, %cond3A_248 : i32
      scf.if %cond3A_249 {
        %dma_wait3A_250 = arith.constant 3 : i32
        %dma_wait3A_251 = arith.constant 0 : i32
        %dma_wait3A_252 = arith.constant 0 : i32
        %dma_wait3A_253 = tpu.memref_slice %arg6[%dma_wait3A_250, %dma_wait3A_251, %dma_wait3A_252] : memref<4x128x64xf32, #tpu.memory_space<vmem>> -> memref<1x128x64xf32, #tpu.memory_space<vmem>>
        %dma_wait3A_254 = tpu.memref_squeeze %dma_wait3A_253 : memref<1x128x64xf32, #tpu.memory_space<vmem>> -> memref<128x64xf32, #tpu.memory_space<vmem>>
        %dma_wait3A_255 = arith.constant 0 : i32
        %dma_wait3A_256 = tpu.memref_slice %arg4[%add3A_216, %dma_wait3A_255] : memref<819200x64xf32, #tpu.memory_space<hbm>> -> memref<128x64xf32, #tpu.memory_space<hbm>>
        %dma_wait3A_257 = arith.constant 0 : i32
        %dma_wait3A_258 = tpu.memref_slice %arg4[%add3A_216, %dma_wait3A_257] : memref<819200x64xf32, #tpu.memory_space<hbm>> -> memref<128x64xf32, #tpu.memory_space<hbm>>
        %dma_wait3A_259 = arith.constant 0 : i32
        %dma_wait3A_260 = arith.constant 0 : i32
        %dma_wait3A_261 = tpu.memref_slice %arg6[%dma_wait3A_250, %dma_wait3A_259, %dma_wait3A_260] : memref<4x128x64xf32, #tpu.memory_space<vmem>> -> memref<1x128x64xf32, #tpu.memory_space<vmem>>
        %dma_wait3A_262 = tpu.memref_squeeze %dma_wait3A_261 : memref<1x128x64xf32, #tpu.memory_space<vmem>> -> memref<128x64xf32, #tpu.memory_space<vmem>>
        tpu.wait_dma2 semaphore(%arg14 : memref<!tpu.dma_semaphore, #tpu.memory_space<semaphore_mem>>) src(%dma_wait3A_262 : memref<128x64xf32, #tpu.memory_space<vmem>>) dst(%dma_wait3A_258 : memref<128x64xf32, #tpu.memory_space<hbm>>)
        %scan3A_263 = arith.constant 0 : i32
        %scan3A_264 = arith.constant 0 : i32
        %scan3A_265 = arith.constant 8 : i32
        %scan3A_266 = arith.addi %scan3A_264, %scan3A_265 : i32
        %scan3A_267 = arith.constant 1 : i32
        scf.for %scan3A_269 = %scan3A_264 to %scan3A_266 step %scan3A_267  : i32 {
          %mul3A_270 = arith.constant 16 : i32
          %mul3A_271 = arith.muli %scan3A_269, %mul3A_270 : i32
          %get3A = arith.index_cast %add3A_244 : i32 to index
          %get3A_272 = arith.index_cast %mul3A_271 : i32 to index
          %get3A_273 = tpu.vector_load %arg5[%get3A, %get3A_272] {strides = array<i32>} : memref<200x128xi32, #tpu.memory_space<vmem>>, vector<16xi32>,
          %slice3A = vector.extract_strided_slice %get3A_273 {offsets = [0], sizes = [1], strides = [1]} : vector<16xi32> to vector<1xi32>
          %squeeze3A = vector.extract %slice3A[0] : i32 from vector<1xi32>
          %shift_right_logical3A = arith.constant 3 : i32
          %shift_right_logical3A_274 = arith.shrui %squeeze3A, %shift_right_logical3A : i32
          %and3A = arith.constant 7 : i32
          %and3A_275 = arith.andi %squeeze3A, %and3A : i32
          %mul3A_276 = arith.constant 16 : i32
          %mul3A_277 = arith.muli %scan3A_269, %mul3A_276 : i32
          %add3A_278 = arith.constant 0 : i32
          %add3A_279 = arith.addi %mul3A_277, %add3A_278 : i32
          %dma_start3A_280 = arith.constant 3 : i32
          %dma_start3A_281 = arith.constant 0 : i32
          %dma_start3A_282 = tpu.memref_slice %arg6[%dma_start3A_280, %add3A_279, %dma_start3A_281] : memref<4x128x64xf32, #tpu.memory_space<vmem>> -> memref<1x1x64xf32, #tpu.memory_space<vmem>>
          %dma_start3A_283 = tpu.memref_squeeze %dma_start3A_282 : memref<1x1x64xf32, #tpu.memory_space<vmem>> -> memref<64xf32, #tpu.memory_space<vmem>>
          %dma_start3A_284 = arith.constant 0 : i32
          %dma_start3A_285 = tpu.memref_slice %arg3[%shift_right_logical3A_274, %and3A_275, %dma_start3A_284] : memref<125000x8x64xf32, #tpu.memory_space<hbm>> -> memref<1x1x64xf32, #tpu.memory_space<hbm>>
          %dma_start3A_286 = tpu.memref_squeeze %dma_start3A_285 : memref<1x1x64xf32, #tpu.memory_space<hbm>> -> memref<64xf32, #tpu.memory_space<hbm>>
          %dma_start3A_287 = arith.constant 0 : i32
          %dma_start3A_288 = tpu.memref_slice %arg6[%dma_start3A_280, %add3A_279, %dma_start3A_287] : memref<4x128x64xf32, #tpu.memory_space<vmem>> -> memref<1x1x64xf32, #tpu.memory_space<vmem>>
          %dma_start3A_289 = tpu.memref_squeeze %dma_start3A_288 : memref<1x1x64xf32, #tpu.memory_space<vmem>> -> memref<64xf32, #tpu.memory_space<vmem>>
          %dma_start3A_290 = arith.constant 0 : i32
          %dma_start3A_291 = tpu.memref_slice %arg3[%shift_right_logical3A_274, %and3A_275, %dma_start3A_290] : memref<125000x8x64xf32, #tpu.memory_space<hbm>> -> memref<1x1x64xf32, #tpu.memory_space<hbm>>
          %dma_start3A_292 = tpu.memref_squeeze %dma_start3A_291 : memref<1x1x64xf32, #tpu.memory_space<hbm>> -> memref<64xf32, #tpu.memory_space<hbm>>
          tpu.enqueue_dma source(%dma_start3A_292 : memref<64xf32, #tpu.memory_space<hbm>>) target(%dma_start3A_289 : memref<64xf32, #tpu.memory_space<vmem>>) target_semaphore(%arg10 : memref<!tpu.dma_semaphore, #tpu.memory_space<semaphore_mem>>)
          %slice3A_293 = vector.extract_strided_slice %get3A_273 {offsets = [1], sizes = [1], strides = [1]} : vector<16xi32> to vector<1xi32>
          %squeeze3A_294 = vector.extract %slice3A_293[0] : i32 from vector<1xi32>
          %shift_right_logical3A_295 = arith.constant 3 : i32
          %shift_right_logical3A_296 = arith.shrui %squeeze3A_294, %shift_right_logical3A_295 : i32
          %and3A_297 = arith.constant 7 : i32
          %and3A_298 = arith.andi %squeeze3A_294, %and3A_297 : i32
          %mul3A_299 = arith.constant 16 : i32
          %mul3A_300 = arith.muli %scan3A_269, %mul3A_299 : i32
          %add3A_301 = arith.constant 1 : i32
          %add3A_302 = arith.addi %mul3A_300, %add3A_301 : i32
          %dma_start3A_303 = arith.constant 3 : i32
          %dma_start3A_304 = arith.constant 0 : i32
          %dma_start3A_305 = tpu.memref_slice %arg6[%dma_start3A_303, %add3A_302, %dma_start3A_304] : memref<4x128x64xf32, #tpu.memory_space<vmem>> -> memref<1x1x64xf32, #tpu.memory_space<vmem>>
          %dma_start3A_306 = tpu.memref_squeeze %dma_start3A_305 : memref<1x1x64xf32, #tpu.memory_space<vmem>> -> memref<64xf32, #tpu.memory_space<vmem>>
          %dma_start3A_307 = arith.constant 0 : i32
          %dma_start3A_308 = tpu.memref_slice %arg3[%shift_right_logical3A_296, %and3A_298, %dma_start3A_307] : memref<125000x8x64xf32, #tpu.memory_space<hbm>> -> memref<1x1x64xf32, #tpu.memory_space<hbm>>
          %dma_start3A_309 = tpu.memref_squeeze %dma_start3A_308 : memref<1x1x64xf32, #tpu.memory_space<hbm>> -> memref<64xf32, #tpu.memory_space<hbm>>
          %dma_start3A_310 = arith.constant 0 : i32
          %dma_start3A_311 = tpu.memref_slice %arg6[%dma_start3A_303, %add3A_302, %dma_start3A_310] : memref<4x128x64xf32, #tpu.memory_space<vmem>> -> memref<1x1x64xf32, #tpu.memory_space<vmem>>
          %dma_start3A_312 = tpu.memref_squeeze %dma_start3A_311 : memref<1x1x64xf32, #tpu.memory_space<vmem>> -> memref<64xf32, #tpu.memory_space<vmem>>
          %dma_start3A_313 = arith.constant 0 : i32
          %dma_start3A_314 = tpu.memref_slice %arg3[%shift_right_logical3A_296, %and3A_298, %dma_start3A_313] : memref<125000x8x64xf32, #tpu.memory_space<hbm>> -> memref<1x1x64xf32, #tpu.memory_space<hbm>>
          %dma_start3A_315 = tpu.memref_squeeze %dma_start3A_314 : memref<1x1x64xf32, #tpu.memory_space<hbm>> -> memref<64xf32, #tpu.memory_space<hbm>>
          tpu.enqueue_dma source(%dma_start3A_315 : memref<64xf32, #tpu.memory_space<hbm>>) target(%dma_start3A_312 : memref<64xf32, #tpu.memory_space<vmem>>) target_semaphore(%arg10 : memref<!tpu.dma_semaphore, #tpu.memory_space<semaphore_mem>>)
          %slice3A_316 = vector.extract_strided_slice %get3A_273 {offsets = [2], sizes = [1], strides = [1]} : vector<16xi32> to vector<1xi32>
          %squeeze3A_317 = vector.extract %slice3A_316[0] : i32 from vector<1xi32>
          %shift_right_logical3A_318 = arith.constant 3 : i32
          %shift_right_logical3A_319 = arith.shrui %squeeze3A_317, %shift_right_logical3A_318 : i32
          %and3A_320 = arith.constant 7 : i32
          %and3A_321 = arith.andi %squeeze3A_317, %and3A_320 : i32
          %mul3A_322 = arith.constant 16 : i32
          %mul3A_323 = arith.muli %scan3A_269, %mul3A_322 : i32
          %add3A_324 = arith.constant 2 : i32
          %add3A_325 = arith.addi %mul3A_323, %add3A_324 : i32
          %dma_start3A_326 = arith.constant 3 : i32
          %dma_start3A_327 = arith.constant 0 : i32
          %dma_start3A_328 = tpu.memref_slice %arg6[%dma_start3A_326, %add3A_325, %dma_start3A_327] : memref<4x128x64xf32, #tpu.memory_space<vmem>> -> memref<1x1x64xf32, #tpu.memory_space<vmem>>
          %dma_start3A_329 = tpu.memref_squeeze %dma_start3A_328 : memref<1x1x64xf32, #tpu.memory_space<vmem>> -> memref<64xf32, #tpu.memory_space<vmem>>
          %dma_start3A_330 = arith.constant 0 : i32
          %dma_start3A_331 = tpu.memref_slice %arg3[%shift_right_logical3A_319, %and3A_321, %dma_start3A_330] : memref<125000x8x64xf32, #tpu.memory_space<hbm>> -> memref<1x1x64xf32, #tpu.memory_space<hbm>>
          %dma_start3A_332 = tpu.memref_squeeze %dma_start3A_331 : memref<1x1x64xf32, #tpu.memory_space<hbm>> -> memref<64xf32, #tpu.memory_space<hbm>>
          %dma_start3A_333 = arith.constant 0 : i32
          %dma_start3A_334 = tpu.memref_slice %arg6[%dma_start3A_326, %add3A_325, %dma_start3A_333] : memref<4x128x64xf32, #tpu.memory_space<vmem>> -> memref<1x1x64xf32, #tpu.memory_space<vmem>>
          %dma_start3A_335 = tpu.memref_squeeze %dma_start3A_334 : memref<1x1x64xf32, #tpu.memory_space<vmem>> -> memref<64xf32, #tpu.memory_space<vmem>>
          %dma_start3A_336 = arith.constant 0 : i32
          %dma_start3A_337 = tpu.memref_slice %arg3[%shift_right_logical3A_319, %and3A_321, %dma_start3A_336] : memref<125000x8x64xf32, #tpu.memory_space<hbm>> -> memref<1x1x64xf32, #tpu.memory_space<hbm>>
          %dma_start3A_338 = tpu.memref_squeeze %dma_start3A_337 : memref<1x1x64xf32, #tpu.memory_space<hbm>> -> memref<64xf32, #tpu.memory_space<hbm>>
          tpu.enqueue_dma source(%dma_start3A_338 : memref<64xf32, #tpu.memory_space<hbm>>) target(%dma_start3A_335 : memref<64xf32, #tpu.memory_space<vmem>>) target_semaphore(%arg10 : memref<!tpu.dma_semaphore, #tpu.memory_space<semaphore_mem>>)
          %slice3A_339 = vector.extract_strided_slice %get3A_273 {offsets = [3], sizes = [1], strides = [1]} : vector<16xi32> to vector<1xi32>
          %squeeze3A_340 = vector.extract %slice3A_339[0] : i32 from vector<1xi32>
          %shift_right_logical3A_341 = arith.constant 3 : i32
          %shift_right_logical3A_342 = arith.shrui %squeeze3A_340, %shift_right_logical3A_341 : i32
          %and3A_343 = arith.constant 7 : i32
          %and3A_344 = arith.andi %squeeze3A_340, %and3A_343 : i32
          %mul3A_345 = arith.constant 16 : i32
          %mul3A_346 = arith.muli %scan3A_269, %mul3A_345 : i32
          %add3A_347 = arith.constant 3 : i32
          %add3A_348 = arith.addi %mul3A_346, %add3A_347 : i32
          %dma_start3A_349 = arith.constant 3 : i32
          %dma_start3A_350 = arith.constant 0 : i32
          %dma_start3A_351 = tpu.memref_slice %arg6[%dma_start3A_349, %add3A_348, %dma_start3A_350] : memref<4x128x64xf32, #tpu.memory_space<vmem>> -> memref<1x1x64xf32, #tpu.memory_space<vmem>>
          %dma_start3A_352 = tpu.memref_squeeze %dma_start3A_351 : memref<1x1x64xf32, #tpu.memory_space<vmem>> -> memref<64xf32, #tpu.memory_space<vmem>>
          %dma_start3A_353 = arith.constant 0 : i32
          %dma_start3A_354 = tpu.memref_slice %arg3[%shift_right_logical3A_342, %and3A_344, %dma_start3A_353] : memref<125000x8x64xf32, #tpu.memory_space<hbm>> -> memref<1x1x64xf32, #tpu.memory_space<hbm>>
          %dma_start3A_355 = tpu.memref_squeeze %dma_start3A_354 : memref<1x1x64xf32, #tpu.memory_space<hbm>> -> memref<64xf32, #tpu.memory_space<hbm>>
          %dma_start3A_356 = arith.constant 0 : i32
          %dma_start3A_357 = tpu.memref_slice %arg6[%dma_start3A_349, %add3A_348, %dma_start3A_356] : memref<4x128x64xf32, #tpu.memory_space<vmem>> -> memref<1x1x64xf32, #tpu.memory_space<vmem>>
          %dma_start3A_358 = tpu.memref_squeeze %dma_start3A_357 : memref<1x1x64xf32, #tpu.memory_space<vmem>> -> memref<64xf32, #tpu.memory_space<vmem>>
          %dma_start3A_359 = arith.constant 0 : i32
          %dma_start3A_360 = tpu.memref_slice %arg3[%shift_right_logical3A_342, %and3A_344, %dma_start3A_359] : memref<125000x8x64xf32, #tpu.memory_space<hbm>> -> memref<1x1x64xf32, #tpu.memory_space<hbm>>
          %dma_start3A_361 = tpu.memref_squeeze %dma_start3A_360 : memref<1x1x64xf32, #tpu.memory_space<hbm>> -> memref<64xf32, #tpu.memory_space<hbm>>
          tpu.enqueue_dma source(%dma_start3A_361 : memref<64xf32, #tpu.memory_space<hbm>>) target(%dma_start3A_358 : memref<64xf32, #tpu.memory_space<vmem>>) target_semaphore(%arg10 : memref<!tpu.dma_semaphore, #tpu.memory_space<semaphore_mem>>)
          %slice3A_362 = vector.extract_strided_slice %get3A_273 {offsets = [4], sizes = [1], strides = [1]} : vector<16xi32> to vector<1xi32>
          %squeeze3A_363 = vector.extract %slice3A_362[0] : i32 from vector<1xi32>
          %shift_right_logical3A_364 = arith.constant 3 : i32
          %shift_right_logical3A_365 = arith.shrui %squeeze3A_363, %shift_right_logical3A_364 : i32
          %and3A_366 = arith.constant 7 : i32
          %and3A_367 = arith.andi %squeeze3A_363, %and3A_366 : i32
          %mul3A_368 = arith.constant 16 : i32
          %mul3A_369 = arith.muli %scan3A_269, %mul3A_368 : i32
          %add3A_370 = arith.constant 4 : i32
          %add3A_371 = arith.addi %mul3A_369, %add3A_370 : i32
          %dma_start3A_372 = arith.constant 3 : i32
          %dma_start3A_373 = arith.constant 0 : i32
          %dma_start3A_374 = tpu.memref_slice %arg6[%dma_start3A_372, %add3A_371, %dma_start3A_373] : memref<4x128x64xf32, #tpu.memory_space<vmem>> -> memref<1x1x64xf32, #tpu.memory_space<vmem>>
          %dma_start3A_375 = tpu.memref_squeeze %dma_start3A_374 : memref<1x1x64xf32, #tpu.memory_space<vmem>> -> memref<64xf32, #tpu.memory_space<vmem>>
          %dma_start3A_376 = arith.constant 0 : i32
          %dma_start3A_377 = tpu.memref_slice %arg3[%shift_right_logical3A_365, %and3A_367, %dma_start3A_376] : memref<125000x8x64xf32, #tpu.memory_space<hbm>> -> memref<1x1x64xf32, #tpu.memory_space<hbm>>
          %dma_start3A_378 = tpu.memref_squeeze %dma_start3A_377 : memref<1x1x64xf32, #tpu.memory_space<hbm>> -> memref<64xf32, #tpu.memory_space<hbm>>
          %dma_start3A_379 = arith.constant 0 : i32
          %dma_start3A_380 = tpu.memref_slice %arg6[%dma_start3A_372, %add3A_371, %dma_start3A_379] : memref<4x128x64xf32, #tpu.memory_space<vmem>> -> memref<1x1x64xf32, #tpu.memory_space<vmem>>
          %dma_start3A_381 = tpu.memref_squeeze %dma_start3A_380 : memref<1x1x64xf32, #tpu.memory_space<vmem>> -> memref<64xf32, #tpu.memory_space<vmem>>
          %dma_start3A_382 = arith.constant 0 : i32
          %dma_start3A_383 = tpu.memref_slice %arg3[%shift_right_logical3A_365, %and3A_367, %dma_start3A_382] : memref<125000x8x64xf32, #tpu.memory_space<hbm>> -> memref<1x1x64xf32, #tpu.memory_space<hbm>>
          %dma_start3A_384 = tpu.memref_squeeze %dma_start3A_383 : memref<1x1x64xf32, #tpu.memory_space<hbm>> -> memref<64xf32, #tpu.memory_space<hbm>>
          tpu.enqueue_dma source(%dma_start3A_384 : memref<64xf32, #tpu.memory_space<hbm>>) target(%dma_start3A_381 : memref<64xf32, #tpu.memory_space<vmem>>) target_semaphore(%arg10 : memref<!tpu.dma_semaphore, #tpu.memory_space<semaphore_mem>>)
          %slice3A_385 = vector.extract_strided_slice %get3A_273 {offsets = [5], sizes = [1], strides = [1]} : vector<16xi32> to vector<1xi32>
          %squeeze3A_386 = vector.extract %slice3A_385[0] : i32 from vector<1xi32>
          %shift_right_logical3A_387 = arith.constant 3 : i32
          %shift_right_logical3A_388 = arith.shrui %squeeze3A_386, %shift_right_logical3A_387 : i32
          %and3A_389 = arith.constant 7 : i32
          %and3A_390 = arith.andi %squeeze3A_386, %and3A_389 : i32
          %mul3A_391 = arith.constant 16 : i32
          %mul3A_392 = arith.muli %scan3A_269, %mul3A_391 : i32
          %add3A_393 = arith.constant 5 : i32
          %add3A_394 = arith.addi %mul3A_392, %add3A_393 : i32
          %dma_start3A_395 = arith.constant 3 : i32
          %dma_start3A_396 = arith.constant 0 : i32
          %dma_start3A_397 = tpu.memref_slice %arg6[%dma_start3A_395, %add3A_394, %dma_start3A_396] : memref<4x128x64xf32, #tpu.memory_space<vmem>> -> memref<1x1x64xf32, #tpu.memory_space<vmem>>
          %dma_start3A_398 = tpu.memref_squeeze %dma_start3A_397 : memref<1x1x64xf32, #tpu.memory_space<vmem>> -> memref<64xf32, #tpu.memory_space<vmem>>
          %dma_start3A_399 = arith.constant 0 : i32
          %dma_start3A_400 = tpu.memref_slice %arg3[%shift_right_logical3A_388, %and3A_390, %dma_start3A_399] : memref<125000x8x64xf32, #tpu.memory_space<hbm>> -> memref<1x1x64xf32, #tpu.memory_space<hbm>>
          %dma_start3A_401 = tpu.memref_squeeze %dma_start3A_400 : memref<1x1x64xf32, #tpu.memory_space<hbm>> -> memref<64xf32, #tpu.memory_space<hbm>>
          %dma_start3A_402 = arith.constant 0 : i32
          %dma_start3A_403 = tpu.memref_slice %arg6[%dma_start3A_395, %add3A_394, %dma_start3A_402] : memref<4x128x64xf32, #tpu.memory_space<vmem>> -> memref<1x1x64xf32, #tpu.memory_space<vmem>>
          %dma_start3A_404 = tpu.memref_squeeze %dma_start3A_403 : memref<1x1x64xf32, #tpu.memory_space<vmem>> -> memref<64xf32, #tpu.memory_space<vmem>>
          %dma_start3A_405 = arith.constant 0 : i32
          %dma_start3A_406 = tpu.memref_slice %arg3[%shift_right_logical3A_388, %and3A_390, %dma_start3A_405] : memref<125000x8x64xf32, #tpu.memory_space<hbm>> -> memref<1x1x64xf32, #tpu.memory_space<hbm>>
          %dma_start3A_407 = tpu.memref_squeeze %dma_start3A_406 : memref<1x1x64xf32, #tpu.memory_space<hbm>> -> memref<64xf32, #tpu.memory_space<hbm>>
          tpu.enqueue_dma source(%dma_start3A_407 : memref<64xf32, #tpu.memory_space<hbm>>) target(%dma_start3A_404 : memref<64xf32, #tpu.memory_space<vmem>>) target_semaphore(%arg10 : memref<!tpu.dma_semaphore, #tpu.memory_space<semaphore_mem>>)
          %slice3A_408 = vector.extract_strided_slice %get3A_273 {offsets = [6], sizes = [1], strides = [1]} : vector<16xi32> to vector<1xi32>
          %squeeze3A_409 = vector.extract %slice3A_408[0] : i32 from vector<1xi32>
          %shift_right_logical3A_410 = arith.constant 3 : i32
          %shift_right_logical3A_411 = arith.shrui %squeeze3A_409, %shift_right_logical3A_410 : i32
          %and3A_412 = arith.constant 7 : i32
          %and3A_413 = arith.andi %squeeze3A_409, %and3A_412 : i32
          %mul3A_414 = arith.constant 16 : i32
          %mul3A_415 = arith.muli %scan3A_269, %mul3A_414 : i32
          %add3A_416 = arith.constant 6 : i32
          %add3A_417 = arith.addi %mul3A_415, %add3A_416 : i32
          %dma_start3A_418 = arith.constant 3 : i32
          %dma_start3A_419 = arith.constant 0 : i32
          %dma_start3A_420 = tpu.memref_slice %arg6[%dma_start3A_418, %add3A_417, %dma_start3A_419] : memref<4x128x64xf32, #tpu.memory_space<vmem>> -> memref<1x1x64xf32, #tpu.memory_space<vmem>>
          %dma_start3A_421 = tpu.memref_squeeze %dma_start3A_420 : memref<1x1x64xf32, #tpu.memory_space<vmem>> -> memref<64xf32, #tpu.memory_space<vmem>>
          %dma_start3A_422 = arith.constant 0 : i32
          %dma_start3A_423 = tpu.memref_slice %arg3[%shift_right_logical3A_411, %and3A_413, %dma_start3A_422] : memref<125000x8x64xf32, #tpu.memory_space<hbm>> -> memref<1x1x64xf32, #tpu.memory_space<hbm>>
          %dma_start3A_424 = tpu.memref_squeeze %dma_start3A_423 : memref<1x1x64xf32, #tpu.memory_space<hbm>> -> memref<64xf32, #tpu.memory_space<hbm>>
          %dma_start3A_425 = arith.constant 0 : i32
          %dma_start3A_426 = tpu.memref_slice %arg6[%dma_start3A_418, %add3A_417, %dma_start3A_425] : memref<4x128x64xf32, #tpu.memory_space<vmem>> -> memref<1x1x64xf32, #tpu.memory_space<vmem>>
          %dma_start3A_427 = tpu.memref_squeeze %dma_start3A_426 : memref<1x1x64xf32, #tpu.memory_space<vmem>> -> memref<64xf32, #tpu.memory_space<vmem>>
          %dma_start3A_428 = arith.constant 0 : i32
          %dma_start3A_429 = tpu.memref_slice %arg3[%shift_right_logical3A_411, %and3A_413, %dma_start3A_428] : memref<125000x8x64xf32, #tpu.memory_space<hbm>> -> memref<1x1x64xf32, #tpu.memory_space<hbm>>
          %dma_start3A_430 = tpu.memref_squeeze %dma_start3A_429 : memref<1x1x64xf32, #tpu.memory_space<hbm>> -> memref<64xf32, #tpu.memory_space<hbm>>
          tpu.enqueue_dma source(%dma_start3A_430 : memref<64xf32, #tpu.memory_space<hbm>>) target(%dma_start3A_427 : memref<64xf32, #tpu.memory_space<vmem>>) target_semaphore(%arg10 : memref<!tpu.dma_semaphore, #tpu.memory_space<semaphore_mem>>)
          %slice3A_431 = vector.extract_strided_slice %get3A_273 {offsets = [7], sizes = [1], strides = [1]} : vector<16xi32> to vector<1xi32>
          %squeeze3A_432 = vector.extract %slice3A_431[0] : i32 from vector<1xi32>
          %shift_right_logical3A_433 = arith.constant 3 : i32
          %shift_right_logical3A_434 = arith.shrui %squeeze3A_432, %shift_right_logical3A_433 : i32
          %and3A_435 = arith.constant 7 : i32
          %and3A_436 = arith.andi %squeeze3A_432, %and3A_435 : i32
          %mul3A_437 = arith.constant 16 : i32
          %mul3A_438 = arith.muli %scan3A_269, %mul3A_437 : i32
          %add3A_439 = arith.constant 7 : i32
          %add3A_440 = arith.addi %mul3A_438, %add3A_439 : i32
          %dma_start3A_441 = arith.constant 3 : i32
          %dma_start3A_442 = arith.constant 0 : i32
          %dma_start3A_443 = tpu.memref_slice %arg6[%dma_start3A_441, %add3A_440, %dma_start3A_442] : memref<4x128x64xf32, #tpu.memory_space<vmem>> -> memref<1x1x64xf32, #tpu.memory_space<vmem>>
          %dma_start3A_444 = tpu.memref_squeeze %dma_start3A_443 : memref<1x1x64xf32, #tpu.memory_space<vmem>> -> memref<64xf32, #tpu.memory_space<vmem>>
          %dma_start3A_445 = arith.constant 0 : i32
          %dma_start3A_446 = tpu.memref_slice %arg3[%shift_right_logical3A_434, %and3A_436, %dma_start3A_445] : memref<125000x8x64xf32, #tpu.memory_space<hbm>> -> memref<1x1x64xf32, #tpu.memory_space<hbm>>
          %dma_start3A_447 = tpu.memref_squeeze %dma_start3A_446 : memref<1x1x64xf32, #tpu.memory_space<hbm>> -> memref<64xf32, #tpu.memory_space<hbm>>
          %dma_start3A_448 = arith.constant 0 : i32
          %dma_start3A_449 = tpu.memref_slice %arg6[%dma_start3A_441, %add3A_440, %dma_start3A_448] : memref<4x128x64xf32, #tpu.memory_space<vmem>> -> memref<1x1x64xf32, #tpu.memory_space<vmem>>
          %dma_start3A_450 = tpu.memref_squeeze %dma_start3A_449 : memref<1x1x64xf32, #tpu.memory_space<vmem>> -> memref<64xf32, #tpu.memory_space<vmem>>
          %dma_start3A_451 = arith.constant 0 : i32
          %dma_start3A_452 = tpu.memref_slice %arg3[%shift_right_logical3A_434, %and3A_436, %dma_start3A_451] : memref<125000x8x64xf32, #tpu.memory_space<hbm>> -> memref<1x1x64xf32, #tpu.memory_space<hbm>>
          %dma_start3A_453 = tpu.memref_squeeze %dma_start3A_452 : memref<1x1x64xf32, #tpu.memory_space<hbm>> -> memref<64xf32, #tpu.memory_space<hbm>>
          tpu.enqueue_dma source(%dma_start3A_453 : memref<64xf32, #tpu.memory_space<hbm>>) target(%dma_start3A_450 : memref<64xf32, #tpu.memory_space<vmem>>) target_semaphore(%arg10 : memref<!tpu.dma_semaphore, #tpu.memory_space<semaphore_mem>>)
          %slice3A_454 = vector.extract_strided_slice %get3A_273 {offsets = [8], sizes = [1], strides = [1]} : vector<16xi32> to vector<1xi32>
          %squeeze3A_455 = vector.extract %slice3A_454[0] : i32 from vector<1xi32>
          %shift_right_logical3A_456 = arith.constant 3 : i32
          %shift_right_logical3A_457 = arith.shrui %squeeze3A_455, %shift_right_logical3A_456 : i32
          %and3A_458 = arith.constant 7 : i32
          %and3A_459 = arith.andi %squeeze3A_455, %and3A_458 : i32
          %mul3A_460 = arith.constant 16 : i32
          %mul3A_461 = arith.muli %scan3A_269, %mul3A_460 : i32
          %add3A_462 = arith.constant 8 : i32
          %add3A_463 = arith.addi %mul3A_461, %add3A_462 : i32
          %dma_start3A_464 = arith.constant 3 : i32
          %dma_start3A_465 = arith.constant 0 : i32
          %dma_start3A_466 = tpu.memref_slice %arg6[%dma_start3A_464, %add3A_463, %dma_start3A_465] : memref<4x128x64xf32, #tpu.memory_space<vmem>> -> memref<1x1x64xf32, #tpu.memory_space<vmem>>
          %dma_start3A_467 = tpu.memref_squeeze %dma_start3A_466 : memref<1x1x64xf32, #tpu.memory_space<vmem>> -> memref<64xf32, #tpu.memory_space<vmem>>
          %dma_start3A_468 = arith.constant 0 : i32
          %dma_start3A_469 = tpu.memref_slice %arg3[%shift_right_logical3A_457, %and3A_459, %dma_start3A_468] : memref<125000x8x64xf32, #tpu.memory_space<hbm>> -> memref<1x1x64xf32, #tpu.memory_space<hbm>>
          %dma_start3A_470 = tpu.memref_squeeze %dma_start3A_469 : memref<1x1x64xf32, #tpu.memory_space<hbm>> -> memref<64xf32, #tpu.memory_space<hbm>>
          %dma_start3A_471 = arith.constant 0 : i32
          %dma_start3A_472 = tpu.memref_slice %arg6[%dma_start3A_464, %add3A_463, %dma_start3A_471] : memref<4x128x64xf32, #tpu.memory_space<vmem>> -> memref<1x1x64xf32, #tpu.memory_space<vmem>>
          %dma_start3A_473 = tpu.memref_squeeze %dma_start3A_472 : memref<1x1x64xf32, #tpu.memory_space<vmem>> -> memref<64xf32, #tpu.memory_space<vmem>>
          %dma_start3A_474 = arith.constant 0 : i32
          %dma_start3A_475 = tpu.memref_slice %arg3[%shift_right_logical3A_457, %and3A_459, %dma_start3A_474] : memref<125000x8x64xf32, #tpu.memory_space<hbm>> -> memref<1x1x64xf32, #tpu.memory_space<hbm>>
          %dma_start3A_476 = tpu.memref_squeeze %dma_start3A_475 : memref<1x1x64xf32, #tpu.memory_space<hbm>> -> memref<64xf32, #tpu.memory_space<hbm>>
          tpu.enqueue_dma source(%dma_start3A_476 : memref<64xf32, #tpu.memory_space<hbm>>) target(%dma_start3A_473 : memref<64xf32, #tpu.memory_space<vmem>>) target_semaphore(%arg10 : memref<!tpu.dma_semaphore, #tpu.memory_space<semaphore_mem>>)
          %slice3A_477 = vector.extract_strided_slice %get3A_273 {offsets = [9], sizes = [1], strides = [1]} : vector<16xi32> to vector<1xi32>
          %squeeze3A_478 = vector.extract %slice3A_477[0] : i32 from vector<1xi32>
          %shift_right_logical3A_479 = arith.constant 3 : i32
          %shift_right_logical3A_480 = arith.shrui %squeeze3A_478, %shift_right_logical3A_479 : i32
          %and3A_481 = arith.constant 7 : i32
          %and3A_482 = arith.andi %squeeze3A_478, %and3A_481 : i32
          %mul3A_483 = arith.constant 16 : i32
          %mul3A_484 = arith.muli %scan3A_269, %mul3A_483 : i32
          %add3A_485 = arith.constant 9 : i32
          %add3A_486 = arith.addi %mul3A_484, %add3A_485 : i32
          %dma_start3A_487 = arith.constant 3 : i32
          %dma_start3A_488 = arith.constant 0 : i32
          %dma_start3A_489 = tpu.memref_slice %arg6[%dma_start3A_487, %add3A_486, %dma_start3A_488] : memref<4x128x64xf32, #tpu.memory_space<vmem>> -> memref<1x1x64xf32, #tpu.memory_space<vmem>>
          %dma_start3A_490 = tpu.memref_squeeze %dma_start3A_489 : memref<1x1x64xf32, #tpu.memory_space<vmem>> -> memref<64xf32, #tpu.memory_space<vmem>>
          %dma_start3A_491 = arith.constant 0 : i32
          %dma_start3A_492 = tpu.memref_slice %arg3[%shift_right_logical3A_480, %and3A_482, %dma_start3A_491] : memref<125000x8x64xf32, #tpu.memory_space<hbm>> -> memref<1x1x64xf32, #tpu.memory_space<hbm>>
          %dma_start3A_493 = tpu.memref_squeeze %dma_start3A_492 : memref<1x1x64xf32, #tpu.memory_space<hbm>> -> memref<64xf32, #tpu.memory_space<hbm>>
          %dma_start3A_494 = arith.constant 0 : i32
          %dma_start3A_495 = tpu.memref_slice %arg6[%dma_start3A_487, %add3A_486, %dma_start3A_494] : memref<4x128x64xf32, #tpu.memory_space<vmem>> -> memref<1x1x64xf32, #tpu.memory_space<vmem>>
          %dma_start3A_496 = tpu.memref_squeeze %dma_start3A_495 : memref<1x1x64xf32, #tpu.memory_space<vmem>> -> memref<64xf32, #tpu.memory_space<vmem>>
          %dma_start3A_497 = arith.constant 0 : i32
          %dma_start3A_498 = tpu.memref_slice %arg3[%shift_right_logical3A_480, %and3A_482, %dma_start3A_497] : memref<125000x8x64xf32, #tpu.memory_space<hbm>> -> memref<1x1x64xf32, #tpu.memory_space<hbm>>
          %dma_start3A_499 = tpu.memref_squeeze %dma_start3A_498 : memref<1x1x64xf32, #tpu.memory_space<hbm>> -> memref<64xf32, #tpu.memory_space<hbm>>
          tpu.enqueue_dma source(%dma_start3A_499 : memref<64xf32, #tpu.memory_space<hbm>>) target(%dma_start3A_496 : memref<64xf32, #tpu.memory_space<vmem>>) target_semaphore(%arg10 : memref<!tpu.dma_semaphore, #tpu.memory_space<semaphore_mem>>)
          %slice3A_500 = vector.extract_strided_slice %get3A_273 {offsets = [10], sizes = [1], strides = [1]} : vector<16xi32> to vector<1xi32>
          %squeeze3A_501 = vector.extract %slice3A_500[0] : i32 from vector<1xi32>
          %shift_right_logical3A_502 = arith.constant 3 : i32
          %shift_right_logical3A_503 = arith.shrui %squeeze3A_501, %shift_right_logical3A_502 : i32
          %and3A_504 = arith.constant 7 : i32
          %and3A_505 = arith.andi %squeeze3A_501, %and3A_504 : i32
          %mul3A_506 = arith.constant 16 : i32
          %mul3A_507 = arith.muli %scan3A_269, %mul3A_506 : i32
          %add3A_508 = arith.constant 10 : i32
          %add3A_509 = arith.addi %mul3A_507, %add3A_508 : i32
          %dma_start3A_510 = arith.constant 3 : i32
          %dma_start3A_511 = arith.constant 0 : i32
          %dma_start3A_512 = tpu.memref_slice %arg6[%dma_start3A_510, %add3A_509, %dma_start3A_511] : memref<4x128x64xf32, #tpu.memory_space<vmem>> -> memref<1x1x64xf32, #tpu.memory_space<vmem>>
          %dma_start3A_513 = tpu.memref_squeeze %dma_start3A_512 : memref<1x1x64xf32, #tpu.memory_space<vmem>> -> memref<64xf32, #tpu.memory_space<vmem>>
          %dma_start3A_514 = arith.constant 0 : i32
          %dma_start3A_515 = tpu.memref_slice %arg3[%shift_right_logical3A_503, %and3A_505, %dma_start3A_514] : memref<125000x8x64xf32, #tpu.memory_space<hbm>> -> memref<1x1x64xf32, #tpu.memory_space<hbm>>
          %dma_start3A_516 = tpu.memref_squeeze %dma_start3A_515 : memref<1x1x64xf32, #tpu.memory_space<hbm>> -> memref<64xf32, #tpu.memory_space<hbm>>
          %dma_start3A_517 = arith.constant 0 : i32
          %dma_start3A_518 = tpu.memref_slice %arg6[%dma_start3A_510, %add3A_509, %dma_start3A_517] : memref<4x128x64xf32, #tpu.memory_space<vmem>> -> memref<1x1x64xf32, #tpu.memory_space<vmem>>
          %dma_start3A_519 = tpu.memref_squeeze %dma_start3A_518 : memref<1x1x64xf32, #tpu.memory_space<vmem>> -> memref<64xf32, #tpu.memory_space<vmem>>
          %dma_start3A_520 = arith.constant 0 : i32
          %dma_start3A_521 = tpu.memref_slice %arg3[%shift_right_logical3A_503, %and3A_505, %dma_start3A_520] : memref<125000x8x64xf32, #tpu.memory_space<hbm>> -> memref<1x1x64xf32, #tpu.memory_space<hbm>>
          %dma_start3A_522 = tpu.memref_squeeze %dma_start3A_521 : memref<1x1x64xf32, #tpu.memory_space<hbm>> -> memref<64xf32, #tpu.memory_space<hbm>>
          tpu.enqueue_dma source(%dma_start3A_522 : memref<64xf32, #tpu.memory_space<hbm>>) target(%dma_start3A_519 : memref<64xf32, #tpu.memory_space<vmem>>) target_semaphore(%arg10 : memref<!tpu.dma_semaphore, #tpu.memory_space<semaphore_mem>>)
          %slice3A_523 = vector.extract_strided_slice %get3A_273 {offsets = [11], sizes = [1], strides = [1]} : vector<16xi32> to vector<1xi32>
          %squeeze3A_524 = vector.extract %slice3A_523[0] : i32 from vector<1xi32>
          %shift_right_logical3A_525 = arith.constant 3 : i32
          %shift_right_logical3A_526 = arith.shrui %squeeze3A_524, %shift_right_logical3A_525 : i32
          %and3A_527 = arith.constant 7 : i32
          %and3A_528 = arith.andi %squeeze3A_524, %and3A_527 : i32
          %mul3A_529 = arith.constant 16 : i32
          %mul3A_530 = arith.muli %scan3A_269, %mul3A_529 : i32
          %add3A_531 = arith.constant 11 : i32
          %add3A_532 = arith.addi %mul3A_530, %add3A_531 : i32
          %dma_start3A_533 = arith.constant 3 : i32
          %dma_start3A_534 = arith.constant 0 : i32
          %dma_start3A_535 = tpu.memref_slice %arg6[%dma_start3A_533, %add3A_532, %dma_start3A_534] : memref<4x128x64xf32, #tpu.memory_space<vmem>> -> memref<1x1x64xf32, #tpu.memory_space<vmem>>
          %dma_start3A_536 = tpu.memref_squeeze %dma_start3A_535 : memref<1x1x64xf32, #tpu.memory_space<vmem>> -> memref<64xf32, #tpu.memory_space<vmem>>
          %dma_start3A_537 = arith.constant 0 : i32
          %dma_start3A_538 = tpu.memref_slice %arg3[%shift_right_logical3A_526, %and3A_528, %dma_start3A_537] : memref<125000x8x64xf32, #tpu.memory_space<hbm>> -> memref<1x1x64xf32, #tpu.memory_space<hbm>>
          %dma_start3A_539 = tpu.memref_squeeze %dma_start3A_538 : memref<1x1x64xf32, #tpu.memory_space<hbm>> -> memref<64xf32, #tpu.memory_space<hbm>>
          %dma_start3A_540 = arith.constant 0 : i32
          %dma_start3A_541 = tpu.memref_slice %arg6[%dma_start3A_533, %add3A_532, %dma_start3A_540] : memref<4x128x64xf32, #tpu.memory_space<vmem>> -> memref<1x1x64xf32, #tpu.memory_space<vmem>>
          %dma_start3A_542 = tpu.memref_squeeze %dma_start3A_541 : memref<1x1x64xf32, #tpu.memory_space<vmem>> -> memref<64xf32, #tpu.memory_space<vmem>>
          %dma_start3A_543 = arith.constant 0 : i32
          %dma_start3A_544 = tpu.memref_slice %arg3[%shift_right_logical3A_526, %and3A_528, %dma_start3A_543] : memref<125000x8x64xf32, #tpu.memory_space<hbm>> -> memref<1x1x64xf32, #tpu.memory_space<hbm>>
          %dma_start3A_545 = tpu.memref_squeeze %dma_start3A_544 : memref<1x1x64xf32, #tpu.memory_space<hbm>> -> memref<64xf32, #tpu.memory_space<hbm>>
          tpu.enqueue_dma source(%dma_start3A_545 : memref<64xf32, #tpu.memory_space<hbm>>) target(%dma_start3A_542 : memref<64xf32, #tpu.memory_space<vmem>>) target_semaphore(%arg10 : memref<!tpu.dma_semaphore, #tpu.memory_space<semaphore_mem>>)
          %slice3A_546 = vector.extract_strided_slice %get3A_273 {offsets = [12], sizes = [1], strides = [1]} : vector<16xi32> to vector<1xi32>
          %squeeze3A_547 = vector.extract %slice3A_546[0] : i32 from vector<1xi32>
          %shift_right_logical3A_548 = arith.constant 3 : i32
          %shift_right_logical3A_549 = arith.shrui %squeeze3A_547, %shift_right_logical3A_548 : i32
          %and3A_550 = arith.constant 7 : i32
          %and3A_551 = arith.andi %squeeze3A_547, %and3A_550 : i32
          %mul3A_552 = arith.constant 16 : i32
          %mul3A_553 = arith.muli %scan3A_269, %mul3A_552 : i32
          %add3A_554 = arith.constant 12 : i32
          %add3A_555 = arith.addi %mul3A_553, %add3A_554 : i32
          %dma_start3A_556 = arith.constant 3 : i32
          %dma_start3A_557 = arith.constant 0 : i32
          %dma_start3A_558 = tpu.memref_slice %arg6[%dma_start3A_556, %add3A_555, %dma_start3A_557] : memref<4x128x64xf32, #tpu.memory_space<vmem>> -> memref<1x1x64xf32, #tpu.memory_space<vmem>>
          %dma_start3A_559 = tpu.memref_squeeze %dma_start3A_558 : memref<1x1x64xf32, #tpu.memory_space<vmem>> -> memref<64xf32, #tpu.memory_space<vmem>>
          %dma_start3A_560 = arith.constant 0 : i32
          %dma_start3A_561 = tpu.memref_slice %arg3[%shift_right_logical3A_549, %and3A_551, %dma_start3A_560] : memref<125000x8x64xf32, #tpu.memory_space<hbm>> -> memref<1x1x64xf32, #tpu.memory_space<hbm>>
          %dma_start3A_562 = tpu.memref_squeeze %dma_start3A_561 : memref<1x1x64xf32, #tpu.memory_space<hbm>> -> memref<64xf32, #tpu.memory_space<hbm>>
          %dma_start3A_563 = arith.constant 0 : i32
          %dma_start3A_564 = tpu.memref_slice %arg6[%dma_start3A_556, %add3A_555, %dma_start3A_563] : memref<4x128x64xf32, #tpu.memory_space<vmem>> -> memref<1x1x64xf32, #tpu.memory_space<vmem>>
          %dma_start3A_565 = tpu.memref_squeeze %dma_start3A_564 : memref<1x1x64xf32, #tpu.memory_space<vmem>> -> memref<64xf32, #tpu.memory_space<vmem>>
          %dma_start3A_566 = arith.constant 0 : i32
          %dma_start3A_567 = tpu.memref_slice %arg3[%shift_right_logical3A_549, %and3A_551, %dma_start3A_566] : memref<125000x8x64xf32, #tpu.memory_space<hbm>> -> memref<1x1x64xf32, #tpu.memory_space<hbm>>
          %dma_start3A_568 = tpu.memref_squeeze %dma_start3A_567 : memref<1x1x64xf32, #tpu.memory_space<hbm>> -> memref<64xf32, #tpu.memory_space<hbm>>
          tpu.enqueue_dma source(%dma_start3A_568 : memref<64xf32, #tpu.memory_space<hbm>>) target(%dma_start3A_565 : memref<64xf32, #tpu.memory_space<vmem>>) target_semaphore(%arg10 : memref<!tpu.dma_semaphore, #tpu.memory_space<semaphore_mem>>)
          %slice3A_569 = vector.extract_strided_slice %get3A_273 {offsets = [13], sizes = [1], strides = [1]} : vector<16xi32> to vector<1xi32>
          %squeeze3A_570 = vector.extract %slice3A_569[0] : i32 from vector<1xi32>
          %shift_right_logical3A_571 = arith.constant 3 : i32
          %shift_right_logical3A_572 = arith.shrui %squeeze3A_570, %shift_right_logical3A_571 : i32
          %and3A_573 = arith.constant 7 : i32
          %and3A_574 = arith.andi %squeeze3A_570, %and3A_573 : i32
          %mul3A_575 = arith.constant 16 : i32
          %mul3A_576 = arith.muli %scan3A_269, %mul3A_575 : i32
          %add3A_577 = arith.constant 13 : i32
          %add3A_578 = arith.addi %mul3A_576, %add3A_577 : i32
          %dma_start3A_579 = arith.constant 3 : i32
          %dma_start3A_580 = arith.constant 0 : i32
          %dma_start3A_581 = tpu.memref_slice %arg6[%dma_start3A_579, %add3A_578, %dma_start3A_580] : memref<4x128x64xf32, #tpu.memory_space<vmem>> -> memref<1x1x64xf32, #tpu.memory_space<vmem>>
          %dma_start3A_582 = tpu.memref_squeeze %dma_start3A_581 : memref<1x1x64xf32, #tpu.memory_space<vmem>> -> memref<64xf32, #tpu.memory_space<vmem>>
          %dma_start3A_583 = arith.constant 0 : i32
          %dma_start3A_584 = tpu.memref_slice %arg3[%shift_right_logical3A_572, %and3A_574, %dma_start3A_583] : memref<125000x8x64xf32, #tpu.memory_space<hbm>> -> memref<1x1x64xf32, #tpu.memory_space<hbm>>
          %dma_start3A_585 = tpu.memref_squeeze %dma_start3A_584 : memref<1x1x64xf32, #tpu.memory_space<hbm>> -> memref<64xf32, #tpu.memory_space<hbm>>
          %dma_start3A_586 = arith.constant 0 : i32
          %dma_start3A_587 = tpu.memref_slice %arg6[%dma_start3A_579, %add3A_578, %dma_start3A_586] : memref<4x128x64xf32, #tpu.memory_space<vmem>> -> memref<1x1x64xf32, #tpu.memory_space<vmem>>
          %dma_start3A_588 = tpu.memref_squeeze %dma_start3A_587 : memref<1x1x64xf32, #tpu.memory_space<vmem>> -> memref<64xf32, #tpu.memory_space<vmem>>
          %dma_start3A_589 = arith.constant 0 : i32
          %dma_start3A_590 = tpu.memref_slice %arg3[%shift_right_logical3A_572, %and3A_574, %dma_start3A_589] : memref<125000x8x64xf32, #tpu.memory_space<hbm>> -> memref<1x1x64xf32, #tpu.memory_space<hbm>>
          %dma_start3A_591 = tpu.memref_squeeze %dma_start3A_590 : memref<1x1x64xf32, #tpu.memory_space<hbm>> -> memref<64xf32, #tpu.memory_space<hbm>>
          tpu.enqueue_dma source(%dma_start3A_591 : memref<64xf32, #tpu.memory_space<hbm>>) target(%dma_start3A_588 : memref<64xf32, #tpu.memory_space<vmem>>) target_semaphore(%arg10 : memref<!tpu.dma_semaphore, #tpu.memory_space<semaphore_mem>>)
          %slice3A_592 = vector.extract_strided_slice %get3A_273 {offsets = [14], sizes = [1], strides = [1]} : vector<16xi32> to vector<1xi32>
          %squeeze3A_593 = vector.extract %slice3A_592[0] : i32 from vector<1xi32>
          %shift_right_logical3A_594 = arith.constant 3 : i32
          %shift_right_logical3A_595 = arith.shrui %squeeze3A_593, %shift_right_logical3A_594 : i32
          %and3A_596 = arith.constant 7 : i32
          %and3A_597 = arith.andi %squeeze3A_593, %and3A_596 : i32
          %mul3A_598 = arith.constant 16 : i32
          %mul3A_599 = arith.muli %scan3A_269, %mul3A_598 : i32
          %add3A_600 = arith.constant 14 : i32
          %add3A_601 = arith.addi %mul3A_599, %add3A_600 : i32
          %dma_start3A_602 = arith.constant 3 : i32
          %dma_start3A_603 = arith.constant 0 : i32
          %dma_start3A_604 = tpu.memref_slice %arg6[%dma_start3A_602, %add3A_601, %dma_start3A_603] : memref<4x128x64xf32, #tpu.memory_space<vmem>> -> memref<1x1x64xf32, #tpu.memory_space<vmem>>
          %dma_start3A_605 = tpu.memref_squeeze %dma_start3A_604 : memref<1x1x64xf32, #tpu.memory_space<vmem>> -> memref<64xf32, #tpu.memory_space<vmem>>
          %dma_start3A_606 = arith.constant 0 : i32
          %dma_start3A_607 = tpu.memref_slice %arg3[%shift_right_logical3A_595, %and3A_597, %dma_start3A_606] : memref<125000x8x64xf32, #tpu.memory_space<hbm>> -> memref<1x1x64xf32, #tpu.memory_space<hbm>>
          %dma_start3A_608 = tpu.memref_squeeze %dma_start3A_607 : memref<1x1x64xf32, #tpu.memory_space<hbm>> -> memref<64xf32, #tpu.memory_space<hbm>>
          %dma_start3A_609 = arith.constant 0 : i32
          %dma_start3A_610 = tpu.memref_slice %arg6[%dma_start3A_602, %add3A_601, %dma_start3A_609] : memref<4x128x64xf32, #tpu.memory_space<vmem>> -> memref<1x1x64xf32, #tpu.memory_space<vmem>>
          %dma_start3A_611 = tpu.memref_squeeze %dma_start3A_610 : memref<1x1x64xf32, #tpu.memory_space<vmem>> -> memref<64xf32, #tpu.memory_space<vmem>>
          %dma_start3A_612 = arith.constant 0 : i32
          %dma_start3A_613 = tpu.memref_slice %arg3[%shift_right_logical3A_595, %and3A_597, %dma_start3A_612] : memref<125000x8x64xf32, #tpu.memory_space<hbm>> -> memref<1x1x64xf32, #tpu.memory_space<hbm>>
          %dma_start3A_614 = tpu.memref_squeeze %dma_start3A_613 : memref<1x1x64xf32, #tpu.memory_space<hbm>> -> memref<64xf32, #tpu.memory_space<hbm>>
          tpu.enqueue_dma source(%dma_start3A_614 : memref<64xf32, #tpu.memory_space<hbm>>) target(%dma_start3A_611 : memref<64xf32, #tpu.memory_space<vmem>>) target_semaphore(%arg10 : memref<!tpu.dma_semaphore, #tpu.memory_space<semaphore_mem>>)
          %slice3A_615 = vector.extract_strided_slice %get3A_273 {offsets = [15], sizes = [1], strides = [1]} : vector<16xi32> to vector<1xi32>
          %squeeze3A_616 = vector.extract %slice3A_615[0] : i32 from vector<1xi32>
          %shift_right_logical3A_617 = arith.constant 3 : i32
          %shift_right_logical3A_618 = arith.shrui %squeeze3A_616, %shift_right_logical3A_617 : i32
          %and3A_619 = arith.constant 7 : i32
          %and3A_620 = arith.andi %squeeze3A_616, %and3A_619 : i32
          %mul3A_621 = arith.constant 16 : i32
          %mul3A_622 = arith.muli %scan3A_269, %mul3A_621 : i32
          %add3A_623 = arith.constant 15 : i32
          %add3A_624 = arith.addi %mul3A_622, %add3A_623 : i32
          %dma_start3A_625 = arith.constant 3 : i32
          %dma_start3A_626 = arith.constant 0 : i32
          %dma_start3A_627 = tpu.memref_slice %arg6[%dma_start3A_625, %add3A_624, %dma_start3A_626] : memref<4x128x64xf32, #tpu.memory_space<vmem>> -> memref<1x1x64xf32, #tpu.memory_space<vmem>>
          %dma_start3A_628 = tpu.memref_squeeze %dma_start3A_627 : memref<1x1x64xf32, #tpu.memory_space<vmem>> -> memref<64xf32, #tpu.memory_space<vmem>>
          %dma_start3A_629 = arith.constant 0 : i32
          %dma_start3A_630 = tpu.memref_slice %arg3[%shift_right_logical3A_618, %and3A_620, %dma_start3A_629] : memref<125000x8x64xf32, #tpu.memory_space<hbm>> -> memref<1x1x64xf32, #tpu.memory_space<hbm>>
          %dma_start3A_631 = tpu.memref_squeeze %dma_start3A_630 : memref<1x1x64xf32, #tpu.memory_space<hbm>> -> memref<64xf32, #tpu.memory_space<hbm>>
          %dma_start3A_632 = arith.constant 0 : i32
          %dma_start3A_633 = tpu.memref_slice %arg6[%dma_start3A_625, %add3A_624, %dma_start3A_632] : memref<4x128x64xf32, #tpu.memory_space<vmem>> -> memref<1x1x64xf32, #tpu.memory_space<vmem>>
          %dma_start3A_634 = tpu.memref_squeeze %dma_start3A_633 : memref<1x1x64xf32, #tpu.memory_space<vmem>> -> memref<64xf32, #tpu.memory_space<vmem>>
          %dma_start3A_635 = arith.constant 0 : i32
          %dma_start3A_636 = tpu.memref_slice %arg3[%shift_right_logical3A_618, %and3A_620, %dma_start3A_635] : memref<125000x8x64xf32, #tpu.memory_space<hbm>> -> memref<1x1x64xf32, #tpu.memory_space<hbm>>
          %dma_start3A_637 = tpu.memref_squeeze %dma_start3A_636 : memref<1x1x64xf32, #tpu.memory_space<hbm>> -> memref<64xf32, #tpu.memory_space<hbm>>
          tpu.enqueue_dma source(%dma_start3A_637 : memref<64xf32, #tpu.memory_space<hbm>>) target(%dma_start3A_634 : memref<64xf32, #tpu.memory_space<vmem>>) target_semaphore(%arg10 : memref<!tpu.dma_semaphore, #tpu.memory_space<semaphore_mem>>)
        }
        %scan3A_268 = arith.constant 8 : i32
      } else {
      }
    }
    %scan3A_33 = arith.constant 50 : i32
    %add3A_34 = arith.constant 25088 : i32
    %add3A_35 = arith.addi %mul3A_4, %add3A_34 : i32
    %dma_wait3A = arith.constant 0 : i32
    %dma_wait3A_36 = arith.constant 0 : i32
    %dma_wait3A_37 = arith.constant 0 : i32
    %dma_wait3A_38 = tpu.memref_slice %arg6[%dma_wait3A, %dma_wait3A_36, %dma_wait3A_37] : memref<4x128x64xf32, #tpu.memory_space<vmem>> -> memref<1x128x64xf32, #tpu.memory_space<vmem>>
    %dma_wait3A_39 = tpu.memref_squeeze %dma_wait3A_38 : memref<1x128x64xf32, #tpu.memory_space<vmem>> -> memref<128x64xf32, #tpu.memory_space<vmem>>
    %dma_wait3A_40 = arith.constant 0 : i32
    %dma_wait3A_41 = tpu.memref_slice %arg4[%add3A_35, %dma_wait3A_40] : memref<819200x64xf32, #tpu.memory_space<hbm>> -> memref<128x64xf32, #tpu.memory_space<hbm>>
    %dma_wait3A_42 = arith.constant 0 : i32
    %dma_wait3A_43 = tpu.memref_slice %arg4[%add3A_35, %dma_wait3A_42] : memref<819200x64xf32, #tpu.memory_space<hbm>> -> memref<128x64xf32, #tpu.memory_space<hbm>>
    %dma_wait3A_44 = arith.constant 0 : i32
    %dma_wait3A_45 = arith.constant 0 : i32
    %dma_wait3A_46 = tpu.memref_slice %arg6[%dma_wait3A, %dma_wait3A_44, %dma_wait3A_45] : memref<4x128x64xf32, #tpu.memory_space<vmem>> -> memref<1x128x64xf32, #tpu.memory_space<vmem>>
    %dma_wait3A_47 = tpu.memref_squeeze %dma_wait3A_46 : memref<1x128x64xf32, #tpu.memory_space<vmem>> -> memref<128x64xf32, #tpu.memory_space<vmem>>
    tpu.wait_dma2 semaphore(%arg11 : memref<!tpu.dma_semaphore, #tpu.memory_space<semaphore_mem>>) src(%dma_wait3A_47 : memref<128x64xf32, #tpu.memory_space<vmem>>) dst(%dma_wait3A_43 : memref<128x64xf32, #tpu.memory_space<hbm>>)
    %add3A_48 = arith.constant 25216 : i32
    %add3A_49 = arith.addi %mul3A_4, %add3A_48 : i32
    %dma_wait3A_50 = arith.constant 1 : i32
    %dma_wait3A_51 = arith.constant 0 : i32
    %dma_wait3A_52 = arith.constant 0 : i32
    %dma_wait3A_53 = tpu.memref_slice %arg6[%dma_wait3A_50, %dma_wait3A_51, %dma_wait3A_52] : memref<4x128x64xf32, #tpu.memory_space<vmem>> -> memref<1x128x64xf32, #tpu.memory_space<vmem>>
    %dma_wait3A_54 = tpu.memref_squeeze %dma_wait3A_53 : memref<1x128x64xf32, #tpu.memory_space<vmem>> -> memref<128x64xf32, #tpu.memory_space<vmem>>
    %dma_wait3A_55 = arith.constant 0 : i32
    %dma_wait3A_56 = tpu.memref_slice %arg4[%add3A_49, %dma_wait3A_55] : memref<819200x64xf32, #tpu.memory_space<hbm>> -> memref<128x64xf32, #tpu.memory_space<hbm>>
    %dma_wait3A_57 = arith.constant 0 : i32
    %dma_wait3A_58 = tpu.memref_slice %arg4[%add3A_49, %dma_wait3A_57] : memref<819200x64xf32, #tpu.memory_space<hbm>> -> memref<128x64xf32, #tpu.memory_space<hbm>>
    %dma_wait3A_59 = arith.constant 0 : i32
    %dma_wait3A_60 = arith.constant 0 : i32
    %dma_wait3A_61 = tpu.memref_slice %arg6[%dma_wait3A_50, %dma_wait3A_59, %dma_wait3A_60] : memref<4x128x64xf32, #tpu.memory_space<vmem>> -> memref<1x128x64xf32, #tpu.memory_space<vmem>>
    %dma_wait3A_62 = tpu.memref_squeeze %dma_wait3A_61 : memref<1x128x64xf32, #tpu.memory_space<vmem>> -> memref<128x64xf32, #tpu.memory_space<vmem>>
    tpu.wait_dma2 semaphore(%arg12 : memref<!tpu.dma_semaphore, #tpu.memory_space<semaphore_mem>>) src(%dma_wait3A_62 : memref<128x64xf32, #tpu.memory_space<vmem>>) dst(%dma_wait3A_58 : memref<128x64xf32, #tpu.memory_space<hbm>>)
    %add3A_63 = arith.constant 25344 : i32
    %add3A_64 = arith.addi %mul3A_4, %add3A_63 : i32
    %dma_wait3A_65 = arith.constant 2 : i32
    %dma_wait3A_66 = arith.constant 0 : i32
    %dma_wait3A_67 = arith.constant 0 : i32
    %dma_wait3A_68 = tpu.memref_slice %arg6[%dma_wait3A_65, %dma_wait3A_66, %dma_wait3A_67] : memref<4x128x64xf32, #tpu.memory_space<vmem>> -> memref<1x128x64xf32, #tpu.memory_space<vmem>>
    %dma_wait3A_69 = tpu.memref_squeeze %dma_wait3A_68 : memref<1x128x64xf32, #tpu.memory_space<vmem>> -> memref<128x64xf32, #tpu.memory_space<vmem>>
    %dma_wait3A_70 = arith.constant 0 : i32
    %dma_wait3A_71 = tpu.memref_slice %arg4[%add3A_64, %dma_wait3A_70] : memref<819200x64xf32, #tpu.memory_space<hbm>> -> memref<128x64xf32, #tpu.memory_space<hbm>>
    %dma_wait3A_72 = arith.constant 0 : i32
    %dma_wait3A_73 = tpu.memref_slice %arg4[%add3A_64, %dma_wait3A_72] : memref<819200x64xf32, #tpu.memory_space<hbm>> -> memref<128x64xf32, #tpu.memory_space<hbm>>
    %dma_wait3A_74 = arith.constant 0 : i32
    %dma_wait3A_75 = arith.constant 0 : i32
    %dma_wait3A_76 = tpu.memref_slice %arg6[%dma_wait3A_65, %dma_wait3A_74, %dma_wait3A_75] : memref<4x128x64xf32, #tpu.memory_space<vmem>> -> memref<1x128x64xf32, #tpu.memory_space<vmem>>
    %dma_wait3A_77 = tpu.memref_squeeze %dma_wait3A_76 : memref<1x128x64xf32, #tpu.memory_space<vmem>> -> memref<128x64xf32, #tpu.memory_space<vmem>>
    tpu.wait_dma2 semaphore(%arg13 : memref<!tpu.dma_semaphore, #tpu.memory_space<semaphore_mem>>) src(%dma_wait3A_77 : memref<128x64xf32, #tpu.memory_space<vmem>>) dst(%dma_wait3A_73 : memref<128x64xf32, #tpu.memory_space<hbm>>)
    %add3A_78 = arith.constant 25472 : i32
    %add3A_79 = arith.addi %mul3A_4, %add3A_78 : i32
    %dma_wait3A_80 = arith.constant 3 : i32
    %dma_wait3A_81 = arith.constant 0 : i32
    %dma_wait3A_82 = arith.constant 0 : i32
    %dma_wait3A_83 = tpu.memref_slice %arg6[%dma_wait3A_80, %dma_wait3A_81, %dma_wait3A_82] : memref<4x128x64xf32, #tpu.memory_space<vmem>> -> memref<1x128x64xf32, #tpu.memory_space<vmem>>
    %dma_wait3A_84 = tpu.memref_squeeze %dma_wait3A_83 : memref<1x128x64xf32, #tpu.memory_space<vmem>> -> memref<128x64xf32, #tpu.memory_space<vmem>>
    %dma_wait3A_85 = arith.constant 0 : i32
    %dma_wait3A_86 = tpu.memref_slice %arg4[%add3A_79, %dma_wait3A_85] : memref<819200x64xf32, #tpu.memory_space<hbm>> -> memref<128x64xf32, #tpu.memory_space<hbm>>
    %dma_wait3A_87 = arith.constant 0 : i32
    %dma_wait3A_88 = tpu.memref_slice %arg4[%add3A_79, %dma_wait3A_87] : memref<819200x64xf32, #tpu.memory_space<hbm>> -> memref<128x64xf32, #tpu.memory_space<hbm>>
    %dma_wait3A_89 = arith.constant 0 : i32
    %dma_wait3A_90 = arith.constant 0 : i32
    %dma_wait3A_91 = tpu.memref_slice %arg6[%dma_wait3A_80, %dma_wait3A_89, %dma_wait3A_90] : memref<4x128x64xf32, #tpu.memory_space<vmem>> -> memref<1x128x64xf32, #tpu.memory_space<vmem>>
    %dma_wait3A_92 = tpu.memref_squeeze %dma_wait3A_91 : memref<1x128x64xf32, #tpu.memory_space<vmem>> -> memref<128x64xf32, #tpu.memory_space<vmem>>
    tpu.wait_dma2 semaphore(%arg14 : memref<!tpu.dma_semaphore, #tpu.memory_space<semaphore_mem>>) src(%dma_wait3A_92 : memref<128x64xf32, #tpu.memory_space<vmem>>) dst(%dma_wait3A_88 : memref<128x64xf32, #tpu.memory_space<hbm>>)
    return
  }
}

</mosaic_0001>

<sc_bundles>
// kernel: kernel.3.cloned.1.call-start
scs
__scs_entry_jumppad:
0x0: {  	(pc) =	sbr.rel $0x88, $3  }
0x1: {  	(tag) =	ssettag $0x0;
	lr =	simm.s32 $0x1  }
0x2: {  	[smem:$0x3F9F] =	sst lr;
	_ =	strace $0xD0000000  }
0x3: {  	_ = 	snop  }
0x4: {  	_ = 	snop  }
0x5: {  	_ = 	snop  }
0x6: {  	_ = 	snop  }
0x7: {  	_ = 	snop  }
__scs_overlays_trampoline_lowered:
0x8: {  	[smem:$0x3FAE] =	sst s0  }
0x9: {  	[smem:$0x3FAF] =	sst s1  }
0xa: {  	[smem:$0x3FB0] =	sst s2  }
0xb: {  	[smem:$0x3FB1] =	sst s3  }
0xc: {  	[smem:$0x3FB2] =	sst s4  }
0xd: {  	[smem:$0x3FB3] =	sst s5  }
0xe: {  	[smem:$0x3FB4] =	sst s6  }
0xf: {  	[smem:$0x3FB5] =	sst s7  }
0x10: {  	[smem:$0x3FB6] =	sst s8  }
0x11: {  	[smem:$0x3FB7] =	sst s9;
	s0 =	simm.s32 @!p0 $0x0  }
0x12: {  	s1 =	sld [smem:$0x3F9D];
	s0 =	simm.s32 @p0 $0x1  }
0x13: {  	[smem:$0x3FB8] =	sst s0;
	s0 =	simm.s32 @!p1 $0x0  }
0x14: {  	s2 =	sld [smem:$0x3F9C];
	s0 =	simm.s32 @p1 $0x1  }
0x15: {  	[smem:$0x3FB9] =	sst s0;
	s0 =	simm.s32 @!p2 $0x0  }
0x16: {  	s3 =	sld [smem:$0x3FDB];
	s0 =	simm.s32 @p2 $0x1  }
0x17: {  	s4 =	simm.s32 $0x1BF5;
	[smem:$0x3FBB] =	sst s0  }
0x18: {  	s0 =	sld [smem:$0x3F9E];
	_ =	swait.ge [sflag:s4], $0x0  }
0x19: {  	s7 =	sld [smem:$0x3F9F]  }
0x1a: {  	s8 =	sadd.s32 $0xFFFFE003, lr  }
0x1b: {  	s9 =	sadd.s32 $0xFFFFFEF7, lr;
	s5 =	simm.s32 $0xFFFFFFFF;
	p2 =	slt.u32 s8, $0xFFFFF086  }
0x1c: {  	p1 =	slt.u32 s9, $0xF7A;
	s5 =	simm.s32 @!p2 $0x0  }
0x1d: {  	s5 =	simm.s32 @p1 $0x1;
	p0 =	seq.s32 s7, s2  }
0x1e: {  	s7 =	smul.u32 @!p0 $0xF7A, s2;
	p2 =	seq.s32 @!p0 s5, $0x0  }
0x1f: {  	s9 =	smul.u32 $0xF7A, s1;
	s8 =	simm.s32 @!p0 $0x1BF5;
	p2 =	por !p2, p0  }
0x20: {  	[sflag:s8] =	ssyncset.s32 @!p0 $0xFFFFF086;
	s6 =	sadd.s32 @!p0 s3, s7;
	s7 =	simm.s32 @!p0 $0x108  }
0x21: {  	s3 =	sadd.s32 s3, s9;
	s6 =	sadd.s32 @!p0 $0x88, s6;
	s7 =	simm.s32 @p2 $0x1082  }
0x22: {  	[simem:s7], [sflag:s8] =	dma.local @!p0 [hbm:s6], $0xF7A  }
0x23: {  	s9 =	sor.u32 $0xD0000000, s2;
	s6 =	simm.s32 $0x108;
	_ =	swait.ge @!p0 [sflag:s8], $0x0  }
0x24: {  	s3 =	sadd.s32 $0x88, s3;
	s6 =	simm.s32 @!p1 $0x1082;
	[sflag:s4] =	ssyncset.s32 $0xFFFFF086  }
0x25: {  	[simem:s6], [sflag:s4] =	dma.local [hbm:s3], $0xF7A  }
0x26: {  	[smem:$0x3F9F] =	sst s1;
	(tag) =	ssettag s2;
	_ =	strace s9  }
0x27: {  	s1 =	sld [smem:$0x3FAF]  }
0x28: {  	s2 =	sld [smem:$0x3FB0]  }
0x29: {  	s4 =	sld [smem:$0x3FB2]  }
0x2a: {  	p0 =	seq.s32 s5, $0x0;
	s5 =	sld [smem:$0x3FB3]  }
0x2b: {  	s6 =	sld [smem:$0x3FB4]  }
0x2c: {  	s7 =	sld [smem:$0x3FB5]  }
0x2d: {  	s3 =	simm.s32 $0x108;
	s8 =	sld [smem:$0x3FB6]  }
0x2e: {  	s3 =	simm.s32 @!p0 $0x1082;
	s9 =	sld [smem:$0x3FB7]  }
0x2f: {  	lr =	sadd.s32 s0, s3;
	s0 =	sld [smem:$0x3FAE]  }
0x30: {  	s3 =	sld [smem:$0x3FB1]  }
0x31: {  	[smem:$0x3FBA] =	sst s10  }
0x32: {  	s10 =	sld [smem:$0x3FB8];
	_ =	sdelay $0x3  }
0x33: {  	p0 =	seq.s32 s10, $0x1;
	s10 =	sld [smem:$0x3FBA];
	_ =	sdelay $0x3  }
0x34: {  	[smem:$0x3FBA] =	sst s10  }
0x35: {  	s10 =	sld [smem:$0x3FB9];
	_ =	sdelay $0x3  }
0x36: {  	p1 =	seq.s32 s10, $0x1;
	s10 =	sld [smem:$0x3FBA];
	_ =	sdelay $0x3  }
0x37: {  	[smem:$0x3FBA] =	sst s10  }
0x38: {  	s10 =	sld [smem:$0x3FBB]  }
0x39: {  	_ = 	snop;
	(pc) =	sbr.ind lr, $3  }
0x3a: {  	_ = 	snop  }
0x3b: {  	_ = 	snop  }
0x3c: {  	p2 =	seq.s32 s10, $0x1;
	s10 =	sld [smem:$0x3FBA]  }
0x3d: {  	_ =	shalt  }
0x3e: {  	_ =	shalt  }
0x3f: {  	_ =	shalt  }
0x40: {  	_ =	shalt  }
0x41: {  	_ =	shalt  }
0x42: {  	_ =	shalt  }
0x43: {  	_ =	shalt  }
0x44: {  	_ =	shalt  }
0x45: {  	_ =	shalt  }
0x46: {  	_ =	shalt  }
0x47: {  	_ =	shalt  }
0x48: {  	_ =	shalt  }
0x49: {  	_ =	shalt  }
0x4a: {  	_ =	shalt  }
0x4b: {  	_ =	shalt  }
0x4c: {  	_ =	shalt  }
0x4d: {  	_ =	shalt  }
0x4e: {  	_ =	shalt  }
0x4f: {  	_ =	shalt  }
0x50: {  	_ =	shalt  }
0x51: {  	_ =	shalt  }
0x52: {  	_ =	shalt  }
0x53: {  	_ =	shalt  }
0x54: {  	_ =	shalt  }
0x55: {  	_ =	shalt  }
0x56: {  	_ =	shalt  }
0x57: {  	_ =	shalt  }
0x58: {  	_ =	shalt  }
0x59: {  	_ =	shalt  }
0x5a: {  	_ =	shalt  }
0x5b: {  	_ =	shalt  }
0x5c: {  	_ =	shalt  }
0x5d: {  	_ =	shalt  }
0x5e: {  	_ =	shalt  }
0x5f: {  	_ =	shalt  }
0x60: {  	_ =	shalt  }
0x61: {  	_ =	shalt  }
0x62: {  	_ =	shalt  }
0x63: {  	_ =	shalt  }
0x64: {  	_ =	shalt  }
0x65: {  	_ =	shalt  }
0x66: {  	_ =	shalt  }
0x67: {  	_ =	shalt  }
0x68: {  	_ =	shalt  }
0x69: {  	_ =	shalt  }
0x6a: {  	_ =	shalt  }
0x6b: {  	_ =	shalt  }
0x6c: {  	_ =	shalt  }
0x6d: {  	_ =	shalt  }
0x6e: {  	_ =	shalt  }
0x6f: {  	_ =	shalt  }
0x70: {  	_ =	shalt  }
0x71: {  	_ =	shalt  }
0x72: {  	_ =	shalt  }
0x73: {  	_ =	shalt  }
0x74: {  	_ =	shalt  }
0x75: {  	_ =	shalt  }
0x76: {  	_ =	shalt  }
0x77: {  	_ =	shalt  }
0x78: {  	_ =	shalt  }
0x79: {  	_ =	shalt  }
0x7a: {  	_ =	shalt  }
0x7b: {  	_ =	shalt  }
0x7c: {  	_ =	shalt  }
0x7d: {  	_ =	shalt  }
0x7e: {  	_ =	shalt  }
0x7f: {  	_ =	shalt  }
0x80: {  	_ =	shalt  }
0x81: {  	_ =	shalt  }
0x82: {  	_ =	shalt  }
0x83: {  	_ =	shalt  }
0x84: {  	_ =	shalt  }
0x85: {  	_ =	shalt  }
0x86: {  	_ =	shalt  }
0x87: {  	_ =	shalt  }
.Lfunc_end0:
.L_simem_size_0:
called_computation.1_lowered:
.L_overlay_start_0:
0x88: {  	s2 =	sld [smem:$0x3FD9]  }
0x89: {  	s3 =	sld [smem:$0x3FFE];
	_ =	sdelay $0x1  }
0x8a: {  	s1 =	srdreg.scid  }
0x8b: {  	s0 =	sand.u32 $0x1, s1  }
0x8c: {  	s17 =	sshll.u32 s0, $0xA;
	s2 =	sadd.s32 s3, s2  }
0x8d: {  	s2 =	sadd.s32 s2, s17  }
0x8e: {  	[smem:$0x3FC6] =	sst s2  }
0x8f: {  	_ = 	snop  }
0x90: {  	s2 =	sld [smem:$0x3FD0];
	(tm) =	ssettm $0x1  }
0x91: {  	s18 =	sld [smem:$0x3FFB];
	_ =	sdelay $0x3  }
0x92: {  	_ =	strace s18  }
0x93: {  	s3 =	sld [smem:$0x3FFC];
	_ =	sdelay $0x3  }
0x94: {  	_ =	strace s3  }
0x95: {  	s3 =	sld [smem:$0x3FFD];
	_ =	sdelay $0x3  }
0x96: {  	_ =	strace s3  }
0x97: {  	_ =	strace $0x8FFFFFFF  }
0x98: {  	s19 =	sld [smem:$0x3FDB];
	_ =	sdelay $0x1  }
0x99: {  	s4 =	simm.s32 $_scs_section_size  }
0x9a: {  	s5 =	simm.s32 $_size__tile_overlayer_lowered;
	s6 =	simm.s32 $_tile_overlayer_lowered  }
0x9b: {  	s22 =	simm.s32 $0x1BFF;
	s21 =	sshll.u32 s6, $0x1;
	s3 =	sadd.s32 s4, s19  }
0x9c: {  	s7 =	simm.s32 $0x0;
	s20 =	sshll.u32 s5, $0x1;
	s5 =	sadd.s32 s21, s3  }
0x9d: {  	[timem:s7], [sflag:s22] =	dma.local [hbm:s5], s20  }
0x9e: {  	_ =	swait.ge [sflag:s22], s20  }
0x9f: {  	s4 =	ssub.s32 $0x0, s20;
	[sflag:s22] =	ssyncset.done $0x0  }
0xa0: {  	[sflag:s22] =	ssyncadd.s32 s4;
	_ =	sdelay $0x1  }
0xa1: {  	s23 =	simm.s32 $0x1B8B  }
0xa2: {  	_ =	swait.ge [sflag:s23], $0x1  }
0xa3: {  	[sflag:s23] =	ssyncset.done $0x0  }
0xa4: {  	s25 =	simm.s32 $0x1B8E;
	s24 =	sld [smem:$0x3FFE];
	[sflag:s23] =	ssyncadd.s32 $0xFFFFFFFF  }
0xa5: {  	s26 =	simm.s32 $execute0_lowered;
	[smem:$0x3FD2] =	sst s25  }
0xa6: {  	s5 =	sshll.u32 s26, $0x1;
	_ =	strace $0x80000046;
	[dreg:$0x1] =	wrdreg $0xFFFFFFFF  }
0xa7: {  	s28 =	simm.s32 $_size_execute0_lowered;
	s3 =	sadd.s32 s3, s5;
	[dreg:$0x0] =	wrdreg $0x0  }
0xa8: {  	s5 =	sshll.u32 s28, $0x1;
	[dreg:$0x2] =	wrdreg s3  }
0xa9: {  	[dreg:$0x3] =	wrdreg s5  }
0xaa: {  	[dreg:$0x4] =	wrdreg $0xC0  }
0xab: {  	_ =	task [dreg:s7], $0x5FFFF  }
0xac: {  	[dreg:$0x1] =	wrdreg $0xFFFFFFFF  }
0xad: {  	[dreg:$0x0] =	wrdreg $0x60  }
0xae: {  	[dreg:$0x2] =	wrdreg s2  }
0xaf: {  	[dreg:$0x3] =	wrdreg s24  }
0xb0: {  	[dreg:$0x4] =	wrdreg $0x9  }
0xb1: {  	_ =	task.clear_ibuf [dreg:s7], $0x5FFFF;
	_ =	strace $0x90000046  }
0xb2: {  	s29 =	simm.s32 $0x9;
	_ =	strace $0x80000048  }
0xb3: {  	_ =	swait.ge [sflag:s29], $0x1  }
0xb4: {  	[sflag:s29] =	ssyncadd.s32 $0xFFFFFFFF  }
0xb5: {  	_ =	strace $0x90000048  }
0xb6: {  	_ =	sfence  }
0xb7: {  	s30 =	sld [smem:$0x0];
	_ =	sdelay $0x2  }
0xb8: {  	s31 =	sshll.u32 s1, $0xD;
	s1 =	sshrl.u32 s1, $0x2  }
0xb9: {  	s3 =	sand.u32 $0x4000, s31;
	s1 =	sadd.s32 s1, s30  }
0xba: {  	s0 =	sor.u32 s3, s0;
	s1 =	sshll.u32 s1, $0x11  }
0xbb: {  	s0 =	sor.u32 s1, s0  }
0xbc: {  	s0 =	sadd.s32 $0x8F2B, s0  }
0xbd: {  	[sflag:s0] =	ssyncadd.remote.s32 $0x1  }
0xbe: {  	_ =	sfence.sel $0xFFFF  }
0xbf: {  	[dreg:$0x0] =	wrdreg $0xFFFFFFFF;
	(pc) =	sbr.abs _section_cstart, $3  }
0xc0: {  	[dreg:$0x1] =	wrdreg $0xFFFFFFFF  }
0xc1: {  	_ =	task.clear_ibuf [dreg:s7], $0x2FFFF;
	_ =	strace $0x9FFFFFFF  }
0xc2: {  	(tm) =	ssettm $0x7FFFFFFF  }
0xc3: {  	_ =	shalt  }
tec
execute0_lowered:
.L_overlay_start_1:
0x0: {  	(tag) =	ssettag $0x1  }
0x1: {  	s3 =	srdreg.scid;
	s5 =	stileid.u32  }
0x2: {  	s4 =	sand.u32 $0x1, s3;
	s25 =	sshll.u32 s5, $0x1  }
0x3: {  	s5 =	sor.u32 s4, s25  }
0x4: {  	s7 =	smul.u32 $0xC80, s5  }
0x5: {  	s0 =	rddreg [dreg:$0x0];
	s8 =	smul.u32 $0x6400, s5  }
0x6: {  	s1 =	rddreg [dreg:$0x1];
	s2 =	simm.s32 $0x0;
	s28 =	smul.u32 $0x64000, s5  }
0x7: {  	[smem:$0x7FF] =	sst s2;
	s5 =	smul.u32 $0x320000, s5  }
0x8: {  	s3 =	sadd.s32 $0x800, s1;
	_ =	strace $0x80000047;
	s6 =	ssub.s32 $0x2, s4  }
0x9: {  	s4 =	sadd.s32 $0xF42C00, s1;
	s0 =	sadd.s32 s0, s7;
	[dreg:$0x4] =	wrdreg s5  }
0xa: {  	s26 =	sshrl.u32 s6, $0x1;
	s29 =	sor.u32 $0x80, s8;
	[dreg:$0x3] =	wrdreg s0  }
.Ltmp0:
0xb: {  	s30 =	sor.u32 $0x100, s8;
	[dreg:$0x5] =	wrdreg s29;
	(pc) =	sbr.rel .LBB2_1-.Ltmp0, $4  }
0xc: {  	s1 =	ssub.s32 s6, s26;
	s31 =	sor.u32 $0x180, s8;
	[dreg:$0x6] =	wrdreg s30  }
0xd: {  	s1 =	smax.u32 s1, $0x1;
	[dreg:$0x7] =	wrdreg s31;
	s0 =	sadd.s32 s4, s28  }
0xe: {  	s19 =	simm.s32 $0x4;
	[dreg:$0x8] =	wrdreg s1;
	s0 =	sadd.s32 $0x63000, s0  }
0xf: {  	s24 =	simm.s32 $0x8;
	s1 =	simm.s32 $0x0;
	[dreg:$0x9] =	wrdreg s0  }
.LBB2_25:
0x10: {  	s0 =	simm.s32 $0x5  }
0x11: {  	_ =	swait.ge [sflag:s0], $0x4000  }
0x12: {  	[sflag:s0] =	ssyncset.done $0x0  }
0x13: {  	s29 =	simm.s32 $0x6;
	[sflag:s0] =	ssyncadd.s32 $0xFFFFC000  }
0x14: {  	_ =	swait.ge [sflag:s29], $0x4000  }
0x15: {  	[sflag:s29] =	ssyncset.done $0x0  }
0x16: {  	s30 =	simm.s32 $0x7;
	[sflag:s29] =	ssyncadd.s32 $0xFFFFC000  }
0x17: {  	_ =	swait.ge [sflag:s30], $0x4000  }
0x18: {  	[sflag:s30] =	ssyncset.done $0x0  }
0x19: {  	[sflag:s30] =	ssyncadd.s32 $0xFFFFC000  }
0x1a: {  	_ =	swait.ge [sflag:s24], $0x4000  }
0x1b: {  	s1 =	rddreg [dreg:$0xa]  }
0x1c: {  	s31 =	rddreg [dreg:$0x8];
	s1 =	sadd.s32 $0x1, s1  }
0x1d: {  	p0 =	sne.s32 s1, s31  }
.Ltmp1:
0x1e: {  	_ = 	snop;
	(pc) =	sbr.rel @!p0 .LBB2_26-.Ltmp1, $3  }
0x1f: {  	_ =	sdelay $0x1  }
0x20: {  	[sflag:s24] =	ssyncset.done $0x0  }
0x21: {  	[sflag:s24] =	ssyncadd.s32 $0xFFFFC000  }
.LBB2_1:
0x22: {  	[dreg:$0xa] =	wrdreg s1  }
0x23: {  	s0 =	rddreg [dreg:$0x3];
	s31 =	simm.s32 $0x9  }
0x24: {  	[tilespmem:s2], [sflag:$0x9] =	stream.linear.gather [hbm4b:s0+s2], $0x6400, $0x38;
	[tilespmem:$0x16400] =	vst v63  }
0x25: {  	_ =	swait.ge [sflag:s31], $0x6400  }
0x26: {  	[sflag:s31] =	ssyncset.done $0x0  }
0x27: {  	[sflag:s31] =	ssyncadd.s32 $0xFFFF9C00  }
0x28: {  	v0 =	vld [tilespmem:s2+$0x0];
	_ =	sdelay $0x4  }
0x29: {  	v0 =	vshll.u32 v0, $0x4  }
0x2a: {  	(v2sf) =	vpush v0, $0x0  }
0x2b: {  	(v2sf) =	vpush v0, $0x1  }
0x2c: {  	(v2sf) =	vpush v0, $0x2;
	_ =	sdelay $0x1  }
0x2d: {  	(v2sf) =	vpush v0, $0x4;
	_ =	sdelay $0x1  }
0x2e: {  	(v2sf) =	vpush v0, $0x3  }
0x2f: {  	(v2sf) =	vpush v0, $0x5  }
0x30: {  	s1 =	simm.s32 $0x2000;
	s26 =	simm.s32 $0x0;
	s5 =	simm.s32 $0x0;
	(v2sf) =	vpush v0, $0x6  }
.LBB2_2:
0x31: {  	p0 =	sne.s32 s1, $0xE000  }
0x32: {  	s20 =	sadd.s32 $0x6480, s26;
	s29 =	sadd.s32 $0x6980, s26;
	s10 =	smov.u32 s1  }
0x33: {  	s1 =	sadd.s32 $0x2000, s1;
	s14 =	sadd.s32 $0x6780, s26;
	s12 =	sadd.s32 $0x6A00, s26;
	(v2sf) =	vpush v0, $0x7  }
0x34: {  	s18 =	sadd.s32 $0x6680, s26;
	s8 =	sadd.s32 $0x6800, s26;
	s28 =	sadd.s32 $0x6A80, s26  }
0x35: {  	s21 =	sadd.s32 $0x6400, s26;
	s25 =	sadd.s32 $0x6600, s26;
	(v2sf) =	vpush v0, $0x8  }
0x36: {  	s0 =	simm.s32 $0x0;
	s30 =	sadd.s32 $0x6700, s26;
	s5 =	sadd.s32 $0x10, s5  }
0x37: {  	s31 =	sadd.s32 $0x6500, s26;
	s11 =	sadd.s32 $0x6900, s26;
	s16 =	spop (v2sf);
	(v2sf) =	vpush v0, $0x9  }
0x38: {  	s22 =	sand.u32 $0x1FFFFFF0, s16;
	s16 =	sadd.s32 $0x6880, s26;
	s23 =	spop (v2sf)  }
0x39: {  	s22 =	sadd.s32 s3, s22;
	s23 =	sand.u32 $0x1FFFFFF0, s23;
	s6 =	spop (v2sf);
	(v2sf) =	vpush v0, $0xA  }
0x3a: {  	[tilespmem:s21], [sflag:$0x1] =	stream.linear.gather [hbm4b:s22+s0], $0x80, $0x38;
	[tilespmem:$0x16400] =	vst v63  }
0x3b: {  	s21 =	sadd.s32 s3, s23;
	s22 =	sadd.s32 $0x6580, s26;
	s23 =	spop (v2sf);
	(v2sf) =	vpush v0, $0xB  }
0x3c: {  	[tilespmem:s20], [sflag:$0x1] =	stream.linear.gather [hbm4b:s21+s0], $0x80, $0x38;
	[tilespmem:$0x16400] =	vst v63  }
0x3d: {  	s6 =	sand.u32 $0x1FFFFFF0, s6;
	s20 =	sand.u32 $0x1FFFFFF0, s23;
	s21 =	spop (v2sf);
	(v2sf) =	vpush v0, $0xC  }
0x3e: {  	s6 =	sadd.s32 s3, s6;
	s21 =	sand.u32 $0x1FFFFFF0, s21;
	s23 =	spop (v2sf)  }
0x3f: {  	[tilespmem:s31], [sflag:$0x1] =	stream.linear.gather [hbm4b:s6+s0], $0x80, $0x38;
	(v2sf) =	vpush v0, $0xD;
	[tilespmem:$0x16400] =	vst v63  }
0x40: {  	s6 =	sadd.s32 s3, s21;
	s21 =	sand.u32 $0x1FFFFFF0, s23;
	s23 =	spop (v2sf)  }
0x41: {  	[tilespmem:s22], [sflag:$0x1] =	stream.linear.gather [hbm4b:s6+s0], $0x80, $0x38;
	(v2sf) =	vpush v0, $0xE;
	[tilespmem:$0x16400] =	vst v63  }
0x42: {  	s6 =	sadd.s32 s3, s20;
	s20 =	sand.u32 $0x1FFFFFF0, s23;
	s22 =	spop (v2sf)  }
0x43: {  	[tilespmem:s25], [sflag:$0x1] =	stream.linear.gather [hbm4b:s6+s0], $0x80, $0x38;
	(v2sf) =	vpush v0, $0xF;
	[tilespmem:$0x16400] =	vst v63  }
0x44: {  	s6 =	sadd.s32 s3, s21;
	s21 =	sand.u32 $0x1FFFFFF0, s22;
	s22 =	spop (v2sf)  }
0x45: {  	[tilespmem:s18], [sflag:$0x1] =	stream.linear.gather [hbm4b:s6+s0], $0x80, $0x38;
	[tilespmem:$0x16400] =	vst v63  }
0x46: {  	s6 =	sadd.s32 s3, s20;
	s18 =	sand.u32 $0x1FFFFFF0, s22;
	s20 =	spop (v2sf)  }
0x47: {  	[tilespmem:s30], [sflag:$0x1] =	stream.linear.gather [hbm4b:s6+s0], $0x80, $0x38;
	[tilespmem:$0x16400] =	vst v63  }
0x48: {  	s6 =	sadd.s32 s3, s21;
	s20 =	sand.u32 $0x1FFFFFF0, s20;
	s21 =	spop (v2sf)  }
0x49: {  	[tilespmem:s14], [sflag:$0x1] =	stream.linear.gather [hbm4b:s6+s0], $0x80, $0x38;
	[tilespmem:$0x16400] =	vst v63  }
0x4a: {  	s6 =	sadd.s32 s3, s18;
	s14 =	sand.u32 $0x1FFFFFF0, s21;
	s18 =	spop (v2sf)  }
0x4b: {  	[tilespmem:s8], [sflag:$0x1] =	stream.linear.gather [hbm4b:s6+s0], $0x80, $0x38;
	[tilespmem:$0x16400] =	vst v63  }
0x4c: {  	s6 =	sadd.s32 s3, s20;
	s8 =	sand.u32 $0x1FFFFFF0, s18;
	s18 =	spop (v2sf)  }
0x4d: {  	[tilespmem:s16], [sflag:$0x1] =	stream.linear.gather [hbm4b:s6+s0], $0x80, $0x38;
	[tilespmem:$0x16400] =	vst v63  }
0x4e: {  	s6 =	sadd.s32 s3, s14;
	s14 =	sand.u32 $0x1FFFFFF0, s18;
	s16 =	spop (v2sf)  }
0x4f: {  	[tilespmem:s11], [sflag:$0x1] =	stream.linear.gather [hbm4b:s6+s0], $0x80, $0x38;
	[tilespmem:$0x16400] =	vst v63  }
0x50: {  	s6 =	sadd.s32 s3, s8;
	s8 =	sand.u32 $0x1FFFFFF0, s16;
	s11 =	spop (v2sf)  }
0x51: {  	[tilespmem:s29], [sflag:$0x1] =	stream.linear.gather [hbm4b:s6+s0], $0x80, $0x38;
	[tilespmem:$0x16400] =	vst v63  }
0x52: {  	s6 =	sadd.s32 s3, s14;
	s11 =	sand.u32 $0x1FFFFFF0, s11;
	s14 =	spop (v2sf)  }
0x53: {  	[tilespmem:s12], [sflag:$0x1] =	stream.linear.gather [hbm4b:s6+s0], $0x80, $0x38;
	[tilespmem:$0x16400] =	vst v63  }
0x54: {  	s6 =	sadd.s32 s3, s8;
	s8 =	sand.u32 $0x1FFFFFF0, s14  }
0x55: {  	[tilespmem:s28], [sflag:$0x1] =	stream.linear.gather [hbm4b:s6+s0], $0x80, $0x38;
	[tilespmem:$0x16400] =	vst v63  }
0x56: {  	s11 =	sadd.s32 s3, s11;
	s6 =	sadd.s32 $0x6B00, s26  }
0x57: {  	[tilespmem:s6], [sflag:$0x1] =	stream.linear.gather [hbm4b:s11+s0], $0x80, $0x38;
	[tilespmem:$0x16400] =	vst v63  }
0x58: {  	s8 =	sadd.s32 s3, s8;
	s6 =	sadd.s32 $0x6B80, s26  }
0x59: {  	[tilespmem:s6], [sflag:$0x1] =	stream.linear.gather [hbm4b:s8+s0], $0x80, $0x38;
	[tilespmem:$0x16400] =	vst v63  }
0x5a: {  	v0 =	vld [tilespmem:s5+$0x0];
	_ =	sdelay $0x4  }
0x5b: {  	v0 =	vshll.u32 v0, $0x4  }
0x5c: {  	(v2sf) =	vpush v0, $0x0  }
0x5d: {  	(v2sf) =	vpush v0, $0x1  }
0x5e: {  	(v2sf) =	vpush v0, $0x2;
	_ =	sdelay $0x1  }
0x5f: {  	(v2sf) =	vpush v0, $0x4  }
.Ltmp2:
0x60: {  	(pc) =	sbr.rel @p0 .LBB2_2-.Ltmp2, $3  }
0x61: {  	(v2sf) =	vpush v0, $0x3  }
0x62: {  	(v2sf) =	vpush v0, $0x5;
	_ =	sdelay $0x1  }
0x63: {  	s26 =	sshra.s32 s10, $0x2;
	(v2sf) =	vpush v0, $0x6  }
0x64: {  	_ =	sdelay $0x1  }
0x65: {  	s6 =	sadd.s32 $0x6480, s26;
	s8 =	sadd.s32 $0x6980, s26  }
0x66: {  	s10 =	sadd.s32 $0x6780, s26;
	s1 =	sadd.s32 $0x6A00, s26;
	(v2sf) =	vpush v0, $0x7;
	s11 =	sadd.s32 $0x6680, s26  }
0x67: {  	s12 =	sadd.s32 $0x6800, s26;
	s5 =	sadd.s32 $0x6A80, s26;
	s14 =	sadd.s32 $0x6400, s26  }
0x68: {  	s16 =	sadd.s32 $0x6600, s26;
	s18 =	sadd.s32 $0x6700, s26;
	(v2sf) =	vpush v0, $0x8;
	s20 =	spop (v2sf)  }
0x69: {  	s21 =	sadd.s32 $0x6500, s26;
	s20 =	sand.u32 $0x1FFFFFF0, s20;
	s22 =	spop (v2sf)  }
0x6a: {  	(v2sf) =	vpush v0, $0x9;
	s20 =	sadd.s32 s3, s20;
	s22 =	sand.u32 $0x1FFFFFF0, s22;
	s23 =	spop (v2sf)  }
0x6b: {  	[tilespmem:s14], [sflag:$0x1] =	stream.linear.gather [hbm4b:s20+s0], $0x80, $0x38;
	[tilespmem:$0x16400] =	vst v63  }
0x6c: {  	s25 =	sadd.s32 $0x6580, s26;
	(v2sf) =	vpush v0, $0xA;
	s31 =	sadd.s32 s3, s22;
	s7 =	spop (v2sf)  }
0x6d: {  	[tilespmem:s6], [sflag:$0x1] =	stream.linear.gather [hbm4b:s31+s0], $0x80, $0x38;
	[tilespmem:$0x16400] =	vst v63  }
0x6e: {  	s14 =	sadd.s32 $0x6900, s26;
	s9 =	sand.u32 $0x1FFFFFF0, s23;
	(v2sf) =	vpush v0, $0xB;
	s13 =	spop (v2sf)  }
0x6f: {  	s20 =	sadd.s32 s3, s9;
	s6 =	sadd.s32 $0x6880, s26;
	s23 =	sand.u32 $0x1FFFFFF0, s13  }
0x70: {  	(v2sf) =	vpush v0, $0xC;
	[tilespmem:s21], [sflag:$0x1] =	stream.linear.gather [hbm4b:s20+s0], $0x80, $0x38;
	[tilespmem:$0x16400] =	vst v63  }
0x71: {  	s15 =	sand.u32 $0x1FFFFFF0, s7;
	s17 =	spop (v2sf);
	s23 =	sadd.s32 s3, s23  }
0x72: {  	(v2sf) =	vpush v0, $0xD;
	[tilespmem:s25], [sflag:$0x1] =	stream.linear.gather [hbm4b:s23+s0], $0x80, $0x38;
	[tilespmem:$0x16400] =	vst v63  }
0x73: {  	s20 =	sadd.s32 s3, s15;
	s21 =	sand.u32 $0x1FFFFFF0, s17;
	s25 =	spop (v2sf)  }
0x74: {  	(v2sf) =	vpush v0, $0xE;
	[tilespmem:s16], [sflag:$0x1] =	stream.linear.gather [hbm4b:s20+s0], $0x80, $0x38;
	[tilespmem:$0x16400] =	vst v63  }
0x75: {  	s21 =	sadd.s32 s3, s21;
	s28 =	sand.u32 $0x1FFFFFF0, s25;
	s29 =	spop (v2sf)  }
0x76: {  	(v2sf) =	vpush v0, $0xF;
	[tilespmem:s11], [sflag:$0x1] =	stream.linear.gather [hbm4b:s21+s0], $0x80, $0x38;
	[tilespmem:$0x16400] =	vst v63  }
0x77: {  	s30 =	sand.u32 $0x1FFFFFF0, s29;
	s31 =	spop (v2sf);
	s16 =	sadd.s32 s3, s28  }
0x78: {  	[tilespmem:s18], [sflag:$0x1] =	stream.linear.gather [hbm4b:s16+s0], $0x80, $0x38;
	[tilespmem:$0x16400] =	vst v63  }
0x79: {  	s7 =	sand.u32 $0x1FFFFFF0, s31;
	s11 =	sadd.s32 s3, s30;
	s9 =	spop (v2sf)  }
0x7a: {  	[tilespmem:s10], [sflag:$0x1] =	stream.linear.gather [hbm4b:s11+s0], $0x80, $0x38;
	[tilespmem:$0x16400] =	vst v63  }
0x7b: {  	s16 =	sadd.s32 s3, s7;
	s13 =	sand.u32 $0x1FFFFFF0, s9;
	s15 =	spop (v2sf)  }
0x7c: {  	[tilespmem:s12], [sflag:$0x1] =	stream.linear.gather [hbm4b:s16+s0], $0x80, $0x38;
	[tilespmem:$0x16400] =	vst v63  }
0x7d: {  	s11 =	sand.u32 $0x1FFFFFF0, s15;
	s10 =	sadd.s32 s3, s13;
	s17 =	spop (v2sf)  }
0x7e: {  	[tilespmem:s6], [sflag:$0x1] =	stream.linear.gather [hbm4b:s10+s0], $0x80, $0x38;
	[tilespmem:$0x16400] =	vst v63  }
0x7f: {  	s11 =	sadd.s32 s3, s11;
	s18 =	sand.u32 $0x1FFFFFF0, s17;
	s20 =	spop (v2sf)  }
0x80: {  	[tilespmem:s14], [sflag:$0x1] =	stream.linear.gather [hbm4b:s11+s0], $0x80, $0x38;
	[tilespmem:$0x16400] =	vst v63  }
0x81: {  	s6 =	sadd.s32 s3, s18;
	s10 =	sand.u32 $0x1FFFFFF0, s20;
	s21 =	spop (v2sf)  }
0x82: {  	[tilespmem:s8], [sflag:$0x1] =	stream.linear.gather [hbm4b:s6+s0], $0x80, $0x38;
	[tilespmem:$0x16400] =	vst v63  }
0x83: {  	s22 =	sand.u32 $0x1FFFFFF0, s21;
	s10 =	sadd.s32 s3, s10;
	s23 =	spop (v2sf)  }
0x84: {  	[tilespmem:s1], [sflag:$0x1] =	stream.linear.gather [hbm4b:s10+s0], $0x80, $0x38;
	[tilespmem:$0x16400] =	vst v63  }
0x85: {  	s25 =	sand.u32 $0x1FFFFFF0, s23;
	s28 =	spop (v2sf);
	s6 =	sadd.s32 s3, s22  }
0x86: {  	[tilespmem:s5], [sflag:$0x1] =	stream.linear.gather [hbm4b:s6+s0], $0x80, $0x38;
	[tilespmem:$0x16400] =	vst v63  }
0x87: {  	s30 =	sadd.s32 $0x6B00, s26;
	s29 =	sand.u32 $0x1FFFFFF0, s28;
	s1 =	sadd.s32 s3, s25  }
0x88: {  	[tilespmem:s30], [sflag:$0x1] =	stream.linear.gather [hbm4b:s1+s0], $0x80, $0x38;
	[tilespmem:$0x16400] =	vst v63  }
0x89: {  	s31 =	sadd.s32 $0x6B80, s26;
	s26 =	simm.s32 $0x80;
	s5 =	sadd.s32 s3, s29  }
0x8a: {  	[tilespmem:s31], [sflag:$0x1] =	stream.linear.gather [hbm4b:s5+s0], $0x80, $0x38;
	[tilespmem:$0x16400] =	vst v63  }
0x8b: {  	v0 =	vld [tilespmem:s26+$0x0];
	_ =	sdelay $0x4  }
0x8c: {  	v0 =	vshll.u32 v0, $0x4  }
0x8d: {  	(v2sf) =	vpush v0, $0x0  }
0x8e: {  	(v2sf) =	vpush v0, $0x1  }
0x8f: {  	(v2sf) =	vpush v0, $0x2;
	_ =	sdelay $0x1  }
0x90: {  	(v2sf) =	vpush v0, $0x4;
	_ =	sdelay $0x1  }
0x91: {  	(v2sf) =	vpush v0, $0x3  }
0x92: {  	(v2sf) =	vpush v0, $0x5  }
0x93: {  	s1 =	simm.s32 $0x0;
	s5 =	simm.s32 $0x2000;
	(v2sf) =	vpush v0, $0x6  }
.LBB2_4:
0x94: {  	p0 =	sne.s32 s5, $0xE000  }
0x95: {  	s6 =	sadd.s32 $0xA480, s1;
	s8 =	sadd.s32 $0xA980, s1;
	s10 =	smov.u32 s5  }
0x96: {  	s5 =	sadd.s32 $0x2000, s5;
	s16 =	sadd.s32 $0xA780, s1;
	s12 =	sadd.s32 $0xAA00, s1;
	(v2sf) =	vpush v0, $0x7  }
0x97: {  	s20 =	sadd.s32 $0xA680, s1;
	s14 =	sadd.s32 $0xA800, s1;
	s28 =	sadd.s32 $0xAA80, s1  }
0x98: {  	s21 =	sadd.s32 $0xA400, s1;
	s22 =	sadd.s32 $0xA600, s1;
	(v2sf) =	vpush v0, $0x8  }
0x99: {  	s23 =	sadd.s32 $0xA700, s1;
	s26 =	sadd.s32 $0x10, s26  }
0x9a: {  	s25 =	sadd.s32 $0xA500, s1;
	s11 =	sadd.s32 $0xA900, s1;
	s18 =	spop (v2sf);
	(v2sf) =	vpush v0, $0x9  }
0x9b: {  	s29 =	sand.u32 $0x1FFFFFF0, s18;
	s18 =	sadd.s32 $0xA880, s1;
	s30 =	spop (v2sf)  }
0x9c: {  	s29 =	sadd.s32 s3, s29;
	s30 =	sand.u32 $0x1FFFFFF0, s30;
	s31 =	spop (v2sf);
	(v2sf) =	vpush v0, $0xA  }
0x9d: {  	[tilespmem:s21], [sflag:$0x2] =	stream.linear.gather [hbm4b:s29+s0], $0x80, $0x38;
	[tilespmem:$0x16400] =	vst v63  }
0x9e: {  	s21 =	sadd.s32 s3, s30;
	s29 =	sadd.s32 $0xA580, s1;
	s30 =	spop (v2sf);
	(v2sf) =	vpush v0, $0xB  }
0x9f: {  	[tilespmem:s6], [sflag:$0x2] =	stream.linear.gather [hbm4b:s21+s0], $0x80, $0x38;
	[tilespmem:$0x16400] =	vst v63  }
0xa0: {  	s6 =	sand.u32 $0x1FFFFFF0, s31;
	s21 =	sand.u32 $0x1FFFFFF0, s30;
	s30 =	spop (v2sf);
	(v2sf) =	vpush v0, $0xC  }
0xa1: {  	s6 =	sadd.s32 s3, s6;
	s30 =	sand.u32 $0x1FFFFFF0, s30;
	s31 =	spop (v2sf)  }
0xa2: {  	[tilespmem:s25], [sflag:$0x2] =	stream.linear.gather [hbm4b:s6+s0], $0x80, $0x38;
	(v2sf) =	vpush v0, $0xD;
	[tilespmem:$0x16400] =	vst v63  }
0xa3: {  	s6 =	sadd.s32 s3, s30;
	s25 =	sand.u32 $0x1FFFFFF0, s31;
	s30 =	spop (v2sf)  }
0xa4: {  	[tilespmem:s29], [sflag:$0x2] =	stream.linear.gather [hbm4b:s6+s0], $0x80, $0x38;
	(v2sf) =	vpush v0, $0xE;
	[tilespmem:$0x16400] =	vst v63  }
0xa5: {  	s6 =	sadd.s32 s3, s21;
	s21 =	sand.u32 $0x1FFFFFF0, s30;
	s29 =	spop (v2sf)  }
0xa6: {  	[tilespmem:s22], [sflag:$0x2] =	stream.linear.gather [hbm4b:s6+s0], $0x80, $0x38;
	(v2sf) =	vpush v0, $0xF;
	[tilespmem:$0x16400] =	vst v63  }
0xa7: {  	s6 =	sadd.s32 s3, s25;
	s22 =	sand.u32 $0x1FFFFFF0, s29;
	s25 =	spop (v2sf)  }
0xa8: {  	[tilespmem:s20], [sflag:$0x2] =	stream.linear.gather [hbm4b:s6+s0], $0x80, $0x38;
	[tilespmem:$0x16400] =	vst v63  }
0xa9: {  	s6 =	sadd.s32 s3, s21;
	s20 =	sand.u32 $0x1FFFFFF0, s25;
	s21 =	spop (v2sf)  }
0xaa: {  	[tilespmem:s23], [sflag:$0x2] =	stream.linear.gather [hbm4b:s6+s0], $0x80, $0x38;
	[tilespmem:$0x16400] =	vst v63  }
0xab: {  	s6 =	sadd.s32 s3, s22;
	s21 =	sand.u32 $0x1FFFFFF0, s21;
	s22 =	spop (v2sf)  }
0xac: {  	[tilespmem:s16], [sflag:$0x2] =	stream.linear.gather [hbm4b:s6+s0], $0x80, $0x38;
	[tilespmem:$0x16400] =	vst v63  }
0xad: {  	s6 =	sadd.s32 s3, s20;
	s16 =	sand.u32 $0x1FFFFFF0, s22;
	s20 =	spop (v2sf)  }
0xae: {  	[tilespmem:s14], [sflag:$0x2] =	stream.linear.gather [hbm4b:s6+s0], $0x80, $0x38;
	[tilespmem:$0x16400] =	vst v63  }
0xaf: {  	s6 =	sadd.s32 s3, s21;
	s14 =	sand.u32 $0x1FFFFFF0, s20;
	s20 =	spop (v2sf)  }
0xb0: {  	[tilespmem:s18], [sflag:$0x2] =	stream.linear.gather [hbm4b:s6+s0], $0x80, $0x38;
	[tilespmem:$0x16400] =	vst v63  }
0xb1: {  	s6 =	sadd.s32 s3, s16;
	s16 =	sand.u32 $0x1FFFFFF0, s20;
	s18 =	spop (v2sf)  }
0xb2: {  	[tilespmem:s11], [sflag:$0x2] =	stream.linear.gather [hbm4b:s6+s0], $0x80, $0x38;
	[tilespmem:$0x16400] =	vst v63  }
0xb3: {  	s6 =	sadd.s32 s3, s14;
	s11 =	sand.u32 $0x1FFFFFF0, s18;
	s14 =	spop (v2sf)  }
0xb4: {  	[tilespmem:s8], [sflag:$0x2] =	stream.linear.gather [hbm4b:s6+s0], $0x80, $0x38;
	[tilespmem:$0x16400] =	vst v63  }
0xb5: {  	s6 =	sadd.s32 s3, s16;
	s8 =	sand.u32 $0x1FFFFFF0, s14;
	s14 =	spop (v2sf)  }
0xb6: {  	[tilespmem:s12], [sflag:$0x2] =	stream.linear.gather [hbm4b:s6+s0], $0x80, $0x38;
	[tilespmem:$0x16400] =	vst v63  }
0xb7: {  	s6 =	sadd.s32 s3, s11;
	s11 =	sand.u32 $0x1FFFFFF0, s14  }
0xb8: {  	[tilespmem:s28], [sflag:$0x2] =	stream.linear.gather [hbm4b:s6+s0], $0x80, $0x38;
	[tilespmem:$0x16400] =	vst v63  }
0xb9: {  	s8 =	sadd.s32 s3, s8;
	s6 =	sadd.s32 $0xAB00, s1  }
0xba: {  	[tilespmem:s6], [sflag:$0x2] =	stream.linear.gather [hbm4b:s8+s0], $0x80, $0x38;
	[tilespmem:$0x16400] =	vst v63  }
0xbb: {  	s1 =	sadd.s32 $0xAB80, s1;
	s6 =	sadd.s32 s3, s11  }
0xbc: {  	[tilespmem:s1], [sflag:$0x2] =	stream.linear.gather [hbm4b:s6+s0], $0x80, $0x38;
	[tilespmem:$0x16400] =	vst v63  }
0xbd: {  	v0 =	vld [tilespmem:s26+$0x0];
	_ =	sdelay $0x4  }
0xbe: {  	v0 =	vshll.u32 v0, $0x4  }
0xbf: {  	(v2sf) =	vpush v0, $0x0  }
0xc0: {  	(v2sf) =	vpush v0, $0x1  }
0xc1: {  	(v2sf) =	vpush v0, $0x2;
	_ =	sdelay $0x1  }
0xc2: {  	(v2sf) =	vpush v0, $0x4  }
.Ltmp3:
0xc3: {  	(pc) =	sbr.rel @p0 .LBB2_4-.Ltmp3, $3  }
0xc4: {  	(v2sf) =	vpush v0, $0x3  }
0xc5: {  	(v2sf) =	vpush v0, $0x5;
	_ =	sdelay $0x1  }
0xc6: {  	s1 =	sshra.s32 s10, $0x2;
	(v2sf) =	vpush v0, $0x6  }
0xc7: {  	_ =	sdelay $0x1  }
0xc8: {  	s6 =	sadd.s32 $0xA480, s1;
	s10 =	sadd.s32 $0xA980, s1  }
0xc9: {  	s11 =	sadd.s32 $0xA780, s1;
	s5 =	sadd.s32 $0xAA00, s1;
	(v2sf) =	vpush v0, $0x7;
	s12 =	sadd.s32 $0xA680, s1  }
0xca: {  	s14 =	sadd.s32 $0xA800, s1;
	s8 =	sadd.s32 $0xAA80, s1;
	s16 =	sadd.s32 $0xA400, s1  }
0xcb: {  	s18 =	sadd.s32 $0xA600, s1;
	s20 =	sadd.s32 $0xA700, s1;
	(v2sf) =	vpush v0, $0x8;
	s21 =	spop (v2sf)  }
0xcc: {  	s22 =	sadd.s32 $0xA500, s1;
	s21 =	sand.u32 $0x1FFFFFF0, s21;
	s23 =	spop (v2sf)  }
0xcd: {  	(v2sf) =	vpush v0, $0x9;
	s21 =	sadd.s32 s3, s21;
	s23 =	sand.u32 $0x1FFFFFF0, s23;
	s25 =	spop (v2sf)  }
0xce: {  	[tilespmem:s16], [sflag:$0x2] =	stream.linear.gather [hbm4b:s21+s0], $0x80, $0x38;
	[tilespmem:$0x16400] =	vst v63  }
0xcf: {  	s26 =	sadd.s32 $0xA580, s1;
	(v2sf) =	vpush v0, $0xA;
	s31 =	sadd.s32 s3, s23;
	s7 =	spop (v2sf)  }
0xd0: {  	[tilespmem:s6], [sflag:$0x2] =	stream.linear.gather [hbm4b:s31+s0], $0x80, $0x38;
	[tilespmem:$0x16400] =	vst v63  }
0xd1: {  	s16 =	sadd.s32 $0xA900, s1;
	s9 =	sand.u32 $0x1FFFFFF0, s25;
	(v2sf) =	vpush v0, $0xB;
	s13 =	spop (v2sf)  }
0xd2: {  	s21 =	sadd.s32 s3, s9;
	s6 =	sadd.s32 $0xA880, s1;
	s25 =	sand.u32 $0x1FFFFFF0, s13  }
0xd3: {  	(v2sf) =	vpush v0, $0xC;
	[tilespmem:s22], [sflag:$0x2] =	stream.linear.gather [hbm4b:s21+s0], $0x80, $0x38;
	[tilespmem:$0x16400] =	vst v63  }
0xd4: {  	s15 =	sand.u32 $0x1FFFFFF0, s7;
	s17 =	spop (v2sf);
	s25 =	sadd.s32 s3, s25  }
0xd5: {  	(v2sf) =	vpush v0, $0xD;
	[tilespmem:s26], [sflag:$0x2] =	stream.linear.gather [hbm4b:s25+s0], $0x80, $0x38;
	[tilespmem:$0x16400] =	vst v63  }
0xd6: {  	s21 =	sadd.s32 s3, s15;
	s22 =	sand.u32 $0x1FFFFFF0, s17;
	s26 =	spop (v2sf)  }
0xd7: {  	(v2sf) =	vpush v0, $0xE;
	[tilespmem:s18], [sflag:$0x2] =	stream.linear.gather [hbm4b:s21+s0], $0x80, $0x38;
	[tilespmem:$0x16400] =	vst v63  }
0xd8: {  	s22 =	sadd.s32 s3, s22;
	s28 =	sand.u32 $0x1FFFFFF0, s26;
	s29 =	spop (v2sf)  }
0xd9: {  	(v2sf) =	vpush v0, $0xF;
	[tilespmem:s12], [sflag:$0x2] =	stream.linear.gather [hbm4b:s22+s0], $0x80, $0x38;
	[tilespmem:$0x16400] =	vst v63  }
0xda: {  	s30 =	sand.u32 $0x1FFFFFF0, s29;
	s31 =	spop (v2sf);
	s18 =	sadd.s32 s3, s28  }
0xdb: {  	[tilespmem:s20], [sflag:$0x2] =	stream.linear.gather [hbm4b:s18+s0], $0x80, $0x38;
	[tilespmem:$0x16400] =	vst v63  }
0xdc: {  	s7 =	sand.u32 $0x1FFFFFF0, s31;
	s12 =	sadd.s32 s3, s30;
	s9 =	spop (v2sf)  }
0xdd: {  	[tilespmem:s11], [sflag:$0x2] =	stream.linear.gather [hbm4b:s12+s0], $0x80, $0x38;
	[tilespmem:$0x16400] =	vst v63  }
0xde: {  	s18 =	sadd.s32 s3, s7;
	s13 =	sand.u32 $0x1FFFFFF0, s9;
	s15 =	spop (v2sf)  }
0xdf: {  	[tilespmem:s14], [sflag:$0x2] =	stream.linear.gather [hbm4b:s18+s0], $0x80, $0x38;
	[tilespmem:$0x16400] =	vst v63  }
0xe0: {  	s12 =	sand.u32 $0x1FFFFFF0, s15;
	s11 =	sadd.s32 s3, s13;
	s17 =	spop (v2sf)  }
0xe1: {  	[tilespmem:s6], [sflag:$0x2] =	stream.linear.gather [hbm4b:s11+s0], $0x80, $0x38;
	[tilespmem:$0x16400] =	vst v63  }
0xe2: {  	s12 =	sadd.s32 s3, s12;
	s18 =	sand.u32 $0x1FFFFFF0, s17;
	s20 =	spop (v2sf)  }
0xe3: {  	[tilespmem:s16], [sflag:$0x2] =	stream.linear.gather [hbm4b:s12+s0], $0x80, $0x38;
	[tilespmem:$0x16400] =	vst v63  }
0xe4: {  	s6 =	sadd.s32 s3, s18;
	s11 =	sand.u32 $0x1FFFFFF0, s20;
	s21 =	spop (v2sf)  }
0xe5: {  	[tilespmem:s10], [sflag:$0x2] =	stream.linear.gather [hbm4b:s6+s0], $0x80, $0x38;
	[tilespmem:$0x16400] =	vst v63  }
0xe6: {  	s22 =	sand.u32 $0x1FFFFFF0, s21;
	s11 =	sadd.s32 s3, s11;
	s23 =	spop (v2sf)  }
0xe7: {  	[tilespmem:s5], [sflag:$0x2] =	stream.linear.gather [hbm4b:s11+s0], $0x80, $0x38;
	[tilespmem:$0x16400] =	vst v63  }
0xe8: {  	s25 =	sand.u32 $0x1FFFFFF0, s23;
	s26 =	spop (v2sf);
	s6 =	sadd.s32 s3, s22  }
0xe9: {  	[tilespmem:s8], [sflag:$0x2] =	stream.linear.gather [hbm4b:s6+s0], $0x80, $0x38;
	[tilespmem:$0x16400] =	vst v63  }
0xea: {  	s29 =	sadd.s32 $0xAB00, s1;
	s28 =	sand.u32 $0x1FFFFFF0, s26;
	s5 =	sadd.s32 s3, s25  }
0xeb: {  	[tilespmem:s29], [sflag:$0x2] =	stream.linear.gather [hbm4b:s5+s0], $0x80, $0x38;
	[tilespmem:$0x16400] =	vst v63  }
0xec: {  	s30 =	sadd.s32 $0xAB80, s1;
	s1 =	simm.s32 $0x100;
	s31 =	sadd.s32 s3, s28  }
0xed: {  	[tilespmem:s30], [sflag:$0x2] =	stream.linear.gather [hbm4b:s31+s0], $0x80, $0x38;
	[tilespmem:$0x16400] =	vst v63  }
0xee: {  	v0 =	vld [tilespmem:s1+$0x0];
	_ =	sdelay $0x4  }
0xef: {  	v0 =	vshll.u32 v0, $0x4  }
0xf0: {  	(v2sf) =	vpush v0, $0x0  }
0xf1: {  	(v2sf) =	vpush v0, $0x1  }
0xf2: {  	(v2sf) =	vpush v0, $0x2;
	_ =	sdelay $0x1  }
0xf3: {  	(v2sf) =	vpush v0, $0x4;
	_ =	sdelay $0x1  }
0xf4: {  	(v2sf) =	vpush v0, $0x3  }
0xf5: {  	(v2sf) =	vpush v0, $0x5  }
0xf6: {  	s5 =	simm.s32 $0x2000;
	s0 =	simm.s32 $0x0;
	(v2sf) =	vpush v0, $0x6  }
.LBB2_6:
0xf7: {  	p0 =	sne.s32 s5, $0xE000  }
0xf8: {  	s6 =	sadd.s32 $0xE480, s0;
	s29 =	sadd.s32 $0xE980, s0;
	s10 =	smov.u32 s5  }
0xf9: {  	s5 =	sadd.s32 $0x2000, s5;
	s14 =	sadd.s32 $0xE780, s0;
	s12 =	sadd.s32 $0xEA00, s0;
	(v2sf) =	vpush v0, $0x7  }
0xfa: {  	s18 =	sadd.s32 $0xE680, s0;
	s8 =	sadd.s32 $0xE800, s0;
	s28 =	sadd.s32 $0xEA80, s0  }
0xfb: {  	s20 =	sadd.s32 $0xE400, s0;
	s21 =	sadd.s32 $0xE600, s0;
	(v2sf) =	vpush v0, $0x8  }
0xfc: {  	s26 =	simm.s32 $0x0;
	s22 =	sadd.s32 $0xE700, s0;
	s1 =	sadd.s32 $0x10, s1  }
0xfd: {  	s23 =	sadd.s32 $0xE500, s0;
	s11 =	sadd.s32 $0xE900, s0;
	s16 =	spop (v2sf);
	(v2sf) =	vpush v0, $0x9  }
0xfe: {  	s25 =	sand.u32 $0x1FFFFFF0, s16;
	s16 =	sadd.s32 $0xE880, s0;
	s30 =	spop (v2sf)  }
0xff: {  	s25 =	sadd.s32 s3, s25;
	s30 =	sand.u32 $0x1FFFFFF0, s30;
	s31 =	spop (v2sf);
	(v2sf) =	vpush v0, $0xA  }
0x100: {  	[tilespmem:s20], [sflag:$0x3] =	stream.linear.gather [hbm4b:s25+s26], $0x80, $0x38;
	[tilespmem:$0x16400] =	vst v63  }
0x101: {  	s20 =	sadd.s32 s3, s30;
	s25 =	sadd.s32 $0xE580, s0;
	s30 =	spop (v2sf);
	(v2sf) =	vpush v0, $0xB  }
0x102: {  	[tilespmem:s6], [sflag:$0x3] =	stream.linear.gather [hbm4b:s20+s26], $0x80, $0x38;
	[tilespmem:$0x16400] =	vst v63  }
0x103: {  	s6 =	sand.u32 $0x1FFFFFF0, s31;
	s20 =	sand.u32 $0x1FFFFFF0, s30;
	s30 =	spop (v2sf);
	(v2sf) =	vpush v0, $0xC  }
0x104: {  	s6 =	sadd.s32 s3, s6;
	s30 =	sand.u32 $0x1FFFFFF0, s30;
	s31 =	spop (v2sf)  }
0x105: {  	[tilespmem:s23], [sflag:$0x3] =	stream.linear.gather [hbm4b:s6+s26], $0x80, $0x38;
	(v2sf) =	vpush v0, $0xD;
	[tilespmem:$0x16400] =	vst v63  }
0x106: {  	s6 =	sadd.s32 s3, s30;
	s23 =	sand.u32 $0x1FFFFFF0, s31;
	s30 =	spop (v2sf)  }
0x107: {  	[tilespmem:s25], [sflag:$0x3] =	stream.linear.gather [hbm4b:s6+s26], $0x80, $0x38;
	(v2sf) =	vpush v0, $0xE;
	[tilespmem:$0x16400] =	vst v63  }
0x108: {  	s6 =	sadd.s32 s3, s20;
	s20 =	sand.u32 $0x1FFFFFF0, s30;
	s25 =	spop (v2sf)  }
0x109: {  	[tilespmem:s21], [sflag:$0x3] =	stream.linear.gather [hbm4b:s6+s26], $0x80, $0x38;
	(v2sf) =	vpush v0, $0xF;
	[tilespmem:$0x16400] =	vst v63  }
0x10a: {  	s6 =	sadd.s32 s3, s23;
	s21 =	sand.u32 $0x1FFFFFF0, s25;
	s23 =	spop (v2sf)  }
0x10b: {  	[tilespmem:s18], [sflag:$0x3] =	stream.linear.gather [hbm4b:s6+s26], $0x80, $0x38;
	[tilespmem:$0x16400] =	vst v63  }
0x10c: {  	s6 =	sadd.s32 s3, s20;
	s18 =	sand.u32 $0x1FFFFFF0, s23;
	s20 =	spop (v2sf)  }
0x10d: {  	[tilespmem:s22], [sflag:$0x3] =	stream.linear.gather [hbm4b:s6+s26], $0x80, $0x38;
	[tilespmem:$0x16400] =	vst v63  }
0x10e: {  	s6 =	sadd.s32 s3, s21;
	s20 =	sand.u32 $0x1FFFFFF0, s20;
	s21 =	spop (v2sf)  }
0x10f: {  	[tilespmem:s14], [sflag:$0x3] =	stream.linear.gather [hbm4b:s6+s26], $0x80, $0x38;
	[tilespmem:$0x16400] =	vst v63  }
0x110: {  	s6 =	sadd.s32 s3, s18;
	s14 =	sand.u32 $0x1FFFFFF0, s21;
	s18 =	spop (v2sf)  }
0x111: {  	[tilespmem:s8], [sflag:$0x3] =	stream.linear.gather [hbm4b:s6+s26], $0x80, $0x38;
	[tilespmem:$0x16400] =	vst v63  }
0x112: {  	s6 =	sadd.s32 s3, s20;
	s8 =	sand.u32 $0x1FFFFFF0, s18;
	s18 =	spop (v2sf)  }
0x113: {  	[tilespmem:s16], [sflag:$0x3] =	stream.linear.gather [hbm4b:s6+s26], $0x80, $0x38;
	[tilespmem:$0x16400] =	vst v63  }
0x114: {  	s6 =	sadd.s32 s3, s14;
	s14 =	sand.u32 $0x1FFFFFF0, s18;
	s16 =	spop (v2sf)  }
0x115: {  	[tilespmem:s11], [sflag:$0x3] =	stream.linear.gather [hbm4b:s6+s26], $0x80, $0x38;
	[tilespmem:$0x16400] =	vst v63  }
0x116: {  	s6 =	sadd.s32 s3, s8;
	s8 =	sand.u32 $0x1FFFFFF0, s16;
	s11 =	spop (v2sf)  }
0x117: {  	[tilespmem:s29], [sflag:$0x3] =	stream.linear.gather [hbm4b:s6+s26], $0x80, $0x38;
	[tilespmem:$0x16400] =	vst v63  }
0x118: {  	s6 =	sadd.s32 s3, s14;
	s11 =	sand.u32 $0x1FFFFFF0, s11;
	s14 =	spop (v2sf)  }
0x119: {  	[tilespmem:s12], [sflag:$0x3] =	stream.linear.gather [hbm4b:s6+s26], $0x80, $0x38;
	[tilespmem:$0x16400] =	vst v63  }
0x11a: {  	s6 =	sadd.s32 s3, s8;
	s8 =	sand.u32 $0x1FFFFFF0, s14  }
0x11b: {  	[tilespmem:s28], [sflag:$0x3] =	stream.linear.gather [hbm4b:s6+s26], $0x80, $0x38;
	[tilespmem:$0x16400] =	vst v63  }
0x11c: {  	s11 =	sadd.s32 s3, s11;
	s6 =	sadd.s32 $0xEB00, s0  }
0x11d: {  	[tilespmem:s6], [sflag:$0x3] =	stream.linear.gather [hbm4b:s11+s26], $0x80, $0x38;
	[tilespmem:$0x16400] =	vst v63  }
0x11e: {  	s0 =	sadd.s32 $0xEB80, s0;
	s6 =	sadd.s32 s3, s8  }
0x11f: {  	[tilespmem:s0], [sflag:$0x3] =	stream.linear.gather [hbm4b:s6+s26], $0x80, $0x38;
	[tilespmem:$0x16400] =	vst v63  }
0x120: {  	v0 =	vld [tilespmem:s1+$0x0];
	_ =	sdelay $0x4  }
0x121: {  	v0 =	vshll.u32 v0, $0x4  }
0x122: {  	(v2sf) =	vpush v0, $0x0  }
0x123: {  	(v2sf) =	vpush v0, $0x1  }
0x124: {  	(v2sf) =	vpush v0, $0x2;
	_ =	sdelay $0x1  }
0x125: {  	(v2sf) =	vpush v0, $0x4  }
.Ltmp4:
0x126: {  	(pc) =	sbr.rel @p0 .LBB2_6-.Ltmp4, $3  }
0x127: {  	(v2sf) =	vpush v0, $0x3  }
0x128: {  	(v2sf) =	vpush v0, $0x5;
	_ =	sdelay $0x1  }
0x129: {  	s0 =	sshra.s32 s10, $0x2;
	(v2sf) =	vpush v0, $0x6  }
0x12a: {  	_ =	sdelay $0x1  }
0x12b: {  	s6 =	sadd.s32 $0xE480, s0;
	s8 =	sadd.s32 $0xE980, s0  }
0x12c: {  	s10 =	sadd.s32 $0xE780, s0;
	s1 =	sadd.s32 $0xEA00, s0;
	(v2sf) =	vpush v0, $0x7;
	s11 =	sadd.s32 $0xE680, s0  }
0x12d: {  	s12 =	sadd.s32 $0xE800, s0;
	s5 =	sadd.s32 $0xEA80, s0;
	s14 =	sadd.s32 $0xE400, s0  }
0x12e: {  	s16 =	sadd.s32 $0xE600, s0;
	s18 =	sadd.s32 $0xE700, s0;
	(v2sf) =	vpush v0, $0x8;
	s20 =	spop (v2sf)  }
0x12f: {  	s21 =	sadd.s32 $0xE500, s0;
	s20 =	sand.u32 $0x1FFFFFF0, s20;
	s22 =	spop (v2sf)  }
0x130: {  	(v2sf) =	vpush v0, $0x9;
	s20 =	sadd.s32 s3, s20;
	s22 =	sand.u32 $0x1FFFFFF0, s22;
	s23 =	spop (v2sf)  }
0x131: {  	[tilespmem:s14], [sflag:$0x3] =	stream.linear.gather [hbm4b:s20+s26], $0x80, $0x38;
	[tilespmem:$0x16400] =	vst v63  }
0x132: {  	s25 =	sadd.s32 $0xE580, s0;
	(v2sf) =	vpush v0, $0xA;
	s31 =	sadd.s32 s3, s22;
	s7 =	spop (v2sf)  }
0x133: {  	[tilespmem:s6], [sflag:$0x3] =	stream.linear.gather [hbm4b:s31+s26], $0x80, $0x38;
	[tilespmem:$0x16400] =	vst v63  }
0x134: {  	s14 =	sadd.s32 $0xE900, s0;
	s9 =	sand.u32 $0x1FFFFFF0, s23;
	(v2sf) =	vpush v0, $0xB;
	s13 =	spop (v2sf)  }
0x135: {  	s20 =	sadd.s32 s3, s9;
	s6 =	sadd.s32 $0xE880, s0;
	s23 =	sand.u32 $0x1FFFFFF0, s13  }
0x136: {  	(v2sf) =	vpush v0, $0xC;
	[tilespmem:s21], [sflag:$0x3] =	stream.linear.gather [hbm4b:s20+s26], $0x80, $0x38;
	[tilespmem:$0x16400] =	vst v63  }
0x137: {  	s15 =	sand.u32 $0x1FFFFFF0, s7;
	s17 =	spop (v2sf);
	s23 =	sadd.s32 s3, s23  }
0x138: {  	(v2sf) =	vpush v0, $0xD;
	[tilespmem:s25], [sflag:$0x3] =	stream.linear.gather [hbm4b:s23+s26], $0x80, $0x38;
	[tilespmem:$0x16400] =	vst v63  }
0x139: {  	s20 =	sadd.s32 s3, s15;
	s21 =	sand.u32 $0x1FFFFFF0, s17;
	s25 =	spop (v2sf)  }
0x13a: {  	(v2sf) =	vpush v0, $0xE;
	[tilespmem:s16], [sflag:$0x3] =	stream.linear.gather [hbm4b:s20+s26], $0x80, $0x38;
	[tilespmem:$0x16400] =	vst v63  }
0x13b: {  	s21 =	sadd.s32 s3, s21;
	s28 =	sand.u32 $0x1FFFFFF0, s25;
	s29 =	spop (v2sf)  }
0x13c: {  	(v2sf) =	vpush v0, $0xF;
	[tilespmem:s11], [sflag:$0x3] =	stream.linear.gather [hbm4b:s21+s26], $0x80, $0x38;
	[tilespmem:$0x16400] =	vst v63  }
0x13d: {  	s30 =	sand.u32 $0x1FFFFFF0, s29;
	s31 =	spop (v2sf);
	s16 =	sadd.s32 s3, s28  }
0x13e: {  	[tilespmem:s18], [sflag:$0x3] =	stream.linear.gather [hbm4b:s16+s26], $0x80, $0x38;
	[tilespmem:$0x16400] =	vst v63  }
0x13f: {  	s7 =	sand.u32 $0x1FFFFFF0, s31;
	s11 =	sadd.s32 s3, s30;
	s9 =	spop (v2sf)  }
0x140: {  	[tilespmem:s10], [sflag:$0x3] =	stream.linear.gather [hbm4b:s11+s26], $0x80, $0x38;
	[tilespmem:$0x16400] =	vst v63  }
0x141: {  	s16 =	sadd.s32 s3, s7;
	s13 =	sand.u32 $0x1FFFFFF0, s9;
	s15 =	spop (v2sf)  }
0x142: {  	[tilespmem:s12], [sflag:$0x3] =	stream.linear.gather [hbm4b:s16+s26], $0x80, $0x38;
	[tilespmem:$0x16400] =	vst v63  }
0x143: {  	s11 =	sand.u32 $0x1FFFFFF0, s15;
	s10 =	sadd.s32 s3, s13;
	s16 =	spop (v2sf)  }
0x144: {  	[tilespmem:s6], [sflag:$0x3] =	stream.linear.gather [hbm4b:s10+s26], $0x80, $0x38;
	[tilespmem:$0x16400] =	vst v63  }
0x145: {  	s11 =	sadd.s32 s3, s11;
	s17 =	sand.u32 $0x1FFFFFF0, s16;
	s18 =	spop (v2sf)  }
0x146: {  	[tilespmem:s14], [sflag:$0x3] =	stream.linear.gather [hbm4b:s11+s26], $0x80, $0x38;
	[tilespmem:$0x16400] =	vst v63  }
0x147: {  	s6 =	sadd.s32 s3, s17;
	s10 =	sand.u32 $0x1FFFFFF0, s18;
	s20 =	spop (v2sf)  }
0x148: {  	[tilespmem:s8], [sflag:$0x3] =	stream.linear.gather [hbm4b:s6+s26], $0x80, $0x38;
	[tilespmem:$0x16400] =	vst v63  }
0x149: {  	s21 =	sand.u32 $0x1FFFFFF0, s20;
	s10 =	sadd.s32 s3, s10;
	s22 =	spop (v2sf)  }
0x14a: {  	[tilespmem:s1], [sflag:$0x3] =	stream.linear.gather [hbm4b:s10+s26], $0x80, $0x38;
	[tilespmem:$0x16400] =	vst v63  }
0x14b: {  	s23 =	sand.u32 $0x1FFFFFF0, s22;
	s25 =	spop (v2sf);
	s6 =	sadd.s32 s3, s21  }
0x14c: {  	[tilespmem:s5], [sflag:$0x3] =	stream.linear.gather [hbm4b:s6+s26], $0x80, $0x38;
	[tilespmem:$0x16400] =	vst v63  }
0x14d: {  	s29 =	sadd.s32 $0xEB00, s0;
	s28 =	sand.u32 $0x1FFFFFF0, s25;
	s1 =	sadd.s32 s3, s23  }
0x14e: {  	[tilespmem:s29], [sflag:$0x3] =	stream.linear.gather [hbm4b:s1+s26], $0x80, $0x38;
	[tilespmem:$0x16400] =	vst v63  }
0x14f: {  	s30 =	sadd.s32 $0xEB80, s0;
	s31 =	sadd.s32 s3, s28;
	s1 =	simm.s32 $0x180  }
0x150: {  	[tilespmem:s30], [sflag:$0x3] =	stream.linear.gather [hbm4b:s31+s26], $0x80, $0x38;
	[tilespmem:$0x16400] =	vst v63  }
0x151: {  	v0 =	vld [tilespmem:s1+$0x0];
	_ =	sdelay $0x4  }
0x152: {  	v0 =	vshll.u32 v0, $0x4  }
0x153: {  	(v2sf) =	vpush v0, $0x0  }
0x154: {  	(v2sf) =	vpush v0, $0x1  }
0x155: {  	(v2sf) =	vpush v0, $0x2;
	_ =	sdelay $0x1  }
0x156: {  	(v2sf) =	vpush v0, $0x4;
	_ =	sdelay $0x1  }
0x157: {  	(v2sf) =	vpush v0, $0x3  }
0x158: {  	(v2sf) =	vpush v0, $0x5  }
0x159: {  	s0 =	simm.s32 $0x0;
	s5 =	simm.s32 $0x2000;
	(v2sf) =	vpush v0, $0x6  }
.LBB2_8:
0x15a: {  	p0 =	sne.s32 s5, $0xE000  }
0x15b: {  	s6 =	sadd.s32 $0x12480, s0;
	s8 =	sadd.s32 $0x12980, s0;
	s10 =	smov.u32 s5  }
0x15c: {  	s5 =	sadd.s32 $0x2000, s5;
	s16 =	sadd.s32 $0x12780, s0;
	s12 =	sadd.s32 $0x12A00, s0;
	(v2sf) =	vpush v0, $0x7  }
0x15d: {  	s20 =	sadd.s32 $0x12680, s0;
	s14 =	sadd.s32 $0x12800, s0;
	s28 =	sadd.s32 $0x12A80, s0  }
0x15e: {  	s21 =	sadd.s32 $0x12400, s0;
	s22 =	sadd.s32 $0x12600, s0;
	(v2sf) =	vpush v0, $0x8  }
0x15f: {  	s23 =	sadd.s32 $0x12700, s0;
	s1 =	sadd.s32 $0x10, s1  }
0x160: {  	s25 =	sadd.s32 $0x12500, s0;
	s11 =	sadd.s32 $0x12900, s0;
	s18 =	spop (v2sf);
	(v2sf) =	vpush v0, $0x9  }
0x161: {  	s29 =	sand.u32 $0x1FFFFFF0, s18;
	s18 =	sadd.s32 $0x12880, s0;
	s30 =	spop (v2sf)  }
0x162: {  	s29 =	sadd.s32 s3, s29;
	s30 =	sand.u32 $0x1FFFFFF0, s30;
	s31 =	spop (v2sf);
	(v2sf) =	vpush v0, $0xA  }
0x163: {  	[tilespmem:s21], [sflag:$0x4] =	stream.linear.gather [hbm4b:s29+s26], $0x80, $0x38;
	[tilespmem:$0x16400] =	vst v63  }
0x164: {  	s21 =	sadd.s32 s3, s30;
	s29 =	sadd.s32 $0x12580, s0;
	s30 =	spop (v2sf);
	(v2sf) =	vpush v0, $0xB  }
0x165: {  	[tilespmem:s6], [sflag:$0x4] =	stream.linear.gather [hbm4b:s21+s26], $0x80, $0x38;
	[tilespmem:$0x16400] =	vst v63  }
0x166: {  	s6 =	sand.u32 $0x1FFFFFF0, s31;
	s21 =	sand.u32 $0x1FFFFFF0, s30;
	s30 =	spop (v2sf);
	(v2sf) =	vpush v0, $0xC  }
0x167: {  	s6 =	sadd.s32 s3, s6;
	s30 =	sand.u32 $0x1FFFFFF0, s30;
	s31 =	spop (v2sf)  }
0x168: {  	[tilespmem:s25], [sflag:$0x4] =	stream.linear.gather [hbm4b:s6+s26], $0x80, $0x38;
	(v2sf) =	vpush v0, $0xD;
	[tilespmem:$0x16400] =	vst v63  }
0x169: {  	s6 =	sadd.s32 s3, s30;
	s25 =	sand.u32 $0x1FFFFFF0, s31;
	s30 =	spop (v2sf)  }
0x16a: {  	[tilespmem:s29], [sflag:$0x4] =	stream.linear.gather [hbm4b:s6+s26], $0x80, $0x38;
	(v2sf) =	vpush v0, $0xE;
	[tilespmem:$0x16400] =	vst v63  }
0x16b: {  	s6 =	sadd.s32 s3, s21;
	s21 =	sand.u32 $0x1FFFFFF0, s30;
	s29 =	spop (v2sf)  }
0x16c: {  	[tilespmem:s22], [sflag:$0x4] =	stream.linear.gather [hbm4b:s6+s26], $0x80, $0x38;
	(v2sf) =	vpush v0, $0xF;
	[tilespmem:$0x16400] =	vst v63  }
0x16d: {  	s6 =	sadd.s32 s3, s25;
	s22 =	sand.u32 $0x1FFFFFF0, s29;
	s25 =	spop (v2sf)  }
0x16e: {  	[tilespmem:s20], [sflag:$0x4] =	stream.linear.gather [hbm4b:s6+s26], $0x80, $0x38;
	[tilespmem:$0x16400] =	vst v63  }
0x16f: {  	s6 =	sadd.s32 s3, s21;
	s20 =	sand.u32 $0x1FFFFFF0, s25;
	s21 =	spop (v2sf)  }
0x170: {  	[tilespmem:s23], [sflag:$0x4] =	stream.linear.gather [hbm4b:s6+s26], $0x80, $0x38;
	[tilespmem:$0x16400] =	vst v63  }
0x171: {  	s6 =	sadd.s32 s3, s22;
	s21 =	sand.u32 $0x1FFFFFF0, s21;
	s22 =	spop (v2sf)  }
0x172: {  	[tilespmem:s16], [sflag:$0x4] =	stream.linear.gather [hbm4b:s6+s26], $0x80, $0x38;
	[tilespmem:$0x16400] =	vst v63  }
0x173: {  	s6 =	sadd.s32 s3, s20;
	s16 =	sand.u32 $0x1FFFFFF0, s22;
	s20 =	spop (v2sf)  }
0x174: {  	[tilespmem:s14], [sflag:$0x4] =	stream.linear.gather [hbm4b:s6+s26], $0x80, $0x38;
	[tilespmem:$0x16400] =	vst v63  }
0x175: {  	s6 =	sadd.s32 s3, s21;
	s14 =	sand.u32 $0x1FFFFFF0, s20;
	s20 =	spop (v2sf)  }
0x176: {  	[tilespmem:s18], [sflag:$0x4] =	stream.linear.gather [hbm4b:s6+s26], $0x80, $0x38;
	[tilespmem:$0x16400] =	vst v63  }
0x177: {  	s6 =	sadd.s32 s3, s16;
	s16 =	sand.u32 $0x1FFFFFF0, s20;
	s18 =	spop (v2sf)  }
0x178: {  	[tilespmem:s11], [sflag:$0x4] =	stream.linear.gather [hbm4b:s6+s26], $0x80, $0x38;
	[tilespmem:$0x16400] =	vst v63  }
0x179: {  	s6 =	sadd.s32 s3, s14;
	s11 =	sand.u32 $0x1FFFFFF0, s18;
	s14 =	spop (v2sf)  }
0x17a: {  	[tilespmem:s8], [sflag:$0x4] =	stream.linear.gather [hbm4b:s6+s26], $0x80, $0x38;
	[tilespmem:$0x16400] =	vst v63  }
0x17b: {  	s6 =	sadd.s32 s3, s16;
	s8 =	sand.u32 $0x1FFFFFF0, s14;
	s14 =	spop (v2sf)  }
0x17c: {  	[tilespmem:s12], [sflag:$0x4] =	stream.linear.gather [hbm4b:s6+s26], $0x80, $0x38;
	[tilespmem:$0x16400] =	vst v63  }
0x17d: {  	s6 =	sadd.s32 s3, s11;
	s11 =	sand.u32 $0x1FFFFFF0, s14  }
0x17e: {  	[tilespmem:s28], [sflag:$0x4] =	stream.linear.gather [hbm4b:s6+s26], $0x80, $0x38;
	[tilespmem:$0x16400] =	vst v63  }
0x17f: {  	s8 =	sadd.s32 s3, s8;
	s6 =	sadd.s32 $0x12B00, s0  }
0x180: {  	[tilespmem:s6], [sflag:$0x4] =	stream.linear.gather [hbm4b:s8+s26], $0x80, $0x38;
	[tilespmem:$0x16400] =	vst v63  }
0x181: {  	s0 =	sadd.s32 $0x12B80, s0;
	s6 =	sadd.s32 s3, s11  }
0x182: {  	[tilespmem:s0], [sflag:$0x4] =	stream.linear.gather [hbm4b:s6+s26], $0x80, $0x38;
	[tilespmem:$0x16400] =	vst v63  }
0x183: {  	v0 =	vld [tilespmem:s1+$0x0];
	_ =	sdelay $0x4  }
0x184: {  	v0 =	vshll.u32 v0, $0x4  }
0x185: {  	(v2sf) =	vpush v0, $0x0  }
0x186: {  	(v2sf) =	vpush v0, $0x1  }
0x187: {  	(v2sf) =	vpush v0, $0x2;
	_ =	sdelay $0x1  }
0x188: {  	(v2sf) =	vpush v0, $0x4  }
.Ltmp5:
0x189: {  	(pc) =	sbr.rel @p0 .LBB2_8-.Ltmp5, $3  }
0x18a: {  	(v2sf) =	vpush v0, $0x3  }
0x18b: {  	(v2sf) =	vpush v0, $0x5;
	_ =	sdelay $0x1  }
0x18c: {  	s0 =	sshra.s32 s10, $0x2;
	(v2sf) =	vpush v0, $0x6  }
0x18d: {  	_ = 	snop  }
0x18e: {  	s6 =	sadd.s32 $0x12480, s0;
	s8 =	sadd.s32 $0x12980, s0  }
0x18f: {  	s10 =	sadd.s32 $0x12780, s0;
	s1 =	sadd.s32 $0x12A00, s0;
	s11 =	sadd.s32 $0x12680, s0  }
0x190: {  	(v2sf) =	vpush v0, $0x7;
	s12 =	sadd.s32 $0x12800, s0;
	s5 =	sadd.s32 $0x12A80, s0;
	s14 =	sadd.s32 $0x12400, s0  }
0x191: {  	s16 =	sadd.s32 $0x12600, s0;
	s18 =	sadd.s32 $0x12700, s0;
	s21 =	sadd.s32 $0x12500, s0  }
0x192: {  	s25 =	sadd.s32 $0x12580, s0;
	s28 =	simm.s32 $0x200;
	(v2sf) =	vpush v0, $0x8;
	s20 =	spop (v2sf)  }
0x193: {  	s30 =	simm.s32 $0x300;
	s20 =	sand.u32 $0x1FFFFFF0, s20;
	s22 =	spop (v2sf)  }
0x194: {  	(v2sf) =	vpush v0, $0x9;
	s20 =	sadd.s32 s3, s20;
	s22 =	sand.u32 $0x1FFFFFF0, s22;
	s23 =	spop (v2sf)  }
0x195: {  	[tilespmem:s14], [sflag:$0x4] =	stream.linear.gather [hbm4b:s20+s26], $0x80, $0x38;
	[tilespmem:$0x16400] =	vst v63  }
0x196: {  	s31 =	simm.s32 $0x380;
	(v2sf) =	vpush v0, $0xA;
	s9 =	sadd.s32 s3, s22;
	s13 =	spop (v2sf)  }
0x197: {  	[tilespmem:s6], [sflag:$0x4] =	stream.linear.gather [hbm4b:s9+s26], $0x80, $0x38;
	[tilespmem:$0x16400] =	vst v63  }
0x198: {  	s14 =	sadd.s32 $0x12900, s0;
	s15 =	sand.u32 $0x1FFFFFF0, s23;
	(v2sf) =	vpush v0, $0xB;
	s17 =	spop (v2sf)  }
0x199: {  	s20 =	sadd.s32 s3, s15;
	s6 =	sadd.s32 $0x12880, s0;
	s23 =	sand.u32 $0x1FFFFFF0, s17  }
0x19a: {  	(v2sf) =	vpush v0, $0xC;
	[tilespmem:s21], [sflag:$0x4] =	stream.linear.gather [hbm4b:s20+s26], $0x80, $0x38;
	[tilespmem:$0x16400] =	vst v63  }
0x19b: {  	s29 =	sand.u32 $0x1FFFFFF0, s13;
	s7 =	spop (v2sf);
	s9 =	sadd.s32 s3, s23  }
0x19c: {  	(v2sf) =	vpush v0, $0xD;
	[tilespmem:s25], [sflag:$0x4] =	stream.linear.gather [hbm4b:s9+s26], $0x80, $0x38;
	[tilespmem:$0x16400] =	vst v63  }
0x19d: {  	s20 =	sadd.s32 s3, s29;
	s21 =	sand.u32 $0x1FFFFFF0, s7;
	s13 =	spop (v2sf)  }
0x19e: {  	(v2sf) =	vpush v0, $0xE;
	[tilespmem:s16], [sflag:$0x4] =	stream.linear.gather [hbm4b:s20+s26], $0x80, $0x38;
	[tilespmem:$0x16400] =	vst v63  }
0x19f: {  	s21 =	sadd.s32 s3, s21;
	s15 =	sand.u32 $0x1FFFFFF0, s13;
	s17 =	spop (v2sf)  }
0x1a0: {  	(v2sf) =	vpush v0, $0xF;
	[tilespmem:s11], [sflag:$0x4] =	stream.linear.gather [hbm4b:s21+s26], $0x80, $0x38;
	[tilespmem:$0x16400] =	vst v63  }
0x1a1: {  	s22 =	spop (v2sf);
	s16 =	sadd.s32 s3, s15;
	s21 =	sand.u32 $0x1FFFFFF0, s17  }
0x1a2: {  	[tilespmem:s18], [sflag:$0x4] =	stream.linear.gather [hbm4b:s16+s26], $0x80, $0x38;
	[tilespmem:$0x16400] =	vst v63  }
0x1a3: {  	s23 =	sand.u32 $0x1FFFFFF0, s22;
	s11 =	sadd.s32 s3, s21;
	s25 =	spop (v2sf)  }
0x1a4: {  	[tilespmem:s10], [sflag:$0x4] =	stream.linear.gather [hbm4b:s11+s26], $0x80, $0x38;
	[tilespmem:$0x16400] =	vst v63  }
0x1a5: {  	s16 =	sadd.s32 s3, s23;
	s29 =	sand.u32 $0x1FFFFFF0, s25;
	s7 =	spop (v2sf)  }
0x1a6: {  	[tilespmem:s12], [sflag:$0x4] =	stream.linear.gather [hbm4b:s16+s26], $0x80, $0x38;
	[tilespmem:$0x16400] =	vst v63  }
0x1a7: {  	s11 =	sand.u32 $0x1FFFFFF0, s7;
	s10 =	sadd.s32 s3, s29;
	s9 =	spop (v2sf)  }
0x1a8: {  	[tilespmem:s6], [sflag:$0x4] =	stream.linear.gather [hbm4b:s10+s26], $0x80, $0x38;
	[tilespmem:$0x16400] =	vst v63  }
0x1a9: {  	s11 =	sadd.s32 s3, s11;
	s13 =	sand.u32 $0x1FFFFFF0, s9;
	s15 =	spop (v2sf)  }
0x1aa: {  	[tilespmem:s14], [sflag:$0x4] =	stream.linear.gather [hbm4b:s11+s26], $0x80, $0x38;
	[tilespmem:$0x16400] =	vst v63  }
0x1ab: {  	s6 =	sadd.s32 s3, s13;
	s10 =	sand.u32 $0x1FFFFFF0, s15;
	s16 =	spop (v2sf)  }
0x1ac: {  	[tilespmem:s8], [sflag:$0x4] =	stream.linear.gather [hbm4b:s6+s26], $0x80, $0x38;
	[tilespmem:$0x16400] =	vst v63  }
0x1ad: {  	s17 =	sand.u32 $0x1FFFFFF0, s16;
	s10 =	sadd.s32 s3, s10;
	s18 =	spop (v2sf)  }
0x1ae: {  	[tilespmem:s1], [sflag:$0x4] =	stream.linear.gather [hbm4b:s10+s26], $0x80, $0x38;
	[tilespmem:$0x16400] =	vst v63  }
0x1af: {  	s20 =	sand.u32 $0x1FFFFFF0, s18;
	s21 =	spop (v2sf);
	s6 =	sadd.s32 s3, s17  }
0x1b0: {  	[tilespmem:s5], [sflag:$0x4] =	stream.linear.gather [hbm4b:s6+s26], $0x80, $0x38;
	[tilespmem:$0x16400] =	vst v63  }
0x1b1: {  	s23 =	sadd.s32 $0x12B00, s0;
	s22 =	sand.u32 $0x1FFFFFF0, s21;
	s1 =	sadd.s32 s3, s20  }
0x1b2: {  	[tilespmem:s23], [sflag:$0x4] =	stream.linear.gather [hbm4b:s1+s26], $0x80, $0x38;
	[tilespmem:$0x16400] =	vst v63  }
0x1b3: {  	s25 =	sadd.s32 $0x12B80, s0;
	s29 =	sadd.s32 s3, s22;
	s10 =	simm.s32 $0x280  }
0x1b4: {  	[tilespmem:s25], [sflag:$0x4] =	stream.linear.gather [hbm4b:s29+s26], $0x80, $0x38;
	[tilespmem:$0x16400] =	vst v63  }
.LBB2_10:
0x1b5: {  	s5 =	simm.s32 $0x1  }
0x1b6: {  	p0 =	seq.s32 s26, $0x31;
	_ =	swait.ge [sflag:s5], $0x4000  }
.Ltmp6:
0x1b7: {  	s0 =	sshll.u32 s26, $0x10;
	s1 =	rddreg [dreg:$0x4];
	(pc) =	sbr.rel @p0 .LBB2_14-.Ltmp6, $4  }
0x1b8: {  	s0 =	sadd.s32 s1, s0  }
0x1b9: {  	[sflag:s5] =	ssyncset.done $0x0;
	s0 =	sshrl.u32 s0, $0x3  }
0x1ba: {  	s29 =	simm.s32 $0x6400;
	[sflag:s5] =	ssyncadd.s32 $0xFFFFC000;
	s0 =	sadd.s32 s4, s0  }
0x1bb: {  	[hbm4b:s0+s2] =	stream.linear.scatter [tilespmem:s29], [sflag:$0x5], $0x4000, $0x38;
	[tilespmem:$0x16400] =	vst v63  }
0x1bc: {  	s0 =	simm.s32 $0x5  }
0x1bd: {  	_ =	swait.ge [sflag:s0], $0x4000  }
0x1be: {  	[sflag:s0] =	ssyncset.done $0x0  }
0x1bf: {  	[sflag:s0] =	ssyncadd.s32 $0xFFFFC000  }
0x1c0: {  	v0 =	vld [tilespmem:s28+$0x0];
	_ =	sdelay $0x4  }
0x1c1: {  	v0 =	vshll.u32 v0, $0x4  }
0x1c2: {  	(v2sf) =	vpush v0, $0x0  }
0x1c3: {  	(v2sf) =	vpush v0, $0x1  }
0x1c4: {  	(v2sf) =	vpush v0, $0x2;
	_ =	sdelay $0x1  }
0x1c5: {  	(v2sf) =	vpush v0, $0x4;
	_ =	sdelay $0x1  }
0x1c6: {  	(v2sf) =	vpush v0, $0x3  }
0x1c7: {  	(v2sf) =	vpush v0, $0x5  }
0x1c8: {  	s1 =	simm.s32 $0x2000;
	s5 =	smov.u32 s28;
	s0 =	simm.s32 $0x0;
	(v2sf) =	vpush v0, $0x6  }
.LBB2_12:
0x1c9: {  	p1 =	sne.s32 s1, $0xE000  }
0x1ca: {  	s6 =	sadd.s32 $0x6480, s0;
	s8 =	sadd.s32 $0x6980, s0;
	s29 =	smov.u32 s1  }
0x1cb: {  	s1 =	sadd.s32 $0x2000, s1;
	s16 =	sadd.s32 $0x6780, s0;
	s12 =	sadd.s32 $0x6A00, s0;
	(v2sf) =	vpush v0, $0x7  }
0x1cc: {  	s20 =	sadd.s32 $0x6680, s0;
	s14 =	sadd.s32 $0x6800, s0;
	s25 =	sadd.s32 $0x6A80, s0  }
0x1cd: {  	s21 =	sadd.s32 $0x6400, s0;
	s22 =	sadd.s32 $0x6600, s0;
	(v2sf) =	vpush v0, $0x8  }
0x1ce: {  	s23 =	sadd.s32 $0x6700, s0;
	s5 =	sadd.s32 $0x10, s5  }
0x1cf: {  	s7 =	sadd.s32 $0x6500, s0;
	s11 =	sadd.s32 $0x6900, s0;
	s18 =	spop (v2sf);
	(v2sf) =	vpush v0, $0x9  }
0x1d0: {  	s9 =	sand.u32 $0x1FFFFFF0, s18;
	s18 =	sadd.s32 $0x6880, s0;
	s13 =	spop (v2sf)  }
0x1d1: {  	s9 =	sadd.s32 s3, s9;
	s13 =	sand.u32 $0x1FFFFFF0, s13;
	s15 =	spop (v2sf);
	(v2sf) =	vpush v0, $0xA  }
0x1d2: {  	[tilespmem:s21], [sflag:$0x1] =	stream.linear.gather [hbm4b:s9+s2], $0x80, $0x38;
	[tilespmem:$0x16400] =	vst v63  }
0x1d3: {  	s9 =	sadd.s32 s3, s13;
	s13 =	sadd.s32 $0x6580, s0;
	s21 =	spop (v2sf);
	(v2sf) =	vpush v0, $0xB  }
0x1d4: {  	[tilespmem:s6], [sflag:$0x1] =	stream.linear.gather [hbm4b:s9+s2], $0x80, $0x38;
	[tilespmem:$0x16400] =	vst v63  }
0x1d5: {  	s6 =	sand.u32 $0x1FFFFFF0, s15;
	s9 =	sand.u32 $0x1FFFFFF0, s21;
	s15 =	spop (v2sf);
	(v2sf) =	vpush v0, $0xC  }
0x1d6: {  	s6 =	sadd.s32 s3, s6;
	s15 =	sand.u32 $0x1FFFFFF0, s15;
	s21 =	spop (v2sf)  }
0x1d7: {  	[tilespmem:s7], [sflag:$0x1] =	stream.linear.gather [hbm4b:s6+s2], $0x80, $0x38;
	(v2sf) =	vpush v0, $0xD;
	[tilespmem:$0x16400] =	vst v63  }
0x1d8: {  	s6 =	sadd.s32 s3, s15;
	s7 =	sand.u32 $0x1FFFFFF0, s21;
	s15 =	spop (v2sf)  }
0x1d9: {  	[tilespmem:s13], [sflag:$0x1] =	stream.linear.gather [hbm4b:s6+s2], $0x80, $0x38;
	(v2sf) =	vpush v0, $0xE;
	[tilespmem:$0x16400] =	vst v63  }
0x1da: {  	s6 =	sadd.s32 s3, s9;
	s9 =	sand.u32 $0x1FFFFFF0, s15;
	s13 =	spop (v2sf)  }
0x1db: {  	[tilespmem:s22], [sflag:$0x1] =	stream.linear.gather [hbm4b:s6+s2], $0x80, $0x38;
	(v2sf) =	vpush v0, $0xF;
	[tilespmem:$0x16400] =	vst v63  }
0x1dc: {  	s6 =	sadd.s32 s3, s7;
	s7 =	sand.u32 $0x1FFFFFF0, s13;
	s13 =	spop (v2sf)  }
0x1dd: {  	[tilespmem:s20], [sflag:$0x1] =	stream.linear.gather [hbm4b:s6+s2], $0x80, $0x38;
	[tilespmem:$0x16400] =	vst v63  }
0x1de: {  	s6 =	sadd.s32 s3, s9;
	s9 =	sand.u32 $0x1FFFFFF0, s13;
	s13 =	spop (v2sf)  }
0x1df: {  	[tilespmem:s23], [sflag:$0x1] =	stream.linear.gather [hbm4b:s6+s2], $0x80, $0x38;
	[tilespmem:$0x16400] =	vst v63  }
0x1e0: {  	s6 =	sadd.s32 s3, s7;
	s7 =	sand.u32 $0x1FFFFFF0, s13;
	s13 =	spop (v2sf)  }
0x1e1: {  	[tilespmem:s16], [sflag:$0x1] =	stream.linear.gather [hbm4b:s6+s2], $0x80, $0x38;
	[tilespmem:$0x16400] =	vst v63  }
0x1e2: {  	s6 =	sadd.s32 s3, s9;
	s9 =	sand.u32 $0x1FFFFFF0, s13;
	s13 =	spop (v2sf)  }
0x1e3: {  	[tilespmem:s14], [sflag:$0x1] =	stream.linear.gather [hbm4b:s6+s2], $0x80, $0x38;
	[tilespmem:$0x16400] =	vst v63  }
0x1e4: {  	s6 =	sadd.s32 s3, s7;
	s7 =	sand.u32 $0x1FFFFFF0, s13;
	s13 =	spop (v2sf)  }
0x1e5: {  	[tilespmem:s18], [sflag:$0x1] =	stream.linear.gather [hbm4b:s6+s2], $0x80, $0x38;
	[tilespmem:$0x16400] =	vst v63  }
0x1e6: {  	s6 =	sadd.s32 s3, s9;
	s9 =	sand.u32 $0x1FFFFFF0, s13;
	s13 =	spop (v2sf)  }
0x1e7: {  	[tilespmem:s11], [sflag:$0x1] =	stream.linear.gather [hbm4b:s6+s2], $0x80, $0x38;
	[tilespmem:$0x16400] =	vst v63  }
0x1e8: {  	s6 =	sadd.s32 s3, s7;
	s7 =	sand.u32 $0x1FFFFFF0, s13;
	s11 =	spop (v2sf)  }
0x1e9: {  	[tilespmem:s8], [sflag:$0x1] =	stream.linear.gather [hbm4b:s6+s2], $0x80, $0x38;
	[tilespmem:$0x16400] =	vst v63  }
0x1ea: {  	s6 =	sadd.s32 s3, s9;
	s8 =	sand.u32 $0x1FFFFFF0, s11;
	s9 =	spop (v2sf)  }
0x1eb: {  	[tilespmem:s12], [sflag:$0x1] =	stream.linear.gather [hbm4b:s6+s2], $0x80, $0x38;
	[tilespmem:$0x16400] =	vst v63  }
0x1ec: {  	s6 =	sadd.s32 s3, s7;
	s7 =	sand.u32 $0x1FFFFFF0, s9  }
0x1ed: {  	[tilespmem:s25], [sflag:$0x1] =	stream.linear.gather [hbm4b:s6+s2], $0x80, $0x38;
	[tilespmem:$0x16400] =	vst v63  }
0x1ee: {  	s8 =	sadd.s32 s3, s8;
	s6 =	sadd.s32 $0x6B00, s0  }
0x1ef: {  	[tilespmem:s6], [sflag:$0x1] =	stream.linear.gather [hbm4b:s8+s2], $0x80, $0x38;
	[tilespmem:$0x16400] =	vst v63  }
0x1f0: {  	s0 =	sadd.s32 $0x6B80, s0;
	s6 =	sadd.s32 s3, s7  }
0x1f1: {  	[tilespmem:s0], [sflag:$0x1] =	stream.linear.gather [hbm4b:s6+s2], $0x80, $0x38;
	[tilespmem:$0x16400] =	vst v63  }
0x1f2: {  	v0 =	vld [tilespmem:s5+$0x0];
	_ =	sdelay $0x4  }
0x1f3: {  	v0 =	vshll.u32 v0, $0x4  }
0x1f4: {  	(v2sf) =	vpush v0, $0x0  }
0x1f5: {  	(v2sf) =	vpush v0, $0x1  }
0x1f6: {  	(v2sf) =	vpush v0, $0x2;
	_ =	sdelay $0x1  }
0x1f7: {  	(v2sf) =	vpush v0, $0x4  }
.Ltmp7:
0x1f8: {  	(pc) =	sbr.rel @p1 .LBB2_12-.Ltmp7, $3  }
0x1f9: {  	(v2sf) =	vpush v0, $0x3  }
0x1fa: {  	(v2sf) =	vpush v0, $0x5;
	_ =	sdelay $0x1  }
0x1fb: {  	s0 =	sshra.s32 s29, $0x2;
	(v2sf) =	vpush v0, $0x6  }
0x1fc: {  	_ =	sdelay $0x1  }
0x1fd: {  	s6 =	sadd.s32 $0x6480, s0;
	s8 =	sadd.s32 $0x6980, s0  }
0x1fe: {  	s7 =	sadd.s32 $0x6780, s0;
	s1 =	sadd.s32 $0x6A00, s0;
	(v2sf) =	vpush v0, $0x7;
	s9 =	sadd.s32 $0x6680, s0  }
0x1ff: {  	s11 =	sadd.s32 $0x6800, s0;
	s5 =	sadd.s32 $0x6A80, s0;
	s12 =	sadd.s32 $0x6400, s0  }
0x200: {  	s13 =	sadd.s32 $0x6600, s0;
	s14 =	sadd.s32 $0x6700, s0;
	(v2sf) =	vpush v0, $0x8;
	s15 =	spop (v2sf)  }
0x201: {  	s16 =	sadd.s32 $0x6500, s0;
	s15 =	sand.u32 $0x1FFFFFF0, s15;
	s18 =	spop (v2sf)  }
0x202: {  	(v2sf) =	vpush v0, $0x9;
	s15 =	sadd.s32 s3, s15;
	s18 =	sand.u32 $0x1FFFFFF0, s18;
	s20 =	spop (v2sf)  }
0x203: {  	[tilespmem:s12], [sflag:$0x1] =	stream.linear.gather [hbm4b:s15+s2], $0x80, $0x38;
	[tilespmem:$0x16400] =	vst v63  }
0x204: {  	s21 =	sadd.s32 $0x6580, s0;
	(v2sf) =	vpush v0, $0xA;
	s23 =	sadd.s32 s3, s18;
	s25 =	spop (v2sf)  }
0x205: {  	[tilespmem:s6], [sflag:$0x1] =	stream.linear.gather [hbm4b:s23+s2], $0x80, $0x38;
	[tilespmem:$0x16400] =	vst v63  }
0x206: {  	s12 =	sadd.s32 $0x6900, s0;
	s29 =	sand.u32 $0x1FFFFFF0, s20;
	(v2sf) =	vpush v0, $0xB;
	s17 =	spop (v2sf)  }
0x207: {  	s15 =	sadd.s32 s3, s29;
	s6 =	sadd.s32 $0x6880, s0;
	s20 =	sand.u32 $0x1FFFFFF0, s17  }
0x208: {  	(v2sf) =	vpush v0, $0xC;
	[tilespmem:s16], [sflag:$0x1] =	stream.linear.gather [hbm4b:s15+s2], $0x80, $0x38;
	[tilespmem:$0x16400] =	vst v63  }
0x209: {  	s22 =	sand.u32 $0x1FFFFFF0, s25;
	s23 =	spop (v2sf);
	s25 =	sadd.s32 s3, s20  }
0x20a: {  	(v2sf) =	vpush v0, $0xD;
	[tilespmem:s21], [sflag:$0x1] =	stream.linear.gather [hbm4b:s25+s2], $0x80, $0x38;
	[tilespmem:$0x16400] =	vst v63  }
0x20b: {  	s15 =	sadd.s32 s3, s22;
	s16 =	sand.u32 $0x1FFFFFF0, s23;
	s29 =	spop (v2sf)  }
0x20c: {  	(v2sf) =	vpush v0, $0xE;
	[tilespmem:s13], [sflag:$0x1] =	stream.linear.gather [hbm4b:s15+s2], $0x80, $0x38;
	[tilespmem:$0x16400] =	vst v63  }
0x20d: {  	s16 =	sadd.s32 s3, s16;
	s17 =	sand.u32 $0x1FFFFFF0, s29;
	s18 =	spop (v2sf)  }
0x20e: {  	(v2sf) =	vpush v0, $0xF;
	[tilespmem:s9], [sflag:$0x1] =	stream.linear.gather [hbm4b:s16+s2], $0x80, $0x38;
	[tilespmem:$0x16400] =	vst v63  }
0x20f: {  	s20 =	sand.u32 $0x1FFFFFF0, s18;
	s21 =	spop (v2sf);
	s13 =	sadd.s32 s3, s17  }
0x210: {  	[tilespmem:s14], [sflag:$0x1] =	stream.linear.gather [hbm4b:s13+s2], $0x80, $0x38;
	[tilespmem:$0x16400] =	vst v63  }
0x211: {  	s22 =	sand.u32 $0x1FFFFFF0, s21;
	s9 =	sadd.s32 s3, s20;
	s23 =	spop (v2sf)  }
0x212: {  	[tilespmem:s7], [sflag:$0x1] =	stream.linear.gather [hbm4b:s9+s2], $0x80, $0x38;
	[tilespmem:$0x16400] =	vst v63  }
0x213: {  	s13 =	sadd.s32 s3, s22;
	s25 =	sand.u32 $0x1FFFFFF0, s23;
	s29 =	spop (v2sf)  }
0x214: {  	[tilespmem:s11], [sflag:$0x1] =	stream.linear.gather [hbm4b:s13+s2], $0x80, $0x38;
	[tilespmem:$0x16400] =	vst v63  }
0x215: {  	s9 =	sand.u32 $0x1FFFFFF0, s29;
	s7 =	sadd.s32 s3, s25;
	s13 =	spop (v2sf)  }
0x216: {  	[tilespmem:s6], [sflag:$0x1] =	stream.linear.gather [hbm4b:s7+s2], $0x80, $0x38;
	[tilespmem:$0x16400] =	vst v63  }
0x217: {  	s9 =	sadd.s32 s3, s9;
	s14 =	sand.u32 $0x1FFFFFF0, s13;
	s15 =	spop (v2sf)  }
0x218: {  	[tilespmem:s12], [sflag:$0x1] =	stream.linear.gather [hbm4b:s9+s2], $0x80, $0x38;
	[tilespmem:$0x16400] =	vst v63  }
0x219: {  	s6 =	sadd.s32 s3, s14;
	s7 =	sand.u32 $0x1FFFFFF0, s15;
	s16 =	spop (v2sf)  }
0x21a: {  	[tilespmem:s8], [sflag:$0x1] =	stream.linear.gather [hbm4b:s6+s2], $0x80, $0x38;
	[tilespmem:$0x16400] =	vst v63  }
0x21b: {  	s17 =	sand.u32 $0x1FFFFFF0, s16;
	s7 =	sadd.s32 s3, s7;
	s18 =	spop (v2sf)  }
0x21c: {  	[tilespmem:s1], [sflag:$0x1] =	stream.linear.gather [hbm4b:s7+s2], $0x80, $0x38;
	[tilespmem:$0x16400] =	vst v63  }
0x21d: {  	s20 =	sand.u32 $0x1FFFFFF0, s18;
	s21 =	spop (v2sf);
	s6 =	sadd.s32 s3, s17  }
0x21e: {  	[tilespmem:s5], [sflag:$0x1] =	stream.linear.gather [hbm4b:s6+s2], $0x80, $0x38;
	[tilespmem:$0x16400] =	vst v63  }
0x21f: {  	s23 =	sadd.s32 $0x6B00, s0;
	s22 =	sand.u32 $0x1FFFFFF0, s21;
	s1 =	sadd.s32 s3, s20  }
0x220: {  	[tilespmem:s23], [sflag:$0x1] =	stream.linear.gather [hbm4b:s1+s2], $0x80, $0x38;
	[tilespmem:$0x16400] =	vst v63  }
0x221: {  	s25 =	sadd.s32 $0x6B80, s0;
	s29 =	sadd.s32 s3, s22  }
0x222: {  	[tilespmem:s25], [sflag:$0x1] =	stream.linear.gather [hbm4b:s29+s2], $0x80, $0x38;
	[tilespmem:$0x16400] =	vst v63  }
.LBB2_14:
0x223: {  	s5 =	simm.s32 $0x2  }
0x224: {  	_ =	swait.ge [sflag:s5], $0x4000  }
.Ltmp8:
0x225: {  	s0 =	sshll.u32 s26, $0x9;
	s1 =	rddreg [dreg:$0x5];
	(pc) =	sbr.rel @!p0 .LBB2_15-.Ltmp8, $4  }
0x226: {  	s1 =	sadd.s32 s0, s1  }
0x227: {  	[sflag:s5] =	ssyncset.done $0x0;
	s1 =	sshll.u32 s1, $0x4  }
0x228: {  	s29 =	simm.s32 $0xA400;
	[sflag:s5] =	ssyncadd.s32 $0xFFFFC000;
	s1 =	sadd.s32 s4, s1  }
0x229: {  	[hbm4b:s1+s2] =	stream.linear.scatter [tilespmem:s29], [sflag:$0x6], $0x4000, $0x38;
	[tilespmem:$0x16400] =	vst v63  }
.Ltmp9:
0x22a: {  	s1 =	simm.s32 $0x3;
	(pc) =	sbr.rel .LBB2_21-.Ltmp9, $4  }
0x22b: {  	_ =	swait.ge [sflag:s1], $0x4000  }
0x22c: {  	[sflag:s1] =	ssyncset.done $0x0  }
0x22d: {  	s5 =	simm.s32 $0xE400;
	s29 =	rddreg [dreg:$0x9];
	[sflag:s1] =	ssyncadd.s32 $0xFFFFC000  }
0x22e: {  	[hbm4b:s29+s2] =	stream.linear.scatter [tilespmem:s5], [sflag:$0x7], $0x4000, $0x38;
	[tilespmem:$0x16400] =	vst v63  }
.LBB2_15:
0x22f: {  	s1 =	simm.s32 $0x6  }
0x230: {  	_ =	swait.ge [sflag:s1], $0x4000  }
0x231: {  	[sflag:s1] =	ssyncset.done $0x0  }
0x232: {  	[sflag:s1] =	ssyncadd.s32 $0xFFFFC000  }
0x233: {  	v0 =	vld [tilespmem:s10+$0x0];
	_ =	sdelay $0x4  }
0x234: {  	v0 =	vshll.u32 v0, $0x4  }
0x235: {  	(v2sf) =	vpush v0, $0x0  }
0x236: {  	(v2sf) =	vpush v0, $0x1  }
0x237: {  	(v2sf) =	vpush v0, $0x2;
	_ =	sdelay $0x1  }
0x238: {  	(v2sf) =	vpush v0, $0x4;
	_ =	sdelay $0x1  }
0x239: {  	(v2sf) =	vpush v0, $0x3  }
0x23a: {  	(v2sf) =	vpush v0, $0x5  }
0x23b: {  	s5 =	simm.s32 $0x2000;
	s29 =	smov.u32 s10;
	s1 =	simm.s32 $0x0;
	(v2sf) =	vpush v0, $0x6  }
.LBB2_16:
0x23c: {  	p1 =	sne.s32 s5, $0xE000  }
0x23d: {  	s6 =	sadd.s32 $0xA480, s1;
	s11 =	sadd.s32 $0xA980, s1;
	s12 =	smov.u32 s5  }
0x23e: {  	s5 =	sadd.s32 $0x2000, s5;
	s18 =	sadd.s32 $0xA780, s1;
	s25 =	sadd.s32 $0xAA00, s1;
	(v2sf) =	vpush v0, $0x7  }
0x23f: {  	s21 =	sadd.s32 $0xA680, s1;
	s16 =	sadd.s32 $0xA800, s1;
	s8 =	sadd.s32 $0xAA80, s1  }
0x240: {  	s7 =	sadd.s32 $0xA400, s1;
	s9 =	sadd.s32 $0xA600, s1;
	(v2sf) =	vpush v0, $0x8  }
0x241: {  	s13 =	sadd.s32 $0xA700, s1;
	s29 =	sadd.s32 $0x10, s29  }
0x242: {  	s15 =	sadd.s32 $0xA500, s1;
	s14 =	sadd.s32 $0xA900, s1;
	s20 =	spop (v2sf);
	(v2sf) =	vpush v0, $0x9  }
0x243: {  	s22 =	sand.u32 $0x1FFFFFF0, s20;
	s20 =	sadd.s32 $0xA880, s1;
	s23 =	spop (v2sf)  }
0x244: {  	s22 =	sadd.s32 s3, s22;
	s23 =	sand.u32 $0x1FFFFFF0, s23;
	s17 =	spop (v2sf);
	(v2sf) =	vpush v0, $0xA  }
0x245: {  	[tilespmem:s7], [sflag:$0x2] =	stream.linear.gather [hbm4b:s22+s2], $0x80, $0x38;
	[tilespmem:$0x16400] =	vst v63  }
0x246: {  	s7 =	sadd.s32 s3, s23;
	s22 =	sadd.s32 $0xA580, s1;
	s23 =	spop (v2sf);
	(v2sf) =	vpush v0, $0xB  }
0x247: {  	[tilespmem:s6], [sflag:$0x2] =	stream.linear.gather [hbm4b:s7+s2], $0x80, $0x38;
	[tilespmem:$0x16400] =	vst v63  }
0x248: {  	s6 =	sand.u32 $0x1FFFFFF0, s17;
	s7 =	sand.u32 $0x1FFFFFF0, s23;
	s17 =	spop (v2sf);
	(v2sf) =	vpush v0, $0xC  }
0x249: {  	s6 =	sadd.s32 s3, s6;
	s17 =	sand.u32 $0x1FFFFFF0, s17;
	s23 =	spop (v2sf)  }
0x24a: {  	[tilespmem:s15], [sflag:$0x2] =	stream.linear.gather [hbm4b:s6+s2], $0x80, $0x38;
	(v2sf) =	vpush v0, $0xD;
	[tilespmem:$0x16400] =	vst v63  }
0x24b: {  	s6 =	sadd.s32 s3, s17;
	s15 =	sand.u32 $0x1FFFFFF0, s23;
	s17 =	spop (v2sf)  }
0x24c: {  	[tilespmem:s22], [sflag:$0x2] =	stream.linear.gather [hbm4b:s6+s2], $0x80, $0x38;
	(v2sf) =	vpush v0, $0xE;
	[tilespmem:$0x16400] =	vst v63  }
0x24d: {  	s6 =	sadd.s32 s3, s7;
	s7 =	sand.u32 $0x1FFFFFF0, s17;
	s17 =	spop (v2sf)  }
0x24e: {  	[tilespmem:s9], [sflag:$0x2] =	stream.linear.gather [hbm4b:s6+s2], $0x80, $0x38;
	(v2sf) =	vpush v0, $0xF;
	[tilespmem:$0x16400] =	vst v63  }
0x24f: {  	s6 =	sadd.s32 s3, s15;
	s9 =	sand.u32 $0x1FFFFFF0, s17;
	s15 =	spop (v2sf)  }
0x250: {  	[tilespmem:s21], [sflag:$0x2] =	stream.linear.gather [hbm4b:s6+s2], $0x80, $0x38;
	[tilespmem:$0x16400] =	vst v63  }
0x251: {  	s6 =	sadd.s32 s3, s7;
	s7 =	sand.u32 $0x1FFFFFF0, s15;
	s15 =	spop (v2sf)  }
0x252: {  	[tilespmem:s13], [sflag:$0x2] =	stream.linear.gather [hbm4b:s6+s2], $0x80, $0x38;
	[tilespmem:$0x16400] =	vst v63  }
0x253: {  	s6 =	sadd.s32 s3, s9;
	s9 =	sand.u32 $0x1FFFFFF0, s15;
	s13 =	spop (v2sf)  }
0x254: {  	[tilespmem:s18], [sflag:$0x2] =	stream.linear.gather [hbm4b:s6+s2], $0x80, $0x38;
	[tilespmem:$0x16400] =	vst v63  }
0x255: {  	s6 =	sadd.s32 s3, s7;
	s7 =	sand.u32 $0x1FFFFFF0, s13;
	s13 =	spop (v2sf)  }
0x256: {  	[tilespmem:s16], [sflag:$0x2] =	stream.linear.gather [hbm4b:s6+s2], $0x80, $0x38;
	[tilespmem:$0x16400] =	vst v63  }
0x257: {  	s6 =	sadd.s32 s3, s9;
	s9 =	sand.u32 $0x1FFFFFF0, s13;
	s13 =	spop (v2sf)  }
0x258: {  	[tilespmem:s20], [sflag:$0x2] =	stream.linear.gather [hbm4b:s6+s2], $0x80, $0x38;
	[tilespmem:$0x16400] =	vst v63  }
0x259: {  	s6 =	sadd.s32 s3, s7;
	s7 =	sand.u32 $0x1FFFFFF0, s13;
	s13 =	spop (v2sf)  }
0x25a: {  	[tilespmem:s14], [sflag:$0x2] =	stream.linear.gather [hbm4b:s6+s2], $0x80, $0x38;
	[tilespmem:$0x16400] =	vst v63  }
0x25b: {  	s6 =	sadd.s32 s3, s9;
	s9 =	sand.u32 $0x1FFFFFF0, s13;
	s13 =	spop (v2sf)  }
0x25c: {  	[tilespmem:s11], [sflag:$0x2] =	stream.linear.gather [hbm4b:s6+s2], $0x80, $0x38;
	[tilespmem:$0x16400] =	vst v63  }
0x25d: {  	s6 =	sadd.s32 s3, s7;
	s7 =	sand.u32 $0x1FFFFFF0, s13;
	s11 =	spop (v2sf)  }
0x25e: {  	[tilespmem:s25], [sflag:$0x2] =	stream.linear.gather [hbm4b:s6+s2], $0x80, $0x38;
	[tilespmem:$0x16400] =	vst v63  }
0x25f: {  	s6 =	sadd.s32 s3, s9;
	s9 =	sand.u32 $0x1FFFFFF0, s11  }
0x260: {  	[tilespmem:s8], [sflag:$0x2] =	stream.linear.gather [hbm4b:s6+s2], $0x80, $0x38;
	[tilespmem:$0x16400] =	vst v63  }
0x261: {  	s7 =	sadd.s32 s3, s7;
	s6 =	sadd.s32 $0xAB00, s1  }
0x262: {  	[tilespmem:s6], [sflag:$0x2] =	stream.linear.gather [hbm4b:s7+s2], $0x80, $0x38;
	[tilespmem:$0x16400] =	vst v63  }
0x263: {  	s1 =	sadd.s32 $0xAB80, s1;
	s6 =	sadd.s32 s3, s9  }
0x264: {  	[tilespmem:s1], [sflag:$0x2] =	stream.linear.gather [hbm4b:s6+s2], $0x80, $0x38;
	[tilespmem:$0x16400] =	vst v63  }
0x265: {  	v0 =	vld [tilespmem:s29+$0x0];
	_ =	sdelay $0x4  }
0x266: {  	v0 =	vshll.u32 v0, $0x4  }
0x267: {  	(v2sf) =	vpush v0, $0x0  }
0x268: {  	(v2sf) =	vpush v0, $0x1  }
0x269: {  	(v2sf) =	vpush v0, $0x2;
	_ =	sdelay $0x1  }
0x26a: {  	(v2sf) =	vpush v0, $0x4  }
.Ltmp10:
0x26b: {  	(pc) =	sbr.rel @p1 .LBB2_16-.Ltmp10, $3  }
0x26c: {  	(v2sf) =	vpush v0, $0x3  }
0x26d: {  	(v2sf) =	vpush v0, $0x5;
	_ =	sdelay $0x1  }
0x26e: {  	s1 =	sshra.s32 s12, $0x2;
	(v2sf) =	vpush v0, $0x6  }
0x26f: {  	_ =	sdelay $0x1  }
0x270: {  	s6 =	sadd.s32 $0xA480, s1;
	s11 =	sadd.s32 $0xA980, s1  }
0x271: {  	s7 =	sadd.s32 $0xA780, s1;
	s5 =	sadd.s32 $0xAA00, s1;
	(v2sf) =	vpush v0, $0x7;
	s9 =	sadd.s32 $0xA680, s1  }
0x272: {  	s12 =	sadd.s32 $0xA800, s1;
	s8 =	sadd.s32 $0xAA80, s1;
	s13 =	sadd.s32 $0xA400, s1  }
0x273: {  	s14 =	sadd.s32 $0xA600, s1;
	s15 =	sadd.s32 $0xA700, s1;
	(v2sf) =	vpush v0, $0x8;
	s16 =	spop (v2sf)  }
0x274: {  	s17 =	sadd.s32 $0xA500, s1;
	s16 =	sand.u32 $0x1FFFFFF0, s16;
	s18 =	spop (v2sf)  }
0x275: {  	(v2sf) =	vpush v0, $0x9;
	s16 =	sadd.s32 s3, s16;
	s18 =	sand.u32 $0x1FFFFFF0, s18;
	s20 =	spop (v2sf)  }
0x276: {  	[tilespmem:s13], [sflag:$0x2] =	stream.linear.gather [hbm4b:s16+s2], $0x80, $0x38;
	[tilespmem:$0x16400] =	vst v63  }
0x277: {  	(v2sf) =	vpush v0, $0xA;
	s21 =	sadd.s32 s3, s18;
	s23 =	sand.u32 $0x1FFFFFF0, s20;
	s22 =	spop (v2sf)  }
0x278: {  	[tilespmem:s6], [sflag:$0x2] =	stream.linear.gather [hbm4b:s21+s2], $0x80, $0x38;
	[tilespmem:$0x16400] =	vst v63  }
0x279: {  	s13 =	sadd.s32 $0xA900, s1;
	(v2sf) =	vpush v0, $0xB;
	s16 =	sadd.s32 s3, s23;
	s25 =	spop (v2sf)  }
0x27a: {  	s6 =	sadd.s32 $0xA880, s1;
	s21 =	sadd.s32 $0xA580, s1;
	s20 =	sand.u32 $0x1FFFFFF0, s25  }
0x27b: {  	(v2sf) =	vpush v0, $0xC;
	[tilespmem:s17], [sflag:$0x2] =	stream.linear.gather [hbm4b:s16+s2], $0x80, $0x38;
	[tilespmem:$0x16400] =	vst v63  }
0x27c: {  	s22 =	sand.u32 $0x1FFFFFF0, s22;
	s23 =	spop (v2sf);
	s25 =	sadd.s32 s3, s20  }
0x27d: {  	(v2sf) =	vpush v0, $0xD;
	[tilespmem:s21], [sflag:$0x2] =	stream.linear.gather [hbm4b:s25+s2], $0x80, $0x38;
	[tilespmem:$0x16400] =	vst v63  }
0x27e: {  	s16 =	sadd.s32 s3, s22;
	s17 =	sand.u32 $0x1FFFFFF0, s23;
	s20 =	spop (v2sf)  }
0x27f: {  	(v2sf) =	vpush v0, $0xE;
	[tilespmem:s14], [sflag:$0x2] =	stream.linear.gather [hbm4b:s16+s2], $0x80, $0x38;
	[tilespmem:$0x16400] =	vst v63  }
0x280: {  	s17 =	sadd.s32 s3, s17;
	s21 =	sand.u32 $0x1FFFFFF0, s20;
	s22 =	spop (v2sf)  }
0x281: {  	(v2sf) =	vpush v0, $0xF;
	[tilespmem:s9], [sflag:$0x2] =	stream.linear.gather [hbm4b:s17+s2], $0x80, $0x38;
	[tilespmem:$0x16400] =	vst v63  }
0x282: {  	s23 =	sand.u32 $0x1FFFFFF0, s22;
	s25 =	spop (v2sf);
	s14 =	sadd.s32 s3, s21  }
0x283: {  	[tilespmem:s15], [sflag:$0x2] =	stream.linear.gather [hbm4b:s14+s2], $0x80, $0x38;
	[tilespmem:$0x16400] =	vst v63  }
0x284: {  	s16 =	sand.u32 $0x1FFFFFF0, s25;
	s9 =	sadd.s32 s3, s23;
	s17 =	spop (v2sf)  }
0x285: {  	[tilespmem:s7], [sflag:$0x2] =	stream.linear.gather [hbm4b:s9+s2], $0x80, $0x38;
	[tilespmem:$0x16400] =	vst v63  }
0x286: {  	s14 =	sadd.s32 s3, s16;
	s18 =	sand.u32 $0x1FFFFFF0, s17;
	s20 =	spop (v2sf)  }
0x287: {  	[tilespmem:s12], [sflag:$0x2] =	stream.linear.gather [hbm4b:s14+s2], $0x80, $0x38;
	[tilespmem:$0x16400] =	vst v63  }
0x288: {  	s9 =	sand.u32 $0x1FFFFFF0, s20;
	s7 =	sadd.s32 s3, s18;
	s21 =	spop (v2sf)  }
0x289: {  	[tilespmem:s6], [sflag:$0x2] =	stream.linear.gather [hbm4b:s7+s2], $0x80, $0x38;
	[tilespmem:$0x16400] =	vst v63  }
0x28a: {  	s9 =	sadd.s32 s3, s9;
	s22 =	sand.u32 $0x1FFFFFF0, s21;
	s23 =	spop (v2sf)  }
0x28b: {  	[tilespmem:s13], [sflag:$0x2] =	stream.linear.gather [hbm4b:s9+s2], $0x80, $0x38;
	[tilespmem:$0x16400] =	vst v63  }
0x28c: {  	s6 =	sadd.s32 s3, s22;
	s7 =	sand.u32 $0x1FFFFFF0, s23;
	s25 =	spop (v2sf)  }
0x28d: {  	[tilespmem:s11], [sflag:$0x2] =	stream.linear.gather [hbm4b:s6+s2], $0x80, $0x38;
	[tilespmem:$0x16400] =	vst v63  }
0x28e: {  	s7 =	sadd.s32 s3, s7;
	s12 =	spop (v2sf);
	s11 =	sand.u32 $0x1FFFFFF0, s25  }
0x28f: {  	[tilespmem:s5], [sflag:$0x2] =	stream.linear.gather [hbm4b:s7+s2], $0x80, $0x38;
	[tilespmem:$0x16400] =	vst v63  }
0x290: {  	s13 =	sand.u32 $0x1FFFFFF0, s12;
	s14 =	spop (v2sf);
	s6 =	sadd.s32 s3, s11  }
0x291: {  	[tilespmem:s8], [sflag:$0x2] =	stream.linear.gather [hbm4b:s6+s2], $0x80, $0x38;
	[tilespmem:$0x16400] =	vst v63  }
0x292: {  	s16 =	sadd.s32 $0xAB00, s1;
	s15 =	sand.u32 $0x1FFFFFF0, s14;
	s5 =	sadd.s32 s3, s13  }
0x293: {  	[tilespmem:s16], [sflag:$0x2] =	stream.linear.gather [hbm4b:s5+s2], $0x80, $0x38;
	[tilespmem:$0x16400] =	vst v63  }
0x294: {  	s17 =	sadd.s32 $0xAB80, s1;
	s20 =	simm.s32 $0x3;
	s18 =	sadd.s32 s3, s15  }
0x295: {  	[tilespmem:s17], [sflag:$0x2] =	stream.linear.gather [hbm4b:s18+s2], $0x80, $0x38;
	[tilespmem:$0x16400] =	vst v63  }
0x296: {  	_ =	swait.ge [sflag:s20], $0x4000  }
0x297: {  	s21 =	rddreg [dreg:$0x6]  }
0x298: {  	s22 =	simm.s32 $0x0;
	s1 =	sadd.s32 s0, s21  }
0x299: {  	s23 =	simm.s32 $0xE400;
	[sflag:s20] =	ssyncset.done $0x0;
	s1 =	sshll.u32 s1, $0x4  }
0x29a: {  	s25 =	simm.s32 $0x7;
	[sflag:s20] =	ssyncadd.s32 $0xFFFFC000;
	s1 =	sadd.s32 s4, s1  }
0x29b: {  	[hbm4b:s1+s22] =	stream.linear.scatter [tilespmem:s23], [sflag:$0x7], $0x4000, $0x38;
	[tilespmem:$0x16400] =	vst v63  }
0x29c: {  	_ =	swait.ge [sflag:s25], $0x4000  }
0x29d: {  	[sflag:s25] =	ssyncset.done $0x0  }
0x29e: {  	[sflag:s25] =	ssyncadd.s32 $0xFFFFC000  }
0x29f: {  	v0 =	vld [tilespmem:s30+$0x0];
	_ =	sdelay $0x4  }
0x2a0: {  	v0 =	vshll.u32 v0, $0x4  }
0x2a1: {  	(v2sf) =	vpush v0, $0x0  }
0x2a2: {  	(v2sf) =	vpush v0, $0x1  }
0x2a3: {  	(v2sf) =	vpush v0, $0x2;
	_ =	sdelay $0x1  }
0x2a4: {  	(v2sf) =	vpush v0, $0x4;
	_ =	sdelay $0x1  }
0x2a5: {  	(v2sf) =	vpush v0, $0x3  }
0x2a6: {  	(v2sf) =	vpush v0, $0x5  }
0x2a7: {  	s29 =	smov.u32 s30;
	s5 =	simm.s32 $0x2000;
	s1 =	simm.s32 $0x0;
	(v2sf) =	vpush v0, $0x6  }
.LBB2_18:
0x2a8: {  	p1 =	seq.s32 s5, $0xE000  }
0x2a9: {  	s6 =	sadd.s32 $0xE480, s1;
	s11 =	sadd.s32 $0xE980, s1;
	s12 =	smov.u32 s5  }
0x2aa: {  	s5 =	sadd.s32 $0x2000, s5;
	s18 =	sadd.s32 $0xE780, s1;
	s8 =	sadd.s32 $0xEA00, s1;
	(v2sf) =	vpush v0, $0x7  }
0x2ab: {  	s21 =	sadd.s32 $0xE680, s1;
	s16 =	sadd.s32 $0xE800, s1;
	s25 =	sadd.s32 $0xEA80, s1  }
0x2ac: {  	s7 =	sadd.s32 $0xE400, s1;
	s9 =	sadd.s32 $0xE600, s1;
	(v2sf) =	vpush v0, $0x8  }
0x2ad: {  	s13 =	sadd.s32 $0xE700, s1;
	s29 =	sadd.s32 $0x10, s29  }
0x2ae: {  	s15 =	sadd.s32 $0xE500, s1;
	s14 =	sadd.s32 $0xE900, s1;
	s17 =	spop (v2sf);
	(v2sf) =	vpush v0, $0x9  }
0x2af: {  	s20 =	sadd.s32 $0xE880, s1;
	s17 =	sand.u32 $0x1FFFFFF0, s17;
	s22 =	spop (v2sf)  }
0x2b0: {  	s17 =	sadd.s32 s3, s17;
	s22 =	sand.u32 $0x1FFFFFF0, s22;
	s23 =	spop (v2sf);
	(v2sf) =	vpush v0, $0xA  }
0x2b1: {  	[tilespmem:s7], [sflag:$0x3] =	stream.linear.gather [hbm4b:s17+s2], $0x80, $0x38;
	[tilespmem:$0x16400] =	vst v63  }
0x2b2: {  	s7 =	sadd.s32 s3, s22;
	s17 =	sadd.s32 $0xE580, s1;
	s22 =	spop (v2sf);
	(v2sf) =	vpush v0, $0xB  }
0x2b3: {  	[tilespmem:s6], [sflag:$0x3] =	stream.linear.gather [hbm4b:s7+s2], $0x80, $0x38;
	[tilespmem:$0x16400] =	vst v63  }
0x2b4: {  	s6 =	sand.u32 $0x1FFFFFF0, s23;
	s7 =	sand.u32 $0x1FFFFFF0, s22;
	s22 =	spop (v2sf);
	(v2sf) =	vpush v0, $0xC  }
0x2b5: {  	s6 =	sadd.s32 s3, s6;
	s22 =	sand.u32 $0x1FFFFFF0, s22;
	s23 =	spop (v2sf)  }
0x2b6: {  	[tilespmem:s15], [sflag:$0x3] =	stream.linear.gather [hbm4b:s6+s2], $0x80, $0x38;
	(v2sf) =	vpush v0, $0xD;
	[tilespmem:$0x16400] =	vst v63  }
0x2b7: {  	s6 =	sadd.s32 s3, s22;
	s15 =	sand.u32 $0x1FFFFFF0, s23;
	s22 =	spop (v2sf)  }
0x2b8: {  	[tilespmem:s17], [sflag:$0x3] =	stream.linear.gather [hbm4b:s6+s2], $0x80, $0x38;
	(v2sf) =	vpush v0, $0xE;
	[tilespmem:$0x16400] =	vst v63  }
0x2b9: {  	s6 =	sadd.s32 s3, s7;
	s7 =	sand.u32 $0x1FFFFFF0, s22;
	s17 =	spop (v2sf)  }
0x2ba: {  	[tilespmem:s9], [sflag:$0x3] =	stream.linear.gather [hbm4b:s6+s2], $0x80, $0x38;
	(v2sf) =	vpush v0, $0xF;
	[tilespmem:$0x16400] =	vst v63  }
0x2bb: {  	s6 =	sadd.s32 s3, s15;
	s9 =	sand.u32 $0x1FFFFFF0, s17;
	s15 =	spop (v2sf)  }
0x2bc: {  	[tilespmem:s21], [sflag:$0x3] =	stream.linear.gather [hbm4b:s6+s2], $0x80, $0x38;
	[tilespmem:$0x16400] =	vst v63  }
0x2bd: {  	s6 =	sadd.s32 s3, s7;
	s7 =	sand.u32 $0x1FFFFFF0, s15;
	s15 =	spop (v2sf)  }
0x2be: {  	[tilespmem:s13], [sflag:$0x3] =	stream.linear.gather [hbm4b:s6+s2], $0x80, $0x38;
	[tilespmem:$0x16400] =	vst v63  }
0x2bf: {  	s6 =	sadd.s32 s3, s9;
	s9 =	sand.u32 $0x1FFFFFF0, s15;
	s13 =	spop (v2sf)  }
0x2c0: {  	[tilespmem:s18], [sflag:$0x3] =	stream.linear.gather [hbm4b:s6+s2], $0x80, $0x38;
	[tilespmem:$0x16400] =	vst v63  }
0x2c1: {  	s6 =	sadd.s32 s3, s7;
	s7 =	sand.u32 $0x1FFFFFF0, s13;
	s13 =	spop (v2sf)  }
0x2c2: {  	[tilespmem:s16], [sflag:$0x3] =	stream.linear.gather [hbm4b:s6+s2], $0x80, $0x38;
	[tilespmem:$0x16400] =	vst v63  }
0x2c3: {  	s6 =	sadd.s32 s3, s9;
	s9 =	sand.u32 $0x1FFFFFF0, s13;
	s13 =	spop (v2sf)  }
0x2c4: {  	[tilespmem:s20], [sflag:$0x3] =	stream.linear.gather [hbm4b:s6+s2], $0x80, $0x38;
	[tilespmem:$0x16400] =	vst v63  }
0x2c5: {  	s6 =	sadd.s32 s3, s7;
	s7 =	sand.u32 $0x1FFFFFF0, s13;
	s13 =	spop (v2sf)  }
0x2c6: {  	[tilespmem:s14], [sflag:$0x3] =	stream.linear.gather [hbm4b:s6+s2], $0x80, $0x38;
	[tilespmem:$0x16400] =	vst v63  }
0x2c7: {  	s6 =	sadd.s32 s3, s9;
	s9 =	sand.u32 $0x1FFFFFF0, s13;
	s13 =	spop (v2sf)  }
0x2c8: {  	[tilespmem:s11], [sflag:$0x3] =	stream.linear.gather [hbm4b:s6+s2], $0x80, $0x38;
	[tilespmem:$0x16400] =	vst v63  }
0x2c9: {  	s6 =	sadd.s32 s3, s7;
	s7 =	sand.u32 $0x1FFFFFF0, s13;
	s11 =	spop (v2sf)  }
0x2ca: {  	[tilespmem:s8], [sflag:$0x3] =	stream.linear.gather [hbm4b:s6+s2], $0x80, $0x38;
	[tilespmem:$0x16400] =	vst v63  }
0x2cb: {  	s6 =	sadd.s32 s3, s9;
	s8 =	sand.u32 $0x1FFFFFF0, s11  }
0x2cc: {  	[tilespmem:s25], [sflag:$0x3] =	stream.linear.gather [hbm4b:s6+s2], $0x80, $0x38;
	[tilespmem:$0x16400] =	vst v63  }
0x2cd: {  	s7 =	sadd.s32 s3, s7;
	s6 =	sadd.s32 $0xEB00, s1  }
0x2ce: {  	[tilespmem:s6], [sflag:$0x3] =	stream.linear.gather [hbm4b:s7+s2], $0x80, $0x38;
	[tilespmem:$0x16400] =	vst v63  }
0x2cf: {  	s1 =	sadd.s32 $0xEB80, s1;
	s6 =	sadd.s32 s3, s8  }
0x2d0: {  	[tilespmem:s1], [sflag:$0x3] =	stream.linear.gather [hbm4b:s6+s2], $0x80, $0x38;
	[tilespmem:$0x16400] =	vst v63  }
0x2d1: {  	v0 =	vld [tilespmem:s29+$0x0];
	_ =	sdelay $0x4  }
0x2d2: {  	v0 =	vshll.u32 v0, $0x4  }
0x2d3: {  	(v2sf) =	vpush v0, $0x0  }
0x2d4: {  	(v2sf) =	vpush v0, $0x1  }
0x2d5: {  	(v2sf) =	vpush v0, $0x2;
	_ =	sdelay $0x1  }
0x2d6: {  	(v2sf) =	vpush v0, $0x4  }
.Ltmp11:
0x2d7: {  	(pc) =	sbr.rel @!p1 .LBB2_18-.Ltmp11, $3  }
0x2d8: {  	(v2sf) =	vpush v0, $0x3  }
0x2d9: {  	(v2sf) =	vpush v0, $0x5;
	_ =	sdelay $0x1  }
0x2da: {  	s1 =	sshra.s32 s12, $0x2;
	(v2sf) =	vpush v0, $0x6  }
0x2db: {  	_ =	sdelay $0x1  }
0x2dc: {  	s6 =	sadd.s32 $0xE480, s1;
	s11 =	sadd.s32 $0xE980, s1  }
0x2dd: {  	s7 =	sadd.s32 $0xE780, s1;
	s5 =	sadd.s32 $0xEA00, s1;
	(v2sf) =	vpush v0, $0x7;
	s9 =	sadd.s32 $0xE680, s1  }
0x2de: {  	s12 =	sadd.s32 $0xE800, s1;
	s8 =	sadd.s32 $0xEA80, s1;
	s13 =	sadd.s32 $0xE400, s1  }
0x2df: {  	s14 =	sadd.s32 $0xE600, s1;
	s15 =	sadd.s32 $0xE700, s1;
	(v2sf) =	vpush v0, $0x8;
	s16 =	spop (v2sf)  }
0x2e0: {  	s17 =	sadd.s32 $0xE500, s1;
	s16 =	sand.u32 $0x1FFFFFF0, s16;
	s18 =	spop (v2sf)  }
0x2e1: {  	(v2sf) =	vpush v0, $0x9;
	s16 =	sadd.s32 s3, s16;
	s18 =	sand.u32 $0x1FFFFFF0, s18;
	s20 =	spop (v2sf)  }
0x2e2: {  	[tilespmem:s13], [sflag:$0x3] =	stream.linear.gather [hbm4b:s16+s2], $0x80, $0x38;
	[tilespmem:$0x16400] =	vst v63  }
0x2e3: {  	s21 =	sadd.s32 $0xE580, s1;
	(v2sf) =	vpush v0, $0xA;
	s25 =	sadd.s32 s3, s18;
	s29 =	spop (v2sf)  }
0x2e4: {  	[tilespmem:s6], [sflag:$0x3] =	stream.linear.gather [hbm4b:s25+s2], $0x80, $0x38;
	[tilespmem:$0x16400] =	vst v63  }
0x2e5: {  	s13 =	sadd.s32 $0xE900, s1;
	s22 =	sand.u32 $0x1FFFFFF0, s20;
	(v2sf) =	vpush v0, $0xB;
	s23 =	spop (v2sf)  }
0x2e6: {  	s16 =	sadd.s32 s3, s22;
	s6 =	sadd.s32 $0xE880, s1;
	s20 =	sand.u32 $0x1FFFFFF0, s23  }
0x2e7: {  	(v2sf) =	vpush v0, $0xC;
	[tilespmem:s17], [sflag:$0x3] =	stream.linear.gather [hbm4b:s16+s2], $0x80, $0x38;
	[tilespmem:$0x16400] =	vst v63  }
0x2e8: {  	s25 =	sand.u32 $0x1FFFFFF0, s29;
	s29 =	spop (v2sf);
	s22 =	sadd.s32 s3, s20  }
0x2e9: {  	(v2sf) =	vpush v0, $0xD;
	[tilespmem:s21], [sflag:$0x3] =	stream.linear.gather [hbm4b:s22+s2], $0x80, $0x38;
	[tilespmem:$0x16400] =	vst v63  }
0x2ea: {  	s16 =	sadd.s32 s3, s25;
	s17 =	sand.u32 $0x1FFFFFF0, s29;
	s23 =	spop (v2sf)  }
0x2eb: {  	(v2sf) =	vpush v0, $0xE;
	[tilespmem:s14], [sflag:$0x3] =	stream.linear.gather [hbm4b:s16+s2], $0x80, $0x38;
	[tilespmem:$0x16400] =	vst v63  }
0x2ec: {  	s17 =	sadd.s32 s3, s17;
	s25 =	sand.u32 $0x1FFFFFF0, s23;
	s29 =	spop (v2sf)  }
0x2ed: {  	(v2sf) =	vpush v0, $0xF;
	[tilespmem:s9], [sflag:$0x3] =	stream.linear.gather [hbm4b:s17+s2], $0x80, $0x38;
	[tilespmem:$0x16400] =	vst v63  }
0x2ee: {  	s18 =	sand.u32 $0x1FFFFFF0, s29;
	s20 =	spop (v2sf);
	s14 =	sadd.s32 s3, s25  }
0x2ef: {  	[tilespmem:s15], [sflag:$0x3] =	stream.linear.gather [hbm4b:s14+s2], $0x80, $0x38;
	[tilespmem:$0x16400] =	vst v63  }
0x2f0: {  	s21 =	sand.u32 $0x1FFFFFF0, s20;
	s9 =	sadd.s32 s3, s18;
	s22 =	spop (v2sf)  }
0x2f1: {  	[tilespmem:s7], [sflag:$0x3] =	stream.linear.gather [hbm4b:s9+s2], $0x80, $0x38;
	[tilespmem:$0x16400] =	vst v63  }
0x2f2: {  	s14 =	sadd.s32 s3, s21;
	s23 =	sand.u32 $0x1FFFFFF0, s22;
	s25 =	spop (v2sf)  }
0x2f3: {  	[tilespmem:s12], [sflag:$0x3] =	stream.linear.gather [hbm4b:s14+s2], $0x80, $0x38;
	[tilespmem:$0x16400] =	vst v63  }
0x2f4: {  	s9 =	sand.u32 $0x1FFFFFF0, s25;
	s7 =	sadd.s32 s3, s23;
	s29 =	spop (v2sf)  }
0x2f5: {  	[tilespmem:s6], [sflag:$0x3] =	stream.linear.gather [hbm4b:s7+s2], $0x80, $0x38;
	[tilespmem:$0x16400] =	vst v63  }
0x2f6: {  	s9 =	sadd.s32 s3, s9;
	s14 =	sand.u32 $0x1FFFFFF0, s29;
	s15 =	spop (v2sf)  }
0x2f7: {  	[tilespmem:s13], [sflag:$0x3] =	stream.linear.gather [hbm4b:s9+s2], $0x80, $0x38;
	[tilespmem:$0x16400] =	vst v63  }
0x2f8: {  	s6 =	sadd.s32 s3, s14;
	s7 =	sand.u32 $0x1FFFFFF0, s15;
	s16 =	spop (v2sf)  }
0x2f9: {  	[tilespmem:s11], [sflag:$0x3] =	stream.linear.gather [hbm4b:s6+s2], $0x80, $0x38;
	[tilespmem:$0x16400] =	vst v63  }
0x2fa: {  	s17 =	sand.u32 $0x1FFFFFF0, s16;
	s7 =	sadd.s32 s3, s7;
	s18 =	spop (v2sf)  }
0x2fb: {  	[tilespmem:s5], [sflag:$0x3] =	stream.linear.gather [hbm4b:s7+s2], $0x80, $0x38;
	[tilespmem:$0x16400] =	vst v63  }
0x2fc: {  	s20 =	sand.u32 $0x1FFFFFF0, s18;
	s21 =	spop (v2sf);
	s6 =	sadd.s32 s3, s17  }
0x2fd: {  	[tilespmem:s8], [sflag:$0x3] =	stream.linear.gather [hbm4b:s6+s2], $0x80, $0x38;
	[tilespmem:$0x16400] =	vst v63  }
0x2fe: {  	s23 =	sadd.s32 $0xEB00, s1;
	s22 =	sand.u32 $0x1FFFFFF0, s21;
	s5 =	sadd.s32 s3, s20  }
0x2ff: {  	[tilespmem:s23], [sflag:$0x3] =	stream.linear.gather [hbm4b:s5+s2], $0x80, $0x38;
	[tilespmem:$0x16400] =	vst v63  }
0x300: {  	s25 =	sadd.s32 $0xEB80, s1;
	s29 =	sadd.s32 s3, s22  }
0x301: {  	[tilespmem:s25], [sflag:$0x3] =	stream.linear.gather [hbm4b:s29+s2], $0x80, $0x38;
	[tilespmem:$0x16400] =	vst v63  }
.LBB2_21:
0x302: {  	_ =	swait.ge [sflag:s19], $0x4000  }
.Ltmp12:
0x303: {  	s1 =	rddreg [dreg:$0x7];
	(pc) =	sbr.rel @p0 .LBB2_25-.Ltmp12, $4  }
0x304: {  	s0 =	sadd.s32 s0, s1  }
0x305: {  	[sflag:s19] =	ssyncset.done $0x0;
	s0 =	sshll.u32 s0, $0x4  }
0x306: {  	s29 =	simm.s32 $0x12400;
	[sflag:s19] =	ssyncadd.s32 $0xFFFFC000;
	s0 =	sadd.s32 s4, s0  }
0x307: {  	[hbm4b:s0+s2] =	stream.linear.scatter [tilespmem:s29], [sflag:$0x8], $0x4000, $0x38;
	[tilespmem:$0x16400] =	vst v63  }
0x308: {  	_ =	swait.ge [sflag:s24], $0x4000  }
0x309: {  	[sflag:s24] =	ssyncset.done $0x0  }
0x30a: {  	[sflag:s24] =	ssyncadd.s32 $0xFFFFC000  }
0x30b: {  	v0 =	vld [tilespmem:s31+$0x0];
	_ =	sdelay $0x4  }
0x30c: {  	v0 =	vshll.u32 v0, $0x4  }
0x30d: {  	(v2sf) =	vpush v0, $0x0  }
0x30e: {  	(v2sf) =	vpush v0, $0x1  }
0x30f: {  	(v2sf) =	vpush v0, $0x2;
	_ =	sdelay $0x1  }
0x310: {  	(v2sf) =	vpush v0, $0x4;
	_ =	sdelay $0x1  }
0x311: {  	(v2sf) =	vpush v0, $0x3  }
0x312: {  	(v2sf) =	vpush v0, $0x5  }
0x313: {  	s1 =	simm.s32 $0x2000;
	s0 =	simm.s32 $0x0;
	s5 =	smov.u32 s31;
	(v2sf) =	vpush v0, $0x6  }
.LBB2_23:
0x314: {  	p0 =	sne.s32 s1, $0xE000  }
0x315: {  	s6 =	sadd.s32 $0x12480, s0;
	s11 =	sadd.s32 $0x12980, s0;
	s12 =	smov.u32 s1  }
0x316: {  	s1 =	sadd.s32 $0x2000, s1;
	s18 =	sadd.s32 $0x12780, s0;
	s8 =	sadd.s32 $0x12A00, s0;
	(v2sf) =	vpush v0, $0x7  }
0x317: {  	s21 =	sadd.s32 $0x12680, s0;
	s16 =	sadd.s32 $0x12800, s0;
	s25 =	sadd.s32 $0x12A80, s0  }
0x318: {  	s7 =	sadd.s32 $0x12400, s0;
	s9 =	sadd.s32 $0x12600, s0;
	(v2sf) =	vpush v0, $0x8  }
0x319: {  	s13 =	sadd.s32 $0x12700, s0;
	s5 =	sadd.s32 $0x10, s5  }
0x31a: {  	s15 =	sadd.s32 $0x12500, s0;
	s14 =	sadd.s32 $0x12900, s0;
	s17 =	spop (v2sf);
	(v2sf) =	vpush v0, $0x9  }
0x31b: {  	s20 =	sadd.s32 $0x12880, s0;
	s17 =	sand.u32 $0x1FFFFFF0, s17;
	s22 =	spop (v2sf)  }
0x31c: {  	s17 =	sadd.s32 s3, s17;
	s22 =	sand.u32 $0x1FFFFFF0, s22;
	s23 =	spop (v2sf);
	(v2sf) =	vpush v0, $0xA  }
0x31d: {  	[tilespmem:s7], [sflag:$0x4] =	stream.linear.gather [hbm4b:s17+s2], $0x80, $0x38;
	[tilespmem:$0x16400] =	vst v63  }
0x31e: {  	s7 =	sadd.s32 s3, s22;
	s17 =	sadd.s32 $0x12580, s0;
	s22 =	spop (v2sf);
	(v2sf) =	vpush v0, $0xB  }
0x31f: {  	[tilespmem:s6], [sflag:$0x4] =	stream.linear.gather [hbm4b:s7+s2], $0x80, $0x38;
	[tilespmem:$0x16400] =	vst v63  }
0x320: {  	s6 =	sand.u32 $0x1FFFFFF0, s23;
	s7 =	sand.u32 $0x1FFFFFF0, s22;
	s22 =	spop (v2sf);
	(v2sf) =	vpush v0, $0xC  }
0x321: {  	s6 =	sadd.s32 s3, s6;
	s22 =	sand.u32 $0x1FFFFFF0, s22;
	s23 =	spop (v2sf)  }
0x322: {  	[tilespmem:s15], [sflag:$0x4] =	stream.linear.gather [hbm4b:s6+s2], $0x80, $0x38;
	(v2sf) =	vpush v0, $0xD;
	[tilespmem:$0x16400] =	vst v63  }
0x323: {  	s6 =	sadd.s32 s3, s22;
	s15 =	sand.u32 $0x1FFFFFF0, s23;
	s22 =	spop (v2sf)  }
0x324: {  	[tilespmem:s17], [sflag:$0x4] =	stream.linear.gather [hbm4b:s6+s2], $0x80, $0x38;
	(v2sf) =	vpush v0, $0xE;
	[tilespmem:$0x16400] =	vst v63  }
0x325: {  	s6 =	sadd.s32 s3, s7;
	s7 =	sand.u32 $0x1FFFFFF0, s22;
	s17 =	spop (v2sf)  }
0x326: {  	[tilespmem:s9], [sflag:$0x4] =	stream.linear.gather [hbm4b:s6+s2], $0x80, $0x38;
	(v2sf) =	vpush v0, $0xF;
	[tilespmem:$0x16400] =	vst v63  }
0x327: {  	s6 =	sadd.s32 s3, s15;
	s9 =	sand.u32 $0x1FFFFFF0, s17;
	s15 =	spop (v2sf)  }
0x328: {  	[tilespmem:s21], [sflag:$0x4] =	stream.linear.gather [hbm4b:s6+s2], $0x80, $0x38;
	[tilespmem:$0x16400] =	vst v63  }
0x329: {  	s6 =	sadd.s32 s3, s7;
	s7 =	sand.u32 $0x1FFFFFF0, s15;
	s15 =	spop (v2sf)  }
0x32a: {  	[tilespmem:s13], [sflag:$0x4] =	stream.linear.gather [hbm4b:s6+s2], $0x80, $0x38;
	[tilespmem:$0x16400] =	vst v63  }
0x32b: {  	s6 =	sadd.s32 s3, s9;
	s9 =	sand.u32 $0x1FFFFFF0, s15;
	s13 =	spop (v2sf)  }
0x32c: {  	[tilespmem:s18], [sflag:$0x4] =	stream.linear.gather [hbm4b:s6+s2], $0x80, $0x38;
	[tilespmem:$0x16400] =	vst v63  }
0x32d: {  	s6 =	sadd.s32 s3, s7;
	s7 =	sand.u32 $0x1FFFFFF0, s13;
	s13 =	spop (v2sf)  }
0x32e: {  	[tilespmem:s16], [sflag:$0x4] =	stream.linear.gather [hbm4b:s6+s2], $0x80, $0x38;
	[tilespmem:$0x16400] =	vst v63  }
0x32f: {  	s6 =	sadd.s32 s3, s9;
	s9 =	sand.u32 $0x1FFFFFF0, s13;
	s13 =	spop (v2sf)  }
0x330: {  	[tilespmem:s20], [sflag:$0x4] =	stream.linear.gather [hbm4b:s6+s2], $0x80, $0x38;
	[tilespmem:$0x16400] =	vst v63  }
0x331: {  	s6 =	sadd.s32 s3, s7;
	s7 =	sand.u32 $0x1FFFFFF0, s13;
	s13 =	spop (v2sf)  }
0x332: {  	[tilespmem:s14], [sflag:$0x4] =	stream.linear.gather [hbm4b:s6+s2], $0x80, $0x38;
	[tilespmem:$0x16400] =	vst v63  }
0x333: {  	s6 =	sadd.s32 s3, s9;
	s9 =	sand.u32 $0x1FFFFFF0, s13;
	s13 =	spop (v2sf)  }
0x334: {  	[tilespmem:s11], [sflag:$0x4] =	stream.linear.gather [hbm4b:s6+s2], $0x80, $0x38;
	[tilespmem:$0x16400] =	vst v63  }
0x335: {  	s6 =	sadd.s32 s3, s7;
	s7 =	sand.u32 $0x1FFFFFF0, s13;
	s11 =	spop (v2sf)  }
0x336: {  	[tilespmem:s8], [sflag:$0x4] =	stream.linear.gather [hbm4b:s6+s2], $0x80, $0x38;
	[tilespmem:$0x16400] =	vst v63  }
0x337: {  	s6 =	sadd.s32 s3, s9;
	s8 =	sand.u32 $0x1FFFFFF0, s11  }
0x338: {  	[tilespmem:s25], [sflag:$0x4] =	stream.linear.gather [hbm4b:s6+s2], $0x80, $0x38;
	[tilespmem:$0x16400] =	vst v63  }
0x339: {  	s7 =	sadd.s32 s3, s7;
	s6 =	sadd.s32 $0x12B00, s0  }
0x33a: {  	[tilespmem:s6], [sflag:$0x4] =	stream.linear.gather [hbm4b:s7+s2], $0x80, $0x38;
	[tilespmem:$0x16400] =	vst v63  }
0x33b: {  	s0 =	sadd.s32 $0x12B80, s0;
	s6 =	sadd.s32 s3, s8  }
0x33c: {  	[tilespmem:s0], [sflag:$0x4] =	stream.linear.gather [hbm4b:s6+s2], $0x80, $0x38;
	[tilespmem:$0x16400] =	vst v63  }
0x33d: {  	v0 =	vld [tilespmem:s5+$0x0];
	_ =	sdelay $0x4  }
0x33e: {  	v0 =	vshll.u32 v0, $0x4  }
0x33f: {  	(v2sf) =	vpush v0, $0x0  }
0x340: {  	(v2sf) =	vpush v0, $0x1  }
0x341: {  	(v2sf) =	vpush v0, $0x2;
	_ =	sdelay $0x1  }
0x342: {  	(v2sf) =	vpush v0, $0x4  }
.Ltmp13:
0x343: {  	(pc) =	sbr.rel @p0 .LBB2_23-.Ltmp13, $3  }
0x344: {  	(v2sf) =	vpush v0, $0x3  }
0x345: {  	(v2sf) =	vpush v0, $0x5;
	_ =	sdelay $0x1  }
0x346: {  	s0 =	sshra.s32 s12, $0x2;
	(v2sf) =	vpush v0, $0x6  }
0x347: {  	_ = 	snop  }
0x348: {  	s6 =	sadd.s32 $0x12480, s0  }
0x349: {  	s8 =	sadd.s32 $0x12980, s0;
	s7 =	sadd.s32 $0x12780, s0;
	s1 =	sadd.s32 $0x12A00, s0  }
0x34a: {  	(v2sf) =	vpush v0, $0x7;
	s9 =	sadd.s32 $0x12680, s0;
	s11 =	sadd.s32 $0x12800, s0;
	s5 =	sadd.s32 $0x12A80, s0  }
0x34b: {  	s12 =	sadd.s32 $0x12400, s0;
	s13 =	sadd.s32 $0x12600, s0;
	s14 =	sadd.s32 $0x12700, s0  }
0x34c: {  	s16 =	sadd.s32 $0x12500, s0;
	s20 =	sadd.s32 $0x12580, s0;
	(v2sf) =	vpush v0, $0x8;
	s15 =	spop (v2sf)  }
0x34d: {  	s26 =	sadd.s32 $0x1, s26;
	s15 =	sand.u32 $0x1FFFFFF0, s15;
	s17 =	spop (v2sf)  }
0x34e: {  	(v2sf) =	vpush v0, $0x9;
	s15 =	sadd.s32 s3, s15;
	s17 =	sand.u32 $0x1FFFFFF0, s17;
	s18 =	spop (v2sf)  }
0x34f: {  	[tilespmem:s12], [sflag:$0x4] =	stream.linear.gather [hbm4b:s15+s2], $0x80, $0x38;
	[tilespmem:$0x16400] =	vst v63  }
0x350: {  	s28 =	sadd.s32 $0x200, s28;
	(v2sf) =	vpush v0, $0xA;
	s25 =	sadd.s32 s3, s17;
	s29 =	spop (v2sf)  }
0x351: {  	[tilespmem:s6], [sflag:$0x4] =	stream.linear.gather [hbm4b:s25+s2], $0x80, $0x38;
	[tilespmem:$0x16400] =	vst v63  }
0x352: {  	s12 =	sadd.s32 $0x12900, s0;
	s18 =	sand.u32 $0x1FFFFFF0, s18;
	(v2sf) =	vpush v0, $0xB;
	s21 =	spop (v2sf)  }
0x353: {  	s15 =	sadd.s32 s3, s18;
	s6 =	sadd.s32 $0x12880, s0;
	s18 =	sand.u32 $0x1FFFFFF0, s21  }
0x354: {  	(v2sf) =	vpush v0, $0xC;
	[tilespmem:s16], [sflag:$0x4] =	stream.linear.gather [hbm4b:s15+s2], $0x80, $0x38;
	[tilespmem:$0x16400] =	vst v63  }
0x355: {  	s22 =	sand.u32 $0x1FFFFFF0, s29;
	s23 =	spop (v2sf);
	s25 =	sadd.s32 s3, s18  }
0x356: {  	(v2sf) =	vpush v0, $0xD;
	[tilespmem:s20], [sflag:$0x4] =	stream.linear.gather [hbm4b:s25+s2], $0x80, $0x38;
	[tilespmem:$0x16400] =	vst v63  }
0x357: {  	s15 =	sadd.s32 s3, s22;
	s16 =	sand.u32 $0x1FFFFFF0, s23;
	s29 =	spop (v2sf)  }
0x358: {  	[tilespmem:s13], [sflag:$0x4] =	stream.linear.gather [hbm4b:s15+s2], $0x80, $0x38;
	[tilespmem:$0x16400] =	vst v63  }
0x359: {  	s16 =	sadd.s32 s3, s16;
	s17 =	sand.u32 $0x1FFFFFF0, s29;
	s18 =	spop (v2sf)  }
0x35a: {  	(v2sf) =	vpush v0, $0xE;
	[tilespmem:s9], [sflag:$0x4] =	stream.linear.gather [hbm4b:s16+s2], $0x80, $0x38;
	[tilespmem:$0x16400] =	vst v63  }
0x35b: {  	s20 =	sand.u32 $0x1FFFFFF0, s18;
	s21 =	spop (v2sf);
	s13 =	sadd.s32 s3, s17  }
0x35c: {  	(v2sf) =	vpush v0, $0xF;
	[tilespmem:s14], [sflag:$0x4] =	stream.linear.gather [hbm4b:s13+s2], $0x80, $0x38;
	[tilespmem:$0x16400] =	vst v63  }
0x35d: {  	s22 =	sand.u32 $0x1FFFFFF0, s21;
	s9 =	sadd.s32 s3, s20;
	s23 =	spop (v2sf)  }
0x35e: {  	[tilespmem:s7], [sflag:$0x4] =	stream.linear.gather [hbm4b:s9+s2], $0x80, $0x38;
	[tilespmem:$0x16400] =	vst v63  }
0x35f: {  	s13 =	sadd.s32 s3, s22;
	s25 =	sand.u32 $0x1FFFFFF0, s23;
	s29 =	spop (v2sf)  }
0x360: {  	[tilespmem:s11], [sflag:$0x4] =	stream.linear.gather [hbm4b:s13+s2], $0x80, $0x38;
	[tilespmem:$0x16400] =	vst v63  }
0x361: {  	s9 =	sand.u32 $0x1FFFFFF0, s29;
	s7 =	sadd.s32 s3, s25;
	s13 =	spop (v2sf)  }
0x362: {  	[tilespmem:s6], [sflag:$0x4] =	stream.linear.gather [hbm4b:s7+s2], $0x80, $0x38;
	[tilespmem:$0x16400] =	vst v63  }
0x363: {  	s9 =	sadd.s32 s3, s9;
	s14 =	sand.u32 $0x1FFFFFF0, s13;
	s15 =	spop (v2sf)  }
0x364: {  	[tilespmem:s12], [sflag:$0x4] =	stream.linear.gather [hbm4b:s9+s2], $0x80, $0x38;
	[tilespmem:$0x16400] =	vst v63  }
0x365: {  	s6 =	sadd.s32 s3, s14;
	s7 =	sand.u32 $0x1FFFFFF0, s15;
	s16 =	spop (v2sf)  }
0x366: {  	[tilespmem:s8], [sflag:$0x4] =	stream.linear.gather [hbm4b:s6+s2], $0x80, $0x38;
	[tilespmem:$0x16400] =	vst v63  }
0x367: {  	s10 =	sadd.s32 $0x200, s10;
	s17 =	sand.u32 $0x1FFFFFF0, s16;
	s7 =	sadd.s32 s3, s7  }
0x368: {  	[tilespmem:s1], [sflag:$0x4] =	stream.linear.gather [hbm4b:s7+s2], $0x80, $0x38;
	[tilespmem:$0x16400] =	vst v63  }
0x369: {  	s30 =	sadd.s32 $0x200, s30;
	s18 =	spop (v2sf);
	s6 =	sadd.s32 s3, s17  }
0x36a: {  	[tilespmem:s5], [sflag:$0x4] =	stream.linear.gather [hbm4b:s6+s2], $0x80, $0x38;
	[tilespmem:$0x16400] =	vst v63  }
.Ltmp14:
0x36b: {  	s20 =	sand.u32 $0x1FFFFFF0, s18;
	s21 =	spop (v2sf);
	(pc) =	sbr.rel .LBB2_10-.Ltmp14, $4  }
0x36c: {  	s23 =	sadd.s32 $0x12B00, s0;
	s22 =	sand.u32 $0x1FFFFFF0, s21;
	s1 =	sadd.s32 s3, s20  }
0x36d: {  	[tilespmem:s23], [sflag:$0x4] =	stream.linear.gather [hbm4b:s1+s2], $0x80, $0x38;
	[tilespmem:$0x16400] =	vst v63  }
0x36e: {  	s31 =	sadd.s32 $0x200, s31;
	s25 =	sadd.s32 $0x12B80, s0;
	s29 =	sadd.s32 s3, s22  }
0x36f: {  	[tilespmem:s25], [sflag:$0x4] =	stream.linear.gather [hbm4b:s29+s2], $0x80, $0x38;
	[tilespmem:$0x16400] =	vst v63  }
.LBB2_26:
0x370: {  	_ =	sfence.sel $0x180000  }
0x371: {  	[bflag:$0x0] =	sbarrier.arrive $0xFFFF  }
0x372: {  	_ =	strace $0x90000047  }
0x373: {  	s0 =	stileid.u32;
	[bflag:$0x2] =	sbarrier.arrive $0xFFFF  }
0x374: {  	p0 =	sne.s32 s0, $0x0;
	s0 =	rddreg [dreg:$0x2]  }
0x375: {  	s0 =	sadd.s32 @!p0 $0x100000, s0  }
0x376: {  	[sflag:s0] =	ssyncadd.tile.s32 @!p0 $0x1;
	_ =	shalt  }
.Lfunc_end2:
_tile_overlayer_lowered:
.L_overlay_start_2:
0x377: {  	(tag) =	ssettag $0x2  }
0x378: {  	s0 =	rddreg [dreg:$0x0];
	s2 =	stileid.u32  }
0x379: {  	s1 =	rddreg [dreg:$0x1];
	p0 =	sne.s32 s2, $0x0  }
0x37a: {  	s3 =	rddreg [dreg:$0x2];
	[bflag:$0x3] =	sbarrier.arrive $0xFFFF;
	s2 =	simm.s32 @!p0 $0x1C09  }
0x37b: {  	[timem:s3], [sflag:s2] =	dma.local @!p0 [hbm:s0], s1  }
0x37c: {  	s0 =	simm.s32 @!p0 $0x9  }
0x37d: {  	_ =	swait.ge @!p0 [sflag:s0], s1  }
0x37e: {  	s1 =	ssub.s32 @!p0 $0x0, s1;
	[sflag:s0] =	ssyncset.done @!p0 $0x0  }
0x37f: {  	[sflag:s0] =	ssyncadd.s32 @!p0 s1  }
0x380: {  	[bflag:$0x3] =	sbarrier.arrive $0xFFFF  }
0x381: {  	_ =	shalt  }

// kernel: sparse-core-data-format-call.cloned.1.call-start
scs
called_computation_lowered:
.L_overlay_start_0:
0x0: {  	s2 =	sld [smem:$0x3FD9]  }
0x1: {  	s3 =	sld [smem:$0x3FFE];
	_ =	sdelay $0x1  }
0x2: {  	s1 =	srdreg.scid  }
0x3: {  	s0 =	sand.u32 $0x1, s1  }
0x4: {  	s18 =	sshll.u32 s0, $0xA;
	s2 =	sadd.s32 s3, s2  }
0x5: {  	s2 =	sadd.s32 s2, s18  }
0x6: {  	[smem:$0x3FC6] =	sst s2  }
0x7: {  	_ = 	snop  }
0x8: {  	s2 =	sld [smem:$0x3FD0];
	(tm) =	ssettm $0x1  }
0x9: {  	s19 =	sld [smem:$0x3FFB];
	_ =	sdelay $0x3  }
0xa: {  	_ =	strace s19  }
0xb: {  	s3 =	sld [smem:$0x3FFC];
	_ =	sdelay $0x3  }
0xc: {  	_ =	strace s3  }
0xd: {  	s3 =	sld [smem:$0x3FFD];
	_ =	sdelay $0x3  }
0xe: {  	_ =	strace s3  }
0xf: {  	_ =	strace $0x8FFFFFFF  }
0x10: {  	s20 =	sld [smem:$0x3FDB];
	_ =	sdelay $0x1  }
0x11: {  	s4 =	simm.s32 $_scs_section_size  }
0x12: {  	s5 =	simm.s32 $_size__tile_overlayer_lowered;
	s6 =	simm.s32 $_tile_overlayer_lowered  }
0x13: {  	s23 =	simm.s32 $0x1BFF;
	s22 =	sshll.u32 s6, $0x1;
	s3 =	sadd.s32 s4, s20  }
0x14: {  	s7 =	simm.s32 $0x0;
	s21 =	sshll.u32 s5, $0x1;
	s5 =	sadd.s32 s22, s3  }
0x15: {  	[timem:s7], [sflag:s23] =	dma.local [hbm:s5], s21  }
0x16: {  	_ =	swait.ge [sflag:s23], s21  }
0x17: {  	s4 =	ssub.s32 $0x0, s21;
	[sflag:s23] =	ssyncset.done $0x0  }
0x18: {  	[sflag:s23] =	ssyncadd.s32 s4;
	_ =	sdelay $0x1  }
0x19: {  	s24 =	simm.s32 $0x1B8B  }
0x1a: {  	_ =	swait.ge [sflag:s24], $0x1  }
0x1b: {  	[sflag:s24] =	ssyncset.done $0x0  }
0x1c: {  	s26 =	simm.s32 $0x1B8E;
	s25 =	sld [smem:$0x3FFE];
	[sflag:s24] =	ssyncadd.s32 $0xFFFFFFFF  }
0x1d: {  	s27 =	simm.s32 $execute0_lowered;
	[smem:$0x3FD2] =	sst s26  }
0x1e: {  	s5 =	sshll.u32 s27, $0x1;
	_ =	strace $0x80000049;
	[dreg:$0x1] =	wrdreg $0xFFFFFFFF  }
0x1f: {  	s28 =	simm.s32 $_size_execute0_lowered;
	s3 =	sadd.s32 s3, s5;
	[dreg:$0x0] =	wrdreg $0x0  }
0x20: {  	s5 =	sshll.u32 s28, $0x1;
	[dreg:$0x2] =	wrdreg s3  }
0x21: {  	[dreg:$0x3] =	wrdreg s5  }
0x22: {  	[dreg:$0x4] =	wrdreg $0xC0  }
0x23: {  	_ =	task [dreg:s7], $0x5FFFF  }
0x24: {  	[dreg:$0x1] =	wrdreg $0xFFFFFFFF  }
0x25: {  	[dreg:$0x0] =	wrdreg $0x60  }
0x26: {  	[dreg:$0x2] =	wrdreg s25  }
0x27: {  	[dreg:$0x3] =	wrdreg s2  }
0x28: {  	[dreg:$0x4] =	wrdreg $0x9  }
0x29: {  	_ =	task.clear_ibuf [dreg:s7], $0x5FFFF;
	_ =	strace $0x90000049  }
0x2a: {  	s29 =	simm.s32 $0x9;
	_ =	strace $0x8000004B  }
0x2b: {  	_ =	swait.ge [sflag:s29], $0x1  }
0x2c: {  	[sflag:s29] =	ssyncadd.s32 $0xFFFFFFFF  }
0x2d: {  	_ =	strace $0x9000004B  }
0x2e: {  	_ =	sfence  }
0x2f: {  	s30 =	sld [smem:$0x0];
	_ =	sdelay $0x2  }
0x30: {  	s31 =	sshll.u32 s1, $0xD;
	s1 =	sshrl.u32 s1, $0x2  }
0x31: {  	s3 =	sand.u32 $0x4000, s31;
	s1 =	sadd.s32 s1, s30  }
0x32: {  	s0 =	sor.u32 s3, s0;
	s1 =	sshll.u32 s1, $0x11  }
0x33: {  	s0 =	sor.u32 s1, s0  }
0x34: {  	s0 =	sadd.s32 $0x8F2B, s0  }
0x35: {  	[sflag:s0] =	ssyncadd.remote.s32 $0x1  }
0x36: {  	_ =	sfence.sel $0xFFFF  }
0x37: {  	[dreg:$0x0] =	wrdreg $0xFFFFFFFF;
	(pc) =	sbr.abs _section_cstart, $3  }
0x38: {  	[dreg:$0x1] =	wrdreg $0xFFFFFFFF  }
0x39: {  	_ =	task.clear_ibuf [dreg:s7], $0x2FFFF;
	_ =	strace $0x9FFFFFFF  }
0x3a: {  	(tm) =	ssettm $0x7FFFFFFF  }
0x3b: {  	_ =	shalt  }
tec
execute0_lowered:
.L_overlay_start_1:
0x0: {  	(tag) =	ssettag $0x1  }
0x1: {  	s0 =	srdreg.scid  }
0x2: {  	s1 =	sshll.u32 s0, $0x4  }
0x3: {  	s0 =	stileid.u32;
	s1 =	sand.u32 $0x10, s1  }
0x4: {  	s1 =	sor.u32 s0, s1  }
0x5: {  	s6 =	rddreg [dreg:$0x0];
	s4 =	simm.s32 $0x1;
	s2 =	sshll.u32 s1, $0x7  }
0x6: {  	s7 =	simm.s32 $0x2;
	s12 =	simm.s32 $0x0;
	s1 =	ssub.s32 $0x1000, s2  }
0x7: {  	s8 =	simm.s32 $0x8000;
	s13 =	simm.s32 $0x0;
	s3 =	sand.u32 $0xF80, s1  }
0x8: {  	s9 =	simm.s32 $0x0;
	s5 =	sshrl.u32 s1, $0xC;
	p0 =	sne.s32 s3, $0x0  }
.Ltmp0:
0x9: {  	s1 =	rddreg [dreg:$0x2];
	s4 =	simm.s32 @!p0 $0x0;
	(pc) =	sbr.rel .LBB1_1-.Ltmp0, $4  }
0xa: {  	s11 =	simm.s32 $0x0;
	s3 =	rddreg [dreg:$0x1];
	s5 =	sadd.s32 s4, s5  }
0xb: {  	_ =	strace $0x8000004A;
	s4 =	simm.s32 $0x1;
	s5 =	smul.u32 $0xC8, s5  }
0xc: {  	s6 =	sadd.s32 $0xF42C00, s6;
	s10 =	smov.u32 s2;
	[sflag:s4] =	ssyncpa.u1 $0x0  }
0xd: {  	p0 =	por $0x0, $0x0;
	[sflag:s7] =	ssyncpa.u1 $0x0;
	s7 =	sor.u32 $0x1, s5  }
.LBB1_4:
0xe: {  	s16 =	sshll.u32 s13, $0x3;
	s17 =	sand.u32 $0x78, s13  }
0xf: {  	s30 =	sand.u32 $0x7E00, s13;
	s12 =	sshll.u32 s12, $0xF;
	s16 =	sand.u32 $0xC00, s16  }
0x10: {  	[tilespmem:s15+$0x810 ss:$0x81] =	vst.msk $0xffff, v2;
	s31 =	sand.u32 $0x7, s13;
	s16 =	sor.u32 s17, s16;
	s17 =	sadd.s32 s3, s30  }
0x11: {  	[tilespmem:s15+$0x1020 ss:$0x81] =	vst.msk $0xffff, v0;
	s13 =	sshll.u32 s31, $0x12;
	s12 =	sadd.s32 s12, s17;
	s16 =	sshrl.u32 s16, $0x3  }
0x12: {  	[tilespmem:s15+$0x0 ss:$0x81] =	vst.msk $0xffff, v1;
	s13 =	sor.u32 $0x400, s13;
	s12 =	sadd.s32 s16, s12  }
0x13: {  	[hbm4b:s12+s13] =	stream.strided.scatter [tilespmem:s14], [sflag:$0x2], $0x2000, s8, s13, $0x20;
	[tilespmem:$0x8080] =	vst v63  }
.LBB1_5:
0x14: {  	s14 =	sadd.s32 $0x1, s9  }
0x15: {  	s12 =	sadd.s32 $0x1000, s10;
	s16 =	smov.u32 s10;
	p2 =	sgt.s32 s14, $0xC7  }
0x16: {  	s16 =	smov.u32 @p2 s12  }
0x17: {  	s14 =	simm.s32 @p2 $0x0;
	p2 =	sgt.s32 s16, $0xFFF  }
0x18: {  	s16 =	smov.u32 @p2 s2;
	p2 =	sne.s32 s11, s7  }
.Ltmp1:
0x19: {  	p1 =	slt.u32 s11, $0x2;
	(pc) =	sbr.rel @!p2 .LBB1_6-.Ltmp1, $4  }
0x1a: {  	s15 =	simm.s32 @!p1 $0x2  }
0x1b: {  	s13 =	smov.u32 s10;
	p0 =	por !p0, !p0;
	_ =	swait.ge @!p1 [sflag:s15], $0x2000  }
0x1c: {  	s12 =	smov.u32 s9;
	[sflag:s15] =	ssyncset.done @!p1 $0x0;
	s9 =	smov.u32 s14  }
0x1d: {  	s11 =	sadd.s32 $0x1, s11;
	[sflag:s15] =	ssyncadd.s32 @!p1 $0xFFFFE000;
	s10 =	smov.u32 s16  }
.LBB1_1:
0x1e: {  	p1 =	sge.u32 s11, s5  }
0x1f: {  	s14 =	sand.u32 @!p1 $0x1FFFFFF, s9  }
0x20: {  	s15 =	smulhi.u32 @!p1 $0x147AE15, s14;
	_ =	sdelay $0x1  }
0x21: {  	s15 =	smul.u32 @!p1 $0xC8, s15  }
0x22: {  	s16 =	sxor.u32 @!p1 $0xFFFFFFFF, s11;
	s17 =	smul.u32 @!p1 $0xC80, s10  }
0x23: {  	s31 =	sadd.s32 $0xFFFFFFFF, s11;
	s16 =	sshll.u32 @!p1 s16, $0xD;
	s14 =	ssub.s32 @!p1 s14, s15  }
0x24: {  	s15 =	sand.u32 @!p1 $0x2000, s16;
	s16 =	sadd.s32 @!p1 s6, s17;
	s14 =	sshll.u32 @!p1 s14, $0x4  }
0x25: {  	s17 =	simm.s32 @!p1 $0x6400;
	s14 =	sadd.s32 @!p1 s14, s16;
	s16 =	simm.s32 @!p1 $0x40  }
0x26: {  	[tilespmem:s15], [sflag:$0x1] =	stream.strided.gather @!p1 [hbm4b:s14+s16], $0x2000, s17, s16, $0x38;
	[tilespmem:$0x8080] =	vst v63  }
0x27: {  	p1 =	sge.u32 s31, s5  }
.Ltmp2:
0x28: {  	_ = 	snop;
	(pc) =	sbr.rel @p1 .LBB1_5-.Ltmp2, $1  }
0x29: {  	_ =	sdelay $0x3  }
0x2a: {  	s14 =	simm.s32 $0x1  }
0x2b: {  	_ =	swait.ge [sflag:s4], $0x2000;
	s14 =	simm.s32 @!p0 $0x0  }
0x2c: {  	[sflag:s4] =	ssyncset.done $0x0;
	s15 =	sshll.u32 s14, $0xD  }
0x2d: {  	[sflag:s4] =	ssyncadd.s32 $0xFFFFE000;
	s18 =	sor.u32 $0x20, s15  }
0x2e: {  	s14 =	smul.u32 $0x8100, s14;
	v3 =	vld [tilespmem:s18+$0x10]  }
0x2f: {  	s30 =	sand.u32 $0x1, s11;
	v2 =	vld [tilespmem:s18+$0xFFFFFFF0]  }
0x30: {  	s15 =	smul.u32 $0x8100, s30;
	s14 =	sshrl.u32 s14, $0x2;
	v0 =	vld [tilespmem:s18+$0x0]  }
0x31: {  	v1 =	vld [tilespmem:s18+$0xFFFFFFE0];
	s16 =	sor.u32 $0x4000, s14  }
0x32: {  	s31 =	sshrl.u32 s15, $0x2;
	s15 =	sadd.s32 $0x0, s16  }
0x33: {  	s17 =	simm.s32 $0x4;
	s18 =	sadd.s32 $0x40, s18;
	s14 =	sor.u32 $0x4000, s31;
	[tilespmem:s15+$0x1830 ss:$0x81] =	vst.msk $0xffff, v3  }
.LBB1_3:
0x34: {  	v3 =	vld [tilespmem:s18+$0x10];
	p1 =	sne.s32 s17, $0x1FC;
	[tilespmem:s15+$0x810 ss:$0x81] =	vst.msk $0xffff, v2;
	s19 =	smov.u32 s17;
	s17 =	sadd.s32 $0x4, s17  }
.Ltmp3:
0x35: {  	v2 =	vld [tilespmem:s18+$0xFFFFFFF0];
	[tilespmem:s15+$0x1020 ss:$0x81] =	vst.msk $0xffff, v0;
	(pc) =	sbr.rel @p1 .LBB1_3-.Ltmp3, $4  }
0x36: {  	v0 =	vld [tilespmem:s18+$0x0];
	[tilespmem:s15+$0x0 ss:$0x81] =	vst.msk $0xffff, v1  }
0x37: {  	s15 =	sshra.s32 s19, $0x2;
	v1 =	vld [tilespmem:s18+$0xFFFFFFE0]  }
0x38: {  	s15 =	sadd.s32 s15, s16  }
0x39: {  	s18 =	sadd.s32 $0x40, s18;
	[tilespmem:s15+$0x1830 ss:$0x81] =	vst.msk $0xffff, v3  }
.Ltmp4:
0x3a: {  	_ = 	snop;
	(pc) =	sbr.rel .LBB1_4-.Ltmp4, $1  }
0x3b: {  	_ =	sdelay $0x3  }
.LBB1_6:
0x3c: {  	_ =	sfence.sel $0x180000  }
0x3d: {  	s2 =	simm.s32 $0x1;
	[bflag:$0x0] =	sbarrier.arrive $0xFFFF  }
0x3e: {  	s31 =	simm.s32 $0x2;
	[sflag:s2] =	ssyncpa.u1 $0x1  }
0x3f: {  	[sflag:s31] =	ssyncpa.u1 $0x1  }
0x40: {  	p0 =	sne.s32 s0, $0x0;
	_ =	strace $0x9000004A  }
0x41: {  	s0 =	sadd.s32 @!p0 $0x100000, s1;
	[bflag:$0x2] =	sbarrier.arrive $0xFFFF  }
0x42: {  	[sflag:s0] =	ssyncadd.tile.s32 @!p0 $0x1;
	_ =	shalt  }
.Lfunc_end1:
_tile_overlayer_lowered:
.L_overlay_start_2:
0x43: {  	(tag) =	ssettag $0x2  }
0x44: {  	s0 =	rddreg [dreg:$0x0];
	s2 =	stileid.u32  }
0x45: {  	s1 =	rddreg [dreg:$0x1];
	p0 =	sne.s32 s2, $0x0  }
0x46: {  	s3 =	rddreg [dreg:$0x2];
	[bflag:$0x3] =	sbarrier.arrive $0xFFFF;
	s2 =	simm.s32 @!p0 $0x1C01  }
0x47: {  	[timem:s3], [sflag:s2] =	dma.local @!p0 [hbm:s0], s1  }
0x48: {  	s0 =	simm.s32 @!p0 $0x1  }
0x49: {  	_ =	swait.ge @!p0 [sflag:s0], s1  }
0x4a: {  	s1 =	ssub.s32 @!p0 $0x0, s1;
	[sflag:s0] =	ssyncset.done @!p0 $0x0  }
0x4b: {  	[sflag:s0] =	ssyncadd.s32 @!p0 s1  }
0x4c: {  	[bflag:$0x3] =	sbarrier.arrive $0xFFFF  }
0x4d: {  	_ =	shalt  }

</sc_bundles>
